<compile_context>
chip_gen: v7x
topology: tpu7x:2x2x1
jax: 0.10.2.dev20260603
libtpu: 0.0.44.dev20260713+nightly
codegen_flags: <defaults>
</compile_context>

<pallas_src>
import functools

import jax
import jax.numpy as jnp
from jax import lax
from jax.experimental import pallas as pl
from jax.experimental.pallas import tpu as pltpu
from jax.experimental.pallas import tpu_sc as plsc

N = 10000
E = 320000
D = 128
DOUT = 64
NG = 128

NC = 2
NS = 16
NW = NC * NS

CH = 128
CPT = 80
EPT = CPT * CH
E_PAD = NW * EPT
FAST_C = 1
CPT_F = 128
CPT_S = 2 * CPT - CPT_F
ACC_ROWS = 10112
SINK = N
ZPT = ACC_ROWS // NS
ZCHUNKS = ((CH, 0), (CH, CH), (CH, 2 * CH), (CH, 3 * CH), (ZPT - 4 * CH, 4 * CH))

_mesh = plsc.VectorSubcoreMesh(core_axis_name="c", subcore_axis_name="s")


def _fill_f32(ref, rows, cols, val):
    nj = cols // 16

    def body(k, _):
        i = k // nj
        j = k % nj
        ref[i, pl.ds(j * 16, 16)] = jnp.full((16,), val, jnp.float32)
        return 0

    lax.fori_loop(0, rows * nj, body, 0)


@functools.partial(
    pl.kernel,
    mesh=_mesh,
    out_type=jax.ShapeDtypeStruct((NC, ACC_ROWS, D), jnp.float32),
    scratch_types=[
        pltpu.VMEM((CPT_F, CH), jnp.int32),
        pltpu.VMEM((CH,), jnp.int32),
        pltpu.VMEM((CH,), jnp.int32),
        pltpu.VMEM((CH, D), jnp.float32),
        pltpu.VMEM((CH, D), jnp.float32),
        pltpu.VMEM_SHARED((ACC_ROWS, D), jnp.float32),
        pltpu.SemaphoreType.DMA,
        pltpu.SemaphoreType.DMA,
        pltpu.SemaphoreType.DMA,
        pltpu.SemaphoreType.DMA,
        pltpu.SemaphoreType.DMA,
        pltpu.SemaphoreType.DMA,
    ],
)
def _sc_agg(y_hbm, src_hbm, dst_hbm, out_hbm, didx, sidx0, sidx1, rows0, rows1,
            acc, semg0, semg1, semi0, semi1, sems0, sems1):
    c = lax.axis_index("c")
    s = lax.axis_index("s")

    _fill_f32(rows0, CH, D, 0.0)
    for sz, off in ZCHUNKS:
        pltpu.sync_copy(rows0.at[pl.ds(0, sz)], acc.at[pl.ds(s * ZPT + off, sz)])
    plsc.subcore_barrier()

    def run(cpt, rowbase):
        pltpu.sync_copy(dst_hbm.at[pl.ds(rowbase, cpt)], didx.at[pl.ds(0, cpt)])
        ebase = rowbase * CH

        def istart(g, ibuf, sem):
            pltpu.async_copy(src_hbm.at[pl.ds(ebase + g * CH, CH)], ibuf, sem)

        def iwait(g, ibuf, sem):
            pltpu.make_async_copy(src_hbm.at[pl.ds(ebase + g * CH, CH)], ibuf, sem).wait()

        def gstart(ibuf, buf, sem):
            pltpu.async_copy(y_hbm.at[ibuf], buf, sem)

        def gwait(ibuf, buf, sem):
            pltpu.make_async_copy(y_hbm.at[ibuf], buf, sem).wait()

        def sstart(g, buf, sem):
            pltpu.async_copy(buf, acc.at[didx.at[g]], sem, add=True)

        def swait(g, buf, sem):
            pltpu.make_async_copy(buf, acc.at[didx.at[g]], sem).wait()

        istart(0, sidx0, semi0)
        iwait(0, sidx0, semi0)
        gstart(sidx0, rows0, semg0)
        istart(1, sidx1, semi1)

        def eloop(p, _):
            g0 = 2 * p
            gwait(sidx0, rows0, semg0)
            iwait(g0 + 1, sidx1, semi1)

            @pl.when(g0 > 0)
            def _():
                swait(g0 - 1, rows1, sems1)

            gstart(sidx1, rows1, semg1)

            @pl.when(g0 + 2 < cpt)
            def _():
                istart(g0 + 2, sidx0, semi0)

            sstart(g0, rows0, sems0)
            gwait(sidx1, rows1, semg1)

            @pl.when(g0 + 2 < cpt)
            def _():
                iwait(g0 + 2, sidx0, semi0)
                swait(g0, rows0, sems0)
                gstart(sidx0, rows0, semg0)

            @pl.when(g0 + 3 < cpt)
            def _():
                istart(g0 + 3, sidx1, semi1)

            sstart(g0 + 1, rows1, sems1)
            return 0

        lax.fori_loop(0, cpt // 2, eloop, 0)
        swait(cpt - 2, rows0, sems0)
        swait(cpt - 1, rows1, sems1)

    @pl.when(c == FAST_C)
    def _():
        run(CPT_F, s * CPT_F)

    @pl.when(c != FAST_C)
    def _():
        run(CPT_S, NS * CPT_F + s * CPT_S)

    plsc.subcore_barrier()

    for sz, off in ZCHUNKS:
        r0 = s * ZPT + off
        pltpu.sync_copy(acc.at[pl.ds(r0, sz)], rows0.at[pl.ds(0, sz)])
        pltpu.sync_copy(rows0.at[pl.ds(0, sz)], out_hbm.at[c, pl.ds(r0, sz)])


@functools.partial(
    pl.kernel,
    mesh=_mesh,
    out_type=jax.ShapeDtypeStruct((NC, ACC_ROWS, D), jnp.float32),
    scratch_types=[
        pltpu.VMEM((CPT, CH), jnp.int32),
        pltpu.VMEM((CH, D), jnp.float32),
        pltpu.VMEM_SHARED((ACC_ROWS, D), jnp.float32),
        pltpu.SemaphoreType.DMA,
    ],
)
def _sc_count(dst_hbm, out_hbm, didx, buf, acc, sem):
    c = lax.axis_index("c")
    s = lax.axis_index("s")
    wid = s * NC + c

    pltpu.sync_copy(dst_hbm.at[pl.ds(wid * CPT, CPT)], didx)
    _fill_f32(buf, CH, D, 0.0)
    for sz, off in ZCHUNKS:
        pltpu.sync_copy(buf.at[pl.ds(0, sz)], acc.at[pl.ds(s * ZPT + off, sz)])
    _fill_f32(buf, CH, D, 1.0)
    plsc.subcore_barrier()

    def eloop(g, _):
        pltpu.sync_copy(buf, acc.at[didx.at[g]], add=True)
        return 0

    lax.fori_loop(0, CPT, eloop, 0)
    plsc.subcore_barrier()

    for sz, off in ZCHUNKS:
        r0 = s * ZPT + off
        pltpu.sync_copy(acc.at[pl.ds(r0, sz)], buf.at[pl.ds(0, sz)])
        pltpu.sync_copy(buf.at[pl.ds(0, sz)], out_hbm.at[c, pl.ds(r0, sz)])



BLK = 1000


def _tc_mm1_body(x_ref, w_ref, b_ref, s_ref, y_ref):
    z = jnp.dot(x_ref[...], w_ref[...], preferred_element_type=jnp.float32)
    s_ref[...] = z[:, :D] + b_ref[...]
    y_ref[...] = z[:, D:]


def _tc_mm1(x, wcat, b):
    return pl.pallas_call(
        _tc_mm1_body,
        grid=(N // BLK,),
        in_specs=[
            pl.BlockSpec((BLK, D), lambda i: (i, 0)),
            pl.BlockSpec((D, 2 * D), lambda i: (0, 0)),
            pl.BlockSpec((1, D), lambda i: (0, 0)),
        ],
        out_specs=[
            pl.BlockSpec((BLK, D), lambda i: (i, 0)),
            pl.BlockSpec((BLK, D), lambda i: (i, 0)),
        ],
        out_shape=[
            jax.ShapeDtypeStruct((N, D), jnp.float32),
            jax.ShapeDtypeStruct((N, D), jnp.float32),
        ],
    )(x, wcat, b)


def _relu_h(sp_ref, a_ref, c_ref):
    cnt = c_ref[0, :, 0:1] + c_ref[1, :, 0:1]
    inv = 1.0 / jnp.maximum(cnt, 1.0)
    return jnp.maximum(sp_ref[...] + (a_ref[0] + a_ref[1]) * inv, 0.0)


def _tc_mml_body(sp_ref, a_ref, c_ref, w_ref, b_ref, s_ref, y_ref):
    h = _relu_h(sp_ref, a_ref, c_ref)
    z = jnp.dot(h, w_ref[...], preferred_element_type=jnp.float32)
    s_ref[...] = z[:, :D] + b_ref[...]
    y_ref[...] = z[:, D:]


def _tc_mml(sp, agg, cnt, wcat, b):
    return pl.pallas_call(
        _tc_mml_body,
        grid=(N // BLK,),
        in_specs=[
            pl.BlockSpec((BLK, D), lambda i: (i, 0)),
            pl.BlockSpec((NC, BLK, D), lambda i: (0, i, 0)),
            pl.BlockSpec((NC, BLK, D), lambda i: (0, i, 0)),
            pl.BlockSpec((D, 2 * D), lambda i: (0, 0)),
            pl.BlockSpec((1, D), lambda i: (0, 0)),
        ],
        out_specs=[
            pl.BlockSpec((BLK, D), lambda i: (i, 0)),
            pl.BlockSpec((BLK, D), lambda i: (i, 0)),
        ],
        out_shape=[
            jax.ShapeDtypeStruct((N, D), jnp.float32),
            jax.ShapeDtypeStruct((N, D), jnp.float32),
        ],
    )(sp, agg, cnt, wcat, b)


def _tc_pool_body(sp_ref, a_ref, c_ref, batch_ref, wl_ref, bl_ref, out_ref, gacc, cacc):
    i = pl.program_id(0)

    @pl.when(i == 0)
    def _():
        gacc[...] = jnp.zeros_like(gacc)
        cacc[...] = jnp.zeros_like(cacc)

    h = _relu_h(sp_ref, a_ref, c_ref)
    b = batch_ref[0, 0, :]
    mask = (b[None, :] == lax.broadcasted_iota(jnp.int32, (NG, BLK), 0)).astype(jnp.float32)
    gacc[...] += jnp.dot(mask, h, preferred_element_type=jnp.float32)
    cacc[...] += jnp.broadcast_to(jnp.sum(mask, axis=1, keepdims=True), (NG, NG))

    @pl.when(i == pl.num_programs(0) - 1)
    def _():
        g = gacc[...] / jnp.maximum(cacc[:, 0:1], 1.0)
        out_ref[...] = jnp.dot(g, wl_ref[...], preferred_element_type=jnp.float32) + bl_ref[...]


def _tc_pool(sp, agg, cnt, batch2d, wl, bl):
    return pl.pallas_call(
        _tc_pool_body,
        grid=(N // BLK,),
        in_specs=[
            pl.BlockSpec((BLK, D), lambda i: (i, 0)),
            pl.BlockSpec((NC, BLK, D), lambda i: (0, i, 0)),
            pl.BlockSpec((NC, BLK, D), lambda i: (0, i, 0)),
            pl.BlockSpec((1, 1, BLK), lambda i: (i, 0, 0)),
            pl.BlockSpec((D, DOUT), lambda i: (0, 0)),
            pl.BlockSpec((1, DOUT), lambda i: (0, 0)),
        ],
        out_specs=pl.BlockSpec((NG, DOUT), lambda i: (0, 0)),
        out_shape=jax.ShapeDtypeStruct((NG, DOUT), jnp.float32),
        scratch_shapes=[
            pltpu.VMEM((NG, NG), jnp.float32),
            pltpu.VMEM((NG, NG), jnp.float32),
        ],
    )(sp, agg, cnt, batch2d, wl, bl)


def kernel(x, edge_index, batch, W1_self, W1_neigh, b1, W2_self, W2_neigh, b2,
           W3_self, W3_neigh, b3, W_lin, b_lin):
    src = edge_index[0].astype(jnp.int32)
    dst = edge_index[1].astype(jnp.int32)
    pad = E_PAD - E
    src = jnp.concatenate([src, jnp.zeros((pad,), jnp.int32)])
    dst = jnp.concatenate([dst, jnp.full((pad,), SINK, jnp.int32)]).reshape(NW * CPT, CH)
    batch2d = batch.astype(jnp.int32).reshape(N // BLK, 1, BLK)

    w1 = jnp.concatenate([W1_self, W1_neigh], axis=1)
    w2 = jnp.concatenate([W2_self, W2_neigh], axis=1)
    w3 = jnp.concatenate([W3_self, W3_neigh], axis=1)

    cnt = _sc_count(dst)
    s, y = _tc_mm1(x, w1, b1.reshape(1, D))
    agg = _sc_agg(y, src, dst)
    s, y = _tc_mml(s, agg, cnt, w2, b2.reshape(1, D))
    agg = _sc_agg(y, src, dst)
    s, y = _tc_mml(s, agg, cnt, w3, b3.reshape(1, D))
    agg = _sc_agg(y, src, dst)
    return _tc_pool(s, agg, cnt, batch2d, W_lin, b_lin.reshape(1, DOUT))

# --- scband reference (transcript-rebuilt; emitter-appended) ---
"""Pipeline reference for scband-sage-3layer-17205638988374 (READ-ONLY COPY).

The authoritative reference and input builder live on the scoring server;
editing this copy changes nothing except your own understanding.
"""

import jax, jax.numpy as jnp
import numpy as np

N_NODES = 10000
N_EDGES = 320000
D_IN = 128
D_HID = 128
D_OUT = 64
N_GRAPHS = 128

def _glorot(key, shape):
    fan_in, fan_out = shape[0], shape[1]
    limit = jnp.sqrt(6.0 / (fan_in + fan_out))
    return jax.random.uniform(key, shape, dtype=jnp.float32, minval=-limit, maxval=limit)

def setup_inputs(seed: int = 0) -> dict:
    key = jax.random.key(seed)
    ks = jax.random.split(key, 12)
    x = jax.random.normal(ks[0], (N_NODES, D_IN), dtype=jnp.float32)
    edge_index = jax.random.randint(ks[1], (2, N_EDGES), 0, N_NODES, dtype=jnp.int64)
    batch = jnp.sort(jax.random.randint(ks[2], (N_NODES,), 0, N_GRAPHS, dtype=jnp.int64))
    params = {
        'W1_self': _glorot(ks[3], (D_IN, D_HID)),
        'W1_neigh': _glorot(ks[4], (D_IN, D_HID)),
        'b1': jnp.zeros((D_HID,), dtype=jnp.float32),
        'W2_self': _glorot(ks[5], (D_HID, D_HID)),
        'W2_neigh': _glorot(ks[6], (D_HID, D_HID)),
        'b2': jnp.zeros((D_HID,), dtype=jnp.float32),
        'W3_self': _glorot(ks[7], (D_HID, D_HID)),
        'W3_neigh': _glorot(ks[8], (D_HID, D_HID)),
        'b3': jnp.zeros((D_HID,), dtype=jnp.float32),
        'W_lin': _glorot(ks[9], (D_HID, D_OUT)),
        'b_lin': jnp.zeros((D_OUT,), dtype=jnp.float32),
    }
    out = {'x': x, 'edge_index': edge_index, 'batch': batch}
    out.update(params)
    return out

def _sage_conv(x, edge_index, W_self, W_neigh, b):
    src = edge_index[0]
    dst = edge_index[1]
    msgs = jnp.take(x, src, axis=0)
    agg = jax.ops.segment_sum(msgs, dst, num_segments=x.shape[0])
    cnt = jax.ops.segment_sum(jnp.ones((edge_index.shape[1],), dtype=x.dtype), dst, num_segments=x.shape[0])
    mean = agg / jnp.clip(cnt, 1.0)[:, None]
    return x @ W_self + mean @ W_neigh + b

def _global_mean_pool(x, batch, num_graphs):
    sums = jax.ops.segment_sum(x, batch, num_segments=num_graphs)
    cnts = jax.ops.segment_sum(jnp.ones((x.shape[0],), dtype=x.dtype), batch, num_segments=num_graphs)
    return sums / jnp.clip(cnts, 1.0)[:, None]

def reference(x, edge_index, batch, W1_self, W1_neigh, b1, W2_self, W2_neigh, b2, W3_self, W3_neigh, b3, W_lin, b_lin):
    h = _sage_conv(x, edge_index, W1_self, W1_neigh, b1)
    h = jax.nn.relu(h)
    h = _sage_conv(h, edge_index, W2_self, W2_neigh, b2)
    h = jax.nn.relu(h)
    h = _sage_conv(h, edge_index, W3_self, W3_neigh, b3)
    h = jax.nn.relu(h)
    g = _global_mean_pool(h, batch, N_GRAPHS)
    return g @ W_lin + b_lin

if __name__ == "__main__":
    import jax
    _d = setup_inputs()
    print(jax.jit(kernel)(*tuple(_d.values())))

</pallas_src>

<mosaic_0001>
#map = affine_map<(d0, d1) -> (0, 0)>
#map1 = affine_map<(d0, d1) -> (0)>
#map2 = affine_map<(d0, d1) -> (0, 0, 0)>
module attributes {stable_mosaic.version = 14 : i64} {
  func.func @_sc_agg(%arg0: i32, %arg1: i32, %arg2: memref<10000x128xf32, #tpu.memory_space<hbm>>, %arg3: memref<327680xi32, #tpu.memory_space<hbm>>, %arg4: memref<2560x128xi32, #tpu.memory_space<hbm>>, %arg5: memref<2x10112x128xf32, #tpu.memory_space<hbm>>, %arg6: memref<128x128xi32, #tpu.memory_space<vmem>>, %arg7: memref<128xi32, #tpu.memory_space<vmem>>, %arg8: memref<128xi32, #tpu.memory_space<vmem>>, %arg9: memref<128x128xf32, #tpu.memory_space<vmem>>, %arg10: memref<128x128xf32, #tpu.memory_space<vmem>>, %arg11: memref<10112x128xf32, #tpu.memory_space<vmem_shared>>, %arg12: memref<!tpu.dma_semaphore, #tpu.memory_space<semaphore_mem>>, %arg13: memref<!tpu.dma_semaphore, #tpu.memory_space<semaphore_mem>>, %arg14: memref<!tpu.dma_semaphore, #tpu.memory_space<semaphore_mem>>, %arg15: memref<!tpu.dma_semaphore, #tpu.memory_space<semaphore_mem>>, %arg16: memref<!tpu.dma_semaphore, #tpu.memory_space<semaphore_mem>>, %arg17: memref<!tpu.dma_semaphore, #tpu.memory_space<semaphore_mem>>) attributes {dimension_semantics = [#tpu.dimension_semantics<core_parallel>, #tpu.dimension_semantics<subcore_parallel>], iteration_bounds = array<i64: 2, 16>, scalar_prefetch = 0 : i64, scratch_operands = 12 : i64, tpu.core_type = #tpu.core_type<sc_vector_subcore>, window_params = [{transform_indices = #map}, {transform_indices = #map1}, {transform_indices = #map}, {transform_indices = #map2}]} {
    %scan3A = arith.constant 0 : i32
    %scan3A_0 = arith.constant 0 : i32
    %scan3A_1 = arith.constant 1024 : i32
    %scan3A_2 = arith.addi %scan3A_0, %scan3A_1 : i32
    %scan3A_3 = arith.constant 1 : i32
    %scan3A_4 = scf.for %scan3A_51 = %scan3A_0 to %scan3A_2 step %scan3A_3 iter_args(%scan3A_52 = %scan3A) -> (i32)  : i32 {
      %jit3A = arith.constant 8 : i32
      %div3A = arith.divsi %scan3A_51, %jit3A : i32
      %sign3A = arith.constant 0 : i32
      %sign3A_53 = arith.cmpi sgt, %scan3A_51, %sign3A : i32
      %sign3A_54 = arith.extui %sign3A_53 : i1 to i32
      %sign3A_55 = arith.constant 0 : i32
      %sign3A_56 = arith.cmpi slt, %scan3A_51, %sign3A_55 : i32
      %sign3A_57 = arith.extui %sign3A_56 : i1 to i32
      %sign3A_58 = arith.subi %sign3A_54, %sign3A_57 : i32
      %sign3A_59 = arith.constant 0 : i32
      %sign3A_60 = arith.cmpi sgt, %jit3A, %sign3A_59 : i32
      %sign3A_61 = arith.extui %sign3A_60 : i1 to i32
      %sign3A_62 = arith.constant 0 : i32
      %sign3A_63 = arith.cmpi slt, %jit3A, %sign3A_62 : i32
      %sign3A_64 = arith.extui %sign3A_63 : i1 to i32
      %sign3A_65 = arith.subi %sign3A_61, %sign3A_64 : i32
      %ne3A_66 = arith.cmpi ne, %sign3A_58, %sign3A_65 : i32
      %rem3A = arith.remsi %scan3A_51, %jit3A : i32
      %ne3A_67 = arith.constant 0 : i32
      %ne3A_68 = arith.cmpi ne, %rem3A, %ne3A_67 : i32
      %and3A = arith.andi %ne3A_66, %ne3A_68 : i1
      %sub3A = arith.constant 1 : i32
      %sub3A_69 = arith.subi %div3A, %sub3A : i32
      %select_n3A = arith.select %and3A, %sub3A_69, %div3A : i32
      %jit3A_70 = arith.constant 8 : i32
      %eq3A_71 = arith.constant 0 : i32
      %eq3A_72 = arith.cmpi eq, %jit3A_70, %eq3A_71 : i32
      %jit3A_73 = arith.constant 1 : i32
      %select_n3A_74 = arith.select %eq3A_72, %jit3A_73, %jit3A_70 : i32
      %rem3A_75 = arith.remsi %scan3A_51, %select_n3A_74 : i32
      %ne3A_76 = arith.constant 0 : i32
      %ne3A_77 = arith.cmpi ne, %rem3A_75, %ne3A_76 : i32
      %lt3A = arith.constant 0 : i32
      %lt3A_78 = arith.cmpi slt, %rem3A_75, %lt3A : i32
      %lt3A_79 = arith.constant 0 : i32
      %lt3A_80 = arith.cmpi slt, %select_n3A_74, %lt3A_79 : i32
      %ne3A_81 = arith.xori %lt3A_78, %lt3A_80 : i1
      %and3A_82 = arith.andi %ne3A_81, %ne3A_77 : i1
      %add3A_83 = arith.addi %rem3A_75, %select_n3A_74 : i32
      %select_n3A_84 = arith.select %and3A_82, %add3A_83, %rem3A_75 : i32
      %broadcast_in_dim3A = arith.constant 0.000000e+00 : f32
      %broadcast_in_dim3A_85 = vector.broadcast %broadcast_in_dim3A : f32 to vector<16xf32>
      %mul3A_86 = arith.constant 16 : i32
      %mul3A_87 = arith.muli %select_n3A_84, %mul3A_86 : i32
      %swap3A = arith.index_cast %select_n3A : i32 to index
      %swap3A_88 = arith.index_cast %mul3A_87 : i32 to index
      %swap3A_89 = tpu.vector_load %arg9[%swap3A, %swap3A_88] {strides = array<i32>} : memref<128x128xf32, #tpu.memory_space<vmem>>, vector<1x16xf32>,
      %swap3A_90 = vector.shape_cast %swap3A_89 : vector<1x16xf32> to vector<16xf32>
      %swap3A_91 = vector.shape_cast %broadcast_in_dim3A_85 : vector<16xf32> to vector<1x16xf32>
      tpu.vector_store %arg9[%swap3A, %swap3A_88], %swap3A_91 {strides = array<i32>} : memref<128x128xf32, #tpu.memory_space<vmem>>, vector<1x16xf32>,
      %scan3A_92 = arith.constant 0 : i32
      scf.yield %scan3A_92 : i32
    }
    %scan3A_5 = arith.constant 1024 : i32
    %mul3A = arith.constant 632 : i32
    %mul3A_6 = arith.muli %arg1, %mul3A : i32
    %add3A = arith.constant 0 : i32
    %add3A_7 = arith.addi %mul3A_6, %add3A : i32
    "tpu.region"() ({
      %run_scoped3A = tpu.sem_alloc : memref<!tpu.dma_semaphore, #tpu.memory_space<semaphore_mem>>
      %dma_start3A = arith.constant 0 : i32
      %dma_start3A_51 = arith.constant 0 : i32
      %dma_start3A_52 = tpu.memref_slice %arg9[%dma_start3A, %dma_start3A_51] : memref<128x128xf32, #tpu.memory_space<vmem>> -> memref<128x128xf32, #tpu.memory_space<vmem>>
      %dma_start3A_53 = arith.constant 0 : i32
      %dma_start3A_54 = tpu.memref_slice %arg11[%add3A_7, %dma_start3A_53] : memref<10112x128xf32, #tpu.memory_space<vmem_shared>> -> memref<128x128xf32, #tpu.memory_space<vmem_shared>>
      %dma_start3A_55 = arith.constant 0 : i32
      %dma_start3A_56 = tpu.memref_slice %arg11[%add3A_7, %dma_start3A_55] : memref<10112x128xf32, #tpu.memory_space<vmem_shared>> -> memref<128x128xf32, #tpu.memory_space<vmem_shared>>
      %dma_start3A_57 = arith.constant 0 : i32
      %dma_start3A_58 = arith.constant 0 : i32
      %dma_start3A_59 = tpu.memref_slice %arg9[%dma_start3A_57, %dma_start3A_58] : memref<128x128xf32, #tpu.memory_space<vmem>> -> memref<128x128xf32, #tpu.memory_space<vmem>>
      tpu.enqueue_dma source(%dma_start3A_59 : memref<128x128xf32, #tpu.memory_space<vmem>>) target(%dma_start3A_56 : memref<128x128xf32, #tpu.memory_space<vmem_shared>>) target_semaphore(%run_scoped3A : memref<!tpu.dma_semaphore, #tpu.memory_space<semaphore_mem>>)
      %dma_wait3A = arith.constant 0 : i32
      %dma_wait3A_60 = arith.constant 0 : i32
      %dma_wait3A_61 = tpu.memref_slice %arg9[%dma_wait3A, %dma_wait3A_60] : memref<128x128xf32, #tpu.memory_space<vmem>> -> memref<128x128xf32, #tpu.memory_space<vmem>>
      %dma_wait3A_62 = arith.constant 0 : i32
      %dma_wait3A_63 = tpu.memref_slice %arg11[%add3A_7, %dma_wait3A_62] : memref<10112x128xf32, #tpu.memory_space<vmem_shared>> -> memref<128x128xf32, #tpu.memory_space<vmem_shared>>
      %dma_wait3A_64 = arith.constant 0 : i32
      %dma_wait3A_65 = tpu.memref_slice %arg11[%add3A_7, %dma_wait3A_64] : memref<10112x128xf32, #tpu.memory_space<vmem_shared>> -> memref<128x128xf32, #tpu.memory_space<vmem_shared>>
      %dma_wait3A_66 = arith.constant 0 : i32
      %dma_wait3A_67 = arith.constant 0 : i32
      %dma_wait3A_68 = tpu.memref_slice %arg9[%dma_wait3A_66, %dma_wait3A_67] : memref<128x128xf32, #tpu.memory_space<vmem>> -> memref<128x128xf32, #tpu.memory_space<vmem>>
      tpu.wait_dma2 semaphore(%run_scoped3A : memref<!tpu.dma_semaphore, #tpu.memory_space<semaphore_mem>>) src(%dma_wait3A_68 : memref<128x128xf32, #tpu.memory_space<vmem>>) dst(%dma_wait3A_65 : memref<128x128xf32, #tpu.memory_space<vmem_shared>>)
      tpu.yield
    }) : () -> ()
    %mul3A_8 = arith.constant 632 : i32
    %mul3A_9 = arith.muli %arg1, %mul3A_8 : i32
    %add3A_10 = arith.constant 128 : i32
    %add3A_11 = arith.addi %mul3A_9, %add3A_10 : i32
    "tpu.region"() ({
      %run_scoped3A = tpu.sem_alloc : memref<!tpu.dma_semaphore, #tpu.memory_space<semaphore_mem>>
      %dma_start3A = arith.constant 0 : i32
      %dma_start3A_51 = arith.constant 0 : i32
      %dma_start3A_52 = tpu.memref_slice %arg9[%dma_start3A, %dma_start3A_51] : memref<128x128xf32, #tpu.memory_space<vmem>> -> memref<128x128xf32, #tpu.memory_space<vmem>>
      %dma_start3A_53 = arith.constant 0 : i32
      %dma_start3A_54 = tpu.memref_slice %arg11[%add3A_11, %dma_start3A_53] : memref<10112x128xf32, #tpu.memory_space<vmem_shared>> -> memref<128x128xf32, #tpu.memory_space<vmem_shared>>
      %dma_start3A_55 = arith.constant 0 : i32
      %dma_start3A_56 = tpu.memref_slice %arg11[%add3A_11, %dma_start3A_55] : memref<10112x128xf32, #tpu.memory_space<vmem_shared>> -> memref<128x128xf32, #tpu.memory_space<vmem_shared>>
      %dma_start3A_57 = arith.constant 0 : i32
      %dma_start3A_58 = arith.constant 0 : i32
      %dma_start3A_59 = tpu.memref_slice %arg9[%dma_start3A_57, %dma_start3A_58] : memref<128x128xf32, #tpu.memory_space<vmem>> -> memref<128x128xf32, #tpu.memory_space<vmem>>
      tpu.enqueue_dma source(%dma_start3A_59 : memref<128x128xf32, #tpu.memory_space<vmem>>) target(%dma_start3A_56 : memref<128x128xf32, #tpu.memory_space<vmem_shared>>) target_semaphore(%run_scoped3A : memref<!tpu.dma_semaphore, #tpu.memory_space<semaphore_mem>>)
      %dma_wait3A = arith.constant 0 : i32
      %dma_wait3A_60 = arith.constant 0 : i32
      %dma_wait3A_61 = tpu.memref_slice %arg9[%dma_wait3A, %dma_wait3A_60] : memref<128x128xf32, #tpu.memory_space<vmem>> -> memref<128x128xf32, #tpu.memory_space<vmem>>
      %dma_wait3A_62 = arith.constant 0 : i32
      %dma_wait3A_63 = tpu.memref_slice %arg11[%add3A_11, %dma_wait3A_62] : memref<10112x128xf32, #tpu.memory_space<vmem_shared>> -> memref<128x128xf32, #tpu.memory_space<vmem_shared>>
      %dma_wait3A_64 = arith.constant 0 : i32
      %dma_wait3A_65 = tpu.memref_slice %arg11[%add3A_11, %dma_wait3A_64] : memref<10112x128xf32, #tpu.memory_space<vmem_shared>> -> memref<128x128xf32, #tpu.memory_space<vmem_shared>>
      %dma_wait3A_66 = arith.constant 0 : i32
      %dma_wait3A_67 = arith.constant 0 : i32
      %dma_wait3A_68 = tpu.memref_slice %arg9[%dma_wait3A_66, %dma_wait3A_67] : memref<128x128xf32, #tpu.memory_space<vmem>> -> memref<128x128xf32, #tpu.memory_space<vmem>>
      tpu.wait_dma2 semaphore(%run_scoped3A : memref<!tpu.dma_semaphore, #tpu.memory_space<semaphore_mem>>) src(%dma_wait3A_68 : memref<128x128xf32, #tpu.memory_space<vmem>>) dst(%dma_wait3A_65 : memref<128x128xf32, #tpu.memory_space<vmem_shared>>)
      tpu.yield
    }) : () -> ()
    %mul3A_12 = arith.constant 632 : i32
    %mul3A_13 = arith.muli %arg1, %mul3A_12 : i32
    %add3A_14 = arith.constant 256 : i32
    %add3A_15 = arith.addi %mul3A_13, %add3A_14 : i32
    "tpu.region"() ({
      %run_scoped3A = tpu.sem_alloc : memref<!tpu.dma_semaphore, #tpu.memory_space<semaphore_mem>>
      %dma_start3A = arith.constant 0 : i32
      %dma_start3A_51 = arith.constant 0 : i32
      %dma_start3A_52 = tpu.memref_slice %arg9[%dma_start3A, %dma_start3A_51] : memref<128x128xf32, #tpu.memory_space<vmem>> -> memref<128x128xf32, #tpu.memory_space<vmem>>
      %dma_start3A_53 = arith.constant 0 : i32
      %dma_start3A_54 = tpu.memref_slice %arg11[%add3A_15, %dma_start3A_53] : memref<10112x128xf32, #tpu.memory_space<vmem_shared>> -> memref<128x128xf32, #tpu.memory_space<vmem_shared>>
      %dma_start3A_55 = arith.constant 0 : i32
      %dma_start3A_56 = tpu.memref_slice %arg11[%add3A_15, %dma_start3A_55] : memref<10112x128xf32, #tpu.memory_space<vmem_shared>> -> memref<128x128xf32, #tpu.memory_space<vmem_shared>>
      %dma_start3A_57 = arith.constant 0 : i32
      %dma_start3A_58 = arith.constant 0 : i32
      %dma_start3A_59 = tpu.memref_slice %arg9[%dma_start3A_57, %dma_start3A_58] : memref<128x128xf32, #tpu.memory_space<vmem>> -> memref<128x128xf32, #tpu.memory_space<vmem>>
      tpu.enqueue_dma source(%dma_start3A_59 : memref<128x128xf32, #tpu.memory_space<vmem>>) target(%dma_start3A_56 : memref<128x128xf32, #tpu.memory_space<vmem_shared>>) target_semaphore(%run_scoped3A : memref<!tpu.dma_semaphore, #tpu.memory_space<semaphore_mem>>)
      %dma_wait3A = arith.constant 0 : i32
      %dma_wait3A_60 = arith.constant 0 : i32
      %dma_wait3A_61 = tpu.memref_slice %arg9[%dma_wait3A, %dma_wait3A_60] : memref<128x128xf32, #tpu.memory_space<vmem>> -> memref<128x128xf32, #tpu.memory_space<vmem>>
      %dma_wait3A_62 = arith.constant 0 : i32
      %dma_wait3A_63 = tpu.memref_slice %arg11[%add3A_15, %dma_wait3A_62] : memref<10112x128xf32, #tpu.memory_space<vmem_shared>> -> memref<128x128xf32, #tpu.memory_space<vmem_shared>>
      %dma_wait3A_64 = arith.constant 0 : i32
      %dma_wait3A_65 = tpu.memref_slice %arg11[%add3A_15, %dma_wait3A_64] : memref<10112x128xf32, #tpu.memory_space<vmem_shared>> -> memref<128x128xf32, #tpu.memory_space<vmem_shared>>
      %dma_wait3A_66 = arith.constant 0 : i32
      %dma_wait3A_67 = arith.constant 0 : i32
      %dma_wait3A_68 = tpu.memref_slice %arg9[%dma_wait3A_66, %dma_wait3A_67] : memref<128x128xf32, #tpu.memory_space<vmem>> -> memref<128x128xf32, #tpu.memory_space<vmem>>
      tpu.wait_dma2 semaphore(%run_scoped3A : memref<!tpu.dma_semaphore, #tpu.memory_space<semaphore_mem>>) src(%dma_wait3A_68 : memref<128x128xf32, #tpu.memory_space<vmem>>) dst(%dma_wait3A_65 : memref<128x128xf32, #tpu.memory_space<vmem_shared>>)
      tpu.yield
    }) : () -> ()
    %mul3A_16 = arith.constant 632 : i32
    %mul3A_17 = arith.muli %arg1, %mul3A_16 : i32
    %add3A_18 = arith.constant 384 : i32
    %add3A_19 = arith.addi %mul3A_17, %add3A_18 : i32
    "tpu.region"() ({
      %run_scoped3A = tpu.sem_alloc : memref<!tpu.dma_semaphore, #tpu.memory_space<semaphore_mem>>
      %dma_start3A = arith.constant 0 : i32
      %dma_start3A_51 = arith.constant 0 : i32
      %dma_start3A_52 = tpu.memref_slice %arg9[%dma_start3A, %dma_start3A_51] : memref<128x128xf32, #tpu.memory_space<vmem>> -> memref<128x128xf32, #tpu.memory_space<vmem>>
      %dma_start3A_53 = arith.constant 0 : i32
      %dma_start3A_54 = tpu.memref_slice %arg11[%add3A_19, %dma_start3A_53] : memref<10112x128xf32, #tpu.memory_space<vmem_shared>> -> memref<128x128xf32, #tpu.memory_space<vmem_shared>>
      %dma_start3A_55 = arith.constant 0 : i32
      %dma_start3A_56 = tpu.memref_slice %arg11[%add3A_19, %dma_start3A_55] : memref<10112x128xf32, #tpu.memory_space<vmem_shared>> -> memref<128x128xf32, #tpu.memory_space<vmem_shared>>
      %dma_start3A_57 = arith.constant 0 : i32
      %dma_start3A_58 = arith.constant 0 : i32
      %dma_start3A_59 = tpu.memref_slice %arg9[%dma_start3A_57, %dma_start3A_58] : memref<128x128xf32, #tpu.memory_space<vmem>> -> memref<128x128xf32, #tpu.memory_space<vmem>>
      tpu.enqueue_dma source(%dma_start3A_59 : memref<128x128xf32, #tpu.memory_space<vmem>>) target(%dma_start3A_56 : memref<128x128xf32, #tpu.memory_space<vmem_shared>>) target_semaphore(%run_scoped3A : memref<!tpu.dma_semaphore, #tpu.memory_space<semaphore_mem>>)
      %dma_wait3A = arith.constant 0 : i32
      %dma_wait3A_60 = arith.constant 0 : i32
      %dma_wait3A_61 = tpu.memref_slice %arg9[%dma_wait3A, %dma_wait3A_60] : memref<128x128xf32, #tpu.memory_space<vmem>> -> memref<128x128xf32, #tpu.memory_space<vmem>>
      %dma_wait3A_62 = arith.constant 0 : i32
      %dma_wait3A_63 = tpu.memref_slice %arg11[%add3A_19, %dma_wait3A_62] : memref<10112x128xf32, #tpu.memory_space<vmem_shared>> -> memref<128x128xf32, #tpu.memory_space<vmem_shared>>
      %dma_wait3A_64 = arith.constant 0 : i32
      %dma_wait3A_65 = tpu.memref_slice %arg11[%add3A_19, %dma_wait3A_64] : memref<10112x128xf32, #tpu.memory_space<vmem_shared>> -> memref<128x128xf32, #tpu.memory_space<vmem_shared>>
      %dma_wait3A_66 = arith.constant 0 : i32
      %dma_wait3A_67 = arith.constant 0 : i32
      %dma_wait3A_68 = tpu.memref_slice %arg9[%dma_wait3A_66, %dma_wait3A_67] : memref<128x128xf32, #tpu.memory_space<vmem>> -> memref<128x128xf32, #tpu.memory_space<vmem>>
      tpu.wait_dma2 semaphore(%run_scoped3A : memref<!tpu.dma_semaphore, #tpu.memory_space<semaphore_mem>>) src(%dma_wait3A_68 : memref<128x128xf32, #tpu.memory_space<vmem>>) dst(%dma_wait3A_65 : memref<128x128xf32, #tpu.memory_space<vmem_shared>>)
      tpu.yield
    }) : () -> ()
    %mul3A_20 = arith.constant 632 : i32
    %mul3A_21 = arith.muli %arg1, %mul3A_20 : i32
    %add3A_22 = arith.constant 512 : i32
    %add3A_23 = arith.addi %mul3A_21, %add3A_22 : i32
    "tpu.region"() ({
      %run_scoped3A = tpu.sem_alloc : memref<!tpu.dma_semaphore, #tpu.memory_space<semaphore_mem>>
      %dma_start3A = arith.constant 0 : i32
      %dma_start3A_51 = arith.constant 0 : i32
      %dma_start3A_52 = tpu.memref_slice %arg9[%dma_start3A, %dma_start3A_51] : memref<128x128xf32, #tpu.memory_space<vmem>> -> memref<120x128xf32, #tpu.memory_space<vmem>>
      %dma_start3A_53 = arith.constant 0 : i32
      %dma_start3A_54 = tpu.memref_slice %arg11[%add3A_23, %dma_start3A_53] : memref<10112x128xf32, #tpu.memory_space<vmem_shared>> -> memref<120x128xf32, #tpu.memory_space<vmem_shared>>
      %dma_start3A_55 = arith.constant 0 : i32
      %dma_start3A_56 = tpu.memref_slice %arg11[%add3A_23, %dma_start3A_55] : memref<10112x128xf32, #tpu.memory_space<vmem_shared>> -> memref<120x128xf32, #tpu.memory_space<vmem_shared>>
      %dma_start3A_57 = arith.constant 0 : i32
      %dma_start3A_58 = arith.constant 0 : i32
      %dma_start3A_59 = tpu.memref_slice %arg9[%dma_start3A_57, %dma_start3A_58] : memref<128x128xf32, #tpu.memory_space<vmem>> -> memref<120x128xf32, #tpu.memory_space<vmem>>
      tpu.enqueue_dma source(%dma_start3A_59 : memref<120x128xf32, #tpu.memory_space<vmem>>) target(%dma_start3A_56 : memref<120x128xf32, #tpu.memory_space<vmem_shared>>) target_semaphore(%run_scoped3A : memref<!tpu.dma_semaphore, #tpu.memory_space<semaphore_mem>>)
      %dma_wait3A = arith.constant 0 : i32
      %dma_wait3A_60 = arith.constant 0 : i32
      %dma_wait3A_61 = tpu.memref_slice %arg9[%dma_wait3A, %dma_wait3A_60] : memref<128x128xf32, #tpu.memory_space<vmem>> -> memref<120x128xf32, #tpu.memory_space<vmem>>
      %dma_wait3A_62 = arith.constant 0 : i32
      %dma_wait3A_63 = tpu.memref_slice %arg11[%add3A_23, %dma_wait3A_62] : memref<10112x128xf32, #tpu.memory_space<vmem_shared>> -> memref<120x128xf32, #tpu.memory_space<vmem_shared>>
      %dma_wait3A_64 = arith.constant 0 : i32
      %dma_wait3A_65 = tpu.memref_slice %arg11[%add3A_23, %dma_wait3A_64] : memref<10112x128xf32, #tpu.memory_space<vmem_shared>> -> memref<120x128xf32, #tpu.memory_space<vmem_shared>>
      %dma_wait3A_66 = arith.constant 0 : i32
      %dma_wait3A_67 = arith.constant 0 : i32
      %dma_wait3A_68 = tpu.memref_slice %arg9[%dma_wait3A_66, %dma_wait3A_67] : memref<128x128xf32, #tpu.memory_space<vmem>> -> memref<120x128xf32, #tpu.memory_space<vmem>>
      tpu.wait_dma2 semaphore(%run_scoped3A : memref<!tpu.dma_semaphore, #tpu.memory_space<semaphore_mem>>) src(%dma_wait3A_68 : memref<120x128xf32, #tpu.memory_space<vmem>>) dst(%dma_wait3A_65 : memref<120x128xf32, #tpu.memory_space<vmem_shared>>)
      tpu.yield
    }) : () -> ()
    %barrier3A = arith.constant 0 : index
    tpu.barrier barrier_id(%barrier3A)
    %eq3A = arith.constant 1 : i32
    %eq3A_24 = arith.cmpi eq, %arg0, %eq3A : i32
    %convert_element_type3A = arith.extui %eq3A_24 : i1 to i32
    %cond3A = arith.constant 0 : i32
    %cond3A_25 = arith.cmpi ne, %convert_element_type3A, %cond3A : i32
    scf.if %cond3A_25 {
      %mul3A_51 = arith.constant 128 : i32
      %mul3A_52 = arith.muli %arg1, %mul3A_51 : i32
      "tpu.region"() ({
        %run_scoped3A = tpu.sem_alloc : memref<!tpu.dma_semaphore, #tpu.memory_space<semaphore_mem>>
        %dma_start3A_89 = arith.constant 0 : i32
        %dma_start3A_90 = arith.constant 0 : i32
        %dma_start3A_91 = tpu.memref_slice %arg6[%dma_start3A_89, %dma_start3A_90] : memref<128x128xi32, #tpu.memory_space<vmem>> -> memref<128x128xi32, #tpu.memory_space<vmem>>
        %dma_start3A_92 = arith.constant 0 : i32
        %dma_start3A_93 = tpu.memref_slice %arg4[%mul3A_52, %dma_start3A_92] : memref<2560x128xi32, #tpu.memory_space<hbm>> -> memref<128x128xi32, #tpu.memory_space<hbm>>
        %dma_start3A_94 = arith.constant 0 : i32
        %dma_start3A_95 = arith.constant 0 : i32
        %dma_start3A_96 = tpu.memref_slice %arg6[%dma_start3A_94, %dma_start3A_95] : memref<128x128xi32, #tpu.memory_space<vmem>> -> memref<128x128xi32, #tpu.memory_space<vmem>>
        %dma_start3A_97 = arith.constant 0 : i32
        %dma_start3A_98 = tpu.memref_slice %arg4[%mul3A_52, %dma_start3A_97] : memref<2560x128xi32, #tpu.memory_space<hbm>> -> memref<128x128xi32, #tpu.memory_space<hbm>>
        tpu.enqueue_dma source(%dma_start3A_98 : memref<128x128xi32, #tpu.memory_space<hbm>>) target(%dma_start3A_96 : memref<128x128xi32, #tpu.memory_space<vmem>>) target_semaphore(%run_scoped3A : memref<!tpu.dma_semaphore, #tpu.memory_space<semaphore_mem>>)
        %dma_wait3A_99 = arith.constant 0 : i32
        %dma_wait3A_100 = arith.constant 0 : i32
        %dma_wait3A_101 = tpu.memref_slice %arg6[%dma_wait3A_99, %dma_wait3A_100] : memref<128x128xi32, #tpu.memory_space<vmem>> -> memref<128x128xi32, #tpu.memory_space<vmem>>
        %dma_wait3A_102 = arith.constant 0 : i32
        %dma_wait3A_103 = tpu.memref_slice %arg4[%mul3A_52, %dma_wait3A_102] : memref<2560x128xi32, #tpu.memory_space<hbm>> -> memref<128x128xi32, #tpu.memory_space<hbm>>
        %dma_wait3A_104 = arith.constant 0 : i32
        %dma_wait3A_105 = arith.constant 0 : i32
        %dma_wait3A_106 = tpu.memref_slice %arg6[%dma_wait3A_104, %dma_wait3A_105] : memref<128x128xi32, #tpu.memory_space<vmem>> -> memref<128x128xi32, #tpu.memory_space<vmem>>
        %dma_wait3A_107 = arith.constant 0 : i32
        %dma_wait3A_108 = tpu.memref_slice %arg4[%mul3A_52, %dma_wait3A_107] : memref<2560x128xi32, #tpu.memory_space<hbm>> -> memref<128x128xi32, #tpu.memory_space<hbm>>
        tpu.wait_dma2 semaphore(%run_scoped3A : memref<!tpu.dma_semaphore, #tpu.memory_space<semaphore_mem>>) src(%dma_wait3A_108 : memref<128x128xi32, #tpu.memory_space<hbm>>) dst(%dma_wait3A_106 : memref<128x128xi32, #tpu.memory_space<vmem>>)
        tpu.yield
      }) : () -> ()
      %mul3A_53 = arith.constant 128 : i32
      %mul3A_54 = arith.muli %mul3A_52, %mul3A_53 : i32
      %add3A_55 = arith.constant 0 : i32
      %add3A_56 = arith.addi %mul3A_54, %add3A_55 : i32
      %dma_start3A = tpu.memref_slice %arg3[%add3A_56] : memref<327680xi32, #tpu.memory_space<hbm>> -> memref<128xi32, #tpu.memory_space<hbm>>
      %dma_start3A_57 = tpu.memref_slice %arg3[%add3A_56] : memref<327680xi32, #tpu.memory_space<hbm>> -> memref<128xi32, #tpu.memory_space<hbm>>
      tpu.enqueue_dma source(%dma_start3A_57 : memref<128xi32, #tpu.memory_space<hbm>>) target(%arg7 : memref<128xi32, #tpu.memory_space<vmem>>) target_semaphore(%arg14 : memref<!tpu.dma_semaphore, #tpu.memory_space<semaphore_mem>>)
      %add3A_58 = arith.constant 0 : i32
      %add3A_59 = arith.addi %mul3A_54, %add3A_58 : i32
      %dma_wait3A = tpu.memref_slice %arg3[%add3A_59] : memref<327680xi32, #tpu.memory_space<hbm>> -> memref<128xi32, #tpu.memory_space<hbm>>
      %dma_wait3A_60 = tpu.memref_slice %arg3[%add3A_59] : memref<327680xi32, #tpu.memory_space<hbm>> -> memref<128xi32, #tpu.memory_space<hbm>>
      tpu.wait_dma2 semaphore(%arg14 : memref<!tpu.dma_semaphore, #tpu.memory_space<semaphore_mem>>) src(%dma_wait3A_60 : memref<128xi32, #tpu.memory_space<hbm>>) dst(%arg7 : memref<128xi32, #tpu.memory_space<vmem>>)
      %dma_start3A_61 = arith.constant 0 : i32
      %dma_start3A_62 = arith.constant 0 : i32
      %dma_start3A_63 = tpu.memref_slice %arg2[%dma_start3A_61, %dma_start3A_62] : memref<10000x128xf32, #tpu.memory_space<hbm>> -> memref<10000x128xf32, #tpu.memory_space<hbm>>
      tpu.enqueue_indirect_dma source(%dma_start3A_63 : memref<10000x128xf32, #tpu.memory_space<hbm>>) target(%arg9 : memref<128x128xf32, #tpu.memory_space<vmem>>) offsets(%arg7 : memref<128xi32, #tpu.memory_space<vmem>>) semaphore(%arg12 : memref<!tpu.dma_semaphore, #tpu.memory_space<semaphore_mem>>)
      %add3A_64 = arith.constant 128 : i32
      %add3A_65 = arith.addi %mul3A_54, %add3A_64 : i32
      %dma_start3A_66 = tpu.memref_slice %arg3[%add3A_65] : memref<327680xi32, #tpu.memory_space<hbm>> -> memref<128xi32, #tpu.memory_space<hbm>>
      %dma_start3A_67 = tpu.memref_slice %arg3[%add3A_65] : memref<327680xi32, #tpu.memory_space<hbm>> -> memref<128xi32, #tpu.memory_space<hbm>>
      tpu.enqueue_dma source(%dma_start3A_67 : memref<128xi32, #tpu.memory_space<hbm>>) target(%arg8 : memref<128xi32, #tpu.memory_space<vmem>>) target_semaphore(%arg15 : memref<!tpu.dma_semaphore, #tpu.memory_space<semaphore_mem>>)
      %scan3A_68 = arith.constant 0 : i32
      %scan3A_69 = arith.constant 0 : i32
      %scan3A_70 = arith.constant 64 : i32
      %scan3A_71 = arith.addi %scan3A_69, %scan3A_70 : i32
      %scan3A_72 = arith.constant 1 : i32
      %scan3A_73 = scf.for %scan3A_89 = %scan3A_69 to %scan3A_71 step %scan3A_72 iter_args(%scan3A_90 = %scan3A_68) -> (i32)  : i32 {
        %mul3A_91 = arith.constant 2 : i32
        %mul3A_92 = arith.muli %mul3A_91, %scan3A_89 : i32
        %dma_wait3A_93 = arith.constant 0 : i32
        %dma_wait3A_94 = arith.constant 0 : i32
        %dma_wait3A_95 = tpu.memref_slice %arg2[%dma_wait3A_93, %dma_wait3A_94] : memref<10000x128xf32, #tpu.memory_space<hbm>> -> memref<10000x128xf32, #tpu.memory_space<hbm>>
        tpu.wait_indirect_dma semaphore(%arg12 : memref<!tpu.dma_semaphore, #tpu.memory_space<semaphore_mem>>) src(%dma_wait3A_95 : memref<10000x128xf32, #tpu.memory_space<hbm>>) dst(%arg9 : memref<128x128xf32, #tpu.memory_space<vmem>>)
        %add3A_96 = arith.constant 1 : i32
        %add3A_97 = arith.addi %mul3A_92, %add3A_96 : i32
        %mul3A_98 = arith.constant 128 : i32
        %mul3A_99 = arith.muli %add3A_97, %mul3A_98 : i32
        %add3A_100 = arith.addi %mul3A_54, %mul3A_99 : i32
        %dma_wait3A_101 = tpu.memref_slice %arg3[%add3A_100] : memref<327680xi32, #tpu.memory_space<hbm>> -> memref<128xi32, #tpu.memory_space<hbm>>
        %dma_wait3A_102 = tpu.memref_slice %arg3[%add3A_100] : memref<327680xi32, #tpu.memory_space<hbm>> -> memref<128xi32, #tpu.memory_space<hbm>>
        tpu.wait_dma2 semaphore(%arg15 : memref<!tpu.dma_semaphore, #tpu.memory_space<semaphore_mem>>) src(%dma_wait3A_102 : memref<128xi32, #tpu.memory_space<hbm>>) dst(%arg8 : memref<128xi32, #tpu.memory_space<vmem>>)
        %gt3A = arith.constant 0 : i32
        %gt3A_103 = arith.cmpi sgt, %mul3A_92, %gt3A : i32
        %convert_element_type3A_104 = arith.extui %gt3A_103 : i1 to i32
        %cond3A_105 = arith.constant 0 : i32
        %cond3A_106 = arith.cmpi ne, %convert_element_type3A_104, %cond3A_105 : i32
        scf.if %cond3A_106 {
          %sub3A = arith.constant 1 : i32
          %sub3A_148 = arith.subi %mul3A_92, %sub3A : i32
          %dma_wait3A_149 = arith.constant 0 : i32
          %dma_wait3A_150 = tpu.memref_slice %arg6[%sub3A_148, %dma_wait3A_149] : memref<128x128xi32, #tpu.memory_space<vmem>> -> memref<1x128xi32, #tpu.memory_space<vmem>>
          %dma_wait3A_151 = tpu.memref_squeeze %dma_wait3A_150 : memref<1x128xi32, #tpu.memory_space<vmem>> -> memref<128xi32, #tpu.memory_space<vmem>>
          %dma_wait3A_152 = arith.constant 0 : i32
          %dma_wait3A_153 = arith.constant 0 : i32
          %dma_wait3A_154 = tpu.memref_slice %arg11[%dma_wait3A_152, %dma_wait3A_153] : memref<10112x128xf32, #tpu.memory_space<vmem_shared>> -> memref<10112x128xf32, #tpu.memory_space<vmem_shared>>
          tpu.wait_indirect_dma semaphore(%arg17 : memref<!tpu.dma_semaphore, #tpu.memory_space<semaphore_mem>>) src(%arg10 : memref<128x128xf32, #tpu.memory_space<vmem>>) dst(%dma_wait3A_154 : memref<10112x128xf32, #tpu.memory_space<vmem_shared>>)
        } else {
        }
        %dma_start3A_107 = arith.constant 0 : i32
        %dma_start3A_108 = arith.constant 0 : i32
        %dma_start3A_109 = tpu.memref_slice %arg2[%dma_start3A_107, %dma_start3A_108] : memref<10000x128xf32, #tpu.memory_space<hbm>> -> memref<10000x128xf32, #tpu.memory_space<hbm>>
        tpu.enqueue_indirect_dma source(%dma_start3A_109 : memref<10000x128xf32, #tpu.memory_space<hbm>>) target(%arg10 : memref<128x128xf32, #tpu.memory_space<vmem>>) offsets(%arg8 : memref<128xi32, #tpu.memory_space<vmem>>) semaphore(%arg13 : memref<!tpu.dma_semaphore, #tpu.memory_space<semaphore_mem>>)
        %add3A_110 = arith.constant 2 : i32
        %add3A_111 = arith.addi %mul3A_92, %add3A_110 : i32
        %lt3A = arith.constant 128 : i32
        %lt3A_112 = arith.cmpi slt, %add3A_111, %lt3A : i32
        %convert_element_type3A_113 = arith.extui %lt3A_112 : i1 to i32
        %cond3A_114 = arith.constant 0 : i32
        %cond3A_115 = arith.cmpi ne, %convert_element_type3A_113, %cond3A_114 : i32
        scf.if %cond3A_115 {
          %add3A_148 = arith.constant 2 : i32
          %add3A_149 = arith.addi %mul3A_92, %add3A_148 : i32
          %mul3A_150 = arith.constant 128 : i32
          %mul3A_151 = arith.muli %add3A_149, %mul3A_150 : i32
          %add3A_152 = arith.addi %mul3A_54, %mul3A_151 : i32
          %dma_start3A_153 = tpu.memref_slice %arg3[%add3A_152] : memref<327680xi32, #tpu.memory_space<hbm>> -> memref<128xi32, #tpu.memory_space<hbm>>
          %dma_start3A_154 = tpu.memref_slice %arg3[%add3A_152] : memref<327680xi32, #tpu.memory_space<hbm>> -> memref<128xi32, #tpu.memory_space<hbm>>
          tpu.enqueue_dma source(%dma_start3A_154 : memref<128xi32, #tpu.memory_space<hbm>>) target(%arg7 : memref<128xi32, #tpu.memory_space<vmem>>) target_semaphore(%arg14 : memref<!tpu.dma_semaphore, #tpu.memory_space<semaphore_mem>>)
        } else {
        }
        %dma_start3A_116 = arith.constant 0 : i32
        %dma_start3A_117 = tpu.memref_slice %arg6[%mul3A_92, %dma_start3A_116] : memref<128x128xi32, #tpu.memory_space<vmem>> -> memref<1x128xi32, #tpu.memory_space<vmem>>
        %dma_start3A_118 = tpu.memref_squeeze %dma_start3A_117 : memref<1x128xi32, #tpu.memory_space<vmem>> -> memref<128xi32, #tpu.memory_space<vmem>>
        %dma_start3A_119 = arith.constant 0 : i32
        %dma_start3A_120 = arith.constant 0 : i32
        %dma_start3A_121 = tpu.memref_slice %arg11[%dma_start3A_119, %dma_start3A_120] : memref<10112x128xf32, #tpu.memory_space<vmem_shared>> -> memref<10112x128xf32, #tpu.memory_space<vmem_shared>>
        tpu.enqueue_indirect_dma source(%arg9 : memref<128x128xf32, #tpu.memory_space<vmem>>) target(%dma_start3A_121 : memref<10112x128xf32, #tpu.memory_space<vmem_shared>>) offsets(%dma_start3A_118 : memref<128xi32, #tpu.memory_space<vmem>>) semaphore(%arg16 : memref<!tpu.dma_semaphore, #tpu.memory_space<semaphore_mem>>) {add = true}
        %dma_wait3A_122 = arith.constant 0 : i32
        %dma_wait3A_123 = arith.constant 0 : i32
        %dma_wait3A_124 = tpu.memref_slice %arg2[%dma_wait3A_122, %dma_wait3A_123] : memref<10000x128xf32, #tpu.memory_space<hbm>> -> memref<10000x128xf32, #tpu.memory_space<hbm>>
        tpu.wait_indirect_dma semaphore(%arg13 : memref<!tpu.dma_semaphore, #tpu.memory_space<semaphore_mem>>) src(%dma_wait3A_124 : memref<10000x128xf32, #tpu.memory_space<hbm>>) dst(%arg10 : memref<128x128xf32, #tpu.memory_space<vmem>>)
        %add3A_125 = arith.constant 2 : i32
        %add3A_126 = arith.addi %mul3A_92, %add3A_125 : i32
        %lt3A_127 = arith.constant 128 : i32
        %lt3A_128 = arith.cmpi slt, %add3A_126, %lt3A_127 : i32
        %convert_element_type3A_129 = arith.extui %lt3A_128 : i1 to i32
        %cond3A_130 = arith.constant 0 : i32
        %cond3A_131 = arith.cmpi ne, %convert_element_type3A_129, %cond3A_130 : i32
        scf.if %cond3A_131 {
          %add3A_148 = arith.constant 2 : i32
          %add3A_149 = arith.addi %mul3A_92, %add3A_148 : i32
          %mul3A_150 = arith.constant 128 : i32
          %mul3A_151 = arith.muli %add3A_149, %mul3A_150 : i32
          %add3A_152 = arith.addi %mul3A_54, %mul3A_151 : i32
          %dma_wait3A_153 = tpu.memref_slice %arg3[%add3A_152] : memref<327680xi32, #tpu.memory_space<hbm>> -> memref<128xi32, #tpu.memory_space<hbm>>
          %dma_wait3A_154 = tpu.memref_slice %arg3[%add3A_152] : memref<327680xi32, #tpu.memory_space<hbm>> -> memref<128xi32, #tpu.memory_space<hbm>>
          tpu.wait_dma2 semaphore(%arg14 : memref<!tpu.dma_semaphore, #tpu.memory_space<semaphore_mem>>) src(%dma_wait3A_154 : memref<128xi32, #tpu.memory_space<hbm>>) dst(%arg7 : memref<128xi32, #tpu.memory_space<vmem>>)
          %dma_wait3A_155 = arith.constant 0 : i32
          %dma_wait3A_156 = tpu.memref_slice %arg6[%mul3A_92, %dma_wait3A_155] : memref<128x128xi32, #tpu.memory_space<vmem>> -> memref<1x128xi32, #tpu.memory_space<vmem>>
          %dma_wait3A_157 = tpu.memref_squeeze %dma_wait3A_156 : memref<1x128xi32, #tpu.memory_space<vmem>> -> memref<128xi32, #tpu.memory_space<vmem>>
          %dma_wait3A_158 = arith.constant 0 : i32
          %dma_wait3A_159 = arith.constant 0 : i32
          %dma_wait3A_160 = tpu.memref_slice %arg11[%dma_wait3A_158, %dma_wait3A_159] : memref<10112x128xf32, #tpu.memory_space<vmem_shared>> -> memref<10112x128xf32, #tpu.memory_space<vmem_shared>>
          tpu.wait_indirect_dma semaphore(%arg16 : memref<!tpu.dma_semaphore, #tpu.memory_space<semaphore_mem>>) src(%arg9 : memref<128x128xf32, #tpu.memory_space<vmem>>) dst(%dma_wait3A_160 : memref<10112x128xf32, #tpu.memory_space<vmem_shared>>)
          %dma_start3A_161 = arith.constant 0 : i32
          %dma_start3A_162 = arith.constant 0 : i32
          %dma_start3A_163 = tpu.memref_slice %arg2[%dma_start3A_161, %dma_start3A_162] : memref<10000x128xf32, #tpu.memory_space<hbm>> -> memref<10000x128xf32, #tpu.memory_space<hbm>>
          tpu.enqueue_indirect_dma source(%dma_start3A_163 : memref<10000x128xf32, #tpu.memory_space<hbm>>) target(%arg9 : memref<128x128xf32, #tpu.memory_space<vmem>>) offsets(%arg7 : memref<128xi32, #tpu.memory_space<vmem>>) semaphore(%arg12 : memref<!tpu.dma_semaphore, #tpu.memory_space<semaphore_mem>>)
        } else {
        }
        %add3A_132 = arith.constant 3 : i32
        %add3A_133 = arith.addi %mul3A_92, %add3A_132 : i32
        %lt3A_134 = arith.constant 128 : i32
        %lt3A_135 = arith.cmpi slt, %add3A_133, %lt3A_134 : i32
        %convert_element_type3A_136 = arith.extui %lt3A_135 : i1 to i32
        %cond3A_137 = arith.constant 0 : i32
        %cond3A_138 = arith.cmpi ne, %convert_element_type3A_136, %cond3A_137 : i32
        scf.if %cond3A_138 {
          %add3A_148 = arith.constant 3 : i32
          %add3A_149 = arith.addi %mul3A_92, %add3A_148 : i32
          %mul3A_150 = arith.constant 128 : i32
          %mul3A_151 = arith.muli %add3A_149, %mul3A_150 : i32
          %add3A_152 = arith.addi %mul3A_54, %mul3A_151 : i32
          %dma_start3A_153 = tpu.memref_slice %arg3[%add3A_152] : memref<327680xi32, #tpu.memory_space<hbm>> -> memref<128xi32, #tpu.memory_space<hbm>>
          %dma_start3A_154 = tpu.memref_slice %arg3[%add3A_152] : memref<327680xi32, #tpu.memory_space<hbm>> -> memref<128xi32, #tpu.memory_space<hbm>>
          tpu.enqueue_dma source(%dma_start3A_154 : memref<128xi32, #tpu.memory_space<hbm>>) target(%arg8 : memref<128xi32, #tpu.memory_space<vmem>>) target_semaphore(%arg15 : memref<!tpu.dma_semaphore, #tpu.memory_space<semaphore_mem>>)
        } else {
        }
        %add3A_139 = arith.constant 1 : i32
        %add3A_140 = arith.addi %mul3A_92, %add3A_139 : i32
        %dma_start3A_141 = arith.constant 0 : i32
        %dma_start3A_142 = tpu.memref_slice %arg6[%add3A_140, %dma_start3A_141] : memref<128x128xi32, #tpu.memory_space<vmem>> -> memref<1x128xi32, #tpu.memory_space<vmem>>
        %dma_start3A_143 = tpu.memref_squeeze %dma_start3A_142 : memref<1x128xi32, #tpu.memory_space<vmem>> -> memref<128xi32, #tpu.memory_space<vmem>>
        %dma_start3A_144 = arith.constant 0 : i32
        %dma_start3A_145 = arith.constant 0 : i32
        %dma_start3A_146 = tpu.memref_slice %arg11[%dma_start3A_144, %dma_start3A_145] : memref<10112x128xf32, #tpu.memory_space<vmem_shared>> -> memref<10112x128xf32, #tpu.memory_space<vmem_shared>>
        tpu.enqueue_indirect_dma source(%arg10 : memref<128x128xf32, #tpu.memory_space<vmem>>) target(%dma_start3A_146 : memref<10112x128xf32, #tpu.memory_space<vmem_shared>>) offsets(%dma_start3A_143 : memref<128xi32, #tpu.memory_space<vmem>>) semaphore(%arg17 : memref<!tpu.dma_semaphore, #tpu.memory_space<semaphore_mem>>) {add = true}
        %scan3A_147 = arith.constant 0 : i32
        scf.yield %scan3A_147 : i32
      }
      %scan3A_74 = arith.constant 64 : i32
      %dma_wait3A_75 = arith.constant 126 : i32
      %dma_wait3A_76 = arith.constant 0 : i32
      %dma_wait3A_77 = tpu.memref_slice %arg6[%dma_wait3A_75, %dma_wait3A_76] : memref<128x128xi32, #tpu.memory_space<vmem>> -> memref<1x128xi32, #tpu.memory_space<vmem>>
      %dma_wait3A_78 = tpu.memref_squeeze %dma_wait3A_77 : memref<1x128xi32, #tpu.memory_space<vmem>> -> memref<128xi32, #tpu.memory_space<vmem>>
      %dma_wait3A_79 = arith.constant 0 : i32
      %dma_wait3A_80 = arith.constant 0 : i32
      %dma_wait3A_81 = tpu.memref_slice %arg11[%dma_wait3A_79, %dma_wait3A_80] : memref<10112x128xf32, #tpu.memory_space<vmem_shared>> -> memref<10112x128xf32, #tpu.memory_space<vmem_shared>>
      tpu.wait_indirect_dma semaphore(%arg16 : memref<!tpu.dma_semaphore, #tpu.memory_space<semaphore_mem>>) src(%arg9 : memref<128x128xf32, #tpu.memory_space<vmem>>) dst(%dma_wait3A_81 : memref<10112x128xf32, #tpu.memory_space<vmem_shared>>)
      %dma_wait3A_82 = arith.constant 127 : i32
      %dma_wait3A_83 = arith.constant 0 : i32
      %dma_wait3A_84 = tpu.memref_slice %arg6[%dma_wait3A_82, %dma_wait3A_83] : memref<128x128xi32, #tpu.memory_space<vmem>> -> memref<1x128xi32, #tpu.memory_space<vmem>>
      %dma_wait3A_85 = tpu.memref_squeeze %dma_wait3A_84 : memref<1x128xi32, #tpu.memory_space<vmem>> -> memref<128xi32, #tpu.memory_space<vmem>>
      %dma_wait3A_86 = arith.constant 0 : i32
      %dma_wait3A_87 = arith.constant 0 : i32
      %dma_wait3A_88 = tpu.memref_slice %arg11[%dma_wait3A_86, %dma_wait3A_87] : memref<10112x128xf32, #tpu.memory_space<vmem_shared>> -> memref<10112x128xf32, #tpu.memory_space<vmem_shared>>
      tpu.wait_indirect_dma semaphore(%arg17 : memref<!tpu.dma_semaphore, #tpu.memory_space<semaphore_mem>>) src(%arg10 : memref<128x128xf32, #tpu.memory_space<vmem>>) dst(%dma_wait3A_88 : memref<10112x128xf32, #tpu.memory_space<vmem_shared>>)
    } else {
    }
    %ne3A = arith.constant 1 : i32
    %ne3A_26 = arith.cmpi ne, %arg0, %ne3A : i32
    %convert_element_type3A_27 = arith.extui %ne3A_26 : i1 to i32
    %cond3A_28 = arith.constant 0 : i32
    %cond3A_29 = arith.cmpi ne, %convert_element_type3A_27, %cond3A_28 : i32
    scf.if %cond3A_29 {
      %mul3A_51 = arith.constant 32 : i32
      %mul3A_52 = arith.muli %arg1, %mul3A_51 : i32
      %add3A_53 = arith.constant 2048 : i32
      %add3A_54 = arith.addi %add3A_53, %mul3A_52 : i32
      "tpu.region"() ({
        %run_scoped3A = tpu.sem_alloc : memref<!tpu.dma_semaphore, #tpu.memory_space<semaphore_mem>>
        %dma_start3A_91 = arith.constant 0 : i32
        %dma_start3A_92 = arith.constant 0 : i32
        %dma_start3A_93 = tpu.memref_slice %arg6[%dma_start3A_91, %dma_start3A_92] : memref<128x128xi32, #tpu.memory_space<vmem>> -> memref<32x128xi32, #tpu.memory_space<vmem>>
        %dma_start3A_94 = arith.constant 0 : i32
        %dma_start3A_95 = tpu.memref_slice %arg4[%add3A_54, %dma_start3A_94] : memref<2560x128xi32, #tpu.memory_space<hbm>> -> memref<32x128xi32, #tpu.memory_space<hbm>>
        %dma_start3A_96 = arith.constant 0 : i32
        %dma_start3A_97 = arith.constant 0 : i32
        %dma_start3A_98 = tpu.memref_slice %arg6[%dma_start3A_96, %dma_start3A_97] : memref<128x128xi32, #tpu.memory_space<vmem>> -> memref<32x128xi32, #tpu.memory_space<vmem>>
        %dma_start3A_99 = arith.constant 0 : i32
        %dma_start3A_100 = tpu.memref_slice %arg4[%add3A_54, %dma_start3A_99] : memref<2560x128xi32, #tpu.memory_space<hbm>> -> memref<32x128xi32, #tpu.memory_space<hbm>>
        tpu.enqueue_dma source(%dma_start3A_100 : memref<32x128xi32, #tpu.memory_space<hbm>>) target(%dma_start3A_98 : memref<32x128xi32, #tpu.memory_space<vmem>>) target_semaphore(%run_scoped3A : memref<!tpu.dma_semaphore, #tpu.memory_space<semaphore_mem>>)
        %dma_wait3A_101 = arith.constant 0 : i32
        %dma_wait3A_102 = arith.constant 0 : i32
        %dma_wait3A_103 = tpu.memref_slice %arg6[%dma_wait3A_101, %dma_wait3A_102] : memref<128x128xi32, #tpu.memory_space<vmem>> -> memref<32x128xi32, #tpu.memory_space<vmem>>
        %dma_wait3A_104 = arith.constant 0 : i32
        %dma_wait3A_105 = tpu.memref_slice %arg4[%add3A_54, %dma_wait3A_104] : memref<2560x128xi32, #tpu.memory_space<hbm>> -> memref<32x128xi32, #tpu.memory_space<hbm>>
        %dma_wait3A_106 = arith.constant 0 : i32
        %dma_wait3A_107 = arith.constant 0 : i32
        %dma_wait3A_108 = tpu.memref_slice %arg6[%dma_wait3A_106, %dma_wait3A_107] : memref<128x128xi32, #tpu.memory_space<vmem>> -> memref<32x128xi32, #tpu.memory_space<vmem>>
        %dma_wait3A_109 = arith.constant 0 : i32
        %dma_wait3A_110 = tpu.memref_slice %arg4[%add3A_54, %dma_wait3A_109] : memref<2560x128xi32, #tpu.memory_space<hbm>> -> memref<32x128xi32, #tpu.memory_space<hbm>>
        tpu.wait_dma2 semaphore(%run_scoped3A : memref<!tpu.dma_semaphore, #tpu.memory_space<semaphore_mem>>) src(%dma_wait3A_110 : memref<32x128xi32, #tpu.memory_space<hbm>>) dst(%dma_wait3A_108 : memref<32x128xi32, #tpu.memory_space<vmem>>)
        tpu.yield
      }) : () -> ()
      %mul3A_55 = arith.constant 128 : i32
      %mul3A_56 = arith.muli %add3A_54, %mul3A_55 : i32
      %add3A_57 = arith.constant 0 : i32
      %add3A_58 = arith.addi %mul3A_56, %add3A_57 : i32
      %dma_start3A = tpu.memref_slice %arg3[%add3A_58] : memref<327680xi32, #tpu.memory_space<hbm>> -> memref<128xi32, #tpu.memory_space<hbm>>
      %dma_start3A_59 = tpu.memref_slice %arg3[%add3A_58] : memref<327680xi32, #tpu.memory_space<hbm>> -> memref<128xi32, #tpu.memory_space<hbm>>
      tpu.enqueue_dma source(%dma_start3A_59 : memref<128xi32, #tpu.memory_space<hbm>>) target(%arg7 : memref<128xi32, #tpu.memory_space<vmem>>) target_semaphore(%arg14 : memref<!tpu.dma_semaphore, #tpu.memory_space<semaphore_mem>>)
      %add3A_60 = arith.constant 0 : i32
      %add3A_61 = arith.addi %mul3A_56, %add3A_60 : i32
      %dma_wait3A = tpu.memref_slice %arg3[%add3A_61] : memref<327680xi32, #tpu.memory_space<hbm>> -> memref<128xi32, #tpu.memory_space<hbm>>
      %dma_wait3A_62 = tpu.memref_slice %arg3[%add3A_61] : memref<327680xi32, #tpu.memory_space<hbm>> -> memref<128xi32, #tpu.memory_space<hbm>>
      tpu.wait_dma2 semaphore(%arg14 : memref<!tpu.dma_semaphore, #tpu.memory_space<semaphore_mem>>) src(%dma_wait3A_62 : memref<128xi32, #tpu.memory_space<hbm>>) dst(%arg7 : memref<128xi32, #tpu.memory_space<vmem>>)
      %dma_start3A_63 = arith.constant 0 : i32
      %dma_start3A_64 = arith.constant 0 : i32
      %dma_start3A_65 = tpu.memref_slice %arg2[%dma_start3A_63, %dma_start3A_64] : memref<10000x128xf32, #tpu.memory_space<hbm>> -> memref<10000x128xf32, #tpu.memory_space<hbm>>
      tpu.enqueue_indirect_dma source(%dma_start3A_65 : memref<10000x128xf32, #tpu.memory_space<hbm>>) target(%arg9 : memref<128x128xf32, #tpu.memory_space<vmem>>) offsets(%arg7 : memref<128xi32, #tpu.memory_space<vmem>>) semaphore(%arg12 : memref<!tpu.dma_semaphore, #tpu.memory_space<semaphore_mem>>)
      %add3A_66 = arith.constant 128 : i32
      %add3A_67 = arith.addi %mul3A_56, %add3A_66 : i32
      %dma_start3A_68 = tpu.memref_slice %arg3[%add3A_67] : memref<327680xi32, #tpu.memory_space<hbm>> -> memref<128xi32, #tpu.memory_space<hbm>>
      %dma_start3A_69 = tpu.memref_slice %arg3[%add3A_67] : memref<327680xi32, #tpu.memory_space<hbm>> -> memref<128xi32, #tpu.memory_space<hbm>>
      tpu.enqueue_dma source(%dma_start3A_69 : memref<128xi32, #tpu.memory_space<hbm>>) target(%arg8 : memref<128xi32, #tpu.memory_space<vmem>>) target_semaphore(%arg15 : memref<!tpu.dma_semaphore, #tpu.memory_space<semaphore_mem>>)
      %scan3A_70 = arith.constant 0 : i32
      %scan3A_71 = arith.constant 0 : i32
      %scan3A_72 = arith.constant 16 : i32
      %scan3A_73 = arith.addi %scan3A_71, %scan3A_72 : i32
      %scan3A_74 = arith.constant 1 : i32
      %scan3A_75 = scf.for %scan3A_91 = %scan3A_71 to %scan3A_73 step %scan3A_74 iter_args(%scan3A_92 = %scan3A_70) -> (i32)  : i32 {
        %mul3A_93 = arith.constant 2 : i32
        %mul3A_94 = arith.muli %mul3A_93, %scan3A_91 : i32
        %dma_wait3A_95 = arith.constant 0 : i32
        %dma_wait3A_96 = arith.constant 0 : i32
        %dma_wait3A_97 = tpu.memref_slice %arg2[%dma_wait3A_95, %dma_wait3A_96] : memref<10000x128xf32, #tpu.memory_space<hbm>> -> memref<10000x128xf32, #tpu.memory_space<hbm>>
        tpu.wait_indirect_dma semaphore(%arg12 : memref<!tpu.dma_semaphore, #tpu.memory_space<semaphore_mem>>) src(%dma_wait3A_97 : memref<10000x128xf32, #tpu.memory_space<hbm>>) dst(%arg9 : memref<128x128xf32, #tpu.memory_space<vmem>>)
        %add3A_98 = arith.constant 1 : i32
        %add3A_99 = arith.addi %mul3A_94, %add3A_98 : i32
        %mul3A_100 = arith.constant 128 : i32
        %mul3A_101 = arith.muli %add3A_99, %mul3A_100 : i32
        %add3A_102 = arith.addi %mul3A_56, %mul3A_101 : i32
        %dma_wait3A_103 = tpu.memref_slice %arg3[%add3A_102] : memref<327680xi32, #tpu.memory_space<hbm>> -> memref<128xi32, #tpu.memory_space<hbm>>
        %dma_wait3A_104 = tpu.memref_slice %arg3[%add3A_102] : memref<327680xi32, #tpu.memory_space<hbm>> -> memref<128xi32, #tpu.memory_space<hbm>>
        tpu.wait_dma2 semaphore(%arg15 : memref<!tpu.dma_semaphore, #tpu.memory_space<semaphore_mem>>) src(%dma_wait3A_104 : memref<128xi32, #tpu.memory_space<hbm>>) dst(%arg8 : memref<128xi32, #tpu.memory_space<vmem>>)
        %gt3A = arith.constant 0 : i32
        %gt3A_105 = arith.cmpi sgt, %mul3A_94, %gt3A : i32
        %convert_element_type3A_106 = arith.extui %gt3A_105 : i1 to i32
        %cond3A_107 = arith.constant 0 : i32
        %cond3A_108 = arith.cmpi ne, %convert_element_type3A_106, %cond3A_107 : i32
        scf.if %cond3A_108 {
          %sub3A = arith.constant 1 : i32
          %sub3A_150 = arith.subi %mul3A_94, %sub3A : i32
          %dma_wait3A_151 = arith.constant 0 : i32
          %dma_wait3A_152 = tpu.memref_slice %arg6[%sub3A_150, %dma_wait3A_151] : memref<128x128xi32, #tpu.memory_space<vmem>> -> memref<1x128xi32, #tpu.memory_space<vmem>>
          %dma_wait3A_153 = tpu.memref_squeeze %dma_wait3A_152 : memref<1x128xi32, #tpu.memory_space<vmem>> -> memref<128xi32, #tpu.memory_space<vmem>>
          %dma_wait3A_154 = arith.constant 0 : i32
          %dma_wait3A_155 = arith.constant 0 : i32
          %dma_wait3A_156 = tpu.memref_slice %arg11[%dma_wait3A_154, %dma_wait3A_155] : memref<10112x128xf32, #tpu.memory_space<vmem_shared>> -> memref<10112x128xf32, #tpu.memory_space<vmem_shared>>
          tpu.wait_indirect_dma semaphore(%arg17 : memref<!tpu.dma_semaphore, #tpu.memory_space<semaphore_mem>>) src(%arg10 : memref<128x128xf32, #tpu.memory_space<vmem>>) dst(%dma_wait3A_156 : memref<10112x128xf32, #tpu.memory_space<vmem_shared>>)
        } else {
        }
        %dma_start3A_109 = arith.constant 0 : i32
        %dma_start3A_110 = arith.constant 0 : i32
        %dma_start3A_111 = tpu.memref_slice %arg2[%dma_start3A_109, %dma_start3A_110] : memref<10000x128xf32, #tpu.memory_space<hbm>> -> memref<10000x128xf32, #tpu.memory_space<hbm>>
        tpu.enqueue_indirect_dma source(%dma_start3A_111 : memref<10000x128xf32, #tpu.memory_space<hbm>>) target(%arg10 : memref<128x128xf32, #tpu.memory_space<vmem>>) offsets(%arg8 : memref<128xi32, #tpu.memory_space<vmem>>) semaphore(%arg13 : memref<!tpu.dma_semaphore, #tpu.memory_space<semaphore_mem>>)
        %add3A_112 = arith.constant 2 : i32
        %add3A_113 = arith.addi %mul3A_94, %add3A_112 : i32
        %lt3A = arith.constant 32 : i32
        %lt3A_114 = arith.cmpi slt, %add3A_113, %lt3A : i32
        %convert_element_type3A_115 = arith.extui %lt3A_114 : i1 to i32
        %cond3A_116 = arith.constant 0 : i32
        %cond3A_117 = arith.cmpi ne, %convert_element_type3A_115, %cond3A_116 : i32
        scf.if %cond3A_117 {
          %add3A_150 = arith.constant 2 : i32
          %add3A_151 = arith.addi %mul3A_94, %add3A_150 : i32
          %mul3A_152 = arith.constant 128 : i32
          %mul3A_153 = arith.muli %add3A_151, %mul3A_152 : i32
          %add3A_154 = arith.addi %mul3A_56, %mul3A_153 : i32
          %dma_start3A_155 = tpu.memref_slice %arg3[%add3A_154] : memref<327680xi32, #tpu.memory_space<hbm>> -> memref<128xi32, #tpu.memory_space<hbm>>
          %dma_start3A_156 = tpu.memref_slice %arg3[%add3A_154] : memref<327680xi32, #tpu.memory_space<hbm>> -> memref<128xi32, #tpu.memory_space<hbm>>
          tpu.enqueue_dma source(%dma_start3A_156 : memref<128xi32, #tpu.memory_space<hbm>>) target(%arg7 : memref<128xi32, #tpu.memory_space<vmem>>) target_semaphore(%arg14 : memref<!tpu.dma_semaphore, #tpu.memory_space<semaphore_mem>>)
        } else {
        }
        %dma_start3A_118 = arith.constant 0 : i32
        %dma_start3A_119 = tpu.memref_slice %arg6[%mul3A_94, %dma_start3A_118] : memref<128x128xi32, #tpu.memory_space<vmem>> -> memref<1x128xi32, #tpu.memory_space<vmem>>
        %dma_start3A_120 = tpu.memref_squeeze %dma_start3A_119 : memref<1x128xi32, #tpu.memory_space<vmem>> -> memref<128xi32, #tpu.memory_space<vmem>>
        %dma_start3A_121 = arith.constant 0 : i32
        %dma_start3A_122 = arith.constant 0 : i32
        %dma_start3A_123 = tpu.memref_slice %arg11[%dma_start3A_121, %dma_start3A_122] : memref<10112x128xf32, #tpu.memory_space<vmem_shared>> -> memref<10112x128xf32, #tpu.memory_space<vmem_shared>>
        tpu.enqueue_indirect_dma source(%arg9 : memref<128x128xf32, #tpu.memory_space<vmem>>) target(%dma_start3A_123 : memref<10112x128xf32, #tpu.memory_space<vmem_shared>>) offsets(%dma_start3A_120 : memref<128xi32, #tpu.memory_space<vmem>>) semaphore(%arg16 : memref<!tpu.dma_semaphore, #tpu.memory_space<semaphore_mem>>) {add = true}
        %dma_wait3A_124 = arith.constant 0 : i32
        %dma_wait3A_125 = arith.constant 0 : i32
        %dma_wait3A_126 = tpu.memref_slice %arg2[%dma_wait3A_124, %dma_wait3A_125] : memref<10000x128xf32, #tpu.memory_space<hbm>> -> memref<10000x128xf32, #tpu.memory_space<hbm>>
        tpu.wait_indirect_dma semaphore(%arg13 : memref<!tpu.dma_semaphore, #tpu.memory_space<semaphore_mem>>) src(%dma_wait3A_126 : memref<10000x128xf32, #tpu.memory_space<hbm>>) dst(%arg10 : memref<128x128xf32, #tpu.memory_space<vmem>>)
        %add3A_127 = arith.constant 2 : i32
        %add3A_128 = arith.addi %mul3A_94, %add3A_127 : i32
        %lt3A_129 = arith.constant 32 : i32
        %lt3A_130 = arith.cmpi slt, %add3A_128, %lt3A_129 : i32
        %convert_element_type3A_131 = arith.extui %lt3A_130 : i1 to i32
        %cond3A_132 = arith.constant 0 : i32
        %cond3A_133 = arith.cmpi ne, %convert_element_type3A_131, %cond3A_132 : i32
        scf.if %cond3A_133 {
          %add3A_150 = arith.constant 2 : i32
          %add3A_151 = arith.addi %mul3A_94, %add3A_150 : i32
          %mul3A_152 = arith.constant 128 : i32
          %mul3A_153 = arith.muli %add3A_151, %mul3A_152 : i32
          %add3A_154 = arith.addi %mul3A_56, %mul3A_153 : i32
          %dma_wait3A_155 = tpu.memref_slice %arg3[%add3A_154] : memref<327680xi32, #tpu.memory_space<hbm>> -> memref<128xi32, #tpu.memory_space<hbm>>
          %dma_wait3A_156 = tpu.memref_slice %arg3[%add3A_154] : memref<327680xi32, #tpu.memory_space<hbm>> -> memref<128xi32, #tpu.memory_space<hbm>>
          tpu.wait_dma2 semaphore(%arg14 : memref<!tpu.dma_semaphore, #tpu.memory_space<semaphore_mem>>) src(%dma_wait3A_156 : memref<128xi32, #tpu.memory_space<hbm>>) dst(%arg7 : memref<128xi32, #tpu.memory_space<vmem>>)
          %dma_wait3A_157 = arith.constant 0 : i32
          %dma_wait3A_158 = tpu.memref_slice %arg6[%mul3A_94, %dma_wait3A_157] : memref<128x128xi32, #tpu.memory_space<vmem>> -> memref<1x128xi32, #tpu.memory_space<vmem>>
          %dma_wait3A_159 = tpu.memref_squeeze %dma_wait3A_158 : memref<1x128xi32, #tpu.memory_space<vmem>> -> memref<128xi32, #tpu.memory_space<vmem>>
          %dma_wait3A_160 = arith.constant 0 : i32
          %dma_wait3A_161 = arith.constant 0 : i32
          %dma_wait3A_162 = tpu.memref_slice %arg11[%dma_wait3A_160, %dma_wait3A_161] : memref<10112x128xf32, #tpu.memory_space<vmem_shared>> -> memref<10112x128xf32, #tpu.memory_space<vmem_shared>>
          tpu.wait_indirect_dma semaphore(%arg16 : memref<!tpu.dma_semaphore, #tpu.memory_space<semaphore_mem>>) src(%arg9 : memref<128x128xf32, #tpu.memory_space<vmem>>) dst(%dma_wait3A_162 : memref<10112x128xf32, #tpu.memory_space<vmem_shared>>)
          %dma_start3A_163 = arith.constant 0 : i32
          %dma_start3A_164 = arith.constant 0 : i32
          %dma_start3A_165 = tpu.memref_slice %arg2[%dma_start3A_163, %dma_start3A_164] : memref<10000x128xf32, #tpu.memory_space<hbm>> -> memref<10000x128xf32, #tpu.memory_space<hbm>>
          tpu.enqueue_indirect_dma source(%dma_start3A_165 : memref<10000x128xf32, #tpu.memory_space<hbm>>) target(%arg9 : memref<128x128xf32, #tpu.memory_space<vmem>>) offsets(%arg7 : memref<128xi32, #tpu.memory_space<vmem>>) semaphore(%arg12 : memref<!tpu.dma_semaphore, #tpu.memory_space<semaphore_mem>>)
        } else {
        }
        %add3A_134 = arith.constant 3 : i32
        %add3A_135 = arith.addi %mul3A_94, %add3A_134 : i32
        %lt3A_136 = arith.constant 32 : i32
        %lt3A_137 = arith.cmpi slt, %add3A_135, %lt3A_136 : i32
        %convert_element_type3A_138 = arith.extui %lt3A_137 : i1 to i32
        %cond3A_139 = arith.constant 0 : i32
        %cond3A_140 = arith.cmpi ne, %convert_element_type3A_138, %cond3A_139 : i32
        scf.if %cond3A_140 {
          %add3A_150 = arith.constant 3 : i32
          %add3A_151 = arith.addi %mul3A_94, %add3A_150 : i32
          %mul3A_152 = arith.constant 128 : i32
          %mul3A_153 = arith.muli %add3A_151, %mul3A_152 : i32
          %add3A_154 = arith.addi %mul3A_56, %mul3A_153 : i32
          %dma_start3A_155 = tpu.memref_slice %arg3[%add3A_154] : memref<327680xi32, #tpu.memory_space<hbm>> -> memref<128xi32, #tpu.memory_space<hbm>>
          %dma_start3A_156 = tpu.memref_slice %arg3[%add3A_154] : memref<327680xi32, #tpu.memory_space<hbm>> -> memref<128xi32, #tpu.memory_space<hbm>>
          tpu.enqueue_dma source(%dma_start3A_156 : memref<128xi32, #tpu.memory_space<hbm>>) target(%arg8 : memref<128xi32, #tpu.memory_space<vmem>>) target_semaphore(%arg15 : memref<!tpu.dma_semaphore, #tpu.memory_space<semaphore_mem>>)
        } else {
        }
        %add3A_141 = arith.constant 1 : i32
        %add3A_142 = arith.addi %mul3A_94, %add3A_141 : i32
        %dma_start3A_143 = arith.constant 0 : i32
        %dma_start3A_144 = tpu.memref_slice %arg6[%add3A_142, %dma_start3A_143] : memref<128x128xi32, #tpu.memory_space<vmem>> -> memref<1x128xi32, #tpu.memory_space<vmem>>
        %dma_start3A_145 = tpu.memref_squeeze %dma_start3A_144 : memref<1x128xi32, #tpu.memory_space<vmem>> -> memref<128xi32, #tpu.memory_space<vmem>>
        %dma_start3A_146 = arith.constant 0 : i32
        %dma_start3A_147 = arith.constant 0 : i32
        %dma_start3A_148 = tpu.memref_slice %arg11[%dma_start3A_146, %dma_start3A_147] : memref<10112x128xf32, #tpu.memory_space<vmem_shared>> -> memref<10112x128xf32, #tpu.memory_space<vmem_shared>>
        tpu.enqueue_indirect_dma source(%arg10 : memref<128x128xf32, #tpu.memory_space<vmem>>) target(%dma_start3A_148 : memref<10112x128xf32, #tpu.memory_space<vmem_shared>>) offsets(%dma_start3A_145 : memref<128xi32, #tpu.memory_space<vmem>>) semaphore(%arg17 : memref<!tpu.dma_semaphore, #tpu.memory_space<semaphore_mem>>) {add = true}
        %scan3A_149 = arith.constant 0 : i32
        scf.yield %scan3A_149 : i32
      }
      %scan3A_76 = arith.constant 16 : i32
      %dma_wait3A_77 = arith.constant 30 : i32
      %dma_wait3A_78 = arith.constant 0 : i32
      %dma_wait3A_79 = tpu.memref_slice %arg6[%dma_wait3A_77, %dma_wait3A_78] : memref<128x128xi32, #tpu.memory_space<vmem>> -> memref<1x128xi32, #tpu.memory_space<vmem>>
      %dma_wait3A_80 = tpu.memref_squeeze %dma_wait3A_79 : memref<1x128xi32, #tpu.memory_space<vmem>> -> memref<128xi32, #tpu.memory_space<vmem>>
      %dma_wait3A_81 = arith.constant 0 : i32
      %dma_wait3A_82 = arith.constant 0 : i32
      %dma_wait3A_83 = tpu.memref_slice %arg11[%dma_wait3A_81, %dma_wait3A_82] : memref<10112x128xf32, #tpu.memory_space<vmem_shared>> -> memref<10112x128xf32, #tpu.memory_space<vmem_shared>>
      tpu.wait_indirect_dma semaphore(%arg16 : memref<!tpu.dma_semaphore, #tpu.memory_space<semaphore_mem>>) src(%arg9 : memref<128x128xf32, #tpu.memory_space<vmem>>) dst(%dma_wait3A_83 : memref<10112x128xf32, #tpu.memory_space<vmem_shared>>)
      %dma_wait3A_84 = arith.constant 31 : i32
      %dma_wait3A_85 = arith.constant 0 : i32
      %dma_wait3A_86 = tpu.memref_slice %arg6[%dma_wait3A_84, %dma_wait3A_85] : memref<128x128xi32, #tpu.memory_space<vmem>> -> memref<1x128xi32, #tpu.memory_space<vmem>>
      %dma_wait3A_87 = tpu.memref_squeeze %dma_wait3A_86 : memref<1x128xi32, #tpu.memory_space<vmem>> -> memref<128xi32, #tpu.memory_space<vmem>>
      %dma_wait3A_88 = arith.constant 0 : i32
      %dma_wait3A_89 = arith.constant 0 : i32
      %dma_wait3A_90 = tpu.memref_slice %arg11[%dma_wait3A_88, %dma_wait3A_89] : memref<10112x128xf32, #tpu.memory_space<vmem_shared>> -> memref<10112x128xf32, #tpu.memory_space<vmem_shared>>
      tpu.wait_indirect_dma semaphore(%arg17 : memref<!tpu.dma_semaphore, #tpu.memory_space<semaphore_mem>>) src(%arg10 : memref<128x128xf32, #tpu.memory_space<vmem>>) dst(%dma_wait3A_90 : memref<10112x128xf32, #tpu.memory_space<vmem_shared>>)
    } else {
    }
    %barrier3A_30 = arith.constant 0 : index
    tpu.barrier barrier_id(%barrier3A_30)
    %mul3A_31 = arith.constant 632 : i32
    %mul3A_32 = arith.muli %arg1, %mul3A_31 : i32
    %add3A_33 = arith.constant 0 : i32
    %add3A_34 = arith.addi %mul3A_32, %add3A_33 : i32
    "tpu.region"() ({
      %run_scoped3A = tpu.sem_alloc : memref<!tpu.dma_semaphore, #tpu.memory_space<semaphore_mem>>
      %dma_start3A = arith.constant 0 : i32
      %dma_start3A_51 = arith.constant 0 : i32
      %dma_start3A_52 = tpu.memref_slice %arg9[%dma_start3A, %dma_start3A_51] : memref<128x128xf32, #tpu.memory_space<vmem>> -> memref<128x128xf32, #tpu.memory_space<vmem>>
      %dma_start3A_53 = arith.constant 0 : i32
      %dma_start3A_54 = tpu.memref_slice %arg11[%add3A_34, %dma_start3A_53] : memref<10112x128xf32, #tpu.memory_space<vmem_shared>> -> memref<128x128xf32, #tpu.memory_space<vmem_shared>>
      %dma_start3A_55 = arith.constant 0 : i32
      %dma_start3A_56 = arith.constant 0 : i32
      %dma_start3A_57 = tpu.memref_slice %arg9[%dma_start3A_55, %dma_start3A_56] : memref<128x128xf32, #tpu.memory_space<vmem>> -> memref<128x128xf32, #tpu.memory_space<vmem>>
      %dma_start3A_58 = arith.constant 0 : i32
      %dma_start3A_59 = tpu.memref_slice %arg11[%add3A_34, %dma_start3A_58] : memref<10112x128xf32, #tpu.memory_space<vmem_shared>> -> memref<128x128xf32, #tpu.memory_space<vmem_shared>>
      tpu.enqueue_dma source(%dma_start3A_59 : memref<128x128xf32, #tpu.memory_space<vmem_shared>>) target(%dma_start3A_57 : memref<128x128xf32, #tpu.memory_space<vmem>>) target_semaphore(%run_scoped3A : memref<!tpu.dma_semaphore, #tpu.memory_space<semaphore_mem>>)
      %dma_wait3A = arith.constant 0 : i32
      %dma_wait3A_60 = arith.constant 0 : i32
      %dma_wait3A_61 = tpu.memref_slice %arg9[%dma_wait3A, %dma_wait3A_60] : memref<128x128xf32, #tpu.memory_space<vmem>> -> memref<128x128xf32, #tpu.memory_space<vmem>>
      %dma_wait3A_62 = arith.constant 0 : i32
      %dma_wait3A_63 = tpu.memref_slice %arg11[%add3A_34, %dma_wait3A_62] : memref<10112x128xf32, #tpu.memory_space<vmem_shared>> -> memref<128x128xf32, #tpu.memory_space<vmem_shared>>
      %dma_wait3A_64 = arith.constant 0 : i32
      %dma_wait3A_65 = arith.constant 0 : i32
      %dma_wait3A_66 = tpu.memref_slice %arg9[%dma_wait3A_64, %dma_wait3A_65] : memref<128x128xf32, #tpu.memory_space<vmem>> -> memref<128x128xf32, #tpu.memory_space<vmem>>
      %dma_wait3A_67 = arith.constant 0 : i32
      %dma_wait3A_68 = tpu.memref_slice %arg11[%add3A_34, %dma_wait3A_67] : memref<10112x128xf32, #tpu.memory_space<vmem_shared>> -> memref<128x128xf32, #tpu.memory_space<vmem_shared>>
      tpu.wait_dma2 semaphore(%run_scoped3A : memref<!tpu.dma_semaphore, #tpu.memory_space<semaphore_mem>>) src(%dma_wait3A_68 : memref<128x128xf32, #tpu.memory_space<vmem_shared>>) dst(%dma_wait3A_66 : memref<128x128xf32, #tpu.memory_space<vmem>>)
      tpu.yield
    }) : () -> ()
    "tpu.region"() ({
      %run_scoped3A = tpu.sem_alloc : memref<!tpu.dma_semaphore, #tpu.memory_space<semaphore_mem>>
      %dma_start3A = arith.constant 0 : i32
      %dma_start3A_51 = arith.constant 0 : i32
      %dma_start3A_52 = tpu.memref_slice %arg9[%dma_start3A, %dma_start3A_51] : memref<128x128xf32, #tpu.memory_space<vmem>> -> memref<128x128xf32, #tpu.memory_space<vmem>>
      %dma_start3A_53 = arith.constant 0 : i32
      %dma_start3A_54 = tpu.memref_slice %arg5[%arg0, %add3A_34, %dma_start3A_53] : memref<2x10112x128xf32, #tpu.memory_space<hbm>> -> memref<1x128x128xf32, #tpu.memory_space<hbm>>
      %dma_start3A_55 = tpu.memref_squeeze %dma_start3A_54 : memref<1x128x128xf32, #tpu.memory_space<hbm>> -> memref<128x128xf32, #tpu.memory_space<hbm>>
      %dma_start3A_56 = arith.constant 0 : i32
      %dma_start3A_57 = tpu.memref_slice %arg5[%arg0, %add3A_34, %dma_start3A_56] : memref<2x10112x128xf32, #tpu.memory_space<hbm>> -> memref<1x128x128xf32, #tpu.memory_space<hbm>>
      %dma_start3A_58 = tpu.memref_squeeze %dma_start3A_57 : memref<1x128x128xf32, #tpu.memory_space<hbm>> -> memref<128x128xf32, #tpu.memory_space<hbm>>
      %dma_start3A_59 = arith.constant 0 : i32
      %dma_start3A_60 = arith.constant 0 : i32
      %dma_start3A_61 = tpu.memref_slice %arg9[%dma_start3A_59, %dma_start3A_60] : memref<128x128xf32, #tpu.memory_space<vmem>> -> memref<128x128xf32, #tpu.memory_space<vmem>>
      tpu.enqueue_dma source(%dma_start3A_61 : memref<128x128xf32, #tpu.memory_space<vmem>>) target(%dma_start3A_58 : memref<128x128xf32, #tpu.memory_space<hbm>>) target_semaphore(%run_scoped3A : memref<!tpu.dma_semaphore, #tpu.memory_space<semaphore_mem>>)
      %dma_wait3A = arith.constant 0 : i32
      %dma_wait3A_62 = arith.constant 0 : i32
      %dma_wait3A_63 = tpu.memref_slice %arg9[%dma_wait3A, %dma_wait3A_62] : memref<128x128xf32, #tpu.memory_space<vmem>> -> memref<128x128xf32, #tpu.memory_space<vmem>>
      %dma_wait3A_64 = arith.constant 0 : i32
      %dma_wait3A_65 = tpu.memref_slice %arg5[%arg0, %add3A_34, %dma_wait3A_64] : memref<2x10112x128xf32, #tpu.memory_space<hbm>> -> memref<1x128x128xf32, #tpu.memory_space<hbm>>
      %dma_wait3A_66 = tpu.memref_squeeze %dma_wait3A_65 : memref<1x128x128xf32, #tpu.memory_space<hbm>> -> memref<128x128xf32, #tpu.memory_space<hbm>>
      %dma_wait3A_67 = arith.constant 0 : i32
      %dma_wait3A_68 = tpu.memref_slice %arg5[%arg0, %add3A_34, %dma_wait3A_67] : memref<2x10112x128xf32, #tpu.memory_space<hbm>> -> memref<1x128x128xf32, #tpu.memory_space<hbm>>
      %dma_wait3A_69 = tpu.memref_squeeze %dma_wait3A_68 : memref<1x128x128xf32, #tpu.memory_space<hbm>> -> memref<128x128xf32, #tpu.memory_space<hbm>>
      %dma_wait3A_70 = arith.constant 0 : i32
      %dma_wait3A_71 = arith.constant 0 : i32
      %dma_wait3A_72 = tpu.memref_slice %arg9[%dma_wait3A_70, %dma_wait3A_71] : memref<128x128xf32, #tpu.memory_space<vmem>> -> memref<128x128xf32, #tpu.memory_space<vmem>>
      tpu.wait_dma2 semaphore(%run_scoped3A : memref<!tpu.dma_semaphore, #tpu.memory_space<semaphore_mem>>) src(%dma_wait3A_72 : memref<128x128xf32, #tpu.memory_space<vmem>>) dst(%dma_wait3A_69 : memref<128x128xf32, #tpu.memory_space<hbm>>)
      tpu.yield
    }) : () -> ()
    %mul3A_35 = arith.constant 632 : i32
    %mul3A_36 = arith.muli %arg1, %mul3A_35 : i32
    %add3A_37 = arith.constant 128 : i32
    %add3A_38 = arith.addi %mul3A_36, %add3A_37 : i32
    "tpu.region"() ({
      %run_scoped3A = tpu.sem_alloc : memref<!tpu.dma_semaphore, #tpu.memory_space<semaphore_mem>>
      %dma_start3A = arith.constant 0 : i32
      %dma_start3A_51 = arith.constant 0 : i32
      %dma_start3A_52 = tpu.memref_slice %arg9[%dma_start3A, %dma_start3A_51] : memref<128x128xf32, #tpu.memory_space<vmem>> -> memref<128x128xf32, #tpu.memory_space<vmem>>
      %dma_start3A_53 = arith.constant 0 : i32
      %dma_start3A_54 = tpu.memref_slice %arg11[%add3A_38, %dma_start3A_53] : memref<10112x128xf32, #tpu.memory_space<vmem_shared>> -> memref<128x128xf32, #tpu.memory_space<vmem_shared>>
      %dma_start3A_55 = arith.constant 0 : i32
      %dma_start3A_56 = arith.constant 0 : i32
      %dma_start3A_57 = tpu.memref_slice %arg9[%dma_start3A_55, %dma_start3A_56] : memref<128x128xf32, #tpu.memory_space<vmem>> -> memref<128x128xf32, #tpu.memory_space<vmem>>
      %dma_start3A_58 = arith.constant 0 : i32
      %dma_start3A_59 = tpu.memref_slice %arg11[%add3A_38, %dma_start3A_58] : memref<10112x128xf32, #tpu.memory_space<vmem_shared>> -> memref<128x128xf32, #tpu.memory_space<vmem_shared>>
      tpu.enqueue_dma source(%dma_start3A_59 : memref<128x128xf32, #tpu.memory_space<vmem_shared>>) target(%dma_start3A_57 : memref<128x128xf32, #tpu.memory_space<vmem>>) target_semaphore(%run_scoped3A : memref<!tpu.dma_semaphore, #tpu.memory_space<semaphore_mem>>)
      %dma_wait3A = arith.constant 0 : i32
      %dma_wait3A_60 = arith.constant 0 : i32
      %dma_wait3A_61 = tpu.memref_slice %arg9[%dma_wait3A, %dma_wait3A_60] : memref<128x128xf32, #tpu.memory_space<vmem>> -> memref<128x128xf32, #tpu.memory_space<vmem>>
      %dma_wait3A_62 = arith.constant 0 : i32
      %dma_wait3A_63 = tpu.memref_slice %arg11[%add3A_38, %dma_wait3A_62] : memref<10112x128xf32, #tpu.memory_space<vmem_shared>> -> memref<128x128xf32, #tpu.memory_space<vmem_shared>>
      %dma_wait3A_64 = arith.constant 0 : i32
      %dma_wait3A_65 = arith.constant 0 : i32
      %dma_wait3A_66 = tpu.memref_slice %arg9[%dma_wait3A_64, %dma_wait3A_65] : memref<128x128xf32, #tpu.memory_space<vmem>> -> memref<128x128xf32, #tpu.memory_space<vmem>>
      %dma_wait3A_67 = arith.constant 0 : i32
      %dma_wait3A_68 = tpu.memref_slice %arg11[%add3A_38, %dma_wait3A_67] : memref<10112x128xf32, #tpu.memory_space<vmem_shared>> -> memref<128x128xf32, #tpu.memory_space<vmem_shared>>
      tpu.wait_dma2 semaphore(%run_scoped3A : memref<!tpu.dma_semaphore, #tpu.memory_space<semaphore_mem>>) src(%dma_wait3A_68 : memref<128x128xf32, #tpu.memory_space<vmem_shared>>) dst(%dma_wait3A_66 : memref<128x128xf32, #tpu.memory_space<vmem>>)
      tpu.yield
    }) : () -> ()
    "tpu.region"() ({
      %run_scoped3A = tpu.sem_alloc : memref<!tpu.dma_semaphore, #tpu.memory_space<semaphore_mem>>
      %dma_start3A = arith.constant 0 : i32
      %dma_start3A_51 = arith.constant 0 : i32
      %dma_start3A_52 = tpu.memref_slice %arg9[%dma_start3A, %dma_start3A_51] : memref<128x128xf32, #tpu.memory_space<vmem>> -> memref<128x128xf32, #tpu.memory_space<vmem>>
      %dma_start3A_53 = arith.constant 0 : i32
      %dma_start3A_54 = tpu.memref_slice %arg5[%arg0, %add3A_38, %dma_start3A_53] : memref<2x10112x128xf32, #tpu.memory_space<hbm>> -> memref<1x128x128xf32, #tpu.memory_space<hbm>>
      %dma_start3A_55 = tpu.memref_squeeze %dma_start3A_54 : memref<1x128x128xf32, #tpu.memory_space<hbm>> -> memref<128x128xf32, #tpu.memory_space<hbm>>
      %dma_start3A_56 = arith.constant 0 : i32
      %dma_start3A_57 = tpu.memref_slice %arg5[%arg0, %add3A_38, %dma_start3A_56] : memref<2x10112x128xf32, #tpu.memory_space<hbm>> -> memref<1x128x128xf32, #tpu.memory_space<hbm>>
      %dma_start3A_58 = tpu.memref_squeeze %dma_start3A_57 : memref<1x128x128xf32, #tpu.memory_space<hbm>> -> memref<128x128xf32, #tpu.memory_space<hbm>>
      %dma_start3A_59 = arith.constant 0 : i32
      %dma_start3A_60 = arith.constant 0 : i32
      %dma_start3A_61 = tpu.memref_slice %arg9[%dma_start3A_59, %dma_start3A_60] : memref<128x128xf32, #tpu.memory_space<vmem>> -> memref<128x128xf32, #tpu.memory_space<vmem>>
      tpu.enqueue_dma source(%dma_start3A_61 : memref<128x128xf32, #tpu.memory_space<vmem>>) target(%dma_start3A_58 : memref<128x128xf32, #tpu.memory_space<hbm>>) target_semaphore(%run_scoped3A : memref<!tpu.dma_semaphore, #tpu.memory_space<semaphore_mem>>)
      %dma_wait3A = arith.constant 0 : i32
      %dma_wait3A_62 = arith.constant 0 : i32
      %dma_wait3A_63 = tpu.memref_slice %arg9[%dma_wait3A, %dma_wait3A_62] : memref<128x128xf32, #tpu.memory_space<vmem>> -> memref<128x128xf32, #tpu.memory_space<vmem>>
      %dma_wait3A_64 = arith.constant 0 : i32
      %dma_wait3A_65 = tpu.memref_slice %arg5[%arg0, %add3A_38, %dma_wait3A_64] : memref<2x10112x128xf32, #tpu.memory_space<hbm>> -> memref<1x128x128xf32, #tpu.memory_space<hbm>>
      %dma_wait3A_66 = tpu.memref_squeeze %dma_wait3A_65 : memref<1x128x128xf32, #tpu.memory_space<hbm>> -> memref<128x128xf32, #tpu.memory_space<hbm>>
      %dma_wait3A_67 = arith.constant 0 : i32
      %dma_wait3A_68 = tpu.memref_slice %arg5[%arg0, %add3A_38, %dma_wait3A_67] : memref<2x10112x128xf32, #tpu.memory_space<hbm>> -> memref<1x128x128xf32, #tpu.memory_space<hbm>>
      %dma_wait3A_69 = tpu.memref_squeeze %dma_wait3A_68 : memref<1x128x128xf32, #tpu.memory_space<hbm>> -> memref<128x128xf32, #tpu.memory_space<hbm>>
      %dma_wait3A_70 = arith.constant 0 : i32
      %dma_wait3A_71 = arith.constant 0 : i32
      %dma_wait3A_72 = tpu.memref_slice %arg9[%dma_wait3A_70, %dma_wait3A_71] : memref<128x128xf32, #tpu.memory_space<vmem>> -> memref<128x128xf32, #tpu.memory_space<vmem>>
      tpu.wait_dma2 semaphore(%run_scoped3A : memref<!tpu.dma_semaphore, #tpu.memory_space<semaphore_mem>>) src(%dma_wait3A_72 : memref<128x128xf32, #tpu.memory_space<vmem>>) dst(%dma_wait3A_69 : memref<128x128xf32, #tpu.memory_space<hbm>>)
      tpu.yield
    }) : () -> ()
    %mul3A_39 = arith.constant 632 : i32
    %mul3A_40 = arith.muli %arg1, %mul3A_39 : i32
    %add3A_41 = arith.constant 256 : i32
    %add3A_42 = arith.addi %mul3A_40, %add3A_41 : i32
    "tpu.region"() ({
      %run_scoped3A = tpu.sem_alloc : memref<!tpu.dma_semaphore, #tpu.memory_space<semaphore_mem>>
      %dma_start3A = arith.constant 0 : i32
      %dma_start3A_51 = arith.constant 0 : i32
      %dma_start3A_52 = tpu.memref_slice %arg9[%dma_start3A, %dma_start3A_51] : memref<128x128xf32, #tpu.memory_space<vmem>> -> memref<128x128xf32, #tpu.memory_space<vmem>>
      %dma_start3A_53 = arith.constant 0 : i32
      %dma_start3A_54 = tpu.memref_slice %arg11[%add3A_42, %dma_start3A_53] : memref<10112x128xf32, #tpu.memory_space<vmem_shared>> -> memref<128x128xf32, #tpu.memory_space<vmem_shared>>
      %dma_start3A_55 = arith.constant 0 : i32
      %dma_start3A_56 = arith.constant 0 : i32
      %dma_start3A_57 = tpu.memref_slice %arg9[%dma_start3A_55, %dma_start3A_56] : memref<128x128xf32, #tpu.memory_space<vmem>> -> memref<128x128xf32, #tpu.memory_space<vmem>>
      %dma_start3A_58 = arith.constant 0 : i32
      %dma_start3A_59 = tpu.memref_slice %arg11[%add3A_42, %dma_start3A_58] : memref<10112x128xf32, #tpu.memory_space<vmem_shared>> -> memref<128x128xf32, #tpu.memory_space<vmem_shared>>
      tpu.enqueue_dma source(%dma_start3A_59 : memref<128x128xf32, #tpu.memory_space<vmem_shared>>) target(%dma_start3A_57 : memref<128x128xf32, #tpu.memory_space<vmem>>) target_semaphore(%run_scoped3A : memref<!tpu.dma_semaphore, #tpu.memory_space<semaphore_mem>>)
      %dma_wait3A = arith.constant 0 : i32
      %dma_wait3A_60 = arith.constant 0 : i32
      %dma_wait3A_61 = tpu.memref_slice %arg9[%dma_wait3A, %dma_wait3A_60] : memref<128x128xf32, #tpu.memory_space<vmem>> -> memref<128x128xf32, #tpu.memory_space<vmem>>
      %dma_wait3A_62 = arith.constant 0 : i32
      %dma_wait3A_63 = tpu.memref_slice %arg11[%add3A_42, %dma_wait3A_62] : memref<10112x128xf32, #tpu.memory_space<vmem_shared>> -> memref<128x128xf32, #tpu.memory_space<vmem_shared>>
      %dma_wait3A_64 = arith.constant 0 : i32
      %dma_wait3A_65 = arith.constant 0 : i32
      %dma_wait3A_66 = tpu.memref_slice %arg9[%dma_wait3A_64, %dma_wait3A_65] : memref<128x128xf32, #tpu.memory_space<vmem>> -> memref<128x128xf32, #tpu.memory_space<vmem>>
      %dma_wait3A_67 = arith.constant 0 : i32
      %dma_wait3A_68 = tpu.memref_slice %arg11[%add3A_42, %dma_wait3A_67] : memref<10112x128xf32, #tpu.memory_space<vmem_shared>> -> memref<128x128xf32, #tpu.memory_space<vmem_shared>>
      tpu.wait_dma2 semaphore(%run_scoped3A : memref<!tpu.dma_semaphore, #tpu.memory_space<semaphore_mem>>) src(%dma_wait3A_68 : memref<128x128xf32, #tpu.memory_space<vmem_shared>>) dst(%dma_wait3A_66 : memref<128x128xf32, #tpu.memory_space<vmem>>)
      tpu.yield
    }) : () -> ()
    "tpu.region"() ({
      %run_scoped3A = tpu.sem_alloc : memref<!tpu.dma_semaphore, #tpu.memory_space<semaphore_mem>>
      %dma_start3A = arith.constant 0 : i32
      %dma_start3A_51 = arith.constant 0 : i32
      %dma_start3A_52 = tpu.memref_slice %arg9[%dma_start3A, %dma_start3A_51] : memref<128x128xf32, #tpu.memory_space<vmem>> -> memref<128x128xf32, #tpu.memory_space<vmem>>
      %dma_start3A_53 = arith.constant 0 : i32
      %dma_start3A_54 = tpu.memref_slice %arg5[%arg0, %add3A_42, %dma_start3A_53] : memref<2x10112x128xf32, #tpu.memory_space<hbm>> -> memref<1x128x128xf32, #tpu.memory_space<hbm>>
      %dma_start3A_55 = tpu.memref_squeeze %dma_start3A_54 : memref<1x128x128xf32, #tpu.memory_space<hbm>> -> memref<128x128xf32, #tpu.memory_space<hbm>>
      %dma_start3A_56 = arith.constant 0 : i32
      %dma_start3A_57 = tpu.memref_slice %arg5[%arg0, %add3A_42, %dma_start3A_56] : memref<2x10112x128xf32, #tpu.memory_space<hbm>> -> memref<1x128x128xf32, #tpu.memory_space<hbm>>
      %dma_start3A_58 = tpu.memref_squeeze %dma_start3A_57 : memref<1x128x128xf32, #tpu.memory_space<hbm>> -> memref<128x128xf32, #tpu.memory_space<hbm>>
      %dma_start3A_59 = arith.constant 0 : i32
      %dma_start3A_60 = arith.constant 0 : i32
      %dma_start3A_61 = tpu.memref_slice %arg9[%dma_start3A_59, %dma_start3A_60] : memref<128x128xf32, #tpu.memory_space<vmem>> -> memref<128x128xf32, #tpu.memory_space<vmem>>
      tpu.enqueue_dma source(%dma_start3A_61 : memref<128x128xf32, #tpu.memory_space<vmem>>) target(%dma_start3A_58 : memref<128x128xf32, #tpu.memory_space<hbm>>) target_semaphore(%run_scoped3A : memref<!tpu.dma_semaphore, #tpu.memory_space<semaphore_mem>>)
      %dma_wait3A = arith.constant 0 : i32
      %dma_wait3A_62 = arith.constant 0 : i32
      %dma_wait3A_63 = tpu.memref_slice %arg9[%dma_wait3A, %dma_wait3A_62] : memref<128x128xf32, #tpu.memory_space<vmem>> -> memref<128x128xf32, #tpu.memory_space<vmem>>
      %dma_wait3A_64 = arith.constant 0 : i32
      %dma_wait3A_65 = tpu.memref_slice %arg5[%arg0, %add3A_42, %dma_wait3A_64] : memref<2x10112x128xf32, #tpu.memory_space<hbm>> -> memref<1x128x128xf32, #tpu.memory_space<hbm>>
      %dma_wait3A_66 = tpu.memref_squeeze %dma_wait3A_65 : memref<1x128x128xf32, #tpu.memory_space<hbm>> -> memref<128x128xf32, #tpu.memory_space<hbm>>
      %dma_wait3A_67 = arith.constant 0 : i32
      %dma_wait3A_68 = tpu.memref_slice %arg5[%arg0, %add3A_42, %dma_wait3A_67] : memref<2x10112x128xf32, #tpu.memory_space<hbm>> -> memref<1x128x128xf32, #tpu.memory_space<hbm>>
      %dma_wait3A_69 = tpu.memref_squeeze %dma_wait3A_68 : memref<1x128x128xf32, #tpu.memory_space<hbm>> -> memref<128x128xf32, #tpu.memory_space<hbm>>
      %dma_wait3A_70 = arith.constant 0 : i32
      %dma_wait3A_71 = arith.constant 0 : i32
      %dma_wait3A_72 = tpu.memref_slice %arg9[%dma_wait3A_70, %dma_wait3A_71] : memref<128x128xf32, #tpu.memory_space<vmem>> -> memref<128x128xf32, #tpu.memory_space<vmem>>
      tpu.wait_dma2 semaphore(%run_scoped3A : memref<!tpu.dma_semaphore, #tpu.memory_space<semaphore_mem>>) src(%dma_wait3A_72 : memref<128x128xf32, #tpu.memory_space<vmem>>) dst(%dma_wait3A_69 : memref<128x128xf32, #tpu.memory_space<hbm>>)
      tpu.yield
    }) : () -> ()
    %mul3A_43 = arith.constant 632 : i32
    %mul3A_44 = arith.muli %arg1, %mul3A_43 : i32
    %add3A_45 = arith.constant 384 : i32
    %add3A_46 = arith.addi %mul3A_44, %add3A_45 : i32
    "tpu.region"() ({
      %run_scoped3A = tpu.sem_alloc : memref<!tpu.dma_semaphore, #tpu.memory_space<semaphore_mem>>
      %dma_start3A = arith.constant 0 : i32
      %dma_start3A_51 = arith.constant 0 : i32
      %dma_start3A_52 = tpu.memref_slice %arg9[%dma_start3A, %dma_start3A_51] : memref<128x128xf32, #tpu.memory_space<vmem>> -> memref<128x128xf32, #tpu.memory_space<vmem>>
      %dma_start3A_53 = arith.constant 0 : i32
      %dma_start3A_54 = tpu.memref_slice %arg11[%add3A_46, %dma_start3A_53] : memref<10112x128xf32, #tpu.memory_space<vmem_shared>> -> memref<128x128xf32, #tpu.memory_space<vmem_shared>>
      %dma_start3A_55 = arith.constant 0 : i32
      %dma_start3A_56 = arith.constant 0 : i32
      %dma_start3A_57 = tpu.memref_slice %arg9[%dma_start3A_55, %dma_start3A_56] : memref<128x128xf32, #tpu.memory_space<vmem>> -> memref<128x128xf32, #tpu.memory_space<vmem>>
      %dma_start3A_58 = arith.constant 0 : i32
      %dma_start3A_59 = tpu.memref_slice %arg11[%add3A_46, %dma_start3A_58] : memref<10112x128xf32, #tpu.memory_space<vmem_shared>> -> memref<128x128xf32, #tpu.memory_space<vmem_shared>>
      tpu.enqueue_dma source(%dma_start3A_59 : memref<128x128xf32, #tpu.memory_space<vmem_shared>>) target(%dma_start3A_57 : memref<128x128xf32, #tpu.memory_space<vmem>>) target_semaphore(%run_scoped3A : memref<!tpu.dma_semaphore, #tpu.memory_space<semaphore_mem>>)
      %dma_wait3A = arith.constant 0 : i32
      %dma_wait3A_60 = arith.constant 0 : i32
      %dma_wait3A_61 = tpu.memref_slice %arg9[%dma_wait3A, %dma_wait3A_60] : memref<128x128xf32, #tpu.memory_space<vmem>> -> memref<128x128xf32, #tpu.memory_space<vmem>>
      %dma_wait3A_62 = arith.constant 0 : i32
      %dma_wait3A_63 = tpu.memref_slice %arg11[%add3A_46, %dma_wait3A_62] : memref<10112x128xf32, #tpu.memory_space<vmem_shared>> -> memref<128x128xf32, #tpu.memory_space<vmem_shared>>
      %dma_wait3A_64 = arith.constant 0 : i32
      %dma_wait3A_65 = arith.constant 0 : i32
      %dma_wait3A_66 = tpu.memref_slice %arg9[%dma_wait3A_64, %dma_wait3A_65] : memref<128x128xf32, #tpu.memory_space<vmem>> -> memref<128x128xf32, #tpu.memory_space<vmem>>
      %dma_wait3A_67 = arith.constant 0 : i32
      %dma_wait3A_68 = tpu.memref_slice %arg11[%add3A_46, %dma_wait3A_67] : memref<10112x128xf32, #tpu.memory_space<vmem_shared>> -> memref<128x128xf32, #tpu.memory_space<vmem_shared>>
      tpu.wait_dma2 semaphore(%run_scoped3A : memref<!tpu.dma_semaphore, #tpu.memory_space<semaphore_mem>>) src(%dma_wait3A_68 : memref<128x128xf32, #tpu.memory_space<vmem_shared>>) dst(%dma_wait3A_66 : memref<128x128xf32, #tpu.memory_space<vmem>>)
      tpu.yield
    }) : () -> ()
    "tpu.region"() ({
      %run_scoped3A = tpu.sem_alloc : memref<!tpu.dma_semaphore, #tpu.memory_space<semaphore_mem>>
      %dma_start3A = arith.constant 0 : i32
      %dma_start3A_51 = arith.constant 0 : i32
      %dma_start3A_52 = tpu.memref_slice %arg9[%dma_start3A, %dma_start3A_51] : memref<128x128xf32, #tpu.memory_space<vmem>> -> memref<128x128xf32, #tpu.memory_space<vmem>>
      %dma_start3A_53 = arith.constant 0 : i32
      %dma_start3A_54 = tpu.memref_slice %arg5[%arg0, %add3A_46, %dma_start3A_53] : memref<2x10112x128xf32, #tpu.memory_space<hbm>> -> memref<1x128x128xf32, #tpu.memory_space<hbm>>
      %dma_start3A_55 = tpu.memref_squeeze %dma_start3A_54 : memref<1x128x128xf32, #tpu.memory_space<hbm>> -> memref<128x128xf32, #tpu.memory_space<hbm>>
      %dma_start3A_56 = arith.constant 0 : i32
      %dma_start3A_57 = tpu.memref_slice %arg5[%arg0, %add3A_46, %dma_start3A_56] : memref<2x10112x128xf32, #tpu.memory_space<hbm>> -> memref<1x128x128xf32, #tpu.memory_space<hbm>>
      %dma_start3A_58 = tpu.memref_squeeze %dma_start3A_57 : memref<1x128x128xf32, #tpu.memory_space<hbm>> -> memref<128x128xf32, #tpu.memory_space<hbm>>
      %dma_start3A_59 = arith.constant 0 : i32
      %dma_start3A_60 = arith.constant 0 : i32
      %dma_start3A_61 = tpu.memref_slice %arg9[%dma_start3A_59, %dma_start3A_60] : memref<128x128xf32, #tpu.memory_space<vmem>> -> memref<128x128xf32, #tpu.memory_space<vmem>>
      tpu.enqueue_dma source(%dma_start3A_61 : memref<128x128xf32, #tpu.memory_space<vmem>>) target(%dma_start3A_58 : memref<128x128xf32, #tpu.memory_space<hbm>>) target_semaphore(%run_scoped3A : memref<!tpu.dma_semaphore, #tpu.memory_space<semaphore_mem>>)
      %dma_wait3A = arith.constant 0 : i32
      %dma_wait3A_62 = arith.constant 0 : i32
      %dma_wait3A_63 = tpu.memref_slice %arg9[%dma_wait3A, %dma_wait3A_62] : memref<128x128xf32, #tpu.memory_space<vmem>> -> memref<128x128xf32, #tpu.memory_space<vmem>>
      %dma_wait3A_64 = arith.constant 0 : i32
      %dma_wait3A_65 = tpu.memref_slice %arg5[%arg0, %add3A_46, %dma_wait3A_64] : memref<2x10112x128xf32, #tpu.memory_space<hbm>> -> memref<1x128x128xf32, #tpu.memory_space<hbm>>
      %dma_wait3A_66 = tpu.memref_squeeze %dma_wait3A_65 : memref<1x128x128xf32, #tpu.memory_space<hbm>> -> memref<128x128xf32, #tpu.memory_space<hbm>>
      %dma_wait3A_67 = arith.constant 0 : i32
      %dma_wait3A_68 = tpu.memref_slice %arg5[%arg0, %add3A_46, %dma_wait3A_67] : memref<2x10112x128xf32, #tpu.memory_space<hbm>> -> memref<1x128x128xf32, #tpu.memory_space<hbm>>
      %dma_wait3A_69 = tpu.memref_squeeze %dma_wait3A_68 : memref<1x128x128xf32, #tpu.memory_space<hbm>> -> memref<128x128xf32, #tpu.memory_space<hbm>>
      %dma_wait3A_70 = arith.constant 0 : i32
      %dma_wait3A_71 = arith.constant 0 : i32
      %dma_wait3A_72 = tpu.memref_slice %arg9[%dma_wait3A_70, %dma_wait3A_71] : memref<128x128xf32, #tpu.memory_space<vmem>> -> memref<128x128xf32, #tpu.memory_space<vmem>>
      tpu.wait_dma2 semaphore(%run_scoped3A : memref<!tpu.dma_semaphore, #tpu.memory_space<semaphore_mem>>) src(%dma_wait3A_72 : memref<128x128xf32, #tpu.memory_space<vmem>>) dst(%dma_wait3A_69 : memref<128x128xf32, #tpu.memory_space<hbm>>)
      tpu.yield
    }) : () -> ()
    %mul3A_47 = arith.constant 632 : i32
    %mul3A_48 = arith.muli %arg1, %mul3A_47 : i32
    %add3A_49 = arith.constant 512 : i32
    %add3A_50 = arith.addi %mul3A_48, %add3A_49 : i32
    "tpu.region"() ({
      %run_scoped3A = tpu.sem_alloc : memref<!tpu.dma_semaphore, #tpu.memory_space<semaphore_mem>>
      %dma_start3A = arith.constant 0 : i32
      %dma_start3A_51 = arith.constant 0 : i32
      %dma_start3A_52 = tpu.memref_slice %arg9[%dma_start3A, %dma_start3A_51] : memref<128x128xf32, #tpu.memory_space<vmem>> -> memref<120x128xf32, #tpu.memory_space<vmem>>
      %dma_start3A_53 = arith.constant 0 : i32
      %dma_start3A_54 = tpu.memref_slice %arg11[%add3A_50, %dma_start3A_53] : memref<10112x128xf32, #tpu.memory_space<vmem_shared>> -> memref<120x128xf32, #tpu.memory_space<vmem_shared>>
      %dma_start3A_55 = arith.constant 0 : i32
      %dma_start3A_56 = arith.constant 0 : i32
      %dma_start3A_57 = tpu.memref_slice %arg9[%dma_start3A_55, %dma_start3A_56] : memref<128x128xf32, #tpu.memory_space<vmem>> -> memref<120x128xf32, #tpu.memory_space<vmem>>
      %dma_start3A_58 = arith.constant 0 : i32
      %dma_start3A_59 = tpu.memref_slice %arg11[%add3A_50, %dma_start3A_58] : memref<10112x128xf32, #tpu.memory_space<vmem_shared>> -> memref<120x128xf32, #tpu.memory_space<vmem_shared>>
      tpu.enqueue_dma source(%dma_start3A_59 : memref<120x128xf32, #tpu.memory_space<vmem_shared>>) target(%dma_start3A_57 : memref<120x128xf32, #tpu.memory_space<vmem>>) target_semaphore(%run_scoped3A : memref<!tpu.dma_semaphore, #tpu.memory_space<semaphore_mem>>)
      %dma_wait3A = arith.constant 0 : i32
      %dma_wait3A_60 = arith.constant 0 : i32
      %dma_wait3A_61 = tpu.memref_slice %arg9[%dma_wait3A, %dma_wait3A_60] : memref<128x128xf32, #tpu.memory_space<vmem>> -> memref<120x128xf32, #tpu.memory_space<vmem>>
      %dma_wait3A_62 = arith.constant 0 : i32
      %dma_wait3A_63 = tpu.memref_slice %arg11[%add3A_50, %dma_wait3A_62] : memref<10112x128xf32, #tpu.memory_space<vmem_shared>> -> memref<120x128xf32, #tpu.memory_space<vmem_shared>>
      %dma_wait3A_64 = arith.constant 0 : i32
      %dma_wait3A_65 = arith.constant 0 : i32
      %dma_wait3A_66 = tpu.memref_slice %arg9[%dma_wait3A_64, %dma_wait3A_65] : memref<128x128xf32, #tpu.memory_space<vmem>> -> memref<120x128xf32, #tpu.memory_space<vmem>>
      %dma_wait3A_67 = arith.constant 0 : i32
      %dma_wait3A_68 = tpu.memref_slice %arg11[%add3A_50, %dma_wait3A_67] : memref<10112x128xf32, #tpu.memory_space<vmem_shared>> -> memref<120x128xf32, #tpu.memory_space<vmem_shared>>
      tpu.wait_dma2 semaphore(%run_scoped3A : memref<!tpu.dma_semaphore, #tpu.memory_space<semaphore_mem>>) src(%dma_wait3A_68 : memref<120x128xf32, #tpu.memory_space<vmem_shared>>) dst(%dma_wait3A_66 : memref<120x128xf32, #tpu.memory_space<vmem>>)
      tpu.yield
    }) : () -> ()
    "tpu.region"() ({
      %run_scoped3A = tpu.sem_alloc : memref<!tpu.dma_semaphore, #tpu.memory_space<semaphore_mem>>
      %dma_start3A = arith.constant 0 : i32
      %dma_start3A_51 = arith.constant 0 : i32
      %dma_start3A_52 = tpu.memref_slice %arg9[%dma_start3A, %dma_start3A_51] : memref<128x128xf32, #tpu.memory_space<vmem>> -> memref<120x128xf32, #tpu.memory_space<vmem>>
      %dma_start3A_53 = arith.constant 0 : i32
      %dma_start3A_54 = tpu.memref_slice %arg5[%arg0, %add3A_50, %dma_start3A_53] : memref<2x10112x128xf32, #tpu.memory_space<hbm>> -> memref<1x120x128xf32, #tpu.memory_space<hbm>>
      %dma_start3A_55 = tpu.memref_squeeze %dma_start3A_54 : memref<1x120x128xf32, #tpu.memory_space<hbm>> -> memref<120x128xf32, #tpu.memory_space<hbm>>
      %dma_start3A_56 = arith.constant 0 : i32
      %dma_start3A_57 = tpu.memref_slice %arg5[%arg0, %add3A_50, %dma_start3A_56] : memref<2x10112x128xf32, #tpu.memory_space<hbm>> -> memref<1x120x128xf32, #tpu.memory_space<hbm>>
      %dma_start3A_58 = tpu.memref_squeeze %dma_start3A_57 : memref<1x120x128xf32, #tpu.memory_space<hbm>> -> memref<120x128xf32, #tpu.memory_space<hbm>>
      %dma_start3A_59 = arith.constant 0 : i32
      %dma_start3A_60 = arith.constant 0 : i32
      %dma_start3A_61 = tpu.memref_slice %arg9[%dma_start3A_59, %dma_start3A_60] : memref<128x128xf32, #tpu.memory_space<vmem>> -> memref<120x128xf32, #tpu.memory_space<vmem>>
      tpu.enqueue_dma source(%dma_start3A_61 : memref<120x128xf32, #tpu.memory_space<vmem>>) target(%dma_start3A_58 : memref<120x128xf32, #tpu.memory_space<hbm>>) target_semaphore(%run_scoped3A : memref<!tpu.dma_semaphore, #tpu.memory_space<semaphore_mem>>)
      %dma_wait3A = arith.constant 0 : i32
      %dma_wait3A_62 = arith.constant 0 : i32
      %dma_wait3A_63 = tpu.memref_slice %arg9[%dma_wait3A, %dma_wait3A_62] : memref<128x128xf32, #tpu.memory_space<vmem>> -> memref<120x128xf32, #tpu.memory_space<vmem>>
      %dma_wait3A_64 = arith.constant 0 : i32
      %dma_wait3A_65 = tpu.memref_slice %arg5[%arg0, %add3A_50, %dma_wait3A_64] : memref<2x10112x128xf32, #tpu.memory_space<hbm>> -> memref<1x120x128xf32, #tpu.memory_space<hbm>>
      %dma_wait3A_66 = tpu.memref_squeeze %dma_wait3A_65 : memref<1x120x128xf32, #tpu.memory_space<hbm>> -> memref<120x128xf32, #tpu.memory_space<hbm>>
      %dma_wait3A_67 = arith.constant 0 : i32
      %dma_wait3A_68 = tpu.memref_slice %arg5[%arg0, %add3A_50, %dma_wait3A_67] : memref<2x10112x128xf32, #tpu.memory_space<hbm>> -> memref<1x120x128xf32, #tpu.memory_space<hbm>>
      %dma_wait3A_69 = tpu.memref_squeeze %dma_wait3A_68 : memref<1x120x128xf32, #tpu.memory_space<hbm>> -> memref<120x128xf32, #tpu.memory_space<hbm>>
      %dma_wait3A_70 = arith.constant 0 : i32
      %dma_wait3A_71 = arith.constant 0 : i32
      %dma_wait3A_72 = tpu.memref_slice %arg9[%dma_wait3A_70, %dma_wait3A_71] : memref<128x128xf32, #tpu.memory_space<vmem>> -> memref<120x128xf32, #tpu.memory_space<vmem>>
      tpu.wait_dma2 semaphore(%run_scoped3A : memref<!tpu.dma_semaphore, #tpu.memory_space<semaphore_mem>>) src(%dma_wait3A_72 : memref<120x128xf32, #tpu.memory_space<vmem>>) dst(%dma_wait3A_69 : memref<120x128xf32, #tpu.memory_space<hbm>>)
      tpu.yield
    }) : () -> ()
    return
  }
}

#map = affine_map<(d0, d1) -> (0, 0)>
#map1 = affine_map<(d0, d1) -> (0)>
#map2 = affine_map<(d0, d1) -> (0, 0, 0)>
module attributes {stable_mosaic.version = 14 : i64} {
  func.func @_sc_agg(%arg0: i32, %arg1: i32, %arg2: memref<10000x128xf32, #tpu.memory_space<hbm>>, %arg3: memref<327680xi32, #tpu.memory_space<hbm>>, %arg4: memref<2560x128xi32, #tpu.memory_space<hbm>>, %arg5: memref<2x10112x128xf32, #tpu.memory_space<hbm>>, %arg6: memref<128x128xi32, #tpu.memory_space<vmem>>, %arg7: memref<128xi32, #tpu.memory_space<vmem>>, %arg8: memref<128xi32, #tpu.memory_space<vmem>>, %arg9: memref<128x128xf32, #tpu.memory_space<vmem>>, %arg10: memref<128x128xf32, #tpu.memory_space<vmem>>, %arg11: memref<10112x128xf32, #tpu.memory_space<vmem_shared>>, %arg12: memref<!tpu.dma_semaphore, #tpu.memory_space<semaphore_mem>>, %arg13: memref<!tpu.dma_semaphore, #tpu.memory_space<semaphore_mem>>, %arg14: memref<!tpu.dma_semaphore, #tpu.memory_space<semaphore_mem>>, %arg15: memref<!tpu.dma_semaphore, #tpu.memory_space<semaphore_mem>>, %arg16: memref<!tpu.dma_semaphore, #tpu.memory_space<semaphore_mem>>, %arg17: memref<!tpu.dma_semaphore, #tpu.memory_space<semaphore_mem>>) attributes {dimension_semantics = [#tpu.dimension_semantics<core_parallel>, #tpu.dimension_semantics<subcore_parallel>], iteration_bounds = array<i64: 2, 16>, scalar_prefetch = 0 : i64, scratch_operands = 12 : i64, tpu.core_type = #tpu.core_type<sc_vector_subcore>, window_params = [{transform_indices = #map}, {transform_indices = #map1}, {transform_indices = #map}, {transform_indices = #map2}]} {
    %scan3A = arith.constant 0 : i32
    %scan3A_0 = arith.constant 0 : i32
    %scan3A_1 = arith.constant 1024 : i32
    %scan3A_2 = arith.addi %scan3A_0, %scan3A_1 : i32
    %scan3A_3 = arith.constant 1 : i32
    %scan3A_4 = scf.for %scan3A_51 = %scan3A_0 to %scan3A_2 step %scan3A_3 iter_args(%scan3A_52 = %scan3A) -> (i32)  : i32 {
      %jit3A = arith.constant 8 : i32
      %div3A = arith.divsi %scan3A_51, %jit3A : i32
      %sign3A = arith.constant 0 : i32
      %sign3A_53 = arith.cmpi sgt, %scan3A_51, %sign3A : i32
      %sign3A_54 = arith.extui %sign3A_53 : i1 to i32
      %sign3A_55 = arith.constant 0 : i32
      %sign3A_56 = arith.cmpi slt, %scan3A_51, %sign3A_55 : i32
      %sign3A_57 = arith.extui %sign3A_56 : i1 to i32
      %sign3A_58 = arith.subi %sign3A_54, %sign3A_57 : i32
      %sign3A_59 = arith.constant 0 : i32
      %sign3A_60 = arith.cmpi sgt, %jit3A, %sign3A_59 : i32
      %sign3A_61 = arith.extui %sign3A_60 : i1 to i32
      %sign3A_62 = arith.constant 0 : i32
      %sign3A_63 = arith.cmpi slt, %jit3A, %sign3A_62 : i32
      %sign3A_64 = arith.extui %sign3A_63 : i1 to i32
      %sign3A_65 = arith.subi %sign3A_61, %sign3A_64 : i32
      %ne3A_66 = arith.cmpi ne, %sign3A_58, %sign3A_65 : i32
      %rem3A = arith.remsi %scan3A_51, %jit3A : i32
      %ne3A_67 = arith.constant 0 : i32
      %ne3A_68 = arith.cmpi ne, %rem3A, %ne3A_67 : i32
      %and3A = arith.andi %ne3A_66, %ne3A_68 : i1
      %sub3A = arith.constant 1 : i32
      %sub3A_69 = arith.subi %div3A, %sub3A : i32
      %select_n3A = arith.select %and3A, %sub3A_69, %div3A : i32
      %jit3A_70 = arith.constant 8 : i32
      %eq3A_71 = arith.constant 0 : i32
      %eq3A_72 = arith.cmpi eq, %jit3A_70, %eq3A_71 : i32
      %jit3A_73 = arith.constant 1 : i32
      %select_n3A_74 = arith.select %eq3A_72, %jit3A_73, %jit3A_70 : i32
      %rem3A_75 = arith.remsi %scan3A_51, %select_n3A_74 : i32
      %ne3A_76 = arith.constant 0 : i32
      %ne3A_77 = arith.cmpi ne, %rem3A_75, %ne3A_76 : i32
      %lt3A = arith.constant 0 : i32
      %lt3A_78 = arith.cmpi slt, %rem3A_75, %lt3A : i32
      %lt3A_79 = arith.constant 0 : i32
      %lt3A_80 = arith.cmpi slt, %select_n3A_74, %lt3A_79 : i32
      %ne3A_81 = arith.xori %lt3A_78, %lt3A_80 : i1
      %and3A_82 = arith.andi %ne3A_81, %ne3A_77 : i1
      %add3A_83 = arith.addi %rem3A_75, %select_n3A_74 : i32
      %select_n3A_84 = arith.select %and3A_82, %add3A_83, %rem3A_75 : i32
      %broadcast_in_dim3A = arith.constant 0.000000e+00 : f32
      %broadcast_in_dim3A_85 = vector.broadcast %broadcast_in_dim3A : f32 to vector<16xf32>
      %mul3A_86 = arith.constant 16 : i32
      %mul3A_87 = arith.muli %select_n3A_84, %mul3A_86 : i32
      %swap3A = arith.index_cast %select_n3A : i32 to index
      %swap3A_88 = arith.index_cast %mul3A_87 : i32 to index
      %swap3A_89 = tpu.vector_load %arg9[%swap3A, %swap3A_88] {strides = array<i32>} : memref<128x128xf32, #tpu.memory_space<vmem>>, vector<1x16xf32>,
      %swap3A_90 = vector.shape_cast %swap3A_89 : vector<1x16xf32> to vector<16xf32>
      %swap3A_91 = vector.shape_cast %broadcast_in_dim3A_85 : vector<16xf32> to vector<1x16xf32>
      tpu.vector_store %arg9[%swap3A, %swap3A_88], %swap3A_91 {strides = array<i32>} : memref<128x128xf32, #tpu.memory_space<vmem>>, vector<1x16xf32>,
      %scan3A_92 = arith.constant 0 : i32
      scf.yield %scan3A_92 : i32
    }
    %scan3A_5 = arith.constant 1024 : i32
    %mul3A = arith.constant 632 : i32
    %mul3A_6 = arith.muli %arg1, %mul3A : i32
    %add3A = arith.constant 0 : i32
    %add3A_7 = arith.addi %mul3A_6, %add3A : i32
    "tpu.region"() ({
      %run_scoped3A = tpu.sem_alloc : memref<!tpu.dma_semaphore, #tpu.memory_space<semaphore_mem>>
      %dma_start3A = arith.constant 0 : i32
      %dma_start3A_51 = arith.constant 0 : i32
      %dma_start3A_52 = tpu.memref_slice %arg9[%dma_start3A, %dma_start3A_51] : memref<128x128xf32, #tpu.memory_space<vmem>> -> memref<128x128xf32, #tpu.memory_space<vmem>>
      %dma_start3A_53 = arith.constant 0 : i32
      %dma_start3A_54 = tpu.memref_slice %arg11[%add3A_7, %dma_start3A_53] : memref<10112x128xf32, #tpu.memory_space<vmem_shared>> -> memref<128x128xf32, #tpu.memory_space<vmem_shared>>
      %dma_start3A_55 = arith.constant 0 : i32
      %dma_start3A_56 = tpu.memref_slice %arg11[%add3A_7, %dma_start3A_55] : memref<10112x128xf32, #tpu.memory_space<vmem_shared>> -> memref<128x128xf32, #tpu.memory_space<vmem_shared>>
      %dma_start3A_57 = arith.constant 0 : i32
      %dma_start3A_58 = arith.constant 0 : i32
      %dma_start3A_59 = tpu.memref_slice %arg9[%dma_start3A_57, %dma_start3A_58] : memref<128x128xf32, #tpu.memory_space<vmem>> -> memref<128x128xf32, #tpu.memory_space<vmem>>
      tpu.enqueue_dma source(%dma_start3A_59 : memref<128x128xf32, #tpu.memory_space<vmem>>) target(%dma_start3A_56 : memref<128x128xf32, #tpu.memory_space<vmem_shared>>) target_semaphore(%run_scoped3A : memref<!tpu.dma_semaphore, #tpu.memory_space<semaphore_mem>>)
      %dma_wait3A = arith.constant 0 : i32
      %dma_wait3A_60 = arith.constant 0 : i32
      %dma_wait3A_61 = tpu.memref_slice %arg9[%dma_wait3A, %dma_wait3A_60] : memref<128x128xf32, #tpu.memory_space<vmem>> -> memref<128x128xf32, #tpu.memory_space<vmem>>
      %dma_wait3A_62 = arith.constant 0 : i32
      %dma_wait3A_63 = tpu.memref_slice %arg11[%add3A_7, %dma_wait3A_62] : memref<10112x128xf32, #tpu.memory_space<vmem_shared>> -> memref<128x128xf32, #tpu.memory_space<vmem_shared>>
      %dma_wait3A_64 = arith.constant 0 : i32
      %dma_wait3A_65 = tpu.memref_slice %arg11[%add3A_7, %dma_wait3A_64] : memref<10112x128xf32, #tpu.memory_space<vmem_shared>> -> memref<128x128xf32, #tpu.memory_space<vmem_shared>>
      %dma_wait3A_66 = arith.constant 0 : i32
      %dma_wait3A_67 = arith.constant 0 : i32
      %dma_wait3A_68 = tpu.memref_slice %arg9[%dma_wait3A_66, %dma_wait3A_67] : memref<128x128xf32, #tpu.memory_space<vmem>> -> memref<128x128xf32, #tpu.memory_space<vmem>>
      tpu.wait_dma2 semaphore(%run_scoped3A : memref<!tpu.dma_semaphore, #tpu.memory_space<semaphore_mem>>) src(%dma_wait3A_68 : memref<128x128xf32, #tpu.memory_space<vmem>>) dst(%dma_wait3A_65 : memref<128x128xf32, #tpu.memory_space<vmem_shared>>)
      tpu.yield
    }) : () -> ()
    %mul3A_8 = arith.constant 632 : i32
    %mul3A_9 = arith.muli %arg1, %mul3A_8 : i32
    %add3A_10 = arith.constant 128 : i32
    %add3A_11 = arith.addi %mul3A_9, %add3A_10 : i32
    "tpu.region"() ({
      %run_scoped3A = tpu.sem_alloc : memref<!tpu.dma_semaphore, #tpu.memory_space<semaphore_mem>>
      %dma_start3A = arith.constant 0 : i32
      %dma_start3A_51 = arith.constant 0 : i32
      %dma_start3A_52 = tpu.memref_slice %arg9[%dma_start3A, %dma_start3A_51] : memref<128x128xf32, #tpu.memory_space<vmem>> -> memref<128x128xf32, #tpu.memory_space<vmem>>
      %dma_start3A_53 = arith.constant 0 : i32
      %dma_start3A_54 = tpu.memref_slice %arg11[%add3A_11, %dma_start3A_53] : memref<10112x128xf32, #tpu.memory_space<vmem_shared>> -> memref<128x128xf32, #tpu.memory_space<vmem_shared>>
      %dma_start3A_55 = arith.constant 0 : i32
      %dma_start3A_56 = tpu.memref_slice %arg11[%add3A_11, %dma_start3A_55] : memref<10112x128xf32, #tpu.memory_space<vmem_shared>> -> memref<128x128xf32, #tpu.memory_space<vmem_shared>>
      %dma_start3A_57 = arith.constant 0 : i32
      %dma_start3A_58 = arith.constant 0 : i32
      %dma_start3A_59 = tpu.memref_slice %arg9[%dma_start3A_57, %dma_start3A_58] : memref<128x128xf32, #tpu.memory_space<vmem>> -> memref<128x128xf32, #tpu.memory_space<vmem>>
      tpu.enqueue_dma source(%dma_start3A_59 : memref<128x128xf32, #tpu.memory_space<vmem>>) target(%dma_start3A_56 : memref<128x128xf32, #tpu.memory_space<vmem_shared>>) target_semaphore(%run_scoped3A : memref<!tpu.dma_semaphore, #tpu.memory_space<semaphore_mem>>)
      %dma_wait3A = arith.constant 0 : i32
      %dma_wait3A_60 = arith.constant 0 : i32
      %dma_wait3A_61 = tpu.memref_slice %arg9[%dma_wait3A, %dma_wait3A_60] : memref<128x128xf32, #tpu.memory_space<vmem>> -> memref<128x128xf32, #tpu.memory_space<vmem>>
      %dma_wait3A_62 = arith.constant 0 : i32
      %dma_wait3A_63 = tpu.memref_slice %arg11[%add3A_11, %dma_wait3A_62] : memref<10112x128xf32, #tpu.memory_space<vmem_shared>> -> memref<128x128xf32, #tpu.memory_space<vmem_shared>>
      %dma_wait3A_64 = arith.constant 0 : i32
      %dma_wait3A_65 = tpu.memref_slice %arg11[%add3A_11, %dma_wait3A_64] : memref<10112x128xf32, #tpu.memory_space<vmem_shared>> -> memref<128x128xf32, #tpu.memory_space<vmem_shared>>
      %dma_wait3A_66 = arith.constant 0 : i32
      %dma_wait3A_67 = arith.constant 0 : i32
      %dma_wait3A_68 = tpu.memref_slice %arg9[%dma_wait3A_66, %dma_wait3A_67] : memref<128x128xf32, #tpu.memory_space<vmem>> -> memref<128x128xf32, #tpu.memory_space<vmem>>
      tpu.wait_dma2 semaphore(%run_scoped3A : memref<!tpu.dma_semaphore, #tpu.memory_space<semaphore_mem>>) src(%dma_wait3A_68 : memref<128x128xf32, #tpu.memory_space<vmem>>) dst(%dma_wait3A_65 : memref<128x128xf32, #tpu.memory_space<vmem_shared>>)
      tpu.yield
    }) : () -> ()
    %mul3A_12 = arith.constant 632 : i32
    %mul3A_13 = arith.muli %arg1, %mul3A_12 : i32
    %add3A_14 = arith.constant 256 : i32
    %add3A_15 = arith.addi %mul3A_13, %add3A_14 : i32
    "tpu.region"() ({
      %run_scoped3A = tpu.sem_alloc : memref<!tpu.dma_semaphore, #tpu.memory_space<semaphore_mem>>
      %dma_start3A = arith.constant 0 : i32
      %dma_start3A_51 = arith.constant 0 : i32
      %dma_start3A_52 = tpu.memref_slice %arg9[%dma_start3A, %dma_start3A_51] : memref<128x128xf32, #tpu.memory_space<vmem>> -> memref<128x128xf32, #tpu.memory_space<vmem>>
      %dma_start3A_53 = arith.constant 0 : i32
      %dma_start3A_54 = tpu.memref_slice %arg11[%add3A_15, %dma_start3A_53] : memref<10112x128xf32, #tpu.memory_space<vmem_shared>> -> memref<128x128xf32, #tpu.memory_space<vmem_shared>>
      %dma_start3A_55 = arith.constant 0 : i32
      %dma_start3A_56 = tpu.memref_slice %arg11[%add3A_15, %dma_start3A_55] : memref<10112x128xf32, #tpu.memory_space<vmem_shared>> -> memref<128x128xf32, #tpu.memory_space<vmem_shared>>
      %dma_start3A_57 = arith.constant 0 : i32
      %dma_start3A_58 = arith.constant 0 : i32
      %dma_start3A_59 = tpu.memref_slice %arg9[%dma_start3A_57, %dma_start3A_58] : memref<128x128xf32, #tpu.memory_space<vmem>> -> memref<128x128xf32, #tpu.memory_space<vmem>>
      tpu.enqueue_dma source(%dma_start3A_59 : memref<128x128xf32, #tpu.memory_space<vmem>>) target(%dma_start3A_56 : memref<128x128xf32, #tpu.memory_space<vmem_shared>>) target_semaphore(%run_scoped3A : memref<!tpu.dma_semaphore, #tpu.memory_space<semaphore_mem>>)
      %dma_wait3A = arith.constant 0 : i32
      %dma_wait3A_60 = arith.constant 0 : i32
      %dma_wait3A_61 = tpu.memref_slice %arg9[%dma_wait3A, %dma_wait3A_60] : memref<128x128xf32, #tpu.memory_space<vmem>> -> memref<128x128xf32, #tpu.memory_space<vmem>>
      %dma_wait3A_62 = arith.constant 0 : i32
      %dma_wait3A_63 = tpu.memref_slice %arg11[%add3A_15, %dma_wait3A_62] : memref<10112x128xf32, #tpu.memory_space<vmem_shared>> -> memref<128x128xf32, #tpu.memory_space<vmem_shared>>
      %dma_wait3A_64 = arith.constant 0 : i32
      %dma_wait3A_65 = tpu.memref_slice %arg11[%add3A_15, %dma_wait3A_64] : memref<10112x128xf32, #tpu.memory_space<vmem_shared>> -> memref<128x128xf32, #tpu.memory_space<vmem_shared>>
      %dma_wait3A_66 = arith.constant 0 : i32
      %dma_wait3A_67 = arith.constant 0 : i32
      %dma_wait3A_68 = tpu.memref_slice %arg9[%dma_wait3A_66, %dma_wait3A_67] : memref<128x128xf32, #tpu.memory_space<vmem>> -> memref<128x128xf32, #tpu.memory_space<vmem>>
      tpu.wait_dma2 semaphore(%run_scoped3A : memref<!tpu.dma_semaphore, #tpu.memory_space<semaphore_mem>>) src(%dma_wait3A_68 : memref<128x128xf32, #tpu.memory_space<vmem>>) dst(%dma_wait3A_65 : memref<128x128xf32, #tpu.memory_space<vmem_shared>>)
      tpu.yield
    }) : () -> ()
    %mul3A_16 = arith.constant 632 : i32
    %mul3A_17 = arith.muli %arg1, %mul3A_16 : i32
    %add3A_18 = arith.constant 384 : i32
    %add3A_19 = arith.addi %mul3A_17, %add3A_18 : i32
    "tpu.region"() ({
      %run_scoped3A = tpu.sem_alloc : memref<!tpu.dma_semaphore, #tpu.memory_space<semaphore_mem>>
      %dma_start3A = arith.constant 0 : i32
      %dma_start3A_51 = arith.constant 0 : i32
      %dma_start3A_52 = tpu.memref_slice %arg9[%dma_start3A, %dma_start3A_51] : memref<128x128xf32, #tpu.memory_space<vmem>> -> memref<128x128xf32, #tpu.memory_space<vmem>>
      %dma_start3A_53 = arith.constant 0 : i32
      %dma_start3A_54 = tpu.memref_slice %arg11[%add3A_19, %dma_start3A_53] : memref<10112x128xf32, #tpu.memory_space<vmem_shared>> -> memref<128x128xf32, #tpu.memory_space<vmem_shared>>
      %dma_start3A_55 = arith.constant 0 : i32
      %dma_start3A_56 = tpu.memref_slice %arg11[%add3A_19, %dma_start3A_55] : memref<10112x128xf32, #tpu.memory_space<vmem_shared>> -> memref<128x128xf32, #tpu.memory_space<vmem_shared>>
      %dma_start3A_57 = arith.constant 0 : i32
      %dma_start3A_58 = arith.constant 0 : i32
      %dma_start3A_59 = tpu.memref_slice %arg9[%dma_start3A_57, %dma_start3A_58] : memref<128x128xf32, #tpu.memory_space<vmem>> -> memref<128x128xf32, #tpu.memory_space<vmem>>
      tpu.enqueue_dma source(%dma_start3A_59 : memref<128x128xf32, #tpu.memory_space<vmem>>) target(%dma_start3A_56 : memref<128x128xf32, #tpu.memory_space<vmem_shared>>) target_semaphore(%run_scoped3A : memref<!tpu.dma_semaphore, #tpu.memory_space<semaphore_mem>>)
      %dma_wait3A = arith.constant 0 : i32
      %dma_wait3A_60 = arith.constant 0 : i32
      %dma_wait3A_61 = tpu.memref_slice %arg9[%dma_wait3A, %dma_wait3A_60] : memref<128x128xf32, #tpu.memory_space<vmem>> -> memref<128x128xf32, #tpu.memory_space<vmem>>
      %dma_wait3A_62 = arith.constant 0 : i32
      %dma_wait3A_63 = tpu.memref_slice %arg11[%add3A_19, %dma_wait3A_62] : memref<10112x128xf32, #tpu.memory_space<vmem_shared>> -> memref<128x128xf32, #tpu.memory_space<vmem_shared>>
      %dma_wait3A_64 = arith.constant 0 : i32
      %dma_wait3A_65 = tpu.memref_slice %arg11[%add3A_19, %dma_wait3A_64] : memref<10112x128xf32, #tpu.memory_space<vmem_shared>> -> memref<128x128xf32, #tpu.memory_space<vmem_shared>>
      %dma_wait3A_66 = arith.constant 0 : i32
      %dma_wait3A_67 = arith.constant 0 : i32
      %dma_wait3A_68 = tpu.memref_slice %arg9[%dma_wait3A_66, %dma_wait3A_67] : memref<128x128xf32, #tpu.memory_space<vmem>> -> memref<128x128xf32, #tpu.memory_space<vmem>>
      tpu.wait_dma2 semaphore(%run_scoped3A : memref<!tpu.dma_semaphore, #tpu.memory_space<semaphore_mem>>) src(%dma_wait3A_68 : memref<128x128xf32, #tpu.memory_space<vmem>>) dst(%dma_wait3A_65 : memref<128x128xf32, #tpu.memory_space<vmem_shared>>)
      tpu.yield
    }) : () -> ()
    %mul3A_20 = arith.constant 632 : i32
    %mul3A_21 = arith.muli %arg1, %mul3A_20 : i32
    %add3A_22 = arith.constant 512 : i32
    %add3A_23 = arith.addi %mul3A_21, %add3A_22 : i32
    "tpu.region"() ({
      %run_scoped3A = tpu.sem_alloc : memref<!tpu.dma_semaphore, #tpu.memory_space<semaphore_mem>>
      %dma_start3A = arith.constant 0 : i32
      %dma_start3A_51 = arith.constant 0 : i32
      %dma_start3A_52 = tpu.memref_slice %arg9[%dma_start3A, %dma_start3A_51] : memref<128x128xf32, #tpu.memory_space<vmem>> -> memref<120x128xf32, #tpu.memory_space<vmem>>
      %dma_start3A_53 = arith.constant 0 : i32
      %dma_start3A_54 = tpu.memref_slice %arg11[%add3A_23, %dma_start3A_53] : memref<10112x128xf32, #tpu.memory_space<vmem_shared>> -> memref<120x128xf32, #tpu.memory_space<vmem_shared>>
      %dma_start3A_55 = arith.constant 0 : i32
      %dma_start3A_56 = tpu.memref_slice %arg11[%add3A_23, %dma_start3A_55] : memref<10112x128xf32, #tpu.memory_space<vmem_shared>> -> memref<120x128xf32, #tpu.memory_space<vmem_shared>>
      %dma_start3A_57 = arith.constant 0 : i32
      %dma_start3A_58 = arith.constant 0 : i32
      %dma_start3A_59 = tpu.memref_slice %arg9[%dma_start3A_57, %dma_start3A_58] : memref<128x128xf32, #tpu.memory_space<vmem>> -> memref<120x128xf32, #tpu.memory_space<vmem>>
      tpu.enqueue_dma source(%dma_start3A_59 : memref<120x128xf32, #tpu.memory_space<vmem>>) target(%dma_start3A_56 : memref<120x128xf32, #tpu.memory_space<vmem_shared>>) target_semaphore(%run_scoped3A : memref<!tpu.dma_semaphore, #tpu.memory_space<semaphore_mem>>)
      %dma_wait3A = arith.constant 0 : i32
      %dma_wait3A_60 = arith.constant 0 : i32
      %dma_wait3A_61 = tpu.memref_slice %arg9[%dma_wait3A, %dma_wait3A_60] : memref<128x128xf32, #tpu.memory_space<vmem>> -> memref<120x128xf32, #tpu.memory_space<vmem>>
      %dma_wait3A_62 = arith.constant 0 : i32
      %dma_wait3A_63 = tpu.memref_slice %arg11[%add3A_23, %dma_wait3A_62] : memref<10112x128xf32, #tpu.memory_space<vmem_shared>> -> memref<120x128xf32, #tpu.memory_space<vmem_shared>>
      %dma_wait3A_64 = arith.constant 0 : i32
      %dma_wait3A_65 = tpu.memref_slice %arg11[%add3A_23, %dma_wait3A_64] : memref<10112x128xf32, #tpu.memory_space<vmem_shared>> -> memref<120x128xf32, #tpu.memory_space<vmem_shared>>
      %dma_wait3A_66 = arith.constant 0 : i32
      %dma_wait3A_67 = arith.constant 0 : i32
      %dma_wait3A_68 = tpu.memref_slice %arg9[%dma_wait3A_66, %dma_wait3A_67] : memref<128x128xf32, #tpu.memory_space<vmem>> -> memref<120x128xf32, #tpu.memory_space<vmem>>
      tpu.wait_dma2 semaphore(%run_scoped3A : memref<!tpu.dma_semaphore, #tpu.memory_space<semaphore_mem>>) src(%dma_wait3A_68 : memref<120x128xf32, #tpu.memory_space<vmem>>) dst(%dma_wait3A_65 : memref<120x128xf32, #tpu.memory_space<vmem_shared>>)
      tpu.yield
    }) : () -> ()
    %barrier3A = arith.constant 0 : index
    tpu.barrier barrier_id(%barrier3A)
    %eq3A = arith.constant 1 : i32
    %eq3A_24 = arith.cmpi eq, %arg0, %eq3A : i32
    %convert_element_type3A = arith.extui %eq3A_24 : i1 to i32
    %cond3A = arith.constant 0 : i32
    %cond3A_25 = arith.cmpi ne, %convert_element_type3A, %cond3A : i32
    scf.if %cond3A_25 {
      %mul3A_51 = arith.constant 128 : i32
      %mul3A_52 = arith.muli %arg1, %mul3A_51 : i32
      "tpu.region"() ({
        %run_scoped3A = tpu.sem_alloc : memref<!tpu.dma_semaphore, #tpu.memory_space<semaphore_mem>>
        %dma_start3A_89 = arith.constant 0 : i32
        %dma_start3A_90 = arith.constant 0 : i32
        %dma_start3A_91 = tpu.memref_slice %arg6[%dma_start3A_89, %dma_start3A_90] : memref<128x128xi32, #tpu.memory_space<vmem>> -> memref<128x128xi32, #tpu.memory_space<vmem>>
        %dma_start3A_92 = arith.constant 0 : i32
        %dma_start3A_93 = tpu.memref_slice %arg4[%mul3A_52, %dma_start3A_92] : memref<2560x128xi32, #tpu.memory_space<hbm>> -> memref<128x128xi32, #tpu.memory_space<hbm>>
        %dma_start3A_94 = arith.constant 0 : i32
        %dma_start3A_95 = arith.constant 0 : i32
        %dma_start3A_96 = tpu.memref_slice %arg6[%dma_start3A_94, %dma_start3A_95] : memref<128x128xi32, #tpu.memory_space<vmem>> -> memref<128x128xi32, #tpu.memory_space<vmem>>
        %dma_start3A_97 = arith.constant 0 : i32
        %dma_start3A_98 = tpu.memref_slice %arg4[%mul3A_52, %dma_start3A_97] : memref<2560x128xi32, #tpu.memory_space<hbm>> -> memref<128x128xi32, #tpu.memory_space<hbm>>
        tpu.enqueue_dma source(%dma_start3A_98 : memref<128x128xi32, #tpu.memory_space<hbm>>) target(%dma_start3A_96 : memref<128x128xi32, #tpu.memory_space<vmem>>) target_semaphore(%run_scoped3A : memref<!tpu.dma_semaphore, #tpu.memory_space<semaphore_mem>>)
        %dma_wait3A_99 = arith.constant 0 : i32
        %dma_wait3A_100 = arith.constant 0 : i32
        %dma_wait3A_101 = tpu.memref_slice %arg6[%dma_wait3A_99, %dma_wait3A_100] : memref<128x128xi32, #tpu.memory_space<vmem>> -> memref<128x128xi32, #tpu.memory_space<vmem>>
        %dma_wait3A_102 = arith.constant 0 : i32
        %dma_wait3A_103 = tpu.memref_slice %arg4[%mul3A_52, %dma_wait3A_102] : memref<2560x128xi32, #tpu.memory_space<hbm>> -> memref<128x128xi32, #tpu.memory_space<hbm>>
        %dma_wait3A_104 = arith.constant 0 : i32
        %dma_wait3A_105 = arith.constant 0 : i32
        %dma_wait3A_106 = tpu.memref_slice %arg6[%dma_wait3A_104, %dma_wait3A_105] : memref<128x128xi32, #tpu.memory_space<vmem>> -> memref<128x128xi32, #tpu.memory_space<vmem>>
        %dma_wait3A_107 = arith.constant 0 : i32
        %dma_wait3A_108 = tpu.memref_slice %arg4[%mul3A_52, %dma_wait3A_107] : memref<2560x128xi32, #tpu.memory_space<hbm>> -> memref<128x128xi32, #tpu.memory_space<hbm>>
        tpu.wait_dma2 semaphore(%run_scoped3A : memref<!tpu.dma_semaphore, #tpu.memory_space<semaphore_mem>>) src(%dma_wait3A_108 : memref<128x128xi32, #tpu.memory_space<hbm>>) dst(%dma_wait3A_106 : memref<128x128xi32, #tpu.memory_space<vmem>>)
        tpu.yield
      }) : () -> ()
      %mul3A_53 = arith.constant 128 : i32
      %mul3A_54 = arith.muli %mul3A_52, %mul3A_53 : i32
      %add3A_55 = arith.constant 0 : i32
      %add3A_56 = arith.addi %mul3A_54, %add3A_55 : i32
      %dma_start3A = tpu.memref_slice %arg3[%add3A_56] : memref<327680xi32, #tpu.memory_space<hbm>> -> memref<128xi32, #tpu.memory_space<hbm>>
      %dma_start3A_57 = tpu.memref_slice %arg3[%add3A_56] : memref<327680xi32, #tpu.memory_space<hbm>> -> memref<128xi32, #tpu.memory_space<hbm>>
      tpu.enqueue_dma source(%dma_start3A_57 : memref<128xi32, #tpu.memory_space<hbm>>) target(%arg7 : memref<128xi32, #tpu.memory_space<vmem>>) target_semaphore(%arg14 : memref<!tpu.dma_semaphore, #tpu.memory_space<semaphore_mem>>)
      %add3A_58 = arith.constant 0 : i32
      %add3A_59 = arith.addi %mul3A_54, %add3A_58 : i32
      %dma_wait3A = tpu.memref_slice %arg3[%add3A_59] : memref<327680xi32, #tpu.memory_space<hbm>> -> memref<128xi32, #tpu.memory_space<hbm>>
      %dma_wait3A_60 = tpu.memref_slice %arg3[%add3A_59] : memref<327680xi32, #tpu.memory_space<hbm>> -> memref<128xi32, #tpu.memory_space<hbm>>
      tpu.wait_dma2 semaphore(%arg14 : memref<!tpu.dma_semaphore, #tpu.memory_space<semaphore_mem>>) src(%dma_wait3A_60 : memref<128xi32, #tpu.memory_space<hbm>>) dst(%arg7 : memref<128xi32, #tpu.memory_space<vmem>>)
      %dma_start3A_61 = arith.constant 0 : i32
      %dma_start3A_62 = arith.constant 0 : i32
      %dma_start3A_63 = tpu.memref_slice %arg2[%dma_start3A_61, %dma_start3A_62] : memref<10000x128xf32, #tpu.memory_space<hbm>> -> memref<10000x128xf32, #tpu.memory_space<hbm>>
      tpu.enqueue_indirect_dma source(%dma_start3A_63 : memref<10000x128xf32, #tpu.memory_space<hbm>>) target(%arg9 : memref<128x128xf32, #tpu.memory_space<vmem>>) offsets(%arg7 : memref<128xi32, #tpu.memory_space<vmem>>) semaphore(%arg12 : memref<!tpu.dma_semaphore, #tpu.memory_space<semaphore_mem>>)
      %add3A_64 = arith.constant 128 : i32
      %add3A_65 = arith.addi %mul3A_54, %add3A_64 : i32
      %dma_start3A_66 = tpu.memref_slice %arg3[%add3A_65] : memref<327680xi32, #tpu.memory_space<hbm>> -> memref<128xi32, #tpu.memory_space<hbm>>
      %dma_start3A_67 = tpu.memref_slice %arg3[%add3A_65] : memref<327680xi32, #tpu.memory_space<hbm>> -> memref<128xi32, #tpu.memory_space<hbm>>
      tpu.enqueue_dma source(%dma_start3A_67 : memref<128xi32, #tpu.memory_space<hbm>>) target(%arg8 : memref<128xi32, #tpu.memory_space<vmem>>) target_semaphore(%arg15 : memref<!tpu.dma_semaphore, #tpu.memory_space<semaphore_mem>>)
      %scan3A_68 = arith.constant 0 : i32
      %scan3A_69 = arith.constant 0 : i32
      %scan3A_70 = arith.constant 64 : i32
      %scan3A_71 = arith.addi %scan3A_69, %scan3A_70 : i32
      %scan3A_72 = arith.constant 1 : i32
      %scan3A_73 = scf.for %scan3A_89 = %scan3A_69 to %scan3A_71 step %scan3A_72 iter_args(%scan3A_90 = %scan3A_68) -> (i32)  : i32 {
        %mul3A_91 = arith.constant 2 : i32
        %mul3A_92 = arith.muli %mul3A_91, %scan3A_89 : i32
        %dma_wait3A_93 = arith.constant 0 : i32
        %dma_wait3A_94 = arith.constant 0 : i32
        %dma_wait3A_95 = tpu.memref_slice %arg2[%dma_wait3A_93, %dma_wait3A_94] : memref<10000x128xf32, #tpu.memory_space<hbm>> -> memref<10000x128xf32, #tpu.memory_space<hbm>>
        tpu.wait_indirect_dma semaphore(%arg12 : memref<!tpu.dma_semaphore, #tpu.memory_space<semaphore_mem>>) src(%dma_wait3A_95 : memref<10000x128xf32, #tpu.memory_space<hbm>>) dst(%arg9 : memref<128x128xf32, #tpu.memory_space<vmem>>)
        %add3A_96 = arith.constant 1 : i32
        %add3A_97 = arith.addi %mul3A_92, %add3A_96 : i32
        %mul3A_98 = arith.constant 128 : i32
        %mul3A_99 = arith.muli %add3A_97, %mul3A_98 : i32
        %add3A_100 = arith.addi %mul3A_54, %mul3A_99 : i32
        %dma_wait3A_101 = tpu.memref_slice %arg3[%add3A_100] : memref<327680xi32, #tpu.memory_space<hbm>> -> memref<128xi32, #tpu.memory_space<hbm>>
        %dma_wait3A_102 = tpu.memref_slice %arg3[%add3A_100] : memref<327680xi32, #tpu.memory_space<hbm>> -> memref<128xi32, #tpu.memory_space<hbm>>
        tpu.wait_dma2 semaphore(%arg15 : memref<!tpu.dma_semaphore, #tpu.memory_space<semaphore_mem>>) src(%dma_wait3A_102 : memref<128xi32, #tpu.memory_space<hbm>>) dst(%arg8 : memref<128xi32, #tpu.memory_space<vmem>>)
        %gt3A = arith.constant 0 : i32
        %gt3A_103 = arith.cmpi sgt, %mul3A_92, %gt3A : i32
        %convert_element_type3A_104 = arith.extui %gt3A_103 : i1 to i32
        %cond3A_105 = arith.constant 0 : i32
        %cond3A_106 = arith.cmpi ne, %convert_element_type3A_104, %cond3A_105 : i32
        scf.if %cond3A_106 {
          %sub3A = arith.constant 1 : i32
          %sub3A_148 = arith.subi %mul3A_92, %sub3A : i32
          %dma_wait3A_149 = arith.constant 0 : i32
          %dma_wait3A_150 = tpu.memref_slice %arg6[%sub3A_148, %dma_wait3A_149] : memref<128x128xi32, #tpu.memory_space<vmem>> -> memref<1x128xi32, #tpu.memory_space<vmem>>
          %dma_wait3A_151 = tpu.memref_squeeze %dma_wait3A_150 : memref<1x128xi32, #tpu.memory_space<vmem>> -> memref<128xi32, #tpu.memory_space<vmem>>
          %dma_wait3A_152 = arith.constant 0 : i32
          %dma_wait3A_153 = arith.constant 0 : i32
          %dma_wait3A_154 = tpu.memref_slice %arg11[%dma_wait3A_152, %dma_wait3A_153] : memref<10112x128xf32, #tpu.memory_space<vmem_shared>> -> memref<10112x128xf32, #tpu.memory_space<vmem_shared>>
          tpu.wait_indirect_dma semaphore(%arg17 : memref<!tpu.dma_semaphore, #tpu.memory_space<semaphore_mem>>) src(%arg10 : memref<128x128xf32, #tpu.memory_space<vmem>>) dst(%dma_wait3A_154 : memref<10112x128xf32, #tpu.memory_space<vmem_shared>>)
        } else {
        }
        %dma_start3A_107 = arith.constant 0 : i32
        %dma_start3A_108 = arith.constant 0 : i32
        %dma_start3A_109 = tpu.memref_slice %arg2[%dma_start3A_107, %dma_start3A_108] : memref<10000x128xf32, #tpu.memory_space<hbm>> -> memref<10000x128xf32, #tpu.memory_space<hbm>>
        tpu.enqueue_indirect_dma source(%dma_start3A_109 : memref<10000x128xf32, #tpu.memory_space<hbm>>) target(%arg10 : memref<128x128xf32, #tpu.memory_space<vmem>>) offsets(%arg8 : memref<128xi32, #tpu.memory_space<vmem>>) semaphore(%arg13 : memref<!tpu.dma_semaphore, #tpu.memory_space<semaphore_mem>>)
        %add3A_110 = arith.constant 2 : i32
        %add3A_111 = arith.addi %mul3A_92, %add3A_110 : i32
        %lt3A = arith.constant 128 : i32
        %lt3A_112 = arith.cmpi slt, %add3A_111, %lt3A : i32
        %convert_element_type3A_113 = arith.extui %lt3A_112 : i1 to i32
        %cond3A_114 = arith.constant 0 : i32
        %cond3A_115 = arith.cmpi ne, %convert_element_type3A_113, %cond3A_114 : i32
        scf.if %cond3A_115 {
          %add3A_148 = arith.constant 2 : i32
          %add3A_149 = arith.addi %mul3A_92, %add3A_148 : i32
          %mul3A_150 = arith.constant 128 : i32
          %mul3A_151 = arith.muli %add3A_149, %mul3A_150 : i32
          %add3A_152 = arith.addi %mul3A_54, %mul3A_151 : i32
          %dma_start3A_153 = tpu.memref_slice %arg3[%add3A_152] : memref<327680xi32, #tpu.memory_space<hbm>> -> memref<128xi32, #tpu.memory_space<hbm>>
          %dma_start3A_154 = tpu.memref_slice %arg3[%add3A_152] : memref<327680xi32, #tpu.memory_space<hbm>> -> memref<128xi32, #tpu.memory_space<hbm>>
          tpu.enqueue_dma source(%dma_start3A_154 : memref<128xi32, #tpu.memory_space<hbm>>) target(%arg7 : memref<128xi32, #tpu.memory_space<vmem>>) target_semaphore(%arg14 : memref<!tpu.dma_semaphore, #tpu.memory_space<semaphore_mem>>)
        } else {
        }
        %dma_start3A_116 = arith.constant 0 : i32
        %dma_start3A_117 = tpu.memref_slice %arg6[%mul3A_92, %dma_start3A_116] : memref<128x128xi32, #tpu.memory_space<vmem>> -> memref<1x128xi32, #tpu.memory_space<vmem>>
        %dma_start3A_118 = tpu.memref_squeeze %dma_start3A_117 : memref<1x128xi32, #tpu.memory_space<vmem>> -> memref<128xi32, #tpu.memory_space<vmem>>
        %dma_start3A_119 = arith.constant 0 : i32
        %dma_start3A_120 = arith.constant 0 : i32
        %dma_start3A_121 = tpu.memref_slice %arg11[%dma_start3A_119, %dma_start3A_120] : memref<10112x128xf32, #tpu.memory_space<vmem_shared>> -> memref<10112x128xf32, #tpu.memory_space<vmem_shared>>
        tpu.enqueue_indirect_dma source(%arg9 : memref<128x128xf32, #tpu.memory_space<vmem>>) target(%dma_start3A_121 : memref<10112x128xf32, #tpu.memory_space<vmem_shared>>) offsets(%dma_start3A_118 : memref<128xi32, #tpu.memory_space<vmem>>) semaphore(%arg16 : memref<!tpu.dma_semaphore, #tpu.memory_space<semaphore_mem>>) {add = true}
        %dma_wait3A_122 = arith.constant 0 : i32
        %dma_wait3A_123 = arith.constant 0 : i32
        %dma_wait3A_124 = tpu.memref_slice %arg2[%dma_wait3A_122, %dma_wait3A_123] : memref<10000x128xf32, #tpu.memory_space<hbm>> -> memref<10000x128xf32, #tpu.memory_space<hbm>>
        tpu.wait_indirect_dma semaphore(%arg13 : memref<!tpu.dma_semaphore, #tpu.memory_space<semaphore_mem>>) src(%dma_wait3A_124 : memref<10000x128xf32, #tpu.memory_space<hbm>>) dst(%arg10 : memref<128x128xf32, #tpu.memory_space<vmem>>)
        %add3A_125 = arith.constant 2 : i32
        %add3A_126 = arith.addi %mul3A_92, %add3A_125 : i32
        %lt3A_127 = arith.constant 128 : i32
        %lt3A_128 = arith.cmpi slt, %add3A_126, %lt3A_127 : i32
        %convert_element_type3A_129 = arith.extui %lt3A_128 : i1 to i32
        %cond3A_130 = arith.constant 0 : i32
        %cond3A_131 = arith.cmpi ne, %convert_element_type3A_129, %cond3A_130 : i32
        scf.if %cond3A_131 {
          %add3A_148 = arith.constant 2 : i32
          %add3A_149 = arith.addi %mul3A_92, %add3A_148 : i32
          %mul3A_150 = arith.constant 128 : i32
          %mul3A_151 = arith.muli %add3A_149, %mul3A_150 : i32
          %add3A_152 = arith.addi %mul3A_54, %mul3A_151 : i32
          %dma_wait3A_153 = tpu.memref_slice %arg3[%add3A_152] : memref<327680xi32, #tpu.memory_space<hbm>> -> memref<128xi32, #tpu.memory_space<hbm>>
          %dma_wait3A_154 = tpu.memref_slice %arg3[%add3A_152] : memref<327680xi32, #tpu.memory_space<hbm>> -> memref<128xi32, #tpu.memory_space<hbm>>
          tpu.wait_dma2 semaphore(%arg14 : memref<!tpu.dma_semaphore, #tpu.memory_space<semaphore_mem>>) src(%dma_wait3A_154 : memref<128xi32, #tpu.memory_space<hbm>>) dst(%arg7 : memref<128xi32, #tpu.memory_space<vmem>>)
          %dma_wait3A_155 = arith.constant 0 : i32
          %dma_wait3A_156 = tpu.memref_slice %arg6[%mul3A_92, %dma_wait3A_155] : memref<128x128xi32, #tpu.memory_space<vmem>> -> memref<1x128xi32, #tpu.memory_space<vmem>>
          %dma_wait3A_157 = tpu.memref_squeeze %dma_wait3A_156 : memref<1x128xi32, #tpu.memory_space<vmem>> -> memref<128xi32, #tpu.memory_space<vmem>>
          %dma_wait3A_158 = arith.constant 0 : i32
          %dma_wait3A_159 = arith.constant 0 : i32
          %dma_wait3A_160 = tpu.memref_slice %arg11[%dma_wait3A_158, %dma_wait3A_159] : memref<10112x128xf32, #tpu.memory_space<vmem_shared>> -> memref<10112x128xf32, #tpu.memory_space<vmem_shared>>
          tpu.wait_indirect_dma semaphore(%arg16 : memref<!tpu.dma_semaphore, #tpu.memory_space<semaphore_mem>>) src(%arg9 : memref<128x128xf32, #tpu.memory_space<vmem>>) dst(%dma_wait3A_160 : memref<10112x128xf32, #tpu.memory_space<vmem_shared>>)
          %dma_start3A_161 = arith.constant 0 : i32
          %dma_start3A_162 = arith.constant 0 : i32
          %dma_start3A_163 = tpu.memref_slice %arg2[%dma_start3A_161, %dma_start3A_162] : memref<10000x128xf32, #tpu.memory_space<hbm>> -> memref<10000x128xf32, #tpu.memory_space<hbm>>
          tpu.enqueue_indirect_dma source(%dma_start3A_163 : memref<10000x128xf32, #tpu.memory_space<hbm>>) target(%arg9 : memref<128x128xf32, #tpu.memory_space<vmem>>) offsets(%arg7 : memref<128xi32, #tpu.memory_space<vmem>>) semaphore(%arg12 : memref<!tpu.dma_semaphore, #tpu.memory_space<semaphore_mem>>)
        } else {
        }
        %add3A_132 = arith.constant 3 : i32
        %add3A_133 = arith.addi %mul3A_92, %add3A_132 : i32
        %lt3A_134 = arith.constant 128 : i32
        %lt3A_135 = arith.cmpi slt, %add3A_133, %lt3A_134 : i32
        %convert_element_type3A_136 = arith.extui %lt3A_135 : i1 to i32
        %cond3A_137 = arith.constant 0 : i32
        %cond3A_138 = arith.cmpi ne, %convert_element_type3A_136, %cond3A_137 : i32
        scf.if %cond3A_138 {
          %add3A_148 = arith.constant 3 : i32
          %add3A_149 = arith.addi %mul3A_92, %add3A_148 : i32
          %mul3A_150 = arith.constant 128 : i32
          %mul3A_151 = arith.muli %add3A_149, %mul3A_150 : i32
          %add3A_152 = arith.addi %mul3A_54, %mul3A_151 : i32
          %dma_start3A_153 = tpu.memref_slice %arg3[%add3A_152] : memref<327680xi32, #tpu.memory_space<hbm>> -> memref<128xi32, #tpu.memory_space<hbm>>
          %dma_start3A_154 = tpu.memref_slice %arg3[%add3A_152] : memref<327680xi32, #tpu.memory_space<hbm>> -> memref<128xi32, #tpu.memory_space<hbm>>
          tpu.enqueue_dma source(%dma_start3A_154 : memref<128xi32, #tpu.memory_space<hbm>>) target(%arg8 : memref<128xi32, #tpu.memory_space<vmem>>) target_semaphore(%arg15 : memref<!tpu.dma_semaphore, #tpu.memory_space<semaphore_mem>>)
        } else {
        }
        %add3A_139 = arith.constant 1 : i32
        %add3A_140 = arith.addi %mul3A_92, %add3A_139 : i32
        %dma_start3A_141 = arith.constant 0 : i32
        %dma_start3A_142 = tpu.memref_slice %arg6[%add3A_140, %dma_start3A_141] : memref<128x128xi32, #tpu.memory_space<vmem>> -> memref<1x128xi32, #tpu.memory_space<vmem>>
        %dma_start3A_143 = tpu.memref_squeeze %dma_start3A_142 : memref<1x128xi32, #tpu.memory_space<vmem>> -> memref<128xi32, #tpu.memory_space<vmem>>
        %dma_start3A_144 = arith.constant 0 : i32
        %dma_start3A_145 = arith.constant 0 : i32
        %dma_start3A_146 = tpu.memref_slice %arg11[%dma_start3A_144, %dma_start3A_145] : memref<10112x128xf32, #tpu.memory_space<vmem_shared>> -> memref<10112x128xf32, #tpu.memory_space<vmem_shared>>
        tpu.enqueue_indirect_dma source(%arg10 : memref<128x128xf32, #tpu.memory_space<vmem>>) target(%dma_start3A_146 : memref<10112x128xf32, #tpu.memory_space<vmem_shared>>) offsets(%dma_start3A_143 : memref<128xi32, #tpu.memory_space<vmem>>) semaphore(%arg17 : memref<!tpu.dma_semaphore, #tpu.memory_space<semaphore_mem>>) {add = true}
        %scan3A_147 = arith.constant 0 : i32
        scf.yield %scan3A_147 : i32
      }
      %scan3A_74 = arith.constant 64 : i32
      %dma_wait3A_75 = arith.constant 126 : i32
      %dma_wait3A_76 = arith.constant 0 : i32
      %dma_wait3A_77 = tpu.memref_slice %arg6[%dma_wait3A_75, %dma_wait3A_76] : memref<128x128xi32, #tpu.memory_space<vmem>> -> memref<1x128xi32, #tpu.memory_space<vmem>>
      %dma_wait3A_78 = tpu.memref_squeeze %dma_wait3A_77 : memref<1x128xi32, #tpu.memory_space<vmem>> -> memref<128xi32, #tpu.memory_space<vmem>>
      %dma_wait3A_79 = arith.constant 0 : i32
      %dma_wait3A_80 = arith.constant 0 : i32
      %dma_wait3A_81 = tpu.memref_slice %arg11[%dma_wait3A_79, %dma_wait3A_80] : memref<10112x128xf32, #tpu.memory_space<vmem_shared>> -> memref<10112x128xf32, #tpu.memory_space<vmem_shared>>
      tpu.wait_indirect_dma semaphore(%arg16 : memref<!tpu.dma_semaphore, #tpu.memory_space<semaphore_mem>>) src(%arg9 : memref<128x128xf32, #tpu.memory_space<vmem>>) dst(%dma_wait3A_81 : memref<10112x128xf32, #tpu.memory_space<vmem_shared>>)
      %dma_wait3A_82 = arith.constant 127 : i32
      %dma_wait3A_83 = arith.constant 0 : i32
      %dma_wait3A_84 = tpu.memref_slice %arg6[%dma_wait3A_82, %dma_wait3A_83] : memref<128x128xi32, #tpu.memory_space<vmem>> -> memref<1x128xi32, #tpu.memory_space<vmem>>
      %dma_wait3A_85 = tpu.memref_squeeze %dma_wait3A_84 : memref<1x128xi32, #tpu.memory_space<vmem>> -> memref<128xi32, #tpu.memory_space<vmem>>
      %dma_wait3A_86 = arith.constant 0 : i32
      %dma_wait3A_87 = arith.constant 0 : i32
      %dma_wait3A_88 = tpu.memref_slice %arg11[%dma_wait3A_86, %dma_wait3A_87] : memref<10112x128xf32, #tpu.memory_space<vmem_shared>> -> memref<10112x128xf32, #tpu.memory_space<vmem_shared>>
      tpu.wait_indirect_dma semaphore(%arg17 : memref<!tpu.dma_semaphore, #tpu.memory_space<semaphore_mem>>) src(%arg10 : memref<128x128xf32, #tpu.memory_space<vmem>>) dst(%dma_wait3A_88 : memref<10112x128xf32, #tpu.memory_space<vmem_shared>>)
    } else {
    }
    %ne3A = arith.constant 1 : i32
    %ne3A_26 = arith.cmpi ne, %arg0, %ne3A : i32
    %convert_element_type3A_27 = arith.extui %ne3A_26 : i1 to i32
    %cond3A_28 = arith.constant 0 : i32
    %cond3A_29 = arith.cmpi ne, %convert_element_type3A_27, %cond3A_28 : i32
    scf.if %cond3A_29 {
      %mul3A_51 = arith.constant 32 : i32
      %mul3A_52 = arith.muli %arg1, %mul3A_51 : i32
      %add3A_53 = arith.constant 2048 : i32
      %add3A_54 = arith.addi %add3A_53, %mul3A_52 : i32
      "tpu.region"() ({
        %run_scoped3A = tpu.sem_alloc : memref<!tpu.dma_semaphore, #tpu.memory_space<semaphore_mem>>
        %dma_start3A_91 = arith.constant 0 : i32
        %dma_start3A_92 = arith.constant 0 : i32
        %dma_start3A_93 = tpu.memref_slice %arg6[%dma_start3A_91, %dma_start3A_92] : memref<128x128xi32, #tpu.memory_space<vmem>> -> memref<32x128xi32, #tpu.memory_space<vmem>>
        %dma_start3A_94 = arith.constant 0 : i32
        %dma_start3A_95 = tpu.memref_slice %arg4[%add3A_54, %dma_start3A_94] : memref<2560x128xi32, #tpu.memory_space<hbm>> -> memref<32x128xi32, #tpu.memory_space<hbm>>
        %dma_start3A_96 = arith.constant 0 : i32
        %dma_start3A_97 = arith.constant 0 : i32
        %dma_start3A_98 = tpu.memref_slice %arg6[%dma_start3A_96, %dma_start3A_97] : memref<128x128xi32, #tpu.memory_space<vmem>> -> memref<32x128xi32, #tpu.memory_space<vmem>>
        %dma_start3A_99 = arith.constant 0 : i32
        %dma_start3A_100 = tpu.memref_slice %arg4[%add3A_54, %dma_start3A_99] : memref<2560x128xi32, #tpu.memory_space<hbm>> -> memref<32x128xi32, #tpu.memory_space<hbm>>
        tpu.enqueue_dma source(%dma_start3A_100 : memref<32x128xi32, #tpu.memory_space<hbm>>) target(%dma_start3A_98 : memref<32x128xi32, #tpu.memory_space<vmem>>) target_semaphore(%run_scoped3A : memref<!tpu.dma_semaphore, #tpu.memory_space<semaphore_mem>>)
        %dma_wait3A_101 = arith.constant 0 : i32
        %dma_wait3A_102 = arith.constant 0 : i32
        %dma_wait3A_103 = tpu.memref_slice %arg6[%dma_wait3A_101, %dma_wait3A_102] : memref<128x128xi32, #tpu.memory_space<vmem>> -> memref<32x128xi32, #tpu.memory_space<vmem>>
        %dma_wait3A_104 = arith.constant 0 : i32
        %dma_wait3A_105 = tpu.memref_slice %arg4[%add3A_54, %dma_wait3A_104] : memref<2560x128xi32, #tpu.memory_space<hbm>> -> memref<32x128xi32, #tpu.memory_space<hbm>>
        %dma_wait3A_106 = arith.constant 0 : i32
        %dma_wait3A_107 = arith.constant 0 : i32
        %dma_wait3A_108 = tpu.memref_slice %arg6[%dma_wait3A_106, %dma_wait3A_107] : memref<128x128xi32, #tpu.memory_space<vmem>> -> memref<32x128xi32, #tpu.memory_space<vmem>>
        %dma_wait3A_109 = arith.constant 0 : i32
        %dma_wait3A_110 = tpu.memref_slice %arg4[%add3A_54, %dma_wait3A_109] : memref<2560x128xi32, #tpu.memory_space<hbm>> -> memref<32x128xi32, #tpu.memory_space<hbm>>
        tpu.wait_dma2 semaphore(%run_scoped3A : memref<!tpu.dma_semaphore, #tpu.memory_space<semaphore_mem>>) src(%dma_wait3A_110 : memref<32x128xi32, #tpu.memory_space<hbm>>) dst(%dma_wait3A_108 : memref<32x128xi32, #tpu.memory_space<vmem>>)
        tpu.yield
      }) : () -> ()
      %mul3A_55 = arith.constant 128 : i32
      %mul3A_56 = arith.muli %add3A_54, %mul3A_55 : i32
      %add3A_57 = arith.constant 0 : i32
      %add3A_58 = arith.addi %mul3A_56, %add3A_57 : i32
      %dma_start3A = tpu.memref_slice %arg3[%add3A_58] : memref<327680xi32, #tpu.memory_space<hbm>> -> memref<128xi32, #tpu.memory_space<hbm>>
      %dma_start3A_59 = tpu.memref_slice %arg3[%add3A_58] : memref<327680xi32, #tpu.memory_space<hbm>> -> memref<128xi32, #tpu.memory_space<hbm>>
      tpu.enqueue_dma source(%dma_start3A_59 : memref<128xi32, #tpu.memory_space<hbm>>) target(%arg7 : memref<128xi32, #tpu.memory_space<vmem>>) target_semaphore(%arg14 : memref<!tpu.dma_semaphore, #tpu.memory_space<semaphore_mem>>)
      %add3A_60 = arith.constant 0 : i32
      %add3A_61 = arith.addi %mul3A_56, %add3A_60 : i32
      %dma_wait3A = tpu.memref_slice %arg3[%add3A_61] : memref<327680xi32, #tpu.memory_space<hbm>> -> memref<128xi32, #tpu.memory_space<hbm>>
      %dma_wait3A_62 = tpu.memref_slice %arg3[%add3A_61] : memref<327680xi32, #tpu.memory_space<hbm>> -> memref<128xi32, #tpu.memory_space<hbm>>
      tpu.wait_dma2 semaphore(%arg14 : memref<!tpu.dma_semaphore, #tpu.memory_space<semaphore_mem>>) src(%dma_wait3A_62 : memref<128xi32, #tpu.memory_space<hbm>>) dst(%arg7 : memref<128xi32, #tpu.memory_space<vmem>>)
      %dma_start3A_63 = arith.constant 0 : i32
      %dma_start3A_64 = arith.constant 0 : i32
      %dma_start3A_65 = tpu.memref_slice %arg2[%dma_start3A_63, %dma_start3A_64] : memref<10000x128xf32, #tpu.memory_space<hbm>> -> memref<10000x128xf32, #tpu.memory_space<hbm>>
      tpu.enqueue_indirect_dma source(%dma_start3A_65 : memref<10000x128xf32, #tpu.memory_space<hbm>>) target(%arg9 : memref<128x128xf32, #tpu.memory_space<vmem>>) offsets(%arg7 : memref<128xi32, #tpu.memory_space<vmem>>) semaphore(%arg12 : memref<!tpu.dma_semaphore, #tpu.memory_space<semaphore_mem>>)
      %add3A_66 = arith.constant 128 : i32
      %add3A_67 = arith.addi %mul3A_56, %add3A_66 : i32
      %dma_start3A_68 = tpu.memref_slice %arg3[%add3A_67] : memref<327680xi32, #tpu.memory_space<hbm>> -> memref<128xi32, #tpu.memory_space<hbm>>
      %dma_start3A_69 = tpu.memref_slice %arg3[%add3A_67] : memref<327680xi32, #tpu.memory_space<hbm>> -> memref<128xi32, #tpu.memory_space<hbm>>
      tpu.enqueue_dma source(%dma_start3A_69 : memref<128xi32, #tpu.memory_space<hbm>>) target(%arg8 : memref<128xi32, #tpu.memory_space<vmem>>) target_semaphore(%arg15 : memref<!tpu.dma_semaphore, #tpu.memory_space<semaphore_mem>>)
      %scan3A_70 = arith.constant 0 : i32
      %scan3A_71 = arith.constant 0 : i32
      %scan3A_72 = arith.constant 16 : i32
      %scan3A_73 = arith.addi %scan3A_71, %scan3A_72 : i32
      %scan3A_74 = arith.constant 1 : i32
      %scan3A_75 = scf.for %scan3A_91 = %scan3A_71 to %scan3A_73 step %scan3A_74 iter_args(%scan3A_92 = %scan3A_70) -> (i32)  : i32 {
        %mul3A_93 = arith.constant 2 : i32
        %mul3A_94 = arith.muli %mul3A_93, %scan3A_91 : i32
        %dma_wait3A_95 = arith.constant 0 : i32
        %dma_wait3A_96 = arith.constant 0 : i32
        %dma_wait3A_97 = tpu.memref_slice %arg2[%dma_wait3A_95, %dma_wait3A_96] : memref<10000x128xf32, #tpu.memory_space<hbm>> -> memref<10000x128xf32, #tpu.memory_space<hbm>>
        tpu.wait_indirect_dma semaphore(%arg12 : memref<!tpu.dma_semaphore, #tpu.memory_space<semaphore_mem>>) src(%dma_wait3A_97 : memref<10000x128xf32, #tpu.memory_space<hbm>>) dst(%arg9 : memref<128x128xf32, #tpu.memory_space<vmem>>)
        %add3A_98 = arith.constant 1 : i32
        %add3A_99 = arith.addi %mul3A_94, %add3A_98 : i32
        %mul3A_100 = arith.constant 128 : i32
        %mul3A_101 = arith.muli %add3A_99, %mul3A_100 : i32
        %add3A_102 = arith.addi %mul3A_56, %mul3A_101 : i32
        %dma_wait3A_103 = tpu.memref_slice %arg3[%add3A_102] : memref<327680xi32, #tpu.memory_space<hbm>> -> memref<128xi32, #tpu.memory_space<hbm>>
        %dma_wait3A_104 = tpu.memref_slice %arg3[%add3A_102] : memref<327680xi32, #tpu.memory_space<hbm>> -> memref<128xi32, #tpu.memory_space<hbm>>
        tpu.wait_dma2 semaphore(%arg15 : memref<!tpu.dma_semaphore, #tpu.memory_space<semaphore_mem>>) src(%dma_wait3A_104 : memref<128xi32, #tpu.memory_space<hbm>>) dst(%arg8 : memref<128xi32, #tpu.memory_space<vmem>>)
        %gt3A = arith.constant 0 : i32
        %gt3A_105 = arith.cmpi sgt, %mul3A_94, %gt3A : i32
        %convert_element_type3A_106 = arith.extui %gt3A_105 : i1 to i32
        %cond3A_107 = arith.constant 0 : i32
        %cond3A_108 = arith.cmpi ne, %convert_element_type3A_106, %cond3A_107 : i32
        scf.if %cond3A_108 {
          %sub3A = arith.constant 1 : i32
          %sub3A_150 = arith.subi %mul3A_94, %sub3A : i32
          %dma_wait3A_151 = arith.constant 0 : i32
          %dma_wait3A_152 = tpu.memref_slice %arg6[%sub3A_150, %dma_wait3A_151] : memref<128x128xi32, #tpu.memory_space<vmem>> -> memref<1x128xi32, #tpu.memory_space<vmem>>
          %dma_wait3A_153 = tpu.memref_squeeze %dma_wait3A_152 : memref<1x128xi32, #tpu.memory_space<vmem>> -> memref<128xi32, #tpu.memory_space<vmem>>
          %dma_wait3A_154 = arith.constant 0 : i32
          %dma_wait3A_155 = arith.constant 0 : i32
          %dma_wait3A_156 = tpu.memref_slice %arg11[%dma_wait3A_154, %dma_wait3A_155] : memref<10112x128xf32, #tpu.memory_space<vmem_shared>> -> memref<10112x128xf32, #tpu.memory_space<vmem_shared>>
          tpu.wait_indirect_dma semaphore(%arg17 : memref<!tpu.dma_semaphore, #tpu.memory_space<semaphore_mem>>) src(%arg10 : memref<128x128xf32, #tpu.memory_space<vmem>>) dst(%dma_wait3A_156 : memref<10112x128xf32, #tpu.memory_space<vmem_shared>>)
        } else {
        }
        %dma_start3A_109 = arith.constant 0 : i32
        %dma_start3A_110 = arith.constant 0 : i32
        %dma_start3A_111 = tpu.memref_slice %arg2[%dma_start3A_109, %dma_start3A_110] : memref<10000x128xf32, #tpu.memory_space<hbm>> -> memref<10000x128xf32, #tpu.memory_space<hbm>>
        tpu.enqueue_indirect_dma source(%dma_start3A_111 : memref<10000x128xf32, #tpu.memory_space<hbm>>) target(%arg10 : memref<128x128xf32, #tpu.memory_space<vmem>>) offsets(%arg8 : memref<128xi32, #tpu.memory_space<vmem>>) semaphore(%arg13 : memref<!tpu.dma_semaphore, #tpu.memory_space<semaphore_mem>>)
        %add3A_112 = arith.constant 2 : i32
        %add3A_113 = arith.addi %mul3A_94, %add3A_112 : i32
        %lt3A = arith.constant 32 : i32
        %lt3A_114 = arith.cmpi slt, %add3A_113, %lt3A : i32
        %convert_element_type3A_115 = arith.extui %lt3A_114 : i1 to i32
        %cond3A_116 = arith.constant 0 : i32
        %cond3A_117 = arith.cmpi ne, %convert_element_type3A_115, %cond3A_116 : i32
        scf.if %cond3A_117 {
          %add3A_150 = arith.constant 2 : i32
          %add3A_151 = arith.addi %mul3A_94, %add3A_150 : i32
          %mul3A_152 = arith.constant 128 : i32
          %mul3A_153 = arith.muli %add3A_151, %mul3A_152 : i32
          %add3A_154 = arith.addi %mul3A_56, %mul3A_153 : i32
          %dma_start3A_155 = tpu.memref_slice %arg3[%add3A_154] : memref<327680xi32, #tpu.memory_space<hbm>> -> memref<128xi32, #tpu.memory_space<hbm>>
          %dma_start3A_156 = tpu.memref_slice %arg3[%add3A_154] : memref<327680xi32, #tpu.memory_space<hbm>> -> memref<128xi32, #tpu.memory_space<hbm>>
          tpu.enqueue_dma source(%dma_start3A_156 : memref<128xi32, #tpu.memory_space<hbm>>) target(%arg7 : memref<128xi32, #tpu.memory_space<vmem>>) target_semaphore(%arg14 : memref<!tpu.dma_semaphore, #tpu.memory_space<semaphore_mem>>)
        } else {
        }
        %dma_start3A_118 = arith.constant 0 : i32
        %dma_start3A_119 = tpu.memref_slice %arg6[%mul3A_94, %dma_start3A_118] : memref<128x128xi32, #tpu.memory_space<vmem>> -> memref<1x128xi32, #tpu.memory_space<vmem>>
        %dma_start3A_120 = tpu.memref_squeeze %dma_start3A_119 : memref<1x128xi32, #tpu.memory_space<vmem>> -> memref<128xi32, #tpu.memory_space<vmem>>
        %dma_start3A_121 = arith.constant 0 : i32
        %dma_start3A_122 = arith.constant 0 : i32
        %dma_start3A_123 = tpu.memref_slice %arg11[%dma_start3A_121, %dma_start3A_122] : memref<10112x128xf32, #tpu.memory_space<vmem_shared>> -> memref<10112x128xf32, #tpu.memory_space<vmem_shared>>
        tpu.enqueue_indirect_dma source(%arg9 : memref<128x128xf32, #tpu.memory_space<vmem>>) target(%dma_start3A_123 : memref<10112x128xf32, #tpu.memory_space<vmem_shared>>) offsets(%dma_start3A_120 : memref<128xi32, #tpu.memory_space<vmem>>) semaphore(%arg16 : memref<!tpu.dma_semaphore, #tpu.memory_space<semaphore_mem>>) {add = true}
        %dma_wait3A_124 = arith.constant 0 : i32
        %dma_wait3A_125 = arith.constant 0 : i32
        %dma_wait3A_126 = tpu.memref_slice %arg2[%dma_wait3A_124, %dma_wait3A_125] : memref<10000x128xf32, #tpu.memory_space<hbm>> -> memref<10000x128xf32, #tpu.memory_space<hbm>>
        tpu.wait_indirect_dma semaphore(%arg13 : memref<!tpu.dma_semaphore, #tpu.memory_space<semaphore_mem>>) src(%dma_wait3A_126 : memref<10000x128xf32, #tpu.memory_space<hbm>>) dst(%arg10 : memref<128x128xf32, #tpu.memory_space<vmem>>)
        %add3A_127 = arith.constant 2 : i32
        %add3A_128 = arith.addi %mul3A_94, %add3A_127 : i32
        %lt3A_129 = arith.constant 32 : i32
        %lt3A_130 = arith.cmpi slt, %add3A_128, %lt3A_129 : i32
        %convert_element_type3A_131 = arith.extui %lt3A_130 : i1 to i32
        %cond3A_132 = arith.constant 0 : i32
        %cond3A_133 = arith.cmpi ne, %convert_element_type3A_131, %cond3A_132 : i32
        scf.if %cond3A_133 {
          %add3A_150 = arith.constant 2 : i32
          %add3A_151 = arith.addi %mul3A_94, %add3A_150 : i32
          %mul3A_152 = arith.constant 128 : i32
          %mul3A_153 = arith.muli %add3A_151, %mul3A_152 : i32
          %add3A_154 = arith.addi %mul3A_56, %mul3A_153 : i32
          %dma_wait3A_155 = tpu.memref_slice %arg3[%add3A_154] : memref<327680xi32, #tpu.memory_space<hbm>> -> memref<128xi32, #tpu.memory_space<hbm>>
          %dma_wait3A_156 = tpu.memref_slice %arg3[%add3A_154] : memref<327680xi32, #tpu.memory_space<hbm>> -> memref<128xi32, #tpu.memory_space<hbm>>
          tpu.wait_dma2 semaphore(%arg14 : memref<!tpu.dma_semaphore, #tpu.memory_space<semaphore_mem>>) src(%dma_wait3A_156 : memref<128xi32, #tpu.memory_space<hbm>>) dst(%arg7 : memref<128xi32, #tpu.memory_space<vmem>>)
          %dma_wait3A_157 = arith.constant 0 : i32
          %dma_wait3A_158 = tpu.memref_slice %arg6[%mul3A_94, %dma_wait3A_157] : memref<128x128xi32, #tpu.memory_space<vmem>> -> memref<1x128xi32, #tpu.memory_space<vmem>>
          %dma_wait3A_159 = tpu.memref_squeeze %dma_wait3A_158 : memref<1x128xi32, #tpu.memory_space<vmem>> -> memref<128xi32, #tpu.memory_space<vmem>>
          %dma_wait3A_160 = arith.constant 0 : i32
          %dma_wait3A_161 = arith.constant 0 : i32
          %dma_wait3A_162 = tpu.memref_slice %arg11[%dma_wait3A_160, %dma_wait3A_161] : memref<10112x128xf32, #tpu.memory_space<vmem_shared>> -> memref<10112x128xf32, #tpu.memory_space<vmem_shared>>
          tpu.wait_indirect_dma semaphore(%arg16 : memref<!tpu.dma_semaphore, #tpu.memory_space<semaphore_mem>>) src(%arg9 : memref<128x128xf32, #tpu.memory_space<vmem>>) dst(%dma_wait3A_162 : memref<10112x128xf32, #tpu.memory_space<vmem_shared>>)
          %dma_start3A_163 = arith.constant 0 : i32
          %dma_start3A_164 = arith.constant 0 : i32
          %dma_start3A_165 = tpu.memref_slice %arg2[%dma_start3A_163, %dma_start3A_164] : memref<10000x128xf32, #tpu.memory_space<hbm>> -> memref<10000x128xf32, #tpu.memory_space<hbm>>
          tpu.enqueue_indirect_dma source(%dma_start3A_165 : memref<10000x128xf32, #tpu.memory_space<hbm>>) target(%arg9 : memref<128x128xf32, #tpu.memory_space<vmem>>) offsets(%arg7 : memref<128xi32, #tpu.memory_space<vmem>>) semaphore(%arg12 : memref<!tpu.dma_semaphore, #tpu.memory_space<semaphore_mem>>)
        } else {
        }
        %add3A_134 = arith.constant 3 : i32
        %add3A_135 = arith.addi %mul3A_94, %add3A_134 : i32
        %lt3A_136 = arith.constant 32 : i32
        %lt3A_137 = arith.cmpi slt, %add3A_135, %lt3A_136 : i32
        %convert_element_type3A_138 = arith.extui %lt3A_137 : i1 to i32
        %cond3A_139 = arith.constant 0 : i32
        %cond3A_140 = arith.cmpi ne, %convert_element_type3A_138, %cond3A_139 : i32
        scf.if %cond3A_140 {
          %add3A_150 = arith.constant 3 : i32
          %add3A_151 = arith.addi %mul3A_94, %add3A_150 : i32
          %mul3A_152 = arith.constant 128 : i32
          %mul3A_153 = arith.muli %add3A_151, %mul3A_152 : i32
          %add3A_154 = arith.addi %mul3A_56, %mul3A_153 : i32
          %dma_start3A_155 = tpu.memref_slice %arg3[%add3A_154] : memref<327680xi32, #tpu.memory_space<hbm>> -> memref<128xi32, #tpu.memory_space<hbm>>
          %dma_start3A_156 = tpu.memref_slice %arg3[%add3A_154] : memref<327680xi32, #tpu.memory_space<hbm>> -> memref<128xi32, #tpu.memory_space<hbm>>
          tpu.enqueue_dma source(%dma_start3A_156 : memref<128xi32, #tpu.memory_space<hbm>>) target(%arg8 : memref<128xi32, #tpu.memory_space<vmem>>) target_semaphore(%arg15 : memref<!tpu.dma_semaphore, #tpu.memory_space<semaphore_mem>>)
        } else {
        }
        %add3A_141 = arith.constant 1 : i32
        %add3A_142 = arith.addi %mul3A_94, %add3A_141 : i32
        %dma_start3A_143 = arith.constant 0 : i32
        %dma_start3A_144 = tpu.memref_slice %arg6[%add3A_142, %dma_start3A_143] : memref<128x128xi32, #tpu.memory_space<vmem>> -> memref<1x128xi32, #tpu.memory_space<vmem>>
        %dma_start3A_145 = tpu.memref_squeeze %dma_start3A_144 : memref<1x128xi32, #tpu.memory_space<vmem>> -> memref<128xi32, #tpu.memory_space<vmem>>
        %dma_start3A_146 = arith.constant 0 : i32
        %dma_start3A_147 = arith.constant 0 : i32
        %dma_start3A_148 = tpu.memref_slice %arg11[%dma_start3A_146, %dma_start3A_147] : memref<10112x128xf32, #tpu.memory_space<vmem_shared>> -> memref<10112x128xf32, #tpu.memory_space<vmem_shared>>
        tpu.enqueue_indirect_dma source(%arg10 : memref<128x128xf32, #tpu.memory_space<vmem>>) target(%dma_start3A_148 : memref<10112x128xf32, #tpu.memory_space<vmem_shared>>) offsets(%dma_start3A_145 : memref<128xi32, #tpu.memory_space<vmem>>) semaphore(%arg17 : memref<!tpu.dma_semaphore, #tpu.memory_space<semaphore_mem>>) {add = true}
        %scan3A_149 = arith.constant 0 : i32
        scf.yield %scan3A_149 : i32
      }
      %scan3A_76 = arith.constant 16 : i32
      %dma_wait3A_77 = arith.constant 30 : i32
      %dma_wait3A_78 = arith.constant 0 : i32
      %dma_wait3A_79 = tpu.memref_slice %arg6[%dma_wait3A_77, %dma_wait3A_78] : memref<128x128xi32, #tpu.memory_space<vmem>> -> memref<1x128xi32, #tpu.memory_space<vmem>>
      %dma_wait3A_80 = tpu.memref_squeeze %dma_wait3A_79 : memref<1x128xi32, #tpu.memory_space<vmem>> -> memref<128xi32, #tpu.memory_space<vmem>>
      %dma_wait3A_81 = arith.constant 0 : i32
      %dma_wait3A_82 = arith.constant 0 : i32
      %dma_wait3A_83 = tpu.memref_slice %arg11[%dma_wait3A_81, %dma_wait3A_82] : memref<10112x128xf32, #tpu.memory_space<vmem_shared>> -> memref<10112x128xf32, #tpu.memory_space<vmem_shared>>
      tpu.wait_indirect_dma semaphore(%arg16 : memref<!tpu.dma_semaphore, #tpu.memory_space<semaphore_mem>>) src(%arg9 : memref<128x128xf32, #tpu.memory_space<vmem>>) dst(%dma_wait3A_83 : memref<10112x128xf32, #tpu.memory_space<vmem_shared>>)
      %dma_wait3A_84 = arith.constant 31 : i32
      %dma_wait3A_85 = arith.constant 0 : i32
      %dma_wait3A_86 = tpu.memref_slice %arg6[%dma_wait3A_84, %dma_wait3A_85] : memref<128x128xi32, #tpu.memory_space<vmem>> -> memref<1x128xi32, #tpu.memory_space<vmem>>
      %dma_wait3A_87 = tpu.memref_squeeze %dma_wait3A_86 : memref<1x128xi32, #tpu.memory_space<vmem>> -> memref<128xi32, #tpu.memory_space<vmem>>
      %dma_wait3A_88 = arith.constant 0 : i32
      %dma_wait3A_89 = arith.constant 0 : i32
      %dma_wait3A_90 = tpu.memref_slice %arg11[%dma_wait3A_88, %dma_wait3A_89] : memref<10112x128xf32, #tpu.memory_space<vmem_shared>> -> memref<10112x128xf32, #tpu.memory_space<vmem_shared>>
      tpu.wait_indirect_dma semaphore(%arg17 : memref<!tpu.dma_semaphore, #tpu.memory_space<semaphore_mem>>) src(%arg10 : memref<128x128xf32, #tpu.memory_space<vmem>>) dst(%dma_wait3A_90 : memref<10112x128xf32, #tpu.memory_space<vmem_shared>>)
    } else {
    }
    %barrier3A_30 = arith.constant 0 : index
    tpu.barrier barrier_id(%barrier3A_30)
    %mul3A_31 = arith.constant 632 : i32
    %mul3A_32 = arith.muli %arg1, %mul3A_31 : i32
    %add3A_33 = arith.constant 0 : i32
    %add3A_34 = arith.addi %mul3A_32, %add3A_33 : i32
    "tpu.region"() ({
      %run_scoped3A = tpu.sem_alloc : memref<!tpu.dma_semaphore, #tpu.memory_space<semaphore_mem>>
      %dma_start3A = arith.constant 0 : i32
      %dma_start3A_51 = arith.constant 0 : i32
      %dma_start3A_52 = tpu.memref_slice %arg9[%dma_start3A, %dma_start3A_51] : memref<128x128xf32, #tpu.memory_space<vmem>> -> memref<128x128xf32, #tpu.memory_space<vmem>>
      %dma_start3A_53 = arith.constant 0 : i32
      %dma_start3A_54 = tpu.memref_slice %arg11[%add3A_34, %dma_start3A_53] : memref<10112x128xf32, #tpu.memory_space<vmem_shared>> -> memref<128x128xf32, #tpu.memory_space<vmem_shared>>
      %dma_start3A_55 = arith.constant 0 : i32
      %dma_start3A_56 = arith.constant 0 : i32
      %dma_start3A_57 = tpu.memref_slice %arg9[%dma_start3A_55, %dma_start3A_56] : memref<128x128xf32, #tpu.memory_space<vmem>> -> memref<128x128xf32, #tpu.memory_space<vmem>>
      %dma_start3A_58 = arith.constant 0 : i32
      %dma_start3A_59 = tpu.memref_slice %arg11[%add3A_34, %dma_start3A_58] : memref<10112x128xf32, #tpu.memory_space<vmem_shared>> -> memref<128x128xf32, #tpu.memory_space<vmem_shared>>
      tpu.enqueue_dma source(%dma_start3A_59 : memref<128x128xf32, #tpu.memory_space<vmem_shared>>) target(%dma_start3A_57 : memref<128x128xf32, #tpu.memory_space<vmem>>) target_semaphore(%run_scoped3A : memref<!tpu.dma_semaphore, #tpu.memory_space<semaphore_mem>>)
      %dma_wait3A = arith.constant 0 : i32
      %dma_wait3A_60 = arith.constant 0 : i32
      %dma_wait3A_61 = tpu.memref_slice %arg9[%dma_wait3A, %dma_wait3A_60] : memref<128x128xf32, #tpu.memory_space<vmem>> -> memref<128x128xf32, #tpu.memory_space<vmem>>
      %dma_wait3A_62 = arith.constant 0 : i32
      %dma_wait3A_63 = tpu.memref_slice %arg11[%add3A_34, %dma_wait3A_62] : memref<10112x128xf32, #tpu.memory_space<vmem_shared>> -> memref<128x128xf32, #tpu.memory_space<vmem_shared>>
      %dma_wait3A_64 = arith.constant 0 : i32
      %dma_wait3A_65 = arith.constant 0 : i32
      %dma_wait3A_66 = tpu.memref_slice %arg9[%dma_wait3A_64, %dma_wait3A_65] : memref<128x128xf32, #tpu.memory_space<vmem>> -> memref<128x128xf32, #tpu.memory_space<vmem>>
      %dma_wait3A_67 = arith.constant 0 : i32
      %dma_wait3A_68 = tpu.memref_slice %arg11[%add3A_34, %dma_wait3A_67] : memref<10112x128xf32, #tpu.memory_space<vmem_shared>> -> memref<128x128xf32, #tpu.memory_space<vmem_shared>>
      tpu.wait_dma2 semaphore(%run_scoped3A : memref<!tpu.dma_semaphore, #tpu.memory_space<semaphore_mem>>) src(%dma_wait3A_68 : memref<128x128xf32, #tpu.memory_space<vmem_shared>>) dst(%dma_wait3A_66 : memref<128x128xf32, #tpu.memory_space<vmem>>)
      tpu.yield
    }) : () -> ()
    "tpu.region"() ({
      %run_scoped3A = tpu.sem_alloc : memref<!tpu.dma_semaphore, #tpu.memory_space<semaphore_mem>>
      %dma_start3A = arith.constant 0 : i32
      %dma_start3A_51 = arith.constant 0 : i32
      %dma_start3A_52 = tpu.memref_slice %arg9[%dma_start3A, %dma_start3A_51] : memref<128x128xf32, #tpu.memory_space<vmem>> -> memref<128x128xf32, #tpu.memory_space<vmem>>
      %dma_start3A_53 = arith.constant 0 : i32
      %dma_start3A_54 = tpu.memref_slice %arg5[%arg0, %add3A_34, %dma_start3A_53] : memref<2x10112x128xf32, #tpu.memory_space<hbm>> -> memref<1x128x128xf32, #tpu.memory_space<hbm>>
      %dma_start3A_55 = tpu.memref_squeeze %dma_start3A_54 : memref<1x128x128xf32, #tpu.memory_space<hbm>> -> memref<128x128xf32, #tpu.memory_space<hbm>>
      %dma_start3A_56 = arith.constant 0 : i32
      %dma_start3A_57 = tpu.memref_slice %arg5[%arg0, %add3A_34, %dma_start3A_56] : memref<2x10112x128xf32, #tpu.memory_space<hbm>> -> memref<1x128x128xf32, #tpu.memory_space<hbm>>
      %dma_start3A_58 = tpu.memref_squeeze %dma_start3A_57 : memref<1x128x128xf32, #tpu.memory_space<hbm>> -> memref<128x128xf32, #tpu.memory_space<hbm>>
      %dma_start3A_59 = arith.constant 0 : i32
      %dma_start3A_60 = arith.constant 0 : i32
      %dma_start3A_61 = tpu.memref_slice %arg9[%dma_start3A_59, %dma_start3A_60] : memref<128x128xf32, #tpu.memory_space<vmem>> -> memref<128x128xf32, #tpu.memory_space<vmem>>
      tpu.enqueue_dma source(%dma_start3A_61 : memref<128x128xf32, #tpu.memory_space<vmem>>) target(%dma_start3A_58 : memref<128x128xf32, #tpu.memory_space<hbm>>) target_semaphore(%run_scoped3A : memref<!tpu.dma_semaphore, #tpu.memory_space<semaphore_mem>>)
      %dma_wait3A = arith.constant 0 : i32
      %dma_wait3A_62 = arith.constant 0 : i32
      %dma_wait3A_63 = tpu.memref_slice %arg9[%dma_wait3A, %dma_wait3A_62] : memref<128x128xf32, #tpu.memory_space<vmem>> -> memref<128x128xf32, #tpu.memory_space<vmem>>
      %dma_wait3A_64 = arith.constant 0 : i32
      %dma_wait3A_65 = tpu.memref_slice %arg5[%arg0, %add3A_34, %dma_wait3A_64] : memref<2x10112x128xf32, #tpu.memory_space<hbm>> -> memref<1x128x128xf32, #tpu.memory_space<hbm>>
      %dma_wait3A_66 = tpu.memref_squeeze %dma_wait3A_65 : memref<1x128x128xf32, #tpu.memory_space<hbm>> -> memref<128x128xf32, #tpu.memory_space<hbm>>
      %dma_wait3A_67 = arith.constant 0 : i32
      %dma_wait3A_68 = tpu.memref_slice %arg5[%arg0, %add3A_34, %dma_wait3A_67] : memref<2x10112x128xf32, #tpu.memory_space<hbm>> -> memref<1x128x128xf32, #tpu.memory_space<hbm>>
      %dma_wait3A_69 = tpu.memref_squeeze %dma_wait3A_68 : memref<1x128x128xf32, #tpu.memory_space<hbm>> -> memref<128x128xf32, #tpu.memory_space<hbm>>
      %dma_wait3A_70 = arith.constant 0 : i32
      %dma_wait3A_71 = arith.constant 0 : i32
      %dma_wait3A_72 = tpu.memref_slice %arg9[%dma_wait3A_70, %dma_wait3A_71] : memref<128x128xf32, #tpu.memory_space<vmem>> -> memref<128x128xf32, #tpu.memory_space<vmem>>
      tpu.wait_dma2 semaphore(%run_scoped3A : memref<!tpu.dma_semaphore, #tpu.memory_space<semaphore_mem>>) src(%dma_wait3A_72 : memref<128x128xf32, #tpu.memory_space<vmem>>) dst(%dma_wait3A_69 : memref<128x128xf32, #tpu.memory_space<hbm>>)
      tpu.yield
    }) : () -> ()
    %mul3A_35 = arith.constant 632 : i32
    %mul3A_36 = arith.muli %arg1, %mul3A_35 : i32
    %add3A_37 = arith.constant 128 : i32
    %add3A_38 = arith.addi %mul3A_36, %add3A_37 : i32
    "tpu.region"() ({
      %run_scoped3A = tpu.sem_alloc : memref<!tpu.dma_semaphore, #tpu.memory_space<semaphore_mem>>
      %dma_start3A = arith.constant 0 : i32
      %dma_start3A_51 = arith.constant 0 : i32
      %dma_start3A_52 = tpu.memref_slice %arg9[%dma_start3A, %dma_start3A_51] : memref<128x128xf32, #tpu.memory_space<vmem>> -> memref<128x128xf32, #tpu.memory_space<vmem>>
      %dma_start3A_53 = arith.constant 0 : i32
      %dma_start3A_54 = tpu.memref_slice %arg11[%add3A_38, %dma_start3A_53] : memref<10112x128xf32, #tpu.memory_space<vmem_shared>> -> memref<128x128xf32, #tpu.memory_space<vmem_shared>>
      %dma_start3A_55 = arith.constant 0 : i32
      %dma_start3A_56 = arith.constant 0 : i32
      %dma_start3A_57 = tpu.memref_slice %arg9[%dma_start3A_55, %dma_start3A_56] : memref<128x128xf32, #tpu.memory_space<vmem>> -> memref<128x128xf32, #tpu.memory_space<vmem>>
      %dma_start3A_58 = arith.constant 0 : i32
      %dma_start3A_59 = tpu.memref_slice %arg11[%add3A_38, %dma_start3A_58] : memref<10112x128xf32, #tpu.memory_space<vmem_shared>> -> memref<128x128xf32, #tpu.memory_space<vmem_shared>>
      tpu.enqueue_dma source(%dma_start3A_59 : memref<128x128xf32, #tpu.memory_space<vmem_shared>>) target(%dma_start3A_57 : memref<128x128xf32, #tpu.memory_space<vmem>>) target_semaphore(%run_scoped3A : memref<!tpu.dma_semaphore, #tpu.memory_space<semaphore_mem>>)
      %dma_wait3A = arith.constant 0 : i32
      %dma_wait3A_60 = arith.constant 0 : i32
      %dma_wait3A_61 = tpu.memref_slice %arg9[%dma_wait3A, %dma_wait3A_60] : memref<128x128xf32, #tpu.memory_space<vmem>> -> memref<128x128xf32, #tpu.memory_space<vmem>>
      %dma_wait3A_62 = arith.constant 0 : i32
      %dma_wait3A_63 = tpu.memref_slice %arg11[%add3A_38, %dma_wait3A_62] : memref<10112x128xf32, #tpu.memory_space<vmem_shared>> -> memref<128x128xf32, #tpu.memory_space<vmem_shared>>
      %dma_wait3A_64 = arith.constant 0 : i32
      %dma_wait3A_65 = arith.constant 0 : i32
      %dma_wait3A_66 = tpu.memref_slice %arg9[%dma_wait3A_64, %dma_wait3A_65] : memref<128x128xf32, #tpu.memory_space<vmem>> -> memref<128x128xf32, #tpu.memory_space<vmem>>
      %dma_wait3A_67 = arith.constant 0 : i32
      %dma_wait3A_68 = tpu.memref_slice %arg11[%add3A_38, %dma_wait3A_67] : memref<10112x128xf32, #tpu.memory_space<vmem_shared>> -> memref<128x128xf32, #tpu.memory_space<vmem_shared>>
      tpu.wait_dma2 semaphore(%run_scoped3A : memref<!tpu.dma_semaphore, #tpu.memory_space<semaphore_mem>>) src(%dma_wait3A_68 : memref<128x128xf32, #tpu.memory_space<vmem_shared>>) dst(%dma_wait3A_66 : memref<128x128xf32, #tpu.memory_space<vmem>>)
      tpu.yield
    }) : () -> ()
    "tpu.region"() ({
      %run_scoped3A = tpu.sem_alloc : memref<!tpu.dma_semaphore, #tpu.memory_space<semaphore_mem>>
      %dma_start3A = arith.constant 0 : i32
      %dma_start3A_51 = arith.constant 0 : i32
      %dma_start3A_52 = tpu.memref_slice %arg9[%dma_start3A, %dma_start3A_51] : memref<128x128xf32, #tpu.memory_space<vmem>> -> memref<128x128xf32, #tpu.memory_space<vmem>>
      %dma_start3A_53 = arith.constant 0 : i32
      %dma_start3A_54 = tpu.memref_slice %arg5[%arg0, %add3A_38, %dma_start3A_53] : memref<2x10112x128xf32, #tpu.memory_space<hbm>> -> memref<1x128x128xf32, #tpu.memory_space<hbm>>
      %dma_start3A_55 = tpu.memref_squeeze %dma_start3A_54 : memref<1x128x128xf32, #tpu.memory_space<hbm>> -> memref<128x128xf32, #tpu.memory_space<hbm>>
      %dma_start3A_56 = arith.constant 0 : i32
      %dma_start3A_57 = tpu.memref_slice %arg5[%arg0, %add3A_38, %dma_start3A_56] : memref<2x10112x128xf32, #tpu.memory_space<hbm>> -> memref<1x128x128xf32, #tpu.memory_space<hbm>>
      %dma_start3A_58 = tpu.memref_squeeze %dma_start3A_57 : memref<1x128x128xf32, #tpu.memory_space<hbm>> -> memref<128x128xf32, #tpu.memory_space<hbm>>
      %dma_start3A_59 = arith.constant 0 : i32
      %dma_start3A_60 = arith.constant 0 : i32
      %dma_start3A_61 = tpu.memref_slice %arg9[%dma_start3A_59, %dma_start3A_60] : memref<128x128xf32, #tpu.memory_space<vmem>> -> memref<128x128xf32, #tpu.memory_space<vmem>>
      tpu.enqueue_dma source(%dma_start3A_61 : memref<128x128xf32, #tpu.memory_space<vmem>>) target(%dma_start3A_58 : memref<128x128xf32, #tpu.memory_space<hbm>>) target_semaphore(%run_scoped3A : memref<!tpu.dma_semaphore, #tpu.memory_space<semaphore_mem>>)
      %dma_wait3A = arith.constant 0 : i32
      %dma_wait3A_62 = arith.constant 0 : i32
      %dma_wait3A_63 = tpu.memref_slice %arg9[%dma_wait3A, %dma_wait3A_62] : memref<128x128xf32, #tpu.memory_space<vmem>> -> memref<128x128xf32, #tpu.memory_space<vmem>>
      %dma_wait3A_64 = arith.constant 0 : i32
      %dma_wait3A_65 = tpu.memref_slice %arg5[%arg0, %add3A_38, %dma_wait3A_64] : memref<2x10112x128xf32, #tpu.memory_space<hbm>> -> memref<1x128x128xf32, #tpu.memory_space<hbm>>
      %dma_wait3A_66 = tpu.memref_squeeze %dma_wait3A_65 : memref<1x128x128xf32, #tpu.memory_space<hbm>> -> memref<128x128xf32, #tpu.memory_space<hbm>>
      %dma_wait3A_67 = arith.constant 0 : i32
      %dma_wait3A_68 = tpu.memref_slice %arg5[%arg0, %add3A_38, %dma_wait3A_67] : memref<2x10112x128xf32, #tpu.memory_space<hbm>> -> memref<1x128x128xf32, #tpu.memory_space<hbm>>
      %dma_wait3A_69 = tpu.memref_squeeze %dma_wait3A_68 : memref<1x128x128xf32, #tpu.memory_space<hbm>> -> memref<128x128xf32, #tpu.memory_space<hbm>>
      %dma_wait3A_70 = arith.constant 0 : i32
      %dma_wait3A_71 = arith.constant 0 : i32
      %dma_wait3A_72 = tpu.memref_slice %arg9[%dma_wait3A_70, %dma_wait3A_71] : memref<128x128xf32, #tpu.memory_space<vmem>> -> memref<128x128xf32, #tpu.memory_space<vmem>>
      tpu.wait_dma2 semaphore(%run_scoped3A : memref<!tpu.dma_semaphore, #tpu.memory_space<semaphore_mem>>) src(%dma_wait3A_72 : memref<128x128xf32, #tpu.memory_space<vmem>>) dst(%dma_wait3A_69 : memref<128x128xf32, #tpu.memory_space<hbm>>)
      tpu.yield
    }) : () -> ()
    %mul3A_39 = arith.constant 632 : i32
    %mul3A_40 = arith.muli %arg1, %mul3A_39 : i32
    %add3A_41 = arith.constant 256 : i32
    %add3A_42 = arith.addi %mul3A_40, %add3A_41 : i32
    "tpu.region"() ({
      %run_scoped3A = tpu.sem_alloc : memref<!tpu.dma_semaphore, #tpu.memory_space<semaphore_mem>>
      %dma_start3A = arith.constant 0 : i32
      %dma_start3A_51 = arith.constant 0 : i32
      %dma_start3A_52 = tpu.memref_slice %arg9[%dma_start3A, %dma_start3A_51] : memref<128x128xf32, #tpu.memory_space<vmem>> -> memref<128x128xf32, #tpu.memory_space<vmem>>
      %dma_start3A_53 = arith.constant 0 : i32
      %dma_start3A_54 = tpu.memref_slice %arg11[%add3A_42, %dma_start3A_53] : memref<10112x128xf32, #tpu.memory_space<vmem_shared>> -> memref<128x128xf32, #tpu.memory_space<vmem_shared>>
      %dma_start3A_55 = arith.constant 0 : i32
      %dma_start3A_56 = arith.constant 0 : i32
      %dma_start3A_57 = tpu.memref_slice %arg9[%dma_start3A_55, %dma_start3A_56] : memref<128x128xf32, #tpu.memory_space<vmem>> -> memref<128x128xf32, #tpu.memory_space<vmem>>
      %dma_start3A_58 = arith.constant 0 : i32
      %dma_start3A_59 = tpu.memref_slice %arg11[%add3A_42, %dma_start3A_58] : memref<10112x128xf32, #tpu.memory_space<vmem_shared>> -> memref<128x128xf32, #tpu.memory_space<vmem_shared>>
      tpu.enqueue_dma source(%dma_start3A_59 : memref<128x128xf32, #tpu.memory_space<vmem_shared>>) target(%dma_start3A_57 : memref<128x128xf32, #tpu.memory_space<vmem>>) target_semaphore(%run_scoped3A : memref<!tpu.dma_semaphore, #tpu.memory_space<semaphore_mem>>)
      %dma_wait3A = arith.constant 0 : i32
      %dma_wait3A_60 = arith.constant 0 : i32
      %dma_wait3A_61 = tpu.memref_slice %arg9[%dma_wait3A, %dma_wait3A_60] : memref<128x128xf32, #tpu.memory_space<vmem>> -> memref<128x128xf32, #tpu.memory_space<vmem>>
      %dma_wait3A_62 = arith.constant 0 : i32
      %dma_wait3A_63 = tpu.memref_slice %arg11[%add3A_42, %dma_wait3A_62] : memref<10112x128xf32, #tpu.memory_space<vmem_shared>> -> memref<128x128xf32, #tpu.memory_space<vmem_shared>>
      %dma_wait3A_64 = arith.constant 0 : i32
      %dma_wait3A_65 = arith.constant 0 : i32
      %dma_wait3A_66 = tpu.memref_slice %arg9[%dma_wait3A_64, %dma_wait3A_65] : memref<128x128xf32, #tpu.memory_space<vmem>> -> memref<128x128xf32, #tpu.memory_space<vmem>>
      %dma_wait3A_67 = arith.constant 0 : i32
      %dma_wait3A_68 = tpu.memref_slice %arg11[%add3A_42, %dma_wait3A_67] : memref<10112x128xf32, #tpu.memory_space<vmem_shared>> -> memref<128x128xf32, #tpu.memory_space<vmem_shared>>
      tpu.wait_dma2 semaphore(%run_scoped3A : memref<!tpu.dma_semaphore, #tpu.memory_space<semaphore_mem>>) src(%dma_wait3A_68 : memref<128x128xf32, #tpu.memory_space<vmem_shared>>) dst(%dma_wait3A_66 : memref<128x128xf32, #tpu.memory_space<vmem>>)
      tpu.yield
    }) : () -> ()
    "tpu.region"() ({
      %run_scoped3A = tpu.sem_alloc : memref<!tpu.dma_semaphore, #tpu.memory_space<semaphore_mem>>
      %dma_start3A = arith.constant 0 : i32
      %dma_start3A_51 = arith.constant 0 : i32
      %dma_start3A_52 = tpu.memref_slice %arg9[%dma_start3A, %dma_start3A_51] : memref<128x128xf32, #tpu.memory_space<vmem>> -> memref<128x128xf32, #tpu.memory_space<vmem>>
      %dma_start3A_53 = arith.constant 0 : i32
      %dma_start3A_54 = tpu.memref_slice %arg5[%arg0, %add3A_42, %dma_start3A_53] : memref<2x10112x128xf32, #tpu.memory_space<hbm>> -> memref<1x128x128xf32, #tpu.memory_space<hbm>>
      %dma_start3A_55 = tpu.memref_squeeze %dma_start3A_54 : memref<1x128x128xf32, #tpu.memory_space<hbm>> -> memref<128x128xf32, #tpu.memory_space<hbm>>
      %dma_start3A_56 = arith.constant 0 : i32
      %dma_start3A_57 = tpu.memref_slice %arg5[%arg0, %add3A_42, %dma_start3A_56] : memref<2x10112x128xf32, #tpu.memory_space<hbm>> -> memref<1x128x128xf32, #tpu.memory_space<hbm>>
      %dma_start3A_58 = tpu.memref_squeeze %dma_start3A_57 : memref<1x128x128xf32, #tpu.memory_space<hbm>> -> memref<128x128xf32, #tpu.memory_space<hbm>>
      %dma_start3A_59 = arith.constant 0 : i32
      %dma_start3A_60 = arith.constant 0 : i32
      %dma_start3A_61 = tpu.memref_slice %arg9[%dma_start3A_59, %dma_start3A_60] : memref<128x128xf32, #tpu.memory_space<vmem>> -> memref<128x128xf32, #tpu.memory_space<vmem>>
      tpu.enqueue_dma source(%dma_start3A_61 : memref<128x128xf32, #tpu.memory_space<vmem>>) target(%dma_start3A_58 : memref<128x128xf32, #tpu.memory_space<hbm>>) target_semaphore(%run_scoped3A : memref<!tpu.dma_semaphore, #tpu.memory_space<semaphore_mem>>)
      %dma_wait3A = arith.constant 0 : i32
      %dma_wait3A_62 = arith.constant 0 : i32
      %dma_wait3A_63 = tpu.memref_slice %arg9[%dma_wait3A, %dma_wait3A_62] : memref<128x128xf32, #tpu.memory_space<vmem>> -> memref<128x128xf32, #tpu.memory_space<vmem>>
      %dma_wait3A_64 = arith.constant 0 : i32
      %dma_wait3A_65 = tpu.memref_slice %arg5[%arg0, %add3A_42, %dma_wait3A_64] : memref<2x10112x128xf32, #tpu.memory_space<hbm>> -> memref<1x128x128xf32, #tpu.memory_space<hbm>>
      %dma_wait3A_66 = tpu.memref_squeeze %dma_wait3A_65 : memref<1x128x128xf32, #tpu.memory_space<hbm>> -> memref<128x128xf32, #tpu.memory_space<hbm>>
      %dma_wait3A_67 = arith.constant 0 : i32
      %dma_wait3A_68 = tpu.memref_slice %arg5[%arg0, %add3A_42, %dma_wait3A_67] : memref<2x10112x128xf32, #tpu.memory_space<hbm>> -> memref<1x128x128xf32, #tpu.memory_space<hbm>>
      %dma_wait3A_69 = tpu.memref_squeeze %dma_wait3A_68 : memref<1x128x128xf32, #tpu.memory_space<hbm>> -> memref<128x128xf32, #tpu.memory_space<hbm>>
      %dma_wait3A_70 = arith.constant 0 : i32
      %dma_wait3A_71 = arith.constant 0 : i32
      %dma_wait3A_72 = tpu.memref_slice %arg9[%dma_wait3A_70, %dma_wait3A_71] : memref<128x128xf32, #tpu.memory_space<vmem>> -> memref<128x128xf32, #tpu.memory_space<vmem>>
      tpu.wait_dma2 semaphore(%run_scoped3A : memref<!tpu.dma_semaphore, #tpu.memory_space<semaphore_mem>>) src(%dma_wait3A_72 : memref<128x128xf32, #tpu.memory_space<vmem>>) dst(%dma_wait3A_69 : memref<128x128xf32, #tpu.memory_space<hbm>>)
      tpu.yield
    }) : () -> ()
    %mul3A_43 = arith.constant 632 : i32
    %mul3A_44 = arith.muli %arg1, %mul3A_43 : i32
    %add3A_45 = arith.constant 384 : i32
    %add3A_46 = arith.addi %mul3A_44, %add3A_45 : i32
    "tpu.region"() ({
      %run_scoped3A = tpu.sem_alloc : memref<!tpu.dma_semaphore, #tpu.memory_space<semaphore_mem>>
      %dma_start3A = arith.constant 0 : i32
      %dma_start3A_51 = arith.constant 0 : i32
      %dma_start3A_52 = tpu.memref_slice %arg9[%dma_start3A, %dma_start3A_51] : memref<128x128xf32, #tpu.memory_space<vmem>> -> memref<128x128xf32, #tpu.memory_space<vmem>>
      %dma_start3A_53 = arith.constant 0 : i32
      %dma_start3A_54 = tpu.memref_slice %arg11[%add3A_46, %dma_start3A_53] : memref<10112x128xf32, #tpu.memory_space<vmem_shared>> -> memref<128x128xf32, #tpu.memory_space<vmem_shared>>
      %dma_start3A_55 = arith.constant 0 : i32
      %dma_start3A_56 = arith.constant 0 : i32
      %dma_start3A_57 = tpu.memref_slice %arg9[%dma_start3A_55, %dma_start3A_56] : memref<128x128xf32, #tpu.memory_space<vmem>> -> memref<128x128xf32, #tpu.memory_space<vmem>>
      %dma_start3A_58 = arith.constant 0 : i32
      %dma_start3A_59 = tpu.memref_slice %arg11[%add3A_46, %dma_start3A_58] : memref<10112x128xf32, #tpu.memory_space<vmem_shared>> -> memref<128x128xf32, #tpu.memory_space<vmem_shared>>
      tpu.enqueue_dma source(%dma_start3A_59 : memref<128x128xf32, #tpu.memory_space<vmem_shared>>) target(%dma_start3A_57 : memref<128x128xf32, #tpu.memory_space<vmem>>) target_semaphore(%run_scoped3A : memref<!tpu.dma_semaphore, #tpu.memory_space<semaphore_mem>>)
      %dma_wait3A = arith.constant 0 : i32
      %dma_wait3A_60 = arith.constant 0 : i32
      %dma_wait3A_61 = tpu.memref_slice %arg9[%dma_wait3A, %dma_wait3A_60] : memref<128x128xf32, #tpu.memory_space<vmem>> -> memref<128x128xf32, #tpu.memory_space<vmem>>
      %dma_wait3A_62 = arith.constant 0 : i32
      %dma_wait3A_63 = tpu.memref_slice %arg11[%add3A_46, %dma_wait3A_62] : memref<10112x128xf32, #tpu.memory_space<vmem_shared>> -> memref<128x128xf32, #tpu.memory_space<vmem_shared>>
      %dma_wait3A_64 = arith.constant 0 : i32
      %dma_wait3A_65 = arith.constant 0 : i32
      %dma_wait3A_66 = tpu.memref_slice %arg9[%dma_wait3A_64, %dma_wait3A_65] : memref<128x128xf32, #tpu.memory_space<vmem>> -> memref<128x128xf32, #tpu.memory_space<vmem>>
      %dma_wait3A_67 = arith.constant 0 : i32
      %dma_wait3A_68 = tpu.memref_slice %arg11[%add3A_46, %dma_wait3A_67] : memref<10112x128xf32, #tpu.memory_space<vmem_shared>> -> memref<128x128xf32, #tpu.memory_space<vmem_shared>>
      tpu.wait_dma2 semaphore(%run_scoped3A : memref<!tpu.dma_semaphore, #tpu.memory_space<semaphore_mem>>) src(%dma_wait3A_68 : memref<128x128xf32, #tpu.memory_space<vmem_shared>>) dst(%dma_wait3A_66 : memref<128x128xf32, #tpu.memory_space<vmem>>)
      tpu.yield
    }) : () -> ()
    "tpu.region"() ({
      %run_scoped3A = tpu.sem_alloc : memref<!tpu.dma_semaphore, #tpu.memory_space<semaphore_mem>>
      %dma_start3A = arith.constant 0 : i32
      %dma_start3A_51 = arith.constant 0 : i32
      %dma_start3A_52 = tpu.memref_slice %arg9[%dma_start3A, %dma_start3A_51] : memref<128x128xf32, #tpu.memory_space<vmem>> -> memref<128x128xf32, #tpu.memory_space<vmem>>
      %dma_start3A_53 = arith.constant 0 : i32
      %dma_start3A_54 = tpu.memref_slice %arg5[%arg0, %add3A_46, %dma_start3A_53] : memref<2x10112x128xf32, #tpu.memory_space<hbm>> -> memref<1x128x128xf32, #tpu.memory_space<hbm>>
      %dma_start3A_55 = tpu.memref_squeeze %dma_start3A_54 : memref<1x128x128xf32, #tpu.memory_space<hbm>> -> memref<128x128xf32, #tpu.memory_space<hbm>>
      %dma_start3A_56 = arith.constant 0 : i32
      %dma_start3A_57 = tpu.memref_slice %arg5[%arg0, %add3A_46, %dma_start3A_56] : memref<2x10112x128xf32, #tpu.memory_space<hbm>> -> memref<1x128x128xf32, #tpu.memory_space<hbm>>
      %dma_start3A_58 = tpu.memref_squeeze %dma_start3A_57 : memref<1x128x128xf32, #tpu.memory_space<hbm>> -> memref<128x128xf32, #tpu.memory_space<hbm>>
      %dma_start3A_59 = arith.constant 0 : i32
      %dma_start3A_60 = arith.constant 0 : i32
      %dma_start3A_61 = tpu.memref_slice %arg9[%dma_start3A_59, %dma_start3A_60] : memref<128x128xf32, #tpu.memory_space<vmem>> -> memref<128x128xf32, #tpu.memory_space<vmem>>
      tpu.enqueue_dma source(%dma_start3A_61 : memref<128x128xf32, #tpu.memory_space<vmem>>) target(%dma_start3A_58 : memref<128x128xf32, #tpu.memory_space<hbm>>) target_semaphore(%run_scoped3A : memref<!tpu.dma_semaphore, #tpu.memory_space<semaphore_mem>>)
      %dma_wait3A = arith.constant 0 : i32
      %dma_wait3A_62 = arith.constant 0 : i32
      %dma_wait3A_63 = tpu.memref_slice %arg9[%dma_wait3A, %dma_wait3A_62] : memref<128x128xf32, #tpu.memory_space<vmem>> -> memref<128x128xf32, #tpu.memory_space<vmem>>
      %dma_wait3A_64 = arith.constant 0 : i32
      %dma_wait3A_65 = tpu.memref_slice %arg5[%arg0, %add3A_46, %dma_wait3A_64] : memref<2x10112x128xf32, #tpu.memory_space<hbm>> -> memref<1x128x128xf32, #tpu.memory_space<hbm>>
      %dma_wait3A_66 = tpu.memref_squeeze %dma_wait3A_65 : memref<1x128x128xf32, #tpu.memory_space<hbm>> -> memref<128x128xf32, #tpu.memory_space<hbm>>
      %dma_wait3A_67 = arith.constant 0 : i32
      %dma_wait3A_68 = tpu.memref_slice %arg5[%arg0, %add3A_46, %dma_wait3A_67] : memref<2x10112x128xf32, #tpu.memory_space<hbm>> -> memref<1x128x128xf32, #tpu.memory_space<hbm>>
      %dma_wait3A_69 = tpu.memref_squeeze %dma_wait3A_68 : memref<1x128x128xf32, #tpu.memory_space<hbm>> -> memref<128x128xf32, #tpu.memory_space<hbm>>
      %dma_wait3A_70 = arith.constant 0 : i32
      %dma_wait3A_71 = arith.constant 0 : i32
      %dma_wait3A_72 = tpu.memref_slice %arg9[%dma_wait3A_70, %dma_wait3A_71] : memref<128x128xf32, #tpu.memory_space<vmem>> -> memref<128x128xf32, #tpu.memory_space<vmem>>
      tpu.wait_dma2 semaphore(%run_scoped3A : memref<!tpu.dma_semaphore, #tpu.memory_space<semaphore_mem>>) src(%dma_wait3A_72 : memref<128x128xf32, #tpu.memory_space<vmem>>) dst(%dma_wait3A_69 : memref<128x128xf32, #tpu.memory_space<hbm>>)
      tpu.yield
    }) : () -> ()
    %mul3A_47 = arith.constant 632 : i32
    %mul3A_48 = arith.muli %arg1, %mul3A_47 : i32
    %add3A_49 = arith.constant 512 : i32
    %add3A_50 = arith.addi %mul3A_48, %add3A_49 : i32
    "tpu.region"() ({
      %run_scoped3A = tpu.sem_alloc : memref<!tpu.dma_semaphore, #tpu.memory_space<semaphore_mem>>
      %dma_start3A = arith.constant 0 : i32
      %dma_start3A_51 = arith.constant 0 : i32
      %dma_start3A_52 = tpu.memref_slice %arg9[%dma_start3A, %dma_start3A_51] : memref<128x128xf32, #tpu.memory_space<vmem>> -> memref<120x128xf32, #tpu.memory_space<vmem>>
      %dma_start3A_53 = arith.constant 0 : i32
      %dma_start3A_54 = tpu.memref_slice %arg11[%add3A_50, %dma_start3A_53] : memref<10112x128xf32, #tpu.memory_space<vmem_shared>> -> memref<120x128xf32, #tpu.memory_space<vmem_shared>>
      %dma_start3A_55 = arith.constant 0 : i32
      %dma_start3A_56 = arith.constant 0 : i32
      %dma_start3A_57 = tpu.memref_slice %arg9[%dma_start3A_55, %dma_start3A_56] : memref<128x128xf32, #tpu.memory_space<vmem>> -> memref<120x128xf32, #tpu.memory_space<vmem>>
      %dma_start3A_58 = arith.constant 0 : i32
      %dma_start3A_59 = tpu.memref_slice %arg11[%add3A_50, %dma_start3A_58] : memref<10112x128xf32, #tpu.memory_space<vmem_shared>> -> memref<120x128xf32, #tpu.memory_space<vmem_shared>>
      tpu.enqueue_dma source(%dma_start3A_59 : memref<120x128xf32, #tpu.memory_space<vmem_shared>>) target(%dma_start3A_57 : memref<120x128xf32, #tpu.memory_space<vmem>>) target_semaphore(%run_scoped3A : memref<!tpu.dma_semaphore, #tpu.memory_space<semaphore_mem>>)
      %dma_wait3A = arith.constant 0 : i32
      %dma_wait3A_60 = arith.constant 0 : i32
      %dma_wait3A_61 = tpu.memref_slice %arg9[%dma_wait3A, %dma_wait3A_60] : memref<128x128xf32, #tpu.memory_space<vmem>> -> memref<120x128xf32, #tpu.memory_space<vmem>>
      %dma_wait3A_62 = arith.constant 0 : i32
      %dma_wait3A_63 = tpu.memref_slice %arg11[%add3A_50, %dma_wait3A_62] : memref<10112x128xf32, #tpu.memory_space<vmem_shared>> -> memref<120x128xf32, #tpu.memory_space<vmem_shared>>
      %dma_wait3A_64 = arith.constant 0 : i32
      %dma_wait3A_65 = arith.constant 0 : i32
      %dma_wait3A_66 = tpu.memref_slice %arg9[%dma_wait3A_64, %dma_wait3A_65] : memref<128x128xf32, #tpu.memory_space<vmem>> -> memref<120x128xf32, #tpu.memory_space<vmem>>
      %dma_wait3A_67 = arith.constant 0 : i32
      %dma_wait3A_68 = tpu.memref_slice %arg11[%add3A_50, %dma_wait3A_67] : memref<10112x128xf32, #tpu.memory_space<vmem_shared>> -> memref<120x128xf32, #tpu.memory_space<vmem_shared>>
      tpu.wait_dma2 semaphore(%run_scoped3A : memref<!tpu.dma_semaphore, #tpu.memory_space<semaphore_mem>>) src(%dma_wait3A_68 : memref<120x128xf32, #tpu.memory_space<vmem_shared>>) dst(%dma_wait3A_66 : memref<120x128xf32, #tpu.memory_space<vmem>>)
      tpu.yield
    }) : () -> ()
    "tpu.region"() ({
      %run_scoped3A = tpu.sem_alloc : memref<!tpu.dma_semaphore, #tpu.memory_space<semaphore_mem>>
      %dma_start3A = arith.constant 0 : i32
      %dma_start3A_51 = arith.constant 0 : i32
      %dma_start3A_52 = tpu.memref_slice %arg9[%dma_start3A, %dma_start3A_51] : memref<128x128xf32, #tpu.memory_space<vmem>> -> memref<120x128xf32, #tpu.memory_space<vmem>>
      %dma_start3A_53 = arith.constant 0 : i32
      %dma_start3A_54 = tpu.memref_slice %arg5[%arg0, %add3A_50, %dma_start3A_53] : memref<2x10112x128xf32, #tpu.memory_space<hbm>> -> memref<1x120x128xf32, #tpu.memory_space<hbm>>
      %dma_start3A_55 = tpu.memref_squeeze %dma_start3A_54 : memref<1x120x128xf32, #tpu.memory_space<hbm>> -> memref<120x128xf32, #tpu.memory_space<hbm>>
      %dma_start3A_56 = arith.constant 0 : i32
      %dma_start3A_57 = tpu.memref_slice %arg5[%arg0, %add3A_50, %dma_start3A_56] : memref<2x10112x128xf32, #tpu.memory_space<hbm>> -> memref<1x120x128xf32, #tpu.memory_space<hbm>>
      %dma_start3A_58 = tpu.memref_squeeze %dma_start3A_57 : memref<1x120x128xf32, #tpu.memory_space<hbm>> -> memref<120x128xf32, #tpu.memory_space<hbm>>
      %dma_start3A_59 = arith.constant 0 : i32
      %dma_start3A_60 = arith.constant 0 : i32
      %dma_start3A_61 = tpu.memref_slice %arg9[%dma_start3A_59, %dma_start3A_60] : memref<128x128xf32, #tpu.memory_space<vmem>> -> memref<120x128xf32, #tpu.memory_space<vmem>>
      tpu.enqueue_dma source(%dma_start3A_61 : memref<120x128xf32, #tpu.memory_space<vmem>>) target(%dma_start3A_58 : memref<120x128xf32, #tpu.memory_space<hbm>>) target_semaphore(%run_scoped3A : memref<!tpu.dma_semaphore, #tpu.memory_space<semaphore_mem>>)
      %dma_wait3A = arith.constant 0 : i32
      %dma_wait3A_62 = arith.constant 0 : i32
      %dma_wait3A_63 = tpu.memref_slice %arg9[%dma_wait3A, %dma_wait3A_62] : memref<128x128xf32, #tpu.memory_space<vmem>> -> memref<120x128xf32, #tpu.memory_space<vmem>>
      %dma_wait3A_64 = arith.constant 0 : i32
      %dma_wait3A_65 = tpu.memref_slice %arg5[%arg0, %add3A_50, %dma_wait3A_64] : memref<2x10112x128xf32, #tpu.memory_space<hbm>> -> memref<1x120x128xf32, #tpu.memory_space<hbm>>
      %dma_wait3A_66 = tpu.memref_squeeze %dma_wait3A_65 : memref<1x120x128xf32, #tpu.memory_space<hbm>> -> memref<120x128xf32, #tpu.memory_space<hbm>>
      %dma_wait3A_67 = arith.constant 0 : i32
      %dma_wait3A_68 = tpu.memref_slice %arg5[%arg0, %add3A_50, %dma_wait3A_67] : memref<2x10112x128xf32, #tpu.memory_space<hbm>> -> memref<1x120x128xf32, #tpu.memory_space<hbm>>
      %dma_wait3A_69 = tpu.memref_squeeze %dma_wait3A_68 : memref<1x120x128xf32, #tpu.memory_space<hbm>> -> memref<120x128xf32, #tpu.memory_space<hbm>>
      %dma_wait3A_70 = arith.constant 0 : i32
      %dma_wait3A_71 = arith.constant 0 : i32
      %dma_wait3A_72 = tpu.memref_slice %arg9[%dma_wait3A_70, %dma_wait3A_71] : memref<128x128xf32, #tpu.memory_space<vmem>> -> memref<120x128xf32, #tpu.memory_space<vmem>>
      tpu.wait_dma2 semaphore(%run_scoped3A : memref<!tpu.dma_semaphore, #tpu.memory_space<semaphore_mem>>) src(%dma_wait3A_72 : memref<120x128xf32, #tpu.memory_space<vmem>>) dst(%dma_wait3A_69 : memref<120x128xf32, #tpu.memory_space<hbm>>)
      tpu.yield
    }) : () -> ()
    return
  }
}

#map = affine_map<(d0, d1) -> (0, 0)>
#map1 = affine_map<(d0, d1) -> (0)>
#map2 = affine_map<(d0, d1) -> (0, 0, 0)>
module attributes {stable_mosaic.version = 14 : i64} {
  func.func @_sc_agg(%arg0: i32, %arg1: i32, %arg2: memref<10000x128xf32, #tpu.memory_space<hbm>>, %arg3: memref<327680xi32, #tpu.memory_space<hbm>>, %arg4: memref<2560x128xi32, #tpu.memory_space<hbm>>, %arg5: memref<2x10112x128xf32, #tpu.memory_space<hbm>>, %arg6: memref<128x128xi32, #tpu.memory_space<vmem>>, %arg7: memref<128xi32, #tpu.memory_space<vmem>>, %arg8: memref<128xi32, #tpu.memory_space<vmem>>, %arg9: memref<128x128xf32, #tpu.memory_space<vmem>>, %arg10: memref<128x128xf32, #tpu.memory_space<vmem>>, %arg11: memref<10112x128xf32, #tpu.memory_space<vmem_shared>>, %arg12: memref<!tpu.dma_semaphore, #tpu.memory_space<semaphore_mem>>, %arg13: memref<!tpu.dma_semaphore, #tpu.memory_space<semaphore_mem>>, %arg14: memref<!tpu.dma_semaphore, #tpu.memory_space<semaphore_mem>>, %arg15: memref<!tpu.dma_semaphore, #tpu.memory_space<semaphore_mem>>, %arg16: memref<!tpu.dma_semaphore, #tpu.memory_space<semaphore_mem>>, %arg17: memref<!tpu.dma_semaphore, #tpu.memory_space<semaphore_mem>>) attributes {dimension_semantics = [#tpu.dimension_semantics<core_parallel>, #tpu.dimension_semantics<subcore_parallel>], iteration_bounds = array<i64: 2, 16>, scalar_prefetch = 0 : i64, scratch_operands = 12 : i64, tpu.core_type = #tpu.core_type<sc_vector_subcore>, window_params = [{transform_indices = #map}, {transform_indices = #map1}, {transform_indices = #map}, {transform_indices = #map2}]} {
    %scan3A = arith.constant 0 : i32
    %scan3A_0 = arith.constant 0 : i32
    %scan3A_1 = arith.constant 1024 : i32
    %scan3A_2 = arith.addi %scan3A_0, %scan3A_1 : i32
    %scan3A_3 = arith.constant 1 : i32
    %scan3A_4 = scf.for %scan3A_51 = %scan3A_0 to %scan3A_2 step %scan3A_3 iter_args(%scan3A_52 = %scan3A) -> (i32)  : i32 {
      %jit3A = arith.constant 8 : i32
      %div3A = arith.divsi %scan3A_51, %jit3A : i32
      %sign3A = arith.constant 0 : i32
      %sign3A_53 = arith.cmpi sgt, %scan3A_51, %sign3A : i32
      %sign3A_54 = arith.extui %sign3A_53 : i1 to i32
      %sign3A_55 = arith.constant 0 : i32
      %sign3A_56 = arith.cmpi slt, %scan3A_51, %sign3A_55 : i32
      %sign3A_57 = arith.extui %sign3A_56 : i1 to i32
      %sign3A_58 = arith.subi %sign3A_54, %sign3A_57 : i32
      %sign3A_59 = arith.constant 0 : i32
      %sign3A_60 = arith.cmpi sgt, %jit3A, %sign3A_59 : i32
      %sign3A_61 = arith.extui %sign3A_60 : i1 to i32
      %sign3A_62 = arith.constant 0 : i32
      %sign3A_63 = arith.cmpi slt, %jit3A, %sign3A_62 : i32
      %sign3A_64 = arith.extui %sign3A_63 : i1 to i32
      %sign3A_65 = arith.subi %sign3A_61, %sign3A_64 : i32
      %ne3A_66 = arith.cmpi ne, %sign3A_58, %sign3A_65 : i32
      %rem3A = arith.remsi %scan3A_51, %jit3A : i32
      %ne3A_67 = arith.constant 0 : i32
      %ne3A_68 = arith.cmpi ne, %rem3A, %ne3A_67 : i32
      %and3A = arith.andi %ne3A_66, %ne3A_68 : i1
      %sub3A = arith.constant 1 : i32
      %sub3A_69 = arith.subi %div3A, %sub3A : i32
      %select_n3A = arith.select %and3A, %sub3A_69, %div3A : i32
      %jit3A_70 = arith.constant 8 : i32
      %eq3A_71 = arith.constant 0 : i32
      %eq3A_72 = arith.cmpi eq, %jit3A_70, %eq3A_71 : i32
      %jit3A_73 = arith.constant 1 : i32
      %select_n3A_74 = arith.select %eq3A_72, %jit3A_73, %jit3A_70 : i32
      %rem3A_75 = arith.remsi %scan3A_51, %select_n3A_74 : i32
      %ne3A_76 = arith.constant 0 : i32
      %ne3A_77 = arith.cmpi ne, %rem3A_75, %ne3A_76 : i32
      %lt3A = arith.constant 0 : i32
      %lt3A_78 = arith.cmpi slt, %rem3A_75, %lt3A : i32
      %lt3A_79 = arith.constant 0 : i32
      %lt3A_80 = arith.cmpi slt, %select_n3A_74, %lt3A_79 : i32
      %ne3A_81 = arith.xori %lt3A_78, %lt3A_80 : i1
      %and3A_82 = arith.andi %ne3A_81, %ne3A_77 : i1
      %add3A_83 = arith.addi %rem3A_75, %select_n3A_74 : i32
      %select_n3A_84 = arith.select %and3A_82, %add3A_83, %rem3A_75 : i32
      %broadcast_in_dim3A = arith.constant 0.000000e+00 : f32
      %broadcast_in_dim3A_85 = vector.broadcast %broadcast_in_dim3A : f32 to vector<16xf32>
      %mul3A_86 = arith.constant 16 : i32
      %mul3A_87 = arith.muli %select_n3A_84, %mul3A_86 : i32
      %swap3A = arith.index_cast %select_n3A : i32 to index
      %swap3A_88 = arith.index_cast %mul3A_87 : i32 to index
      %swap3A_89 = tpu.vector_load %arg9[%swap3A, %swap3A_88] {strides = array<i32>} : memref<128x128xf32, #tpu.memory_space<vmem>>, vector<1x16xf32>,
      %swap3A_90 = vector.shape_cast %swap3A_89 : vector<1x16xf32> to vector<16xf32>
      %swap3A_91 = vector.shape_cast %broadcast_in_dim3A_85 : vector<16xf32> to vector<1x16xf32>
      tpu.vector_store %arg9[%swap3A, %swap3A_88], %swap3A_91 {strides = array<i32>} : memref<128x128xf32, #tpu.memory_space<vmem>>, vector<1x16xf32>,
      %scan3A_92 = arith.constant 0 : i32
      scf.yield %scan3A_92 : i32
    }
    %scan3A_5 = arith.constant 1024 : i32
    %mul3A = arith.constant 632 : i32
    %mul3A_6 = arith.muli %arg1, %mul3A : i32
    %add3A = arith.constant 0 : i32
    %add3A_7 = arith.addi %mul3A_6, %add3A : i32
    "tpu.region"() ({
      %run_scoped3A = tpu.sem_alloc : memref<!tpu.dma_semaphore, #tpu.memory_space<semaphore_mem>>
      %dma_start3A = arith.constant 0 : i32
      %dma_start3A_51 = arith.constant 0 : i32
      %dma_start3A_52 = tpu.memref_slice %arg9[%dma_start3A, %dma_start3A_51] : memref<128x128xf32, #tpu.memory_space<vmem>> -> memref<128x128xf32, #tpu.memory_space<vmem>>
      %dma_start3A_53 = arith.constant 0 : i32
      %dma_start3A_54 = tpu.memref_slice %arg11[%add3A_7, %dma_start3A_53] : memref<10112x128xf32, #tpu.memory_space<vmem_shared>> -> memref<128x128xf32, #tpu.memory_space<vmem_shared>>
      %dma_start3A_55 = arith.constant 0 : i32
      %dma_start3A_56 = tpu.memref_slice %arg11[%add3A_7, %dma_start3A_55] : memref<10112x128xf32, #tpu.memory_space<vmem_shared>> -> memref<128x128xf32, #tpu.memory_space<vmem_shared>>
      %dma_start3A_57 = arith.constant 0 : i32
      %dma_start3A_58 = arith.constant 0 : i32
      %dma_start3A_59 = tpu.memref_slice %arg9[%dma_start3A_57, %dma_start3A_58] : memref<128x128xf32, #tpu.memory_space<vmem>> -> memref<128x128xf32, #tpu.memory_space<vmem>>
      tpu.enqueue_dma source(%dma_start3A_59 : memref<128x128xf32, #tpu.memory_space<vmem>>) target(%dma_start3A_56 : memref<128x128xf32, #tpu.memory_space<vmem_shared>>) target_semaphore(%run_scoped3A : memref<!tpu.dma_semaphore, #tpu.memory_space<semaphore_mem>>)
      %dma_wait3A = arith.constant 0 : i32
      %dma_wait3A_60 = arith.constant 0 : i32
      %dma_wait3A_61 = tpu.memref_slice %arg9[%dma_wait3A, %dma_wait3A_60] : memref<128x128xf32, #tpu.memory_space<vmem>> -> memref<128x128xf32, #tpu.memory_space<vmem>>
      %dma_wait3A_62 = arith.constant 0 : i32
      %dma_wait3A_63 = tpu.memref_slice %arg11[%add3A_7, %dma_wait3A_62] : memref<10112x128xf32, #tpu.memory_space<vmem_shared>> -> memref<128x128xf32, #tpu.memory_space<vmem_shared>>
      %dma_wait3A_64 = arith.constant 0 : i32
      %dma_wait3A_65 = tpu.memref_slice %arg11[%add3A_7, %dma_wait3A_64] : memref<10112x128xf32, #tpu.memory_space<vmem_shared>> -> memref<128x128xf32, #tpu.memory_space<vmem_shared>>
      %dma_wait3A_66 = arith.constant 0 : i32
      %dma_wait3A_67 = arith.constant 0 : i32
      %dma_wait3A_68 = tpu.memref_slice %arg9[%dma_wait3A_66, %dma_wait3A_67] : memref<128x128xf32, #tpu.memory_space<vmem>> -> memref<128x128xf32, #tpu.memory_space<vmem>>
      tpu.wait_dma2 semaphore(%run_scoped3A : memref<!tpu.dma_semaphore, #tpu.memory_space<semaphore_mem>>) src(%dma_wait3A_68 : memref<128x128xf32, #tpu.memory_space<vmem>>) dst(%dma_wait3A_65 : memref<128x128xf32, #tpu.memory_space<vmem_shared>>)
      tpu.yield
    }) : () -> ()
    %mul3A_8 = arith.constant 632 : i32
    %mul3A_9 = arith.muli %arg1, %mul3A_8 : i32
    %add3A_10 = arith.constant 128 : i32
    %add3A_11 = arith.addi %mul3A_9, %add3A_10 : i32
    "tpu.region"() ({
      %run_scoped3A = tpu.sem_alloc : memref<!tpu.dma_semaphore, #tpu.memory_space<semaphore_mem>>
      %dma_start3A = arith.constant 0 : i32
      %dma_start3A_51 = arith.constant 0 : i32
      %dma_start3A_52 = tpu.memref_slice %arg9[%dma_start3A, %dma_start3A_51] : memref<128x128xf32, #tpu.memory_space<vmem>> -> memref<128x128xf32, #tpu.memory_space<vmem>>
      %dma_start3A_53 = arith.constant 0 : i32
      %dma_start3A_54 = tpu.memref_slice %arg11[%add3A_11, %dma_start3A_53] : memref<10112x128xf32, #tpu.memory_space<vmem_shared>> -> memref<128x128xf32, #tpu.memory_space<vmem_shared>>
      %dma_start3A_55 = arith.constant 0 : i32
      %dma_start3A_56 = tpu.memref_slice %arg11[%add3A_11, %dma_start3A_55] : memref<10112x128xf32, #tpu.memory_space<vmem_shared>> -> memref<128x128xf32, #tpu.memory_space<vmem_shared>>
      %dma_start3A_57 = arith.constant 0 : i32
      %dma_start3A_58 = arith.constant 0 : i32
      %dma_start3A_59 = tpu.memref_slice %arg9[%dma_start3A_57, %dma_start3A_58] : memref<128x128xf32, #tpu.memory_space<vmem>> -> memref<128x128xf32, #tpu.memory_space<vmem>>
      tpu.enqueue_dma source(%dma_start3A_59 : memref<128x128xf32, #tpu.memory_space<vmem>>) target(%dma_start3A_56 : memref<128x128xf32, #tpu.memory_space<vmem_shared>>) target_semaphore(%run_scoped3A : memref<!tpu.dma_semaphore, #tpu.memory_space<semaphore_mem>>)
      %dma_wait3A = arith.constant 0 : i32
      %dma_wait3A_60 = arith.constant 0 : i32
      %dma_wait3A_61 = tpu.memref_slice %arg9[%dma_wait3A, %dma_wait3A_60] : memref<128x128xf32, #tpu.memory_space<vmem>> -> memref<128x128xf32, #tpu.memory_space<vmem>>
      %dma_wait3A_62 = arith.constant 0 : i32
      %dma_wait3A_63 = tpu.memref_slice %arg11[%add3A_11, %dma_wait3A_62] : memref<10112x128xf32, #tpu.memory_space<vmem_shared>> -> memref<128x128xf32, #tpu.memory_space<vmem_shared>>
      %dma_wait3A_64 = arith.constant 0 : i32
      %dma_wait3A_65 = tpu.memref_slice %arg11[%add3A_11, %dma_wait3A_64] : memref<10112x128xf32, #tpu.memory_space<vmem_shared>> -> memref<128x128xf32, #tpu.memory_space<vmem_shared>>
      %dma_wait3A_66 = arith.constant 0 : i32
      %dma_wait3A_67 = arith.constant 0 : i32
      %dma_wait3A_68 = tpu.memref_slice %arg9[%dma_wait3A_66, %dma_wait3A_67] : memref<128x128xf32, #tpu.memory_space<vmem>> -> memref<128x128xf32, #tpu.memory_space<vmem>>
      tpu.wait_dma2 semaphore(%run_scoped3A : memref<!tpu.dma_semaphore, #tpu.memory_space<semaphore_mem>>) src(%dma_wait3A_68 : memref<128x128xf32, #tpu.memory_space<vmem>>) dst(%dma_wait3A_65 : memref<128x128xf32, #tpu.memory_space<vmem_shared>>)
      tpu.yield
    }) : () -> ()
    %mul3A_12 = arith.constant 632 : i32
    %mul3A_13 = arith.muli %arg1, %mul3A_12 : i32
    %add3A_14 = arith.constant 256 : i32
    %add3A_15 = arith.addi %mul3A_13, %add3A_14 : i32
    "tpu.region"() ({
      %run_scoped3A = tpu.sem_alloc : memref<!tpu.dma_semaphore, #tpu.memory_space<semaphore_mem>>
      %dma_start3A = arith.constant 0 : i32
      %dma_start3A_51 = arith.constant 0 : i32
      %dma_start3A_52 = tpu.memref_slice %arg9[%dma_start3A, %dma_start3A_51] : memref<128x128xf32, #tpu.memory_space<vmem>> -> memref<128x128xf32, #tpu.memory_space<vmem>>
      %dma_start3A_53 = arith.constant 0 : i32
      %dma_start3A_54 = tpu.memref_slice %arg11[%add3A_15, %dma_start3A_53] : memref<10112x128xf32, #tpu.memory_space<vmem_shared>> -> memref<128x128xf32, #tpu.memory_space<vmem_shared>>
      %dma_start3A_55 = arith.constant 0 : i32
      %dma_start3A_56 = tpu.memref_slice %arg11[%add3A_15, %dma_start3A_55] : memref<10112x128xf32, #tpu.memory_space<vmem_shared>> -> memref<128x128xf32, #tpu.memory_space<vmem_shared>>
      %dma_start3A_57 = arith.constant 0 : i32
      %dma_start3A_58 = arith.constant 0 : i32
      %dma_start3A_59 = tpu.memref_slice %arg9[%dma_start3A_57, %dma_start3A_58] : memref<128x128xf32, #tpu.memory_space<vmem>> -> memref<128x128xf32, #tpu.memory_space<vmem>>
      tpu.enqueue_dma source(%dma_start3A_59 : memref<128x128xf32, #tpu.memory_space<vmem>>) target(%dma_start3A_56 : memref<128x128xf32, #tpu.memory_space<vmem_shared>>) target_semaphore(%run_scoped3A : memref<!tpu.dma_semaphore, #tpu.memory_space<semaphore_mem>>)
      %dma_wait3A = arith.constant 0 : i32
      %dma_wait3A_60 = arith.constant 0 : i32
      %dma_wait3A_61 = tpu.memref_slice %arg9[%dma_wait3A, %dma_wait3A_60] : memref<128x128xf32, #tpu.memory_space<vmem>> -> memref<128x128xf32, #tpu.memory_space<vmem>>
      %dma_wait3A_62 = arith.constant 0 : i32
      %dma_wait3A_63 = tpu.memref_slice %arg11[%add3A_15, %dma_wait3A_62] : memref<10112x128xf32, #tpu.memory_space<vmem_shared>> -> memref<128x128xf32, #tpu.memory_space<vmem_shared>>
      %dma_wait3A_64 = arith.constant 0 : i32
      %dma_wait3A_65 = tpu.memref_slice %arg11[%add3A_15, %dma_wait3A_64] : memref<10112x128xf32, #tpu.memory_space<vmem_shared>> -> memref<128x128xf32, #tpu.memory_space<vmem_shared>>
      %dma_wait3A_66 = arith.constant 0 : i32
      %dma_wait3A_67 = arith.constant 0 : i32
      %dma_wait3A_68 = tpu.memref_slice %arg9[%dma_wait3A_66, %dma_wait3A_67] : memref<128x128xf32, #tpu.memory_space<vmem>> -> memref<128x128xf32, #tpu.memory_space<vmem>>
      tpu.wait_dma2 semaphore(%run_scoped3A : memref<!tpu.dma_semaphore, #tpu.memory_space<semaphore_mem>>) src(%dma_wait3A_68 : memref<128x128xf32, #tpu.memory_space<vmem>>) dst(%dma_wait3A_65 : memref<128x128xf32, #tpu.memory_space<vmem_shared>>)
      tpu.yield
    }) : () -> ()
    %mul3A_16 = arith.constant 632 : i32
    %mul3A_17 = arith.muli %arg1, %mul3A_16 : i32
    %add3A_18 = arith.constant 384 : i32
    %add3A_19 = arith.addi %mul3A_17, %add3A_18 : i32
    "tpu.region"() ({
      %run_scoped3A = tpu.sem_alloc : memref<!tpu.dma_semaphore, #tpu.memory_space<semaphore_mem>>
      %dma_start3A = arith.constant 0 : i32
      %dma_start3A_51 = arith.constant 0 : i32
      %dma_start3A_52 = tpu.memref_slice %arg9[%dma_start3A, %dma_start3A_51] : memref<128x128xf32, #tpu.memory_space<vmem>> -> memref<128x128xf32, #tpu.memory_space<vmem>>
      %dma_start3A_53 = arith.constant 0 : i32
      %dma_start3A_54 = tpu.memref_slice %arg11[%add3A_19, %dma_start3A_53] : memref<10112x128xf32, #tpu.memory_space<vmem_shared>> -> memref<128x128xf32, #tpu.memory_space<vmem_shared>>
      %dma_start3A_55 = arith.constant 0 : i32
      %dma_start3A_56 = tpu.memref_slice %arg11[%add3A_19, %dma_start3A_55] : memref<10112x128xf32, #tpu.memory_space<vmem_shared>> -> memref<128x128xf32, #tpu.memory_space<vmem_shared>>
      %dma_start3A_57 = arith.constant 0 : i32
      %dma_start3A_58 = arith.constant 0 : i32
      %dma_start3A_59 = tpu.memref_slice %arg9[%dma_start3A_57, %dma_start3A_58] : memref<128x128xf32, #tpu.memory_space<vmem>> -> memref<128x128xf32, #tpu.memory_space<vmem>>
      tpu.enqueue_dma source(%dma_start3A_59 : memref<128x128xf32, #tpu.memory_space<vmem>>) target(%dma_start3A_56 : memref<128x128xf32, #tpu.memory_space<vmem_shared>>) target_semaphore(%run_scoped3A : memref<!tpu.dma_semaphore, #tpu.memory_space<semaphore_mem>>)
      %dma_wait3A = arith.constant 0 : i32
      %dma_wait3A_60 = arith.constant 0 : i32
      %dma_wait3A_61 = tpu.memref_slice %arg9[%dma_wait3A, %dma_wait3A_60] : memref<128x128xf32, #tpu.memory_space<vmem>> -> memref<128x128xf32, #tpu.memory_space<vmem>>
      %dma_wait3A_62 = arith.constant 0 : i32
      %dma_wait3A_63 = tpu.memref_slice %arg11[%add3A_19, %dma_wait3A_62] : memref<10112x128xf32, #tpu.memory_space<vmem_shared>> -> memref<128x128xf32, #tpu.memory_space<vmem_shared>>
      %dma_wait3A_64 = arith.constant 0 : i32
      %dma_wait3A_65 = tpu.memref_slice %arg11[%add3A_19, %dma_wait3A_64] : memref<10112x128xf32, #tpu.memory_space<vmem_shared>> -> memref<128x128xf32, #tpu.memory_space<vmem_shared>>
      %dma_wait3A_66 = arith.constant 0 : i32
      %dma_wait3A_67 = arith.constant 0 : i32
      %dma_wait3A_68 = tpu.memref_slice %arg9[%dma_wait3A_66, %dma_wait3A_67] : memref<128x128xf32, #tpu.memory_space<vmem>> -> memref<128x128xf32, #tpu.memory_space<vmem>>
      tpu.wait_dma2 semaphore(%run_scoped3A : memref<!tpu.dma_semaphore, #tpu.memory_space<semaphore_mem>>) src(%dma_wait3A_68 : memref<128x128xf32, #tpu.memory_space<vmem>>) dst(%dma_wait3A_65 : memref<128x128xf32, #tpu.memory_space<vmem_shared>>)
      tpu.yield
    }) : () -> ()
    %mul3A_20 = arith.constant 632 : i32
    %mul3A_21 = arith.muli %arg1, %mul3A_20 : i32
    %add3A_22 = arith.constant 512 : i32
    %add3A_23 = arith.addi %mul3A_21, %add3A_22 : i32
    "tpu.region"() ({
      %run_scoped3A = tpu.sem_alloc : memref<!tpu.dma_semaphore, #tpu.memory_space<semaphore_mem>>
      %dma_start3A = arith.constant 0 : i32
      %dma_start3A_51 = arith.constant 0 : i32
      %dma_start3A_52 = tpu.memref_slice %arg9[%dma_start3A, %dma_start3A_51] : memref<128x128xf32, #tpu.memory_space<vmem>> -> memref<120x128xf32, #tpu.memory_space<vmem>>
      %dma_start3A_53 = arith.constant 0 : i32
      %dma_start3A_54 = tpu.memref_slice %arg11[%add3A_23, %dma_start3A_53] : memref<10112x128xf32, #tpu.memory_space<vmem_shared>> -> memref<120x128xf32, #tpu.memory_space<vmem_shared>>
      %dma_start3A_55 = arith.constant 0 : i32
      %dma_start3A_56 = tpu.memref_slice %arg11[%add3A_23, %dma_start3A_55] : memref<10112x128xf32, #tpu.memory_space<vmem_shared>> -> memref<120x128xf32, #tpu.memory_space<vmem_shared>>
      %dma_start3A_57 = arith.constant 0 : i32
      %dma_start3A_58 = arith.constant 0 : i32
      %dma_start3A_59 = tpu.memref_slice %arg9[%dma_start3A_57, %dma_start3A_58] : memref<128x128xf32, #tpu.memory_space<vmem>> -> memref<120x128xf32, #tpu.memory_space<vmem>>
      tpu.enqueue_dma source(%dma_start3A_59 : memref<120x128xf32, #tpu.memory_space<vmem>>) target(%dma_start3A_56 : memref<120x128xf32, #tpu.memory_space<vmem_shared>>) target_semaphore(%run_scoped3A : memref<!tpu.dma_semaphore, #tpu.memory_space<semaphore_mem>>)
      %dma_wait3A = arith.constant 0 : i32
      %dma_wait3A_60 = arith.constant 0 : i32
      %dma_wait3A_61 = tpu.memref_slice %arg9[%dma_wait3A, %dma_wait3A_60] : memref<128x128xf32, #tpu.memory_space<vmem>> -> memref<120x128xf32, #tpu.memory_space<vmem>>
      %dma_wait3A_62 = arith.constant 0 : i32
      %dma_wait3A_63 = tpu.memref_slice %arg11[%add3A_23, %dma_wait3A_62] : memref<10112x128xf32, #tpu.memory_space<vmem_shared>> -> memref<120x128xf32, #tpu.memory_space<vmem_shared>>
      %dma_wait3A_64 = arith.constant 0 : i32
      %dma_wait3A_65 = tpu.memref_slice %arg11[%add3A_23, %dma_wait3A_64] : memref<10112x128xf32, #tpu.memory_space<vmem_shared>> -> memref<120x128xf32, #tpu.memory_space<vmem_shared>>
      %dma_wait3A_66 = arith.constant 0 : i32
      %dma_wait3A_67 = arith.constant 0 : i32
      %dma_wait3A_68 = tpu.memref_slice %arg9[%dma_wait3A_66, %dma_wait3A_67] : memref<128x128xf32, #tpu.memory_space<vmem>> -> memref<120x128xf32, #tpu.memory_space<vmem>>
      tpu.wait_dma2 semaphore(%run_scoped3A : memref<!tpu.dma_semaphore, #tpu.memory_space<semaphore_mem>>) src(%dma_wait3A_68 : memref<120x128xf32, #tpu.memory_space<vmem>>) dst(%dma_wait3A_65 : memref<120x128xf32, #tpu.memory_space<vmem_shared>>)
      tpu.yield
    }) : () -> ()
    %barrier3A = arith.constant 0 : index
    tpu.barrier barrier_id(%barrier3A)
    %eq3A = arith.constant 1 : i32
    %eq3A_24 = arith.cmpi eq, %arg0, %eq3A : i32
    %convert_element_type3A = arith.extui %eq3A_24 : i1 to i32
    %cond3A = arith.constant 0 : i32
    %cond3A_25 = arith.cmpi ne, %convert_element_type3A, %cond3A : i32
    scf.if %cond3A_25 {
      %mul3A_51 = arith.constant 128 : i32
      %mul3A_52 = arith.muli %arg1, %mul3A_51 : i32
      "tpu.region"() ({
        %run_scoped3A = tpu.sem_alloc : memref<!tpu.dma_semaphore, #tpu.memory_space<semaphore_mem>>
        %dma_start3A_89 = arith.constant 0 : i32
        %dma_start3A_90 = arith.constant 0 : i32
        %dma_start3A_91 = tpu.memref_slice %arg6[%dma_start3A_89, %dma_start3A_90] : memref<128x128xi32, #tpu.memory_space<vmem>> -> memref<128x128xi32, #tpu.memory_space<vmem>>
        %dma_start3A_92 = arith.constant 0 : i32
        %dma_start3A_93 = tpu.memref_slice %arg4[%mul3A_52, %dma_start3A_92] : memref<2560x128xi32, #tpu.memory_space<hbm>> -> memref<128x128xi32, #tpu.memory_space<hbm>>
        %dma_start3A_94 = arith.constant 0 : i32
        %dma_start3A_95 = arith.constant 0 : i32
        %dma_start3A_96 = tpu.memref_slice %arg6[%dma_start3A_94, %dma_start3A_95] : memref<128x128xi32, #tpu.memory_space<vmem>> -> memref<128x128xi32, #tpu.memory_space<vmem>>
        %dma_start3A_97 = arith.constant 0 : i32
        %dma_start3A_98 = tpu.memref_slice %arg4[%mul3A_52, %dma_start3A_97] : memref<2560x128xi32, #tpu.memory_space<hbm>> -> memref<128x128xi32, #tpu.memory_space<hbm>>
        tpu.enqueue_dma source(%dma_start3A_98 : memref<128x128xi32, #tpu.memory_space<hbm>>) target(%dma_start3A_96 : memref<128x128xi32, #tpu.memory_space<vmem>>) target_semaphore(%run_scoped3A : memref<!tpu.dma_semaphore, #tpu.memory_space<semaphore_mem>>)
        %dma_wait3A_99 = arith.constant 0 : i32
        %dma_wait3A_100 = arith.constant 0 : i32
        %dma_wait3A_101 = tpu.memref_slice %arg6[%dma_wait3A_99, %dma_wait3A_100] : memref<128x128xi32, #tpu.memory_space<vmem>> -> memref<128x128xi32, #tpu.memory_space<vmem>>
        %dma_wait3A_102 = arith.constant 0 : i32
        %dma_wait3A_103 = tpu.memref_slice %arg4[%mul3A_52, %dma_wait3A_102] : memref<2560x128xi32, #tpu.memory_space<hbm>> -> memref<128x128xi32, #tpu.memory_space<hbm>>
        %dma_wait3A_104 = arith.constant 0 : i32
        %dma_wait3A_105 = arith.constant 0 : i32
        %dma_wait3A_106 = tpu.memref_slice %arg6[%dma_wait3A_104, %dma_wait3A_105] : memref<128x128xi32, #tpu.memory_space<vmem>> -> memref<128x128xi32, #tpu.memory_space<vmem>>
        %dma_wait3A_107 = arith.constant 0 : i32
        %dma_wait3A_108 = tpu.memref_slice %arg4[%mul3A_52, %dma_wait3A_107] : memref<2560x128xi32, #tpu.memory_space<hbm>> -> memref<128x128xi32, #tpu.memory_space<hbm>>
        tpu.wait_dma2 semaphore(%run_scoped3A : memref<!tpu.dma_semaphore, #tpu.memory_space<semaphore_mem>>) src(%dma_wait3A_108 : memref<128x128xi32, #tpu.memory_space<hbm>>) dst(%dma_wait3A_106 : memref<128x128xi32, #tpu.memory_space<vmem>>)
        tpu.yield
      }) : () -> ()
      %mul3A_53 = arith.constant 128 : i32
      %mul3A_54 = arith.muli %mul3A_52, %mul3A_53 : i32
      %add3A_55 = arith.constant 0 : i32
      %add3A_56 = arith.addi %mul3A_54, %add3A_55 : i32
      %dma_start3A = tpu.memref_slice %arg3[%add3A_56] : memref<327680xi32, #tpu.memory_space<hbm>> -> memref<128xi32, #tpu.memory_space<hbm>>
      %dma_start3A_57 = tpu.memref_slice %arg3[%add3A_56] : memref<327680xi32, #tpu.memory_space<hbm>> -> memref<128xi32, #tpu.memory_space<hbm>>
      tpu.enqueue_dma source(%dma_start3A_57 : memref<128xi32, #tpu.memory_space<hbm>>) target(%arg7 : memref<128xi32, #tpu.memory_space<vmem>>) target_semaphore(%arg14 : memref<!tpu.dma_semaphore, #tpu.memory_space<semaphore_mem>>)
      %add3A_58 = arith.constant 0 : i32
      %add3A_59 = arith.addi %mul3A_54, %add3A_58 : i32
      %dma_wait3A = tpu.memref_slice %arg3[%add3A_59] : memref<327680xi32, #tpu.memory_space<hbm>> -> memref<128xi32, #tpu.memory_space<hbm>>
      %dma_wait3A_60 = tpu.memref_slice %arg3[%add3A_59] : memref<327680xi32, #tpu.memory_space<hbm>> -> memref<128xi32, #tpu.memory_space<hbm>>
      tpu.wait_dma2 semaphore(%arg14 : memref<!tpu.dma_semaphore, #tpu.memory_space<semaphore_mem>>) src(%dma_wait3A_60 : memref<128xi32, #tpu.memory_space<hbm>>) dst(%arg7 : memref<128xi32, #tpu.memory_space<vmem>>)
      %dma_start3A_61 = arith.constant 0 : i32
      %dma_start3A_62 = arith.constant 0 : i32
      %dma_start3A_63 = tpu.memref_slice %arg2[%dma_start3A_61, %dma_start3A_62] : memref<10000x128xf32, #tpu.memory_space<hbm>> -> memref<10000x128xf32, #tpu.memory_space<hbm>>
      tpu.enqueue_indirect_dma source(%dma_start3A_63 : memref<10000x128xf32, #tpu.memory_space<hbm>>) target(%arg9 : memref<128x128xf32, #tpu.memory_space<vmem>>) offsets(%arg7 : memref<128xi32, #tpu.memory_space<vmem>>) semaphore(%arg12 : memref<!tpu.dma_semaphore, #tpu.memory_space<semaphore_mem>>)
      %add3A_64 = arith.constant 128 : i32
      %add3A_65 = arith.addi %mul3A_54, %add3A_64 : i32
      %dma_start3A_66 = tpu.memref_slice %arg3[%add3A_65] : memref<327680xi32, #tpu.memory_space<hbm>> -> memref<128xi32, #tpu.memory_space<hbm>>
      %dma_start3A_67 = tpu.memref_slice %arg3[%add3A_65] : memref<327680xi32, #tpu.memory_space<hbm>> -> memref<128xi32, #tpu.memory_space<hbm>>
      tpu.enqueue_dma source(%dma_start3A_67 : memref<128xi32, #tpu.memory_space<hbm>>) target(%arg8 : memref<128xi32, #tpu.memory_space<vmem>>) target_semaphore(%arg15 : memref<!tpu.dma_semaphore, #tpu.memory_space<semaphore_mem>>)
      %scan3A_68 = arith.constant 0 : i32
      %scan3A_69 = arith.constant 0 : i32
      %scan3A_70 = arith.constant 64 : i32
      %scan3A_71 = arith.addi %scan3A_69, %scan3A_70 : i32
      %scan3A_72 = arith.constant 1 : i32
      %scan3A_73 = scf.for %scan3A_89 = %scan3A_69 to %scan3A_71 step %scan3A_72 iter_args(%scan3A_90 = %scan3A_68) -> (i32)  : i32 {
        %mul3A_91 = arith.constant 2 : i32
        %mul3A_92 = arith.muli %mul3A_91, %scan3A_89 : i32
        %dma_wait3A_93 = arith.constant 0 : i32
        %dma_wait3A_94 = arith.constant 0 : i32
        %dma_wait3A_95 = tpu.memref_slice %arg2[%dma_wait3A_93, %dma_wait3A_94] : memref<10000x128xf32, #tpu.memory_space<hbm>> -> memref<10000x128xf32, #tpu.memory_space<hbm>>
        tpu.wait_indirect_dma semaphore(%arg12 : memref<!tpu.dma_semaphore, #tpu.memory_space<semaphore_mem>>) src(%dma_wait3A_95 : memref<10000x128xf32, #tpu.memory_space<hbm>>) dst(%arg9 : memref<128x128xf32, #tpu.memory_space<vmem>>)
        %add3A_96 = arith.constant 1 : i32
        %add3A_97 = arith.addi %mul3A_92, %add3A_96 : i32
        %mul3A_98 = arith.constant 128 : i32
        %mul3A_99 = arith.muli %add3A_97, %mul3A_98 : i32
        %add3A_100 = arith.addi %mul3A_54, %mul3A_99 : i32
        %dma_wait3A_101 = tpu.memref_slice %arg3[%add3A_100] : memref<327680xi32, #tpu.memory_space<hbm>> -> memref<128xi32, #tpu.memory_space<hbm>>
        %dma_wait3A_102 = tpu.memref_slice %arg3[%add3A_100] : memref<327680xi32, #tpu.memory_space<hbm>> -> memref<128xi32, #tpu.memory_space<hbm>>
        tpu.wait_dma2 semaphore(%arg15 : memref<!tpu.dma_semaphore, #tpu.memory_space<semaphore_mem>>) src(%dma_wait3A_102 : memref<128xi32, #tpu.memory_space<hbm>>) dst(%arg8 : memref<128xi32, #tpu.memory_space<vmem>>)
        %gt3A = arith.constant 0 : i32
        %gt3A_103 = arith.cmpi sgt, %mul3A_92, %gt3A : i32
        %convert_element_type3A_104 = arith.extui %gt3A_103 : i1 to i32
        %cond3A_105 = arith.constant 0 : i32
        %cond3A_106 = arith.cmpi ne, %convert_element_type3A_104, %cond3A_105 : i32
        scf.if %cond3A_106 {
          %sub3A = arith.constant 1 : i32
          %sub3A_148 = arith.subi %mul3A_92, %sub3A : i32
          %dma_wait3A_149 = arith.constant 0 : i32
          %dma_wait3A_150 = tpu.memref_slice %arg6[%sub3A_148, %dma_wait3A_149] : memref<128x128xi32, #tpu.memory_space<vmem>> -> memref<1x128xi32, #tpu.memory_space<vmem>>
          %dma_wait3A_151 = tpu.memref_squeeze %dma_wait3A_150 : memref<1x128xi32, #tpu.memory_space<vmem>> -> memref<128xi32, #tpu.memory_space<vmem>>
          %dma_wait3A_152 = arith.constant 0 : i32
          %dma_wait3A_153 = arith.constant 0 : i32
          %dma_wait3A_154 = tpu.memref_slice %arg11[%dma_wait3A_152, %dma_wait3A_153] : memref<10112x128xf32, #tpu.memory_space<vmem_shared>> -> memref<10112x128xf32, #tpu.memory_space<vmem_shared>>
          tpu.wait_indirect_dma semaphore(%arg17 : memref<!tpu.dma_semaphore, #tpu.memory_space<semaphore_mem>>) src(%arg10 : memref<128x128xf32, #tpu.memory_space<vmem>>) dst(%dma_wait3A_154 : memref<10112x128xf32, #tpu.memory_space<vmem_shared>>)
        } else {
        }
        %dma_start3A_107 = arith.constant 0 : i32
        %dma_start3A_108 = arith.constant 0 : i32
        %dma_start3A_109 = tpu.memref_slice %arg2[%dma_start3A_107, %dma_start3A_108] : memref<10000x128xf32, #tpu.memory_space<hbm>> -> memref<10000x128xf32, #tpu.memory_space<hbm>>
        tpu.enqueue_indirect_dma source(%dma_start3A_109 : memref<10000x128xf32, #tpu.memory_space<hbm>>) target(%arg10 : memref<128x128xf32, #tpu.memory_space<vmem>>) offsets(%arg8 : memref<128xi32, #tpu.memory_space<vmem>>) semaphore(%arg13 : memref<!tpu.dma_semaphore, #tpu.memory_space<semaphore_mem>>)
        %add3A_110 = arith.constant 2 : i32
        %add3A_111 = arith.addi %mul3A_92, %add3A_110 : i32
        %lt3A = arith.constant 128 : i32
        %lt3A_112 = arith.cmpi slt, %add3A_111, %lt3A : i32
        %convert_element_type3A_113 = arith.extui %lt3A_112 : i1 to i32
        %cond3A_114 = arith.constant 0 : i32
        %cond3A_115 = arith.cmpi ne, %convert_element_type3A_113, %cond3A_114 : i32
        scf.if %cond3A_115 {
          %add3A_148 = arith.constant 2 : i32
          %add3A_149 = arith.addi %mul3A_92, %add3A_148 : i32
          %mul3A_150 = arith.constant 128 : i32
          %mul3A_151 = arith.muli %add3A_149, %mul3A_150 : i32
          %add3A_152 = arith.addi %mul3A_54, %mul3A_151 : i32
          %dma_start3A_153 = tpu.memref_slice %arg3[%add3A_152] : memref<327680xi32, #tpu.memory_space<hbm>> -> memref<128xi32, #tpu.memory_space<hbm>>
          %dma_start3A_154 = tpu.memref_slice %arg3[%add3A_152] : memref<327680xi32, #tpu.memory_space<hbm>> -> memref<128xi32, #tpu.memory_space<hbm>>
          tpu.enqueue_dma source(%dma_start3A_154 : memref<128xi32, #tpu.memory_space<hbm>>) target(%arg7 : memref<128xi32, #tpu.memory_space<vmem>>) target_semaphore(%arg14 : memref<!tpu.dma_semaphore, #tpu.memory_space<semaphore_mem>>)
        } else {
        }
        %dma_start3A_116 = arith.constant 0 : i32
        %dma_start3A_117 = tpu.memref_slice %arg6[%mul3A_92, %dma_start3A_116] : memref<128x128xi32, #tpu.memory_space<vmem>> -> memref<1x128xi32, #tpu.memory_space<vmem>>
        %dma_start3A_118 = tpu.memref_squeeze %dma_start3A_117 : memref<1x128xi32, #tpu.memory_space<vmem>> -> memref<128xi32, #tpu.memory_space<vmem>>
        %dma_start3A_119 = arith.constant 0 : i32
        %dma_start3A_120 = arith.constant 0 : i32
        %dma_start3A_121 = tpu.memref_slice %arg11[%dma_start3A_119, %dma_start3A_120] : memref<10112x128xf32, #tpu.memory_space<vmem_shared>> -> memref<10112x128xf32, #tpu.memory_space<vmem_shared>>
        tpu.enqueue_indirect_dma source(%arg9 : memref<128x128xf32, #tpu.memory_space<vmem>>) target(%dma_start3A_121 : memref<10112x128xf32, #tpu.memory_space<vmem_shared>>) offsets(%dma_start3A_118 : memref<128xi32, #tpu.memory_space<vmem>>) semaphore(%arg16 : memref<!tpu.dma_semaphore, #tpu.memory_space<semaphore_mem>>) {add = true}
        %dma_wait3A_122 = arith.constant 0 : i32
        %dma_wait3A_123 = arith.constant 0 : i32
        %dma_wait3A_124 = tpu.memref_slice %arg2[%dma_wait3A_122, %dma_wait3A_123] : memref<10000x128xf32, #tpu.memory_space<hbm>> -> memref<10000x128xf32, #tpu.memory_space<hbm>>
        tpu.wait_indirect_dma semaphore(%arg13 : memref<!tpu.dma_semaphore, #tpu.memory_space<semaphore_mem>>) src(%dma_wait3A_124 : memref<10000x128xf32, #tpu.memory_space<hbm>>) dst(%arg10 : memref<128x128xf32, #tpu.memory_space<vmem>>)
        %add3A_125 = arith.constant 2 : i32
        %add3A_126 = arith.addi %mul3A_92, %add3A_125 : i32
        %lt3A_127 = arith.constant 128 : i32
        %lt3A_128 = arith.cmpi slt, %add3A_126, %lt3A_127 : i32
        %convert_element_type3A_129 = arith.extui %lt3A_128 : i1 to i32
        %cond3A_130 = arith.constant 0 : i32
        %cond3A_131 = arith.cmpi ne, %convert_element_type3A_129, %cond3A_130 : i32
        scf.if %cond3A_131 {
          %add3A_148 = arith.constant 2 : i32
          %add3A_149 = arith.addi %mul3A_92, %add3A_148 : i32
          %mul3A_150 = arith.constant 128 : i32
          %mul3A_151 = arith.muli %add3A_149, %mul3A_150 : i32
          %add3A_152 = arith.addi %mul3A_54, %mul3A_151 : i32
          %dma_wait3A_153 = tpu.memref_slice %arg3[%add3A_152] : memref<327680xi32, #tpu.memory_space<hbm>> -> memref<128xi32, #tpu.memory_space<hbm>>
          %dma_wait3A_154 = tpu.memref_slice %arg3[%add3A_152] : memref<327680xi32, #tpu.memory_space<hbm>> -> memref<128xi32, #tpu.memory_space<hbm>>
          tpu.wait_dma2 semaphore(%arg14 : memref<!tpu.dma_semaphore, #tpu.memory_space<semaphore_mem>>) src(%dma_wait3A_154 : memref<128xi32, #tpu.memory_space<hbm>>) dst(%arg7 : memref<128xi32, #tpu.memory_space<vmem>>)
          %dma_wait3A_155 = arith.constant 0 : i32
          %dma_wait3A_156 = tpu.memref_slice %arg6[%mul3A_92, %dma_wait3A_155] : memref<128x128xi32, #tpu.memory_space<vmem>> -> memref<1x128xi32, #tpu.memory_space<vmem>>
          %dma_wait3A_157 = tpu.memref_squeeze %dma_wait3A_156 : memref<1x128xi32, #tpu.memory_space<vmem>> -> memref<128xi32, #tpu.memory_space<vmem>>
          %dma_wait3A_158 = arith.constant 0 : i32
          %dma_wait3A_159 = arith.constant 0 : i32
          %dma_wait3A_160 = tpu.memref_slice %arg11[%dma_wait3A_158, %dma_wait3A_159] : memref<10112x128xf32, #tpu.memory_space<vmem_shared>> -> memref<10112x128xf32, #tpu.memory_space<vmem_shared>>
          tpu.wait_indirect_dma semaphore(%arg16 : memref<!tpu.dma_semaphore, #tpu.memory_space<semaphore_mem>>) src(%arg9 : memref<128x128xf32, #tpu.memory_space<vmem>>) dst(%dma_wait3A_160 : memref<10112x128xf32, #tpu.memory_space<vmem_shared>>)
          %dma_start3A_161 = arith.constant 0 : i32
          %dma_start3A_162 = arith.constant 0 : i32
          %dma_start3A_163 = tpu.memref_slice %arg2[%dma_start3A_161, %dma_start3A_162] : memref<10000x128xf32, #tpu.memory_space<hbm>> -> memref<10000x128xf32, #tpu.memory_space<hbm>>
          tpu.enqueue_indirect_dma source(%dma_start3A_163 : memref<10000x128xf32, #tpu.memory_space<hbm>>) target(%arg9 : memref<128x128xf32, #tpu.memory_space<vmem>>) offsets(%arg7 : memref<128xi32, #tpu.memory_space<vmem>>) semaphore(%arg12 : memref<!tpu.dma_semaphore, #tpu.memory_space<semaphore_mem>>)
        } else {
        }
        %add3A_132 = arith.constant 3 : i32
        %add3A_133 = arith.addi %mul3A_92, %add3A_132 : i32
        %lt3A_134 = arith.constant 128 : i32
        %lt3A_135 = arith.cmpi slt, %add3A_133, %lt3A_134 : i32
        %convert_element_type3A_136 = arith.extui %lt3A_135 : i1 to i32
        %cond3A_137 = arith.constant 0 : i32
        %cond3A_138 = arith.cmpi ne, %convert_element_type3A_136, %cond3A_137 : i32
        scf.if %cond3A_138 {
          %add3A_148 = arith.constant 3 : i32
          %add3A_149 = arith.addi %mul3A_92, %add3A_148 : i32
          %mul3A_150 = arith.constant 128 : i32
          %mul3A_151 = arith.muli %add3A_149, %mul3A_150 : i32
          %add3A_152 = arith.addi %mul3A_54, %mul3A_151 : i32
          %dma_start3A_153 = tpu.memref_slice %arg3[%add3A_152] : memref<327680xi32, #tpu.memory_space<hbm>> -> memref<128xi32, #tpu.memory_space<hbm>>
          %dma_start3A_154 = tpu.memref_slice %arg3[%add3A_152] : memref<327680xi32, #tpu.memory_space<hbm>> -> memref<128xi32, #tpu.memory_space<hbm>>
          tpu.enqueue_dma source(%dma_start3A_154 : memref<128xi32, #tpu.memory_space<hbm>>) target(%arg8 : memref<128xi32, #tpu.memory_space<vmem>>) target_semaphore(%arg15 : memref<!tpu.dma_semaphore, #tpu.memory_space<semaphore_mem>>)
        } else {
        }
        %add3A_139 = arith.constant 1 : i32
        %add3A_140 = arith.addi %mul3A_92, %add3A_139 : i32
        %dma_start3A_141 = arith.constant 0 : i32
        %dma_start3A_142 = tpu.memref_slice %arg6[%add3A_140, %dma_start3A_141] : memref<128x128xi32, #tpu.memory_space<vmem>> -> memref<1x128xi32, #tpu.memory_space<vmem>>
        %dma_start3A_143 = tpu.memref_squeeze %dma_start3A_142 : memref<1x128xi32, #tpu.memory_space<vmem>> -> memref<128xi32, #tpu.memory_space<vmem>>
        %dma_start3A_144 = arith.constant 0 : i32
        %dma_start3A_145 = arith.constant 0 : i32
        %dma_start3A_146 = tpu.memref_slice %arg11[%dma_start3A_144, %dma_start3A_145] : memref<10112x128xf32, #tpu.memory_space<vmem_shared>> -> memref<10112x128xf32, #tpu.memory_space<vmem_shared>>
        tpu.enqueue_indirect_dma source(%arg10 : memref<128x128xf32, #tpu.memory_space<vmem>>) target(%dma_start3A_146 : memref<10112x128xf32, #tpu.memory_space<vmem_shared>>) offsets(%dma_start3A_143 : memref<128xi32, #tpu.memory_space<vmem>>) semaphore(%arg17 : memref<!tpu.dma_semaphore, #tpu.memory_space<semaphore_mem>>) {add = true}
        %scan3A_147 = arith.constant 0 : i32
        scf.yield %scan3A_147 : i32
      }
      %scan3A_74 = arith.constant 64 : i32
      %dma_wait3A_75 = arith.constant 126 : i32
      %dma_wait3A_76 = arith.constant 0 : i32
      %dma_wait3A_77 = tpu.memref_slice %arg6[%dma_wait3A_75, %dma_wait3A_76] : memref<128x128xi32, #tpu.memory_space<vmem>> -> memref<1x128xi32, #tpu.memory_space<vmem>>
      %dma_wait3A_78 = tpu.memref_squeeze %dma_wait3A_77 : memref<1x128xi32, #tpu.memory_space<vmem>> -> memref<128xi32, #tpu.memory_space<vmem>>
      %dma_wait3A_79 = arith.constant 0 : i32
      %dma_wait3A_80 = arith.constant 0 : i32
      %dma_wait3A_81 = tpu.memref_slice %arg11[%dma_wait3A_79, %dma_wait3A_80] : memref<10112x128xf32, #tpu.memory_space<vmem_shared>> -> memref<10112x128xf32, #tpu.memory_space<vmem_shared>>
      tpu.wait_indirect_dma semaphore(%arg16 : memref<!tpu.dma_semaphore, #tpu.memory_space<semaphore_mem>>) src(%arg9 : memref<128x128xf32, #tpu.memory_space<vmem>>) dst(%dma_wait3A_81 : memref<10112x128xf32, #tpu.memory_space<vmem_shared>>)
      %dma_wait3A_82 = arith.constant 127 : i32
      %dma_wait3A_83 = arith.constant 0 : i32
      %dma_wait3A_84 = tpu.memref_slice %arg6[%dma_wait3A_82, %dma_wait3A_83] : memref<128x128xi32, #tpu.memory_space<vmem>> -> memref<1x128xi32, #tpu.memory_space<vmem>>
      %dma_wait3A_85 = tpu.memref_squeeze %dma_wait3A_84 : memref<1x128xi32, #tpu.memory_space<vmem>> -> memref<128xi32, #tpu.memory_space<vmem>>
      %dma_wait3A_86 = arith.constant 0 : i32
      %dma_wait3A_87 = arith.constant 0 : i32
      %dma_wait3A_88 = tpu.memref_slice %arg11[%dma_wait3A_86, %dma_wait3A_87] : memref<10112x128xf32, #tpu.memory_space<vmem_shared>> -> memref<10112x128xf32, #tpu.memory_space<vmem_shared>>
      tpu.wait_indirect_dma semaphore(%arg17 : memref<!tpu.dma_semaphore, #tpu.memory_space<semaphore_mem>>) src(%arg10 : memref<128x128xf32, #tpu.memory_space<vmem>>) dst(%dma_wait3A_88 : memref<10112x128xf32, #tpu.memory_space<vmem_shared>>)
    } else {
    }
    %ne3A = arith.constant 1 : i32
    %ne3A_26 = arith.cmpi ne, %arg0, %ne3A : i32
    %convert_element_type3A_27 = arith.extui %ne3A_26 : i1 to i32
    %cond3A_28 = arith.constant 0 : i32
    %cond3A_29 = arith.cmpi ne, %convert_element_type3A_27, %cond3A_28 : i32
    scf.if %cond3A_29 {
      %mul3A_51 = arith.constant 32 : i32
      %mul3A_52 = arith.muli %arg1, %mul3A_51 : i32
      %add3A_53 = arith.constant 2048 : i32
      %add3A_54 = arith.addi %add3A_53, %mul3A_52 : i32
      "tpu.region"() ({
        %run_scoped3A = tpu.sem_alloc : memref<!tpu.dma_semaphore, #tpu.memory_space<semaphore_mem>>
        %dma_start3A_91 = arith.constant 0 : i32
        %dma_start3A_92 = arith.constant 0 : i32
        %dma_start3A_93 = tpu.memref_slice %arg6[%dma_start3A_91, %dma_start3A_92] : memref<128x128xi32, #tpu.memory_space<vmem>> -> memref<32x128xi32, #tpu.memory_space<vmem>>
        %dma_start3A_94 = arith.constant 0 : i32
        %dma_start3A_95 = tpu.memref_slice %arg4[%add3A_54, %dma_start3A_94] : memref<2560x128xi32, #tpu.memory_space<hbm>> -> memref<32x128xi32, #tpu.memory_space<hbm>>
        %dma_start3A_96 = arith.constant 0 : i32
        %dma_start3A_97 = arith.constant 0 : i32
        %dma_start3A_98 = tpu.memref_slice %arg6[%dma_start3A_96, %dma_start3A_97] : memref<128x128xi32, #tpu.memory_space<vmem>> -> memref<32x128xi32, #tpu.memory_space<vmem>>
        %dma_start3A_99 = arith.constant 0 : i32
        %dma_start3A_100 = tpu.memref_slice %arg4[%add3A_54, %dma_start3A_99] : memref<2560x128xi32, #tpu.memory_space<hbm>> -> memref<32x128xi32, #tpu.memory_space<hbm>>
        tpu.enqueue_dma source(%dma_start3A_100 : memref<32x128xi32, #tpu.memory_space<hbm>>) target(%dma_start3A_98 : memref<32x128xi32, #tpu.memory_space<vmem>>) target_semaphore(%run_scoped3A : memref<!tpu.dma_semaphore, #tpu.memory_space<semaphore_mem>>)
        %dma_wait3A_101 = arith.constant 0 : i32
        %dma_wait3A_102 = arith.constant 0 : i32
        %dma_wait3A_103 = tpu.memref_slice %arg6[%dma_wait3A_101, %dma_wait3A_102] : memref<128x128xi32, #tpu.memory_space<vmem>> -> memref<32x128xi32, #tpu.memory_space<vmem>>
        %dma_wait3A_104 = arith.constant 0 : i32
        %dma_wait3A_105 = tpu.memref_slice %arg4[%add3A_54, %dma_wait3A_104] : memref<2560x128xi32, #tpu.memory_space<hbm>> -> memref<32x128xi32, #tpu.memory_space<hbm>>
        %dma_wait3A_106 = arith.constant 0 : i32
        %dma_wait3A_107 = arith.constant 0 : i32
        %dma_wait3A_108 = tpu.memref_slice %arg6[%dma_wait3A_106, %dma_wait3A_107] : memref<128x128xi32, #tpu.memory_space<vmem>> -> memref<32x128xi32, #tpu.memory_space<vmem>>
        %dma_wait3A_109 = arith.constant 0 : i32
        %dma_wait3A_110 = tpu.memref_slice %arg4[%add3A_54, %dma_wait3A_109] : memref<2560x128xi32, #tpu.memory_space<hbm>> -> memref<32x128xi32, #tpu.memory_space<hbm>>
        tpu.wait_dma2 semaphore(%run_scoped3A : memref<!tpu.dma_semaphore, #tpu.memory_space<semaphore_mem>>) src(%dma_wait3A_110 : memref<32x128xi32, #tpu.memory_space<hbm>>) dst(%dma_wait3A_108 : memref<32x128xi32, #tpu.memory_space<vmem>>)
        tpu.yield
      }) : () -> ()
      %mul3A_55 = arith.constant 128 : i32
      %mul3A_56 = arith.muli %add3A_54, %mul3A_55 : i32
      %add3A_57 = arith.constant 0 : i32
      %add3A_58 = arith.addi %mul3A_56, %add3A_57 : i32
      %dma_start3A = tpu.memref_slice %arg3[%add3A_58] : memref<327680xi32, #tpu.memory_space<hbm>> -> memref<128xi32, #tpu.memory_space<hbm>>
      %dma_start3A_59 = tpu.memref_slice %arg3[%add3A_58] : memref<327680xi32, #tpu.memory_space<hbm>> -> memref<128xi32, #tpu.memory_space<hbm>>
      tpu.enqueue_dma source(%dma_start3A_59 : memref<128xi32, #tpu.memory_space<hbm>>) target(%arg7 : memref<128xi32, #tpu.memory_space<vmem>>) target_semaphore(%arg14 : memref<!tpu.dma_semaphore, #tpu.memory_space<semaphore_mem>>)
      %add3A_60 = arith.constant 0 : i32
      %add3A_61 = arith.addi %mul3A_56, %add3A_60 : i32
      %dma_wait3A = tpu.memref_slice %arg3[%add3A_61] : memref<327680xi32, #tpu.memory_space<hbm>> -> memref<128xi32, #tpu.memory_space<hbm>>
      %dma_wait3A_62 = tpu.memref_slice %arg3[%add3A_61] : memref<327680xi32, #tpu.memory_space<hbm>> -> memref<128xi32, #tpu.memory_space<hbm>>
      tpu.wait_dma2 semaphore(%arg14 : memref<!tpu.dma_semaphore, #tpu.memory_space<semaphore_mem>>) src(%dma_wait3A_62 : memref<128xi32, #tpu.memory_space<hbm>>) dst(%arg7 : memref<128xi32, #tpu.memory_space<vmem>>)
      %dma_start3A_63 = arith.constant 0 : i32
      %dma_start3A_64 = arith.constant 0 : i32
      %dma_start3A_65 = tpu.memref_slice %arg2[%dma_start3A_63, %dma_start3A_64] : memref<10000x128xf32, #tpu.memory_space<hbm>> -> memref<10000x128xf32, #tpu.memory_space<hbm>>
      tpu.enqueue_indirect_dma source(%dma_start3A_65 : memref<10000x128xf32, #tpu.memory_space<hbm>>) target(%arg9 : memref<128x128xf32, #tpu.memory_space<vmem>>) offsets(%arg7 : memref<128xi32, #tpu.memory_space<vmem>>) semaphore(%arg12 : memref<!tpu.dma_semaphore, #tpu.memory_space<semaphore_mem>>)
      %add3A_66 = arith.constant 128 : i32
      %add3A_67 = arith.addi %mul3A_56, %add3A_66 : i32
      %dma_start3A_68 = tpu.memref_slice %arg3[%add3A_67] : memref<327680xi32, #tpu.memory_space<hbm>> -> memref<128xi32, #tpu.memory_space<hbm>>
      %dma_start3A_69 = tpu.memref_slice %arg3[%add3A_67] : memref<327680xi32, #tpu.memory_space<hbm>> -> memref<128xi32, #tpu.memory_space<hbm>>
      tpu.enqueue_dma source(%dma_start3A_69 : memref<128xi32, #tpu.memory_space<hbm>>) target(%arg8 : memref<128xi32, #tpu.memory_space<vmem>>) target_semaphore(%arg15 : memref<!tpu.dma_semaphore, #tpu.memory_space<semaphore_mem>>)
      %scan3A_70 = arith.constant 0 : i32
      %scan3A_71 = arith.constant 0 : i32
      %scan3A_72 = arith.constant 16 : i32
      %scan3A_73 = arith.addi %scan3A_71, %scan3A_72 : i32
      %scan3A_74 = arith.constant 1 : i32
      %scan3A_75 = scf.for %scan3A_91 = %scan3A_71 to %scan3A_73 step %scan3A_74 iter_args(%scan3A_92 = %scan3A_70) -> (i32)  : i32 {
        %mul3A_93 = arith.constant 2 : i32
        %mul3A_94 = arith.muli %mul3A_93, %scan3A_91 : i32
        %dma_wait3A_95 = arith.constant 0 : i32
        %dma_wait3A_96 = arith.constant 0 : i32
        %dma_wait3A_97 = tpu.memref_slice %arg2[%dma_wait3A_95, %dma_wait3A_96] : memref<10000x128xf32, #tpu.memory_space<hbm>> -> memref<10000x128xf32, #tpu.memory_space<hbm>>
        tpu.wait_indirect_dma semaphore(%arg12 : memref<!tpu.dma_semaphore, #tpu.memory_space<semaphore_mem>>) src(%dma_wait3A_97 : memref<10000x128xf32, #tpu.memory_space<hbm>>) dst(%arg9 : memref<128x128xf32, #tpu.memory_space<vmem>>)
        %add3A_98 = arith.constant 1 : i32
        %add3A_99 = arith.addi %mul3A_94, %add3A_98 : i32
        %mul3A_100 = arith.constant 128 : i32
        %mul3A_101 = arith.muli %add3A_99, %mul3A_100 : i32
        %add3A_102 = arith.addi %mul3A_56, %mul3A_101 : i32
        %dma_wait3A_103 = tpu.memref_slice %arg3[%add3A_102] : memref<327680xi32, #tpu.memory_space<hbm>> -> memref<128xi32, #tpu.memory_space<hbm>>
        %dma_wait3A_104 = tpu.memref_slice %arg3[%add3A_102] : memref<327680xi32, #tpu.memory_space<hbm>> -> memref<128xi32, #tpu.memory_space<hbm>>
        tpu.wait_dma2 semaphore(%arg15 : memref<!tpu.dma_semaphore, #tpu.memory_space<semaphore_mem>>) src(%dma_wait3A_104 : memref<128xi32, #tpu.memory_space<hbm>>) dst(%arg8 : memref<128xi32, #tpu.memory_space<vmem>>)
        %gt3A = arith.constant 0 : i32
        %gt3A_105 = arith.cmpi sgt, %mul3A_94, %gt3A : i32
        %convert_element_type3A_106 = arith.extui %gt3A_105 : i1 to i32
        %cond3A_107 = arith.constant 0 : i32
        %cond3A_108 = arith.cmpi ne, %convert_element_type3A_106, %cond3A_107 : i32
        scf.if %cond3A_108 {
          %sub3A = arith.constant 1 : i32
          %sub3A_150 = arith.subi %mul3A_94, %sub3A : i32
          %dma_wait3A_151 = arith.constant 0 : i32
          %dma_wait3A_152 = tpu.memref_slice %arg6[%sub3A_150, %dma_wait3A_151] : memref<128x128xi32, #tpu.memory_space<vmem>> -> memref<1x128xi32, #tpu.memory_space<vmem>>
          %dma_wait3A_153 = tpu.memref_squeeze %dma_wait3A_152 : memref<1x128xi32, #tpu.memory_space<vmem>> -> memref<128xi32, #tpu.memory_space<vmem>>
          %dma_wait3A_154 = arith.constant 0 : i32
          %dma_wait3A_155 = arith.constant 0 : i32
          %dma_wait3A_156 = tpu.memref_slice %arg11[%dma_wait3A_154, %dma_wait3A_155] : memref<10112x128xf32, #tpu.memory_space<vmem_shared>> -> memref<10112x128xf32, #tpu.memory_space<vmem_shared>>
          tpu.wait_indirect_dma semaphore(%arg17 : memref<!tpu.dma_semaphore, #tpu.memory_space<semaphore_mem>>) src(%arg10 : memref<128x128xf32, #tpu.memory_space<vmem>>) dst(%dma_wait3A_156 : memref<10112x128xf32, #tpu.memory_space<vmem_shared>>)
        } else {
        }
        %dma_start3A_109 = arith.constant 0 : i32
        %dma_start3A_110 = arith.constant 0 : i32
        %dma_start3A_111 = tpu.memref_slice %arg2[%dma_start3A_109, %dma_start3A_110] : memref<10000x128xf32, #tpu.memory_space<hbm>> -> memref<10000x128xf32, #tpu.memory_space<hbm>>
        tpu.enqueue_indirect_dma source(%dma_start3A_111 : memref<10000x128xf32, #tpu.memory_space<hbm>>) target(%arg10 : memref<128x128xf32, #tpu.memory_space<vmem>>) offsets(%arg8 : memref<128xi32, #tpu.memory_space<vmem>>) semaphore(%arg13 : memref<!tpu.dma_semaphore, #tpu.memory_space<semaphore_mem>>)
        %add3A_112 = arith.constant 2 : i32
        %add3A_113 = arith.addi %mul3A_94, %add3A_112 : i32
        %lt3A = arith.constant 32 : i32
        %lt3A_114 = arith.cmpi slt, %add3A_113, %lt3A : i32
        %convert_element_type3A_115 = arith.extui %lt3A_114 : i1 to i32
        %cond3A_116 = arith.constant 0 : i32
        %cond3A_117 = arith.cmpi ne, %convert_element_type3A_115, %cond3A_116 : i32
        scf.if %cond3A_117 {
          %add3A_150 = arith.constant 2 : i32
          %add3A_151 = arith.addi %mul3A_94, %add3A_150 : i32
          %mul3A_152 = arith.constant 128 : i32
          %mul3A_153 = arith.muli %add3A_151, %mul3A_152 : i32
          %add3A_154 = arith.addi %mul3A_56, %mul3A_153 : i32
          %dma_start3A_155 = tpu.memref_slice %arg3[%add3A_154] : memref<327680xi32, #tpu.memory_space<hbm>> -> memref<128xi32, #tpu.memory_space<hbm>>
          %dma_start3A_156 = tpu.memref_slice %arg3[%add3A_154] : memref<327680xi32, #tpu.memory_space<hbm>> -> memref<128xi32, #tpu.memory_space<hbm>>
          tpu.enqueue_dma source(%dma_start3A_156 : memref<128xi32, #tpu.memory_space<hbm>>) target(%arg7 : memref<128xi32, #tpu.memory_space<vmem>>) target_semaphore(%arg14 : memref<!tpu.dma_semaphore, #tpu.memory_space<semaphore_mem>>)
        } else {
        }
        %dma_start3A_118 = arith.constant 0 : i32
        %dma_start3A_119 = tpu.memref_slice %arg6[%mul3A_94, %dma_start3A_118] : memref<128x128xi32, #tpu.memory_space<vmem>> -> memref<1x128xi32, #tpu.memory_space<vmem>>
        %dma_start3A_120 = tpu.memref_squeeze %dma_start3A_119 : memref<1x128xi32, #tpu.memory_space<vmem>> -> memref<128xi32, #tpu.memory_space<vmem>>
        %dma_start3A_121 = arith.constant 0 : i32
        %dma_start3A_122 = arith.constant 0 : i32
        %dma_start3A_123 = tpu.memref_slice %arg11[%dma_start3A_121, %dma_start3A_122] : memref<10112x128xf32, #tpu.memory_space<vmem_shared>> -> memref<10112x128xf32, #tpu.memory_space<vmem_shared>>
        tpu.enqueue_indirect_dma source(%arg9 : memref<128x128xf32, #tpu.memory_space<vmem>>) target(%dma_start3A_123 : memref<10112x128xf32, #tpu.memory_space<vmem_shared>>) offsets(%dma_start3A_120 : memref<128xi32, #tpu.memory_space<vmem>>) semaphore(%arg16 : memref<!tpu.dma_semaphore, #tpu.memory_space<semaphore_mem>>) {add = true}
        %dma_wait3A_124 = arith.constant 0 : i32
        %dma_wait3A_125 = arith.constant 0 : i32
        %dma_wait3A_126 = tpu.memref_slice %arg2[%dma_wait3A_124, %dma_wait3A_125] : memref<10000x128xf32, #tpu.memory_space<hbm>> -> memref<10000x128xf32, #tpu.memory_space<hbm>>
        tpu.wait_indirect_dma semaphore(%arg13 : memref<!tpu.dma_semaphore, #tpu.memory_space<semaphore_mem>>) src(%dma_wait3A_126 : memref<10000x128xf32, #tpu.memory_space<hbm>>) dst(%arg10 : memref<128x128xf32, #tpu.memory_space<vmem>>)
        %add3A_127 = arith.constant 2 : i32
        %add3A_128 = arith.addi %mul3A_94, %add3A_127 : i32
        %lt3A_129 = arith.constant 32 : i32
        %lt3A_130 = arith.cmpi slt, %add3A_128, %lt3A_129 : i32
        %convert_element_type3A_131 = arith.extui %lt3A_130 : i1 to i32
        %cond3A_132 = arith.constant 0 : i32
        %cond3A_133 = arith.cmpi ne, %convert_element_type3A_131, %cond3A_132 : i32
        scf.if %cond3A_133 {
          %add3A_150 = arith.constant 2 : i32
          %add3A_151 = arith.addi %mul3A_94, %add3A_150 : i32
          %mul3A_152 = arith.constant 128 : i32
          %mul3A_153 = arith.muli %add3A_151, %mul3A_152 : i32
          %add3A_154 = arith.addi %mul3A_56, %mul3A_153 : i32
          %dma_wait3A_155 = tpu.memref_slice %arg3[%add3A_154] : memref<327680xi32, #tpu.memory_space<hbm>> -> memref<128xi32, #tpu.memory_space<hbm>>
          %dma_wait3A_156 = tpu.memref_slice %arg3[%add3A_154] : memref<327680xi32, #tpu.memory_space<hbm>> -> memref<128xi32, #tpu.memory_space<hbm>>
          tpu.wait_dma2 semaphore(%arg14 : memref<!tpu.dma_semaphore, #tpu.memory_space<semaphore_mem>>) src(%dma_wait3A_156 : memref<128xi32, #tpu.memory_space<hbm>>) dst(%arg7 : memref<128xi32, #tpu.memory_space<vmem>>)
          %dma_wait3A_157 = arith.constant 0 : i32
          %dma_wait3A_158 = tpu.memref_slice %arg6[%mul3A_94, %dma_wait3A_157] : memref<128x128xi32, #tpu.memory_space<vmem>> -> memref<1x128xi32, #tpu.memory_space<vmem>>
          %dma_wait3A_159 = tpu.memref_squeeze %dma_wait3A_158 : memref<1x128xi32, #tpu.memory_space<vmem>> -> memref<128xi32, #tpu.memory_space<vmem>>
          %dma_wait3A_160 = arith.constant 0 : i32
          %dma_wait3A_161 = arith.constant 0 : i32
          %dma_wait3A_162 = tpu.memref_slice %arg11[%dma_wait3A_160, %dma_wait3A_161] : memref<10112x128xf32, #tpu.memory_space<vmem_shared>> -> memref<10112x128xf32, #tpu.memory_space<vmem_shared>>
          tpu.wait_indirect_dma semaphore(%arg16 : memref<!tpu.dma_semaphore, #tpu.memory_space<semaphore_mem>>) src(%arg9 : memref<128x128xf32, #tpu.memory_space<vmem>>) dst(%dma_wait3A_162 : memref<10112x128xf32, #tpu.memory_space<vmem_shared>>)
          %dma_start3A_163 = arith.constant 0 : i32
          %dma_start3A_164 = arith.constant 0 : i32
          %dma_start3A_165 = tpu.memref_slice %arg2[%dma_start3A_163, %dma_start3A_164] : memref<10000x128xf32, #tpu.memory_space<hbm>> -> memref<10000x128xf32, #tpu.memory_space<hbm>>
          tpu.enqueue_indirect_dma source(%dma_start3A_165 : memref<10000x128xf32, #tpu.memory_space<hbm>>) target(%arg9 : memref<128x128xf32, #tpu.memory_space<vmem>>) offsets(%arg7 : memref<128xi32, #tpu.memory_space<vmem>>) semaphore(%arg12 : memref<!tpu.dma_semaphore, #tpu.memory_space<semaphore_mem>>)
        } else {
        }
        %add3A_134 = arith.constant 3 : i32
        %add3A_135 = arith.addi %mul3A_94, %add3A_134 : i32
        %lt3A_136 = arith.constant 32 : i32
        %lt3A_137 = arith.cmpi slt, %add3A_135, %lt3A_136 : i32
        %convert_element_type3A_138 = arith.extui %lt3A_137 : i1 to i32
        %cond3A_139 = arith.constant 0 : i32
        %cond3A_140 = arith.cmpi ne, %convert_element_type3A_138, %cond3A_139 : i32
        scf.if %cond3A_140 {
          %add3A_150 = arith.constant 3 : i32
          %add3A_151 = arith.addi %mul3A_94, %add3A_150 : i32
          %mul3A_152 = arith.constant 128 : i32
          %mul3A_153 = arith.muli %add3A_151, %mul3A_152 : i32
          %add3A_154 = arith.addi %mul3A_56, %mul3A_153 : i32
          %dma_start3A_155 = tpu.memref_slice %arg3[%add3A_154] : memref<327680xi32, #tpu.memory_space<hbm>> -> memref<128xi32, #tpu.memory_space<hbm>>
          %dma_start3A_156 = tpu.memref_slice %arg3[%add3A_154] : memref<327680xi32, #tpu.memory_space<hbm>> -> memref<128xi32, #tpu.memory_space<hbm>>
          tpu.enqueue_dma source(%dma_start3A_156 : memref<128xi32, #tpu.memory_space<hbm>>) target(%arg8 : memref<128xi32, #tpu.memory_space<vmem>>) target_semaphore(%arg15 : memref<!tpu.dma_semaphore, #tpu.memory_space<semaphore_mem>>)
        } else {
        }
        %add3A_141 = arith.constant 1 : i32
        %add3A_142 = arith.addi %mul3A_94, %add3A_141 : i32
        %dma_start3A_143 = arith.constant 0 : i32
        %dma_start3A_144 = tpu.memref_slice %arg6[%add3A_142, %dma_start3A_143] : memref<128x128xi32, #tpu.memory_space<vmem>> -> memref<1x128xi32, #tpu.memory_space<vmem>>
        %dma_start3A_145 = tpu.memref_squeeze %dma_start3A_144 : memref<1x128xi32, #tpu.memory_space<vmem>> -> memref<128xi32, #tpu.memory_space<vmem>>
        %dma_start3A_146 = arith.constant 0 : i32
        %dma_start3A_147 = arith.constant 0 : i32
        %dma_start3A_148 = tpu.memref_slice %arg11[%dma_start3A_146, %dma_start3A_147] : memref<10112x128xf32, #tpu.memory_space<vmem_shared>> -> memref<10112x128xf32, #tpu.memory_space<vmem_shared>>
        tpu.enqueue_indirect_dma source(%arg10 : memref<128x128xf32, #tpu.memory_space<vmem>>) target(%dma_start3A_148 : memref<10112x128xf32, #tpu.memory_space<vmem_shared>>) offsets(%dma_start3A_145 : memref<128xi32, #tpu.memory_space<vmem>>) semaphore(%arg17 : memref<!tpu.dma_semaphore, #tpu.memory_space<semaphore_mem>>) {add = true}
        %scan3A_149 = arith.constant 0 : i32
        scf.yield %scan3A_149 : i32
      }
      %scan3A_76 = arith.constant 16 : i32
      %dma_wait3A_77 = arith.constant 30 : i32
      %dma_wait3A_78 = arith.constant 0 : i32
      %dma_wait3A_79 = tpu.memref_slice %arg6[%dma_wait3A_77, %dma_wait3A_78] : memref<128x128xi32, #tpu.memory_space<vmem>> -> memref<1x128xi32, #tpu.memory_space<vmem>>
      %dma_wait3A_80 = tpu.memref_squeeze %dma_wait3A_79 : memref<1x128xi32, #tpu.memory_space<vmem>> -> memref<128xi32, #tpu.memory_space<vmem>>
      %dma_wait3A_81 = arith.constant 0 : i32
      %dma_wait3A_82 = arith.constant 0 : i32
      %dma_wait3A_83 = tpu.memref_slice %arg11[%dma_wait3A_81, %dma_wait3A_82] : memref<10112x128xf32, #tpu.memory_space<vmem_shared>> -> memref<10112x128xf32, #tpu.memory_space<vmem_shared>>
      tpu.wait_indirect_dma semaphore(%arg16 : memref<!tpu.dma_semaphore, #tpu.memory_space<semaphore_mem>>) src(%arg9 : memref<128x128xf32, #tpu.memory_space<vmem>>) dst(%dma_wait3A_83 : memref<10112x128xf32, #tpu.memory_space<vmem_shared>>)
      %dma_wait3A_84 = arith.constant 31 : i32
      %dma_wait3A_85 = arith.constant 0 : i32
      %dma_wait3A_86 = tpu.memref_slice %arg6[%dma_wait3A_84, %dma_wait3A_85] : memref<128x128xi32, #tpu.memory_space<vmem>> -> memref<1x128xi32, #tpu.memory_space<vmem>>
      %dma_wait3A_87 = tpu.memref_squeeze %dma_wait3A_86 : memref<1x128xi32, #tpu.memory_space<vmem>> -> memref<128xi32, #tpu.memory_space<vmem>>
      %dma_wait3A_88 = arith.constant 0 : i32
      %dma_wait3A_89 = arith.constant 0 : i32
      %dma_wait3A_90 = tpu.memref_slice %arg11[%dma_wait3A_88, %dma_wait3A_89] : memref<10112x128xf32, #tpu.memory_space<vmem_shared>> -> memref<10112x128xf32, #tpu.memory_space<vmem_shared>>
      tpu.wait_indirect_dma semaphore(%arg17 : memref<!tpu.dma_semaphore, #tpu.memory_space<semaphore_mem>>) src(%arg10 : memref<128x128xf32, #tpu.memory_space<vmem>>) dst(%dma_wait3A_90 : memref<10112x128xf32, #tpu.memory_space<vmem_shared>>)
    } else {
    }
    %barrier3A_30 = arith.constant 0 : index
    tpu.barrier barrier_id(%barrier3A_30)
    %mul3A_31 = arith.constant 632 : i32
    %mul3A_32 = arith.muli %arg1, %mul3A_31 : i32
    %add3A_33 = arith.constant 0 : i32
    %add3A_34 = arith.addi %mul3A_32, %add3A_33 : i32
    "tpu.region"() ({
      %run_scoped3A = tpu.sem_alloc : memref<!tpu.dma_semaphore, #tpu.memory_space<semaphore_mem>>
      %dma_start3A = arith.constant 0 : i32
      %dma_start3A_51 = arith.constant 0 : i32
      %dma_start3A_52 = tpu.memref_slice %arg9[%dma_start3A, %dma_start3A_51] : memref<128x128xf32, #tpu.memory_space<vmem>> -> memref<128x128xf32, #tpu.memory_space<vmem>>
      %dma_start3A_53 = arith.constant 0 : i32
      %dma_start3A_54 = tpu.memref_slice %arg11[%add3A_34, %dma_start3A_53] : memref<10112x128xf32, #tpu.memory_space<vmem_shared>> -> memref<128x128xf32, #tpu.memory_space<vmem_shared>>
      %dma_start3A_55 = arith.constant 0 : i32
      %dma_start3A_56 = arith.constant 0 : i32
      %dma_start3A_57 = tpu.memref_slice %arg9[%dma_start3A_55, %dma_start3A_56] : memref<128x128xf32, #tpu.memory_space<vmem>> -> memref<128x128xf32, #tpu.memory_space<vmem>>
      %dma_start3A_58 = arith.constant 0 : i32
      %dma_start3A_59 = tpu.memref_slice %arg11[%add3A_34, %dma_start3A_58] : memref<10112x128xf32, #tpu.memory_space<vmem_shared>> -> memref<128x128xf32, #tpu.memory_space<vmem_shared>>
      tpu.enqueue_dma source(%dma_start3A_59 : memref<128x128xf32, #tpu.memory_space<vmem_shared>>) target(%dma_start3A_57 : memref<128x128xf32, #tpu.memory_space<vmem>>) target_semaphore(%run_scoped3A : memref<!tpu.dma_semaphore, #tpu.memory_space<semaphore_mem>>)
      %dma_wait3A = arith.constant 0 : i32
      %dma_wait3A_60 = arith.constant 0 : i32
      %dma_wait3A_61 = tpu.memref_slice %arg9[%dma_wait3A, %dma_wait3A_60] : memref<128x128xf32, #tpu.memory_space<vmem>> -> memref<128x128xf32, #tpu.memory_space<vmem>>
      %dma_wait3A_62 = arith.constant 0 : i32
      %dma_wait3A_63 = tpu.memref_slice %arg11[%add3A_34, %dma_wait3A_62] : memref<10112x128xf32, #tpu.memory_space<vmem_shared>> -> memref<128x128xf32, #tpu.memory_space<vmem_shared>>
      %dma_wait3A_64 = arith.constant 0 : i32
      %dma_wait3A_65 = arith.constant 0 : i32
      %dma_wait3A_66 = tpu.memref_slice %arg9[%dma_wait3A_64, %dma_wait3A_65] : memref<128x128xf32, #tpu.memory_space<vmem>> -> memref<128x128xf32, #tpu.memory_space<vmem>>
      %dma_wait3A_67 = arith.constant 0 : i32
      %dma_wait3A_68 = tpu.memref_slice %arg11[%add3A_34, %dma_wait3A_67] : memref<10112x128xf32, #tpu.memory_space<vmem_shared>> -> memref<128x128xf32, #tpu.memory_space<vmem_shared>>
      tpu.wait_dma2 semaphore(%run_scoped3A : memref<!tpu.dma_semaphore, #tpu.memory_space<semaphore_mem>>) src(%dma_wait3A_68 : memref<128x128xf32, #tpu.memory_space<vmem_shared>>) dst(%dma_wait3A_66 : memref<128x128xf32, #tpu.memory_space<vmem>>)
      tpu.yield
    }) : () -> ()
    "tpu.region"() ({
      %run_scoped3A = tpu.sem_alloc : memref<!tpu.dma_semaphore, #tpu.memory_space<semaphore_mem>>
      %dma_start3A = arith.constant 0 : i32
      %dma_start3A_51 = arith.constant 0 : i32
      %dma_start3A_52 = tpu.memref_slice %arg9[%dma_start3A, %dma_start3A_51] : memref<128x128xf32, #tpu.memory_space<vmem>> -> memref<128x128xf32, #tpu.memory_space<vmem>>
      %dma_start3A_53 = arith.constant 0 : i32
      %dma_start3A_54 = tpu.memref_slice %arg5[%arg0, %add3A_34, %dma_start3A_53] : memref<2x10112x128xf32, #tpu.memory_space<hbm>> -> memref<1x128x128xf32, #tpu.memory_space<hbm>>
      %dma_start3A_55 = tpu.memref_squeeze %dma_start3A_54 : memref<1x128x128xf32, #tpu.memory_space<hbm>> -> memref<128x128xf32, #tpu.memory_space<hbm>>
      %dma_start3A_56 = arith.constant 0 : i32
      %dma_start3A_57 = tpu.memref_slice %arg5[%arg0, %add3A_34, %dma_start3A_56] : memref<2x10112x128xf32, #tpu.memory_space<hbm>> -> memref<1x128x128xf32, #tpu.memory_space<hbm>>
      %dma_start3A_58 = tpu.memref_squeeze %dma_start3A_57 : memref<1x128x128xf32, #tpu.memory_space<hbm>> -> memref<128x128xf32, #tpu.memory_space<hbm>>
      %dma_start3A_59 = arith.constant 0 : i32
      %dma_start3A_60 = arith.constant 0 : i32
      %dma_start3A_61 = tpu.memref_slice %arg9[%dma_start3A_59, %dma_start3A_60] : memref<128x128xf32, #tpu.memory_space<vmem>> -> memref<128x128xf32, #tpu.memory_space<vmem>>
      tpu.enqueue_dma source(%dma_start3A_61 : memref<128x128xf32, #tpu.memory_space<vmem>>) target(%dma_start3A_58 : memref<128x128xf32, #tpu.memory_space<hbm>>) target_semaphore(%run_scoped3A : memref<!tpu.dma_semaphore, #tpu.memory_space<semaphore_mem>>)
      %dma_wait3A = arith.constant 0 : i32
      %dma_wait3A_62 = arith.constant 0 : i32
      %dma_wait3A_63 = tpu.memref_slice %arg9[%dma_wait3A, %dma_wait3A_62] : memref<128x128xf32, #tpu.memory_space<vmem>> -> memref<128x128xf32, #tpu.memory_space<vmem>>
      %dma_wait3A_64 = arith.constant 0 : i32
      %dma_wait3A_65 = tpu.memref_slice %arg5[%arg0, %add3A_34, %dma_wait3A_64] : memref<2x10112x128xf32, #tpu.memory_space<hbm>> -> memref<1x128x128xf32, #tpu.memory_space<hbm>>
      %dma_wait3A_66 = tpu.memref_squeeze %dma_wait3A_65 : memref<1x128x128xf32, #tpu.memory_space<hbm>> -> memref<128x128xf32, #tpu.memory_space<hbm>>
      %dma_wait3A_67 = arith.constant 0 : i32
      %dma_wait3A_68 = tpu.memref_slice %arg5[%arg0, %add3A_34, %dma_wait3A_67] : memref<2x10112x128xf32, #tpu.memory_space<hbm>> -> memref<1x128x128xf32, #tpu.memory_space<hbm>>
      %dma_wait3A_69 = tpu.memref_squeeze %dma_wait3A_68 : memref<1x128x128xf32, #tpu.memory_space<hbm>> -> memref<128x128xf32, #tpu.memory_space<hbm>>
      %dma_wait3A_70 = arith.constant 0 : i32
      %dma_wait3A_71 = arith.constant 0 : i32
      %dma_wait3A_72 = tpu.memref_slice %arg9[%dma_wait3A_70, %dma_wait3A_71] : memref<128x128xf32, #tpu.memory_space<vmem>> -> memref<128x128xf32, #tpu.memory_space<vmem>>
      tpu.wait_dma2 semaphore(%run_scoped3A : memref<!tpu.dma_semaphore, #tpu.memory_space<semaphore_mem>>) src(%dma_wait3A_72 : memref<128x128xf32, #tpu.memory_space<vmem>>) dst(%dma_wait3A_69 : memref<128x128xf32, #tpu.memory_space<hbm>>)
      tpu.yield
    }) : () -> ()
    %mul3A_35 = arith.constant 632 : i32
    %mul3A_36 = arith.muli %arg1, %mul3A_35 : i32
    %add3A_37 = arith.constant 128 : i32
    %add3A_38 = arith.addi %mul3A_36, %add3A_37 : i32
    "tpu.region"() ({
      %run_scoped3A = tpu.sem_alloc : memref<!tpu.dma_semaphore, #tpu.memory_space<semaphore_mem>>
      %dma_start3A = arith.constant 0 : i32
      %dma_start3A_51 = arith.constant 0 : i32
      %dma_start3A_52 = tpu.memref_slice %arg9[%dma_start3A, %dma_start3A_51] : memref<128x128xf32, #tpu.memory_space<vmem>> -> memref<128x128xf32, #tpu.memory_space<vmem>>
      %dma_start3A_53 = arith.constant 0 : i32
      %dma_start3A_54 = tpu.memref_slice %arg11[%add3A_38, %dma_start3A_53] : memref<10112x128xf32, #tpu.memory_space<vmem_shared>> -> memref<128x128xf32, #tpu.memory_space<vmem_shared>>
      %dma_start3A_55 = arith.constant 0 : i32
      %dma_start3A_56 = arith.constant 0 : i32
      %dma_start3A_57 = tpu.memref_slice %arg9[%dma_start3A_55, %dma_start3A_56] : memref<128x128xf32, #tpu.memory_space<vmem>> -> memref<128x128xf32, #tpu.memory_space<vmem>>
      %dma_start3A_58 = arith.constant 0 : i32
      %dma_start3A_59 = tpu.memref_slice %arg11[%add3A_38, %dma_start3A_58] : memref<10112x128xf32, #tpu.memory_space<vmem_shared>> -> memref<128x128xf32, #tpu.memory_space<vmem_shared>>
      tpu.enqueue_dma source(%dma_start3A_59 : memref<128x128xf32, #tpu.memory_space<vmem_shared>>) target(%dma_start3A_57 : memref<128x128xf32, #tpu.memory_space<vmem>>) target_semaphore(%run_scoped3A : memref<!tpu.dma_semaphore, #tpu.memory_space<semaphore_mem>>)
      %dma_wait3A = arith.constant 0 : i32
      %dma_wait3A_60 = arith.constant 0 : i32
      %dma_wait3A_61 = tpu.memref_slice %arg9[%dma_wait3A, %dma_wait3A_60] : memref<128x128xf32, #tpu.memory_space<vmem>> -> memref<128x128xf32, #tpu.memory_space<vmem>>
      %dma_wait3A_62 = arith.constant 0 : i32
      %dma_wait3A_63 = tpu.memref_slice %arg11[%add3A_38, %dma_wait3A_62] : memref<10112x128xf32, #tpu.memory_space<vmem_shared>> -> memref<128x128xf32, #tpu.memory_space<vmem_shared>>
      %dma_wait3A_64 = arith.constant 0 : i32
      %dma_wait3A_65 = arith.constant 0 : i32
      %dma_wait3A_66 = tpu.memref_slice %arg9[%dma_wait3A_64, %dma_wait3A_65] : memref<128x128xf32, #tpu.memory_space<vmem>> -> memref<128x128xf32, #tpu.memory_space<vmem>>
      %dma_wait3A_67 = arith.constant 0 : i32
      %dma_wait3A_68 = tpu.memref_slice %arg11[%add3A_38, %dma_wait3A_67] : memref<10112x128xf32, #tpu.memory_space<vmem_shared>> -> memref<128x128xf32, #tpu.memory_space<vmem_shared>>
      tpu.wait_dma2 semaphore(%run_scoped3A : memref<!tpu.dma_semaphore, #tpu.memory_space<semaphore_mem>>) src(%dma_wait3A_68 : memref<128x128xf32, #tpu.memory_space<vmem_shared>>) dst(%dma_wait3A_66 : memref<128x128xf32, #tpu.memory_space<vmem>>)
      tpu.yield
    }) : () -> ()
    "tpu.region"() ({
      %run_scoped3A = tpu.sem_alloc : memref<!tpu.dma_semaphore, #tpu.memory_space<semaphore_mem>>
      %dma_start3A = arith.constant 0 : i32
      %dma_start3A_51 = arith.constant 0 : i32
      %dma_start3A_52 = tpu.memref_slice %arg9[%dma_start3A, %dma_start3A_51] : memref<128x128xf32, #tpu.memory_space<vmem>> -> memref<128x128xf32, #tpu.memory_space<vmem>>
      %dma_start3A_53 = arith.constant 0 : i32
      %dma_start3A_54 = tpu.memref_slice %arg5[%arg0, %add3A_38, %dma_start3A_53] : memref<2x10112x128xf32, #tpu.memory_space<hbm>> -> memref<1x128x128xf32, #tpu.memory_space<hbm>>
      %dma_start3A_55 = tpu.memref_squeeze %dma_start3A_54 : memref<1x128x128xf32, #tpu.memory_space<hbm>> -> memref<128x128xf32, #tpu.memory_space<hbm>>
      %dma_start3A_56 = arith.constant 0 : i32
      %dma_start3A_57 = tpu.memref_slice %arg5[%arg0, %add3A_38, %dma_start3A_56] : memref<2x10112x128xf32, #tpu.memory_space<hbm>> -> memref<1x128x128xf32, #tpu.memory_space<hbm>>
      %dma_start3A_58 = tpu.memref_squeeze %dma_start3A_57 : memref<1x128x128xf32, #tpu.memory_space<hbm>> -> memref<128x128xf32, #tpu.memory_space<hbm>>
      %dma_start3A_59 = arith.constant 0 : i32
      %dma_start3A_60 = arith.constant 0 : i32
      %dma_start3A_61 = tpu.memref_slice %arg9[%dma_start3A_59, %dma_start3A_60] : memref<128x128xf32, #tpu.memory_space<vmem>> -> memref<128x128xf32, #tpu.memory_space<vmem>>
      tpu.enqueue_dma source(%dma_start3A_61 : memref<128x128xf32, #tpu.memory_space<vmem>>) target(%dma_start3A_58 : memref<128x128xf32, #tpu.memory_space<hbm>>) target_semaphore(%run_scoped3A : memref<!tpu.dma_semaphore, #tpu.memory_space<semaphore_mem>>)
      %dma_wait3A = arith.constant 0 : i32
      %dma_wait3A_62 = arith.constant 0 : i32
      %dma_wait3A_63 = tpu.memref_slice %arg9[%dma_wait3A, %dma_wait3A_62] : memref<128x128xf32, #tpu.memory_space<vmem>> -> memref<128x128xf32, #tpu.memory_space<vmem>>
      %dma_wait3A_64 = arith.constant 0 : i32
      %dma_wait3A_65 = tpu.memref_slice %arg5[%arg0, %add3A_38, %dma_wait3A_64] : memref<2x10112x128xf32, #tpu.memory_space<hbm>> -> memref<1x128x128xf32, #tpu.memory_space<hbm>>
      %dma_wait3A_66 = tpu.memref_squeeze %dma_wait3A_65 : memref<1x128x128xf32, #tpu.memory_space<hbm>> -> memref<128x128xf32, #tpu.memory_space<hbm>>
      %dma_wait3A_67 = arith.constant 0 : i32
      %dma_wait3A_68 = tpu.memref_slice %arg5[%arg0, %add3A_38, %dma_wait3A_67] : memref<2x10112x128xf32, #tpu.memory_space<hbm>> -> memref<1x128x128xf32, #tpu.memory_space<hbm>>
      %dma_wait3A_69 = tpu.memref_squeeze %dma_wait3A_68 : memref<1x128x128xf32, #tpu.memory_space<hbm>> -> memref<128x128xf32, #tpu.memory_space<hbm>>
      %dma_wait3A_70 = arith.constant 0 : i32
      %dma_wait3A_71 = arith.constant 0 : i32
      %dma_wait3A_72 = tpu.memref_slice %arg9[%dma_wait3A_70, %dma_wait3A_71] : memref<128x128xf32, #tpu.memory_space<vmem>> -> memref<128x128xf32, #tpu.memory_space<vmem>>
      tpu.wait_dma2 semaphore(%run_scoped3A : memref<!tpu.dma_semaphore, #tpu.memory_space<semaphore_mem>>) src(%dma_wait3A_72 : memref<128x128xf32, #tpu.memory_space<vmem>>) dst(%dma_wait3A_69 : memref<128x128xf32, #tpu.memory_space<hbm>>)
      tpu.yield
    }) : () -> ()
    %mul3A_39 = arith.constant 632 : i32
    %mul3A_40 = arith.muli %arg1, %mul3A_39 : i32
    %add3A_41 = arith.constant 256 : i32
    %add3A_42 = arith.addi %mul3A_40, %add3A_41 : i32
    "tpu.region"() ({
      %run_scoped3A = tpu.sem_alloc : memref<!tpu.dma_semaphore, #tpu.memory_space<semaphore_mem>>
      %dma_start3A = arith.constant 0 : i32
      %dma_start3A_51 = arith.constant 0 : i32
      %dma_start3A_52 = tpu.memref_slice %arg9[%dma_start3A, %dma_start3A_51] : memref<128x128xf32, #tpu.memory_space<vmem>> -> memref<128x128xf32, #tpu.memory_space<vmem>>
      %dma_start3A_53 = arith.constant 0 : i32
      %dma_start3A_54 = tpu.memref_slice %arg11[%add3A_42, %dma_start3A_53] : memref<10112x128xf32, #tpu.memory_space<vmem_shared>> -> memref<128x128xf32, #tpu.memory_space<vmem_shared>>
      %dma_start3A_55 = arith.constant 0 : i32
      %dma_start3A_56 = arith.constant 0 : i32
      %dma_start3A_57 = tpu.memref_slice %arg9[%dma_start3A_55, %dma_start3A_56] : memref<128x128xf32, #tpu.memory_space<vmem>> -> memref<128x128xf32, #tpu.memory_space<vmem>>
      %dma_start3A_58 = arith.constant 0 : i32
      %dma_start3A_59 = tpu.memref_slice %arg11[%add3A_42, %dma_start3A_58] : memref<10112x128xf32, #tpu.memory_space<vmem_shared>> -> memref<128x128xf32, #tpu.memory_space<vmem_shared>>
      tpu.enqueue_dma source(%dma_start3A_59 : memref<128x128xf32, #tpu.memory_space<vmem_shared>>) target(%dma_start3A_57 : memref<128x128xf32, #tpu.memory_space<vmem>>) target_semaphore(%run_scoped3A : memref<!tpu.dma_semaphore, #tpu.memory_space<semaphore_mem>>)
      %dma_wait3A = arith.constant 0 : i32
      %dma_wait3A_60 = arith.constant 0 : i32
      %dma_wait3A_61 = tpu.memref_slice %arg9[%dma_wait3A, %dma_wait3A_60] : memref<128x128xf32, #tpu.memory_space<vmem>> -> memref<128x128xf32, #tpu.memory_space<vmem>>
      %dma_wait3A_62 = arith.constant 0 : i32
      %dma_wait3A_63 = tpu.memref_slice %arg11[%add3A_42, %dma_wait3A_62] : memref<10112x128xf32, #tpu.memory_space<vmem_shared>> -> memref<128x128xf32, #tpu.memory_space<vmem_shared>>
      %dma_wait3A_64 = arith.constant 0 : i32
      %dma_wait3A_65 = arith.constant 0 : i32
      %dma_wait3A_66 = tpu.memref_slice %arg9[%dma_wait3A_64, %dma_wait3A_65] : memref<128x128xf32, #tpu.memory_space<vmem>> -> memref<128x128xf32, #tpu.memory_space<vmem>>
      %dma_wait3A_67 = arith.constant 0 : i32
      %dma_wait3A_68 = tpu.memref_slice %arg11[%add3A_42, %dma_wait3A_67] : memref<10112x128xf32, #tpu.memory_space<vmem_shared>> -> memref<128x128xf32, #tpu.memory_space<vmem_shared>>
      tpu.wait_dma2 semaphore(%run_scoped3A : memref<!tpu.dma_semaphore, #tpu.memory_space<semaphore_mem>>) src(%dma_wait3A_68 : memref<128x128xf32, #tpu.memory_space<vmem_shared>>) dst(%dma_wait3A_66 : memref<128x128xf32, #tpu.memory_space<vmem>>)
      tpu.yield
    }) : () -> ()
    "tpu.region"() ({
      %run_scoped3A = tpu.sem_alloc : memref<!tpu.dma_semaphore, #tpu.memory_space<semaphore_mem>>
      %dma_start3A = arith.constant 0 : i32
      %dma_start3A_51 = arith.constant 0 : i32
      %dma_start3A_52 = tpu.memref_slice %arg9[%dma_start3A, %dma_start3A_51] : memref<128x128xf32, #tpu.memory_space<vmem>> -> memref<128x128xf32, #tpu.memory_space<vmem>>
      %dma_start3A_53 = arith.constant 0 : i32
      %dma_start3A_54 = tpu.memref_slice %arg5[%arg0, %add3A_42, %dma_start3A_53] : memref<2x10112x128xf32, #tpu.memory_space<hbm>> -> memref<1x128x128xf32, #tpu.memory_space<hbm>>
      %dma_start3A_55 = tpu.memref_squeeze %dma_start3A_54 : memref<1x128x128xf32, #tpu.memory_space<hbm>> -> memref<128x128xf32, #tpu.memory_space<hbm>>
      %dma_start3A_56 = arith.constant 0 : i32
      %dma_start3A_57 = tpu.memref_slice %arg5[%arg0, %add3A_42, %dma_start3A_56] : memref<2x10112x128xf32, #tpu.memory_space<hbm>> -> memref<1x128x128xf32, #tpu.memory_space<hbm>>
      %dma_start3A_58 = tpu.memref_squeeze %dma_start3A_57 : memref<1x128x128xf32, #tpu.memory_space<hbm>> -> memref<128x128xf32, #tpu.memory_space<hbm>>
      %dma_start3A_59 = arith.constant 0 : i32
      %dma_start3A_60 = arith.constant 0 : i32
      %dma_start3A_61 = tpu.memref_slice %arg9[%dma_start3A_59, %dma_start3A_60] : memref<128x128xf32, #tpu.memory_space<vmem>> -> memref<128x128xf32, #tpu.memory_space<vmem>>
      tpu.enqueue_dma source(%dma_start3A_61 : memref<128x128xf32, #tpu.memory_space<vmem>>) target(%dma_start3A_58 : memref<128x128xf32, #tpu.memory_space<hbm>>) target_semaphore(%run_scoped3A : memref<!tpu.dma_semaphore, #tpu.memory_space<semaphore_mem>>)
      %dma_wait3A = arith.constant 0 : i32
      %dma_wait3A_62 = arith.constant 0 : i32
      %dma_wait3A_63 = tpu.memref_slice %arg9[%dma_wait3A, %dma_wait3A_62] : memref<128x128xf32, #tpu.memory_space<vmem>> -> memref<128x128xf32, #tpu.memory_space<vmem>>
      %dma_wait3A_64 = arith.constant 0 : i32
      %dma_wait3A_65 = tpu.memref_slice %arg5[%arg0, %add3A_42, %dma_wait3A_64] : memref<2x10112x128xf32, #tpu.memory_space<hbm>> -> memref<1x128x128xf32, #tpu.memory_space<hbm>>
      %dma_wait3A_66 = tpu.memref_squeeze %dma_wait3A_65 : memref<1x128x128xf32, #tpu.memory_space<hbm>> -> memref<128x128xf32, #tpu.memory_space<hbm>>
      %dma_wait3A_67 = arith.constant 0 : i32
      %dma_wait3A_68 = tpu.memref_slice %arg5[%arg0, %add3A_42, %dma_wait3A_67] : memref<2x10112x128xf32, #tpu.memory_space<hbm>> -> memref<1x128x128xf32, #tpu.memory_space<hbm>>
      %dma_wait3A_69 = tpu.memref_squeeze %dma_wait3A_68 : memref<1x128x128xf32, #tpu.memory_space<hbm>> -> memref<128x128xf32, #tpu.memory_space<hbm>>
      %dma_wait3A_70 = arith.constant 0 : i32
      %dma_wait3A_71 = arith.constant 0 : i32
      %dma_wait3A_72 = tpu.memref_slice %arg9[%dma_wait3A_70, %dma_wait3A_71] : memref<128x128xf32, #tpu.memory_space<vmem>> -> memref<128x128xf32, #tpu.memory_space<vmem>>
      tpu.wait_dma2 semaphore(%run_scoped3A : memref<!tpu.dma_semaphore, #tpu.memory_space<semaphore_mem>>) src(%dma_wait3A_72 : memref<128x128xf32, #tpu.memory_space<vmem>>) dst(%dma_wait3A_69 : memref<128x128xf32, #tpu.memory_space<hbm>>)
      tpu.yield
    }) : () -> ()
    %mul3A_43 = arith.constant 632 : i32
    %mul3A_44 = arith.muli %arg1, %mul3A_43 : i32
    %add3A_45 = arith.constant 384 : i32
    %add3A_46 = arith.addi %mul3A_44, %add3A_45 : i32
    "tpu.region"() ({
      %run_scoped3A = tpu.sem_alloc : memref<!tpu.dma_semaphore, #tpu.memory_space<semaphore_mem>>
      %dma_start3A = arith.constant 0 : i32
      %dma_start3A_51 = arith.constant 0 : i32
      %dma_start3A_52 = tpu.memref_slice %arg9[%dma_start3A, %dma_start3A_51] : memref<128x128xf32, #tpu.memory_space<vmem>> -> memref<128x128xf32, #tpu.memory_space<vmem>>
      %dma_start3A_53 = arith.constant 0 : i32
      %dma_start3A_54 = tpu.memref_slice %arg11[%add3A_46, %dma_start3A_53] : memref<10112x128xf32, #tpu.memory_space<vmem_shared>> -> memref<128x128xf32, #tpu.memory_space<vmem_shared>>
      %dma_start3A_55 = arith.constant 0 : i32
      %dma_start3A_56 = arith.constant 0 : i32
      %dma_start3A_57 = tpu.memref_slice %arg9[%dma_start3A_55, %dma_start3A_56] : memref<128x128xf32, #tpu.memory_space<vmem>> -> memref<128x128xf32, #tpu.memory_space<vmem>>
      %dma_start3A_58 = arith.constant 0 : i32
      %dma_start3A_59 = tpu.memref_slice %arg11[%add3A_46, %dma_start3A_58] : memref<10112x128xf32, #tpu.memory_space<vmem_shared>> -> memref<128x128xf32, #tpu.memory_space<vmem_shared>>
      tpu.enqueue_dma source(%dma_start3A_59 : memref<128x128xf32, #tpu.memory_space<vmem_shared>>) target(%dma_start3A_57 : memref<128x128xf32, #tpu.memory_space<vmem>>) target_semaphore(%run_scoped3A : memref<!tpu.dma_semaphore, #tpu.memory_space<semaphore_mem>>)
      %dma_wait3A = arith.constant 0 : i32
      %dma_wait3A_60 = arith.constant 0 : i32
      %dma_wait3A_61 = tpu.memref_slice %arg9[%dma_wait3A, %dma_wait3A_60] : memref<128x128xf32, #tpu.memory_space<vmem>> -> memref<128x128xf32, #tpu.memory_space<vmem>>
      %dma_wait3A_62 = arith.constant 0 : i32
      %dma_wait3A_63 = tpu.memref_slice %arg11[%add3A_46, %dma_wait3A_62] : memref<10112x128xf32, #tpu.memory_space<vmem_shared>> -> memref<128x128xf32, #tpu.memory_space<vmem_shared>>
      %dma_wait3A_64 = arith.constant 0 : i32
      %dma_wait3A_65 = arith.constant 0 : i32
      %dma_wait3A_66 = tpu.memref_slice %arg9[%dma_wait3A_64, %dma_wait3A_65] : memref<128x128xf32, #tpu.memory_space<vmem>> -> memref<128x128xf32, #tpu.memory_space<vmem>>
      %dma_wait3A_67 = arith.constant 0 : i32
      %dma_wait3A_68 = tpu.memref_slice %arg11[%add3A_46, %dma_wait3A_67] : memref<10112x128xf32, #tpu.memory_space<vmem_shared>> -> memref<128x128xf32, #tpu.memory_space<vmem_shared>>
      tpu.wait_dma2 semaphore(%run_scoped3A : memref<!tpu.dma_semaphore, #tpu.memory_space<semaphore_mem>>) src(%dma_wait3A_68 : memref<128x128xf32, #tpu.memory_space<vmem_shared>>) dst(%dma_wait3A_66 : memref<128x128xf32, #tpu.memory_space<vmem>>)
      tpu.yield
    }) : () -> ()
    "tpu.region"() ({
      %run_scoped3A = tpu.sem_alloc : memref<!tpu.dma_semaphore, #tpu.memory_space<semaphore_mem>>
      %dma_start3A = arith.constant 0 : i32
      %dma_start3A_51 = arith.constant 0 : i32
      %dma_start3A_52 = tpu.memref_slice %arg9[%dma_start3A, %dma_start3A_51] : memref<128x128xf32, #tpu.memory_space<vmem>> -> memref<128x128xf32, #tpu.memory_space<vmem>>
      %dma_start3A_53 = arith.constant 0 : i32
      %dma_start3A_54 = tpu.memref_slice %arg5[%arg0, %add3A_46, %dma_start3A_53] : memref<2x10112x128xf32, #tpu.memory_space<hbm>> -> memref<1x128x128xf32, #tpu.memory_space<hbm>>
      %dma_start3A_55 = tpu.memref_squeeze %dma_start3A_54 : memref<1x128x128xf32, #tpu.memory_space<hbm>> -> memref<128x128xf32, #tpu.memory_space<hbm>>
      %dma_start3A_56 = arith.constant 0 : i32
      %dma_start3A_57 = tpu.memref_slice %arg5[%arg0, %add3A_46, %dma_start3A_56] : memref<2x10112x128xf32, #tpu.memory_space<hbm>> -> memref<1x128x128xf32, #tpu.memory_space<hbm>>
      %dma_start3A_58 = tpu.memref_squeeze %dma_start3A_57 : memref<1x128x128xf32, #tpu.memory_space<hbm>> -> memref<128x128xf32, #tpu.memory_space<hbm>>
      %dma_start3A_59 = arith.constant 0 : i32
      %dma_start3A_60 = arith.constant 0 : i32
      %dma_start3A_61 = tpu.memref_slice %arg9[%dma_start3A_59, %dma_start3A_60] : memref<128x128xf32, #tpu.memory_space<vmem>> -> memref<128x128xf32, #tpu.memory_space<vmem>>
      tpu.enqueue_dma source(%dma_start3A_61 : memref<128x128xf32, #tpu.memory_space<vmem>>) target(%dma_start3A_58 : memref<128x128xf32, #tpu.memory_space<hbm>>) target_semaphore(%run_scoped3A : memref<!tpu.dma_semaphore, #tpu.memory_space<semaphore_mem>>)
      %dma_wait3A = arith.constant 0 : i32
      %dma_wait3A_62 = arith.constant 0 : i32
      %dma_wait3A_63 = tpu.memref_slice %arg9[%dma_wait3A, %dma_wait3A_62] : memref<128x128xf32, #tpu.memory_space<vmem>> -> memref<128x128xf32, #tpu.memory_space<vmem>>
      %dma_wait3A_64 = arith.constant 0 : i32
      %dma_wait3A_65 = tpu.memref_slice %arg5[%arg0, %add3A_46, %dma_wait3A_64] : memref<2x10112x128xf32, #tpu.memory_space<hbm>> -> memref<1x128x128xf32, #tpu.memory_space<hbm>>
      %dma_wait3A_66 = tpu.memref_squeeze %dma_wait3A_65 : memref<1x128x128xf32, #tpu.memory_space<hbm>> -> memref<128x128xf32, #tpu.memory_space<hbm>>
      %dma_wait3A_67 = arith.constant 0 : i32
      %dma_wait3A_68 = tpu.memref_slice %arg5[%arg0, %add3A_46, %dma_wait3A_67] : memref<2x10112x128xf32, #tpu.memory_space<hbm>> -> memref<1x128x128xf32, #tpu.memory_space<hbm>>
      %dma_wait3A_69 = tpu.memref_squeeze %dma_wait3A_68 : memref<1x128x128xf32, #tpu.memory_space<hbm>> -> memref<128x128xf32, #tpu.memory_space<hbm>>
      %dma_wait3A_70 = arith.constant 0 : i32
      %dma_wait3A_71 = arith.constant 0 : i32
      %dma_wait3A_72 = tpu.memref_slice %arg9[%dma_wait3A_70, %dma_wait3A_71] : memref<128x128xf32, #tpu.memory_space<vmem>> -> memref<128x128xf32, #tpu.memory_space<vmem>>
      tpu.wait_dma2 semaphore(%run_scoped3A : memref<!tpu.dma_semaphore, #tpu.memory_space<semaphore_mem>>) src(%dma_wait3A_72 : memref<128x128xf32, #tpu.memory_space<vmem>>) dst(%dma_wait3A_69 : memref<128x128xf32, #tpu.memory_space<hbm>>)
      tpu.yield
    }) : () -> ()
    %mul3A_47 = arith.constant 632 : i32
    %mul3A_48 = arith.muli %arg1, %mul3A_47 : i32
    %add3A_49 = arith.constant 512 : i32
    %add3A_50 = arith.addi %mul3A_48, %add3A_49 : i32
    "tpu.region"() ({
      %run_scoped3A = tpu.sem_alloc : memref<!tpu.dma_semaphore, #tpu.memory_space<semaphore_mem>>
      %dma_start3A = arith.constant 0 : i32
      %dma_start3A_51 = arith.constant 0 : i32
      %dma_start3A_52 = tpu.memref_slice %arg9[%dma_start3A, %dma_start3A_51] : memref<128x128xf32, #tpu.memory_space<vmem>> -> memref<120x128xf32, #tpu.memory_space<vmem>>
      %dma_start3A_53 = arith.constant 0 : i32
      %dma_start3A_54 = tpu.memref_slice %arg11[%add3A_50, %dma_start3A_53] : memref<10112x128xf32, #tpu.memory_space<vmem_shared>> -> memref<120x128xf32, #tpu.memory_space<vmem_shared>>
      %dma_start3A_55 = arith.constant 0 : i32
      %dma_start3A_56 = arith.constant 0 : i32
      %dma_start3A_57 = tpu.memref_slice %arg9[%dma_start3A_55, %dma_start3A_56] : memref<128x128xf32, #tpu.memory_space<vmem>> -> memref<120x128xf32, #tpu.memory_space<vmem>>
      %dma_start3A_58 = arith.constant 0 : i32
      %dma_start3A_59 = tpu.memref_slice %arg11[%add3A_50, %dma_start3A_58] : memref<10112x128xf32, #tpu.memory_space<vmem_shared>> -> memref<120x128xf32, #tpu.memory_space<vmem_shared>>
      tpu.enqueue_dma source(%dma_start3A_59 : memref<120x128xf32, #tpu.memory_space<vmem_shared>>) target(%dma_start3A_57 : memref<120x128xf32, #tpu.memory_space<vmem>>) target_semaphore(%run_scoped3A : memref<!tpu.dma_semaphore, #tpu.memory_space<semaphore_mem>>)
      %dma_wait3A = arith.constant 0 : i32
      %dma_wait3A_60 = arith.constant 0 : i32
      %dma_wait3A_61 = tpu.memref_slice %arg9[%dma_wait3A, %dma_wait3A_60] : memref<128x128xf32, #tpu.memory_space<vmem>> -> memref<120x128xf32, #tpu.memory_space<vmem>>
      %dma_wait3A_62 = arith.constant 0 : i32
      %dma_wait3A_63 = tpu.memref_slice %arg11[%add3A_50, %dma_wait3A_62] : memref<10112x128xf32, #tpu.memory_space<vmem_shared>> -> memref<120x128xf32, #tpu.memory_space<vmem_shared>>
      %dma_wait3A_64 = arith.constant 0 : i32
      %dma_wait3A_65 = arith.constant 0 : i32
      %dma_wait3A_66 = tpu.memref_slice %arg9[%dma_wait3A_64, %dma_wait3A_65] : memref<128x128xf32, #tpu.memory_space<vmem>> -> memref<120x128xf32, #tpu.memory_space<vmem>>
      %dma_wait3A_67 = arith.constant 0 : i32
      %dma_wait3A_68 = tpu.memref_slice %arg11[%add3A_50, %dma_wait3A_67] : memref<10112x128xf32, #tpu.memory_space<vmem_shared>> -> memref<120x128xf32, #tpu.memory_space<vmem_shared>>
      tpu.wait_dma2 semaphore(%run_scoped3A : memref<!tpu.dma_semaphore, #tpu.memory_space<semaphore_mem>>) src(%dma_wait3A_68 : memref<120x128xf32, #tpu.memory_space<vmem_shared>>) dst(%dma_wait3A_66 : memref<120x128xf32, #tpu.memory_space<vmem>>)
      tpu.yield
    }) : () -> ()
    "tpu.region"() ({
      %run_scoped3A = tpu.sem_alloc : memref<!tpu.dma_semaphore, #tpu.memory_space<semaphore_mem>>
      %dma_start3A = arith.constant 0 : i32
      %dma_start3A_51 = arith.constant 0 : i32
      %dma_start3A_52 = tpu.memref_slice %arg9[%dma_start3A, %dma_start3A_51] : memref<128x128xf32, #tpu.memory_space<vmem>> -> memref<120x128xf32, #tpu.memory_space<vmem>>
      %dma_start3A_53 = arith.constant 0 : i32
      %dma_start3A_54 = tpu.memref_slice %arg5[%arg0, %add3A_50, %dma_start3A_53] : memref<2x10112x128xf32, #tpu.memory_space<hbm>> -> memref<1x120x128xf32, #tpu.memory_space<hbm>>
      %dma_start3A_55 = tpu.memref_squeeze %dma_start3A_54 : memref<1x120x128xf32, #tpu.memory_space<hbm>> -> memref<120x128xf32, #tpu.memory_space<hbm>>
      %dma_start3A_56 = arith.constant 0 : i32
      %dma_start3A_57 = tpu.memref_slice %arg5[%arg0, %add3A_50, %dma_start3A_56] : memref<2x10112x128xf32, #tpu.memory_space<hbm>> -> memref<1x120x128xf32, #tpu.memory_space<hbm>>
      %dma_start3A_58 = tpu.memref_squeeze %dma_start3A_57 : memref<1x120x128xf32, #tpu.memory_space<hbm>> -> memref<120x128xf32, #tpu.memory_space<hbm>>
      %dma_start3A_59 = arith.constant 0 : i32
      %dma_start3A_60 = arith.constant 0 : i32
      %dma_start3A_61 = tpu.memref_slice %arg9[%dma_start3A_59, %dma_start3A_60] : memref<128x128xf32, #tpu.memory_space<vmem>> -> memref<120x128xf32, #tpu.memory_space<vmem>>
      tpu.enqueue_dma source(%dma_start3A_61 : memref<120x128xf32, #tpu.memory_space<vmem>>) target(%dma_start3A_58 : memref<120x128xf32, #tpu.memory_space<hbm>>) target_semaphore(%run_scoped3A : memref<!tpu.dma_semaphore, #tpu.memory_space<semaphore_mem>>)
      %dma_wait3A = arith.constant 0 : i32
      %dma_wait3A_62 = arith.constant 0 : i32
      %dma_wait3A_63 = tpu.memref_slice %arg9[%dma_wait3A, %dma_wait3A_62] : memref<128x128xf32, #tpu.memory_space<vmem>> -> memref<120x128xf32, #tpu.memory_space<vmem>>
      %dma_wait3A_64 = arith.constant 0 : i32
      %dma_wait3A_65 = tpu.memref_slice %arg5[%arg0, %add3A_50, %dma_wait3A_64] : memref<2x10112x128xf32, #tpu.memory_space<hbm>> -> memref<1x120x128xf32, #tpu.memory_space<hbm>>
      %dma_wait3A_66 = tpu.memref_squeeze %dma_wait3A_65 : memref<1x120x128xf32, #tpu.memory_space<hbm>> -> memref<120x128xf32, #tpu.memory_space<hbm>>
      %dma_wait3A_67 = arith.constant 0 : i32
      %dma_wait3A_68 = tpu.memref_slice %arg5[%arg0, %add3A_50, %dma_wait3A_67] : memref<2x10112x128xf32, #tpu.memory_space<hbm>> -> memref<1x120x128xf32, #tpu.memory_space<hbm>>
      %dma_wait3A_69 = tpu.memref_squeeze %dma_wait3A_68 : memref<1x120x128xf32, #tpu.memory_space<hbm>> -> memref<120x128xf32, #tpu.memory_space<hbm>>
      %dma_wait3A_70 = arith.constant 0 : i32
      %dma_wait3A_71 = arith.constant 0 : i32
      %dma_wait3A_72 = tpu.memref_slice %arg9[%dma_wait3A_70, %dma_wait3A_71] : memref<128x128xf32, #tpu.memory_space<vmem>> -> memref<120x128xf32, #tpu.memory_space<vmem>>
      tpu.wait_dma2 semaphore(%run_scoped3A : memref<!tpu.dma_semaphore, #tpu.memory_space<semaphore_mem>>) src(%dma_wait3A_72 : memref<120x128xf32, #tpu.memory_space<vmem>>) dst(%dma_wait3A_69 : memref<120x128xf32, #tpu.memory_space<hbm>>)
      tpu.yield
    }) : () -> ()
    return
  }
}

#map = affine_map<(d0, d1) -> (0, 0)>
#map1 = affine_map<(d0, d1) -> (0, 0, 0)>
module attributes {stable_mosaic.version = 14 : i64} {
  func.func @_sc_count(%arg0: i32, %arg1: i32, %arg2: memref<2560x128xi32, #tpu.memory_space<hbm>>, %arg3: memref<2x10112x128xf32, #tpu.memory_space<hbm>>, %arg4: memref<80x128xi32, #tpu.memory_space<vmem>>, %arg5: memref<128x128xf32, #tpu.memory_space<vmem>>, %arg6: memref<10112x128xf32, #tpu.memory_space<vmem_shared>>, %arg7: memref<!tpu.dma_semaphore, #tpu.memory_space<semaphore_mem>>) attributes {dimension_semantics = [#tpu.dimension_semantics<core_parallel>, #tpu.dimension_semantics<subcore_parallel>], iteration_bounds = array<i64: 2, 16>, scalar_prefetch = 0 : i64, scratch_operands = 4 : i64, tpu.core_type = #tpu.core_type<sc_vector_subcore>, window_params = [{transform_indices = #map}, {transform_indices = #map1}]} {
    %mul3A = arith.constant 2 : i32
    %mul3A_0 = arith.muli %arg1, %mul3A : i32
    %add3A = arith.addi %mul3A_0, %arg0 : i32
    %mul3A_1 = arith.constant 80 : i32
    %mul3A_2 = arith.muli %add3A, %mul3A_1 : i32
    "tpu.region"() ({
      %run_scoped3A = tpu.sem_alloc : memref<!tpu.dma_semaphore, #tpu.memory_space<semaphore_mem>>
      %dma_start3A = arith.constant 0 : i32
      %dma_start3A_64 = tpu.memref_slice %arg2[%mul3A_2, %dma_start3A] : memref<2560x128xi32, #tpu.memory_space<hbm>> -> memref<80x128xi32, #tpu.memory_space<hbm>>
      %dma_start3A_65 = arith.constant 0 : i32
      %dma_start3A_66 = tpu.memref_slice %arg2[%mul3A_2, %dma_start3A_65] : memref<2560x128xi32, #tpu.memory_space<hbm>> -> memref<80x128xi32, #tpu.memory_space<hbm>>
      tpu.enqueue_dma source(%dma_start3A_66 : memref<80x128xi32, #tpu.memory_space<hbm>>) target(%arg4 : memref<80x128xi32, #tpu.memory_space<vmem>>) target_semaphore(%run_scoped3A : memref<!tpu.dma_semaphore, #tpu.memory_space<semaphore_mem>>)
      %dma_wait3A = arith.constant 0 : i32
      %dma_wait3A_67 = tpu.memref_slice %arg2[%mul3A_2, %dma_wait3A] : memref<2560x128xi32, #tpu.memory_space<hbm>> -> memref<80x128xi32, #tpu.memory_space<hbm>>
      %dma_wait3A_68 = arith.constant 0 : i32
      %dma_wait3A_69 = tpu.memref_slice %arg2[%mul3A_2, %dma_wait3A_68] : memref<2560x128xi32, #tpu.memory_space<hbm>> -> memref<80x128xi32, #tpu.memory_space<hbm>>
      tpu.wait_dma2 semaphore(%run_scoped3A : memref<!tpu.dma_semaphore, #tpu.memory_space<semaphore_mem>>) src(%dma_wait3A_69 : memref<80x128xi32, #tpu.memory_space<hbm>>) dst(%arg4 : memref<80x128xi32, #tpu.memory_space<vmem>>)
      tpu.yield
    }) : () -> ()
    %scan3A = arith.constant 0 : i32
    %scan3A_3 = arith.constant 0 : i32
    %scan3A_4 = arith.constant 1024 : i32
    %scan3A_5 = arith.addi %scan3A_3, %scan3A_4 : i32
    %scan3A_6 = arith.constant 1 : i32
    %scan3A_7 = scf.for %scan3A_64 = %scan3A_3 to %scan3A_5 step %scan3A_6 iter_args(%scan3A_65 = %scan3A) -> (i32)  : i32 {
      %jit3A = arith.constant 8 : i32
      %div3A = arith.divsi %scan3A_64, %jit3A : i32
      %sign3A = arith.constant 0 : i32
      %sign3A_66 = arith.cmpi sgt, %scan3A_64, %sign3A : i32
      %sign3A_67 = arith.extui %sign3A_66 : i1 to i32
      %sign3A_68 = arith.constant 0 : i32
      %sign3A_69 = arith.cmpi slt, %scan3A_64, %sign3A_68 : i32
      %sign3A_70 = arith.extui %sign3A_69 : i1 to i32
      %sign3A_71 = arith.subi %sign3A_67, %sign3A_70 : i32
      %sign3A_72 = arith.constant 0 : i32
      %sign3A_73 = arith.cmpi sgt, %jit3A, %sign3A_72 : i32
      %sign3A_74 = arith.extui %sign3A_73 : i1 to i32
      %sign3A_75 = arith.constant 0 : i32
      %sign3A_76 = arith.cmpi slt, %jit3A, %sign3A_75 : i32
      %sign3A_77 = arith.extui %sign3A_76 : i1 to i32
      %sign3A_78 = arith.subi %sign3A_74, %sign3A_77 : i32
      %ne3A = arith.cmpi ne, %sign3A_71, %sign3A_78 : i32
      %rem3A = arith.remsi %scan3A_64, %jit3A : i32
      %ne3A_79 = arith.constant 0 : i32
      %ne3A_80 = arith.cmpi ne, %rem3A, %ne3A_79 : i32
      %and3A = arith.andi %ne3A, %ne3A_80 : i1
      %sub3A = arith.constant 1 : i32
      %sub3A_81 = arith.subi %div3A, %sub3A : i32
      %select_n3A = arith.select %and3A, %sub3A_81, %div3A : i32
      %jit3A_82 = arith.constant 8 : i32
      %eq3A = arith.constant 0 : i32
      %eq3A_83 = arith.cmpi eq, %jit3A_82, %eq3A : i32
      %jit3A_84 = arith.constant 1 : i32
      %select_n3A_85 = arith.select %eq3A_83, %jit3A_84, %jit3A_82 : i32
      %rem3A_86 = arith.remsi %scan3A_64, %select_n3A_85 : i32
      %ne3A_87 = arith.constant 0 : i32
      %ne3A_88 = arith.cmpi ne, %rem3A_86, %ne3A_87 : i32
      %lt3A = arith.constant 0 : i32
      %lt3A_89 = arith.cmpi slt, %rem3A_86, %lt3A : i32
      %lt3A_90 = arith.constant 0 : i32
      %lt3A_91 = arith.cmpi slt, %select_n3A_85, %lt3A_90 : i32
      %ne3A_92 = arith.xori %lt3A_89, %lt3A_91 : i1
      %and3A_93 = arith.andi %ne3A_92, %ne3A_88 : i1
      %add3A_94 = arith.addi %rem3A_86, %select_n3A_85 : i32
      %select_n3A_95 = arith.select %and3A_93, %add3A_94, %rem3A_86 : i32
      %broadcast_in_dim3A = arith.constant 0.000000e+00 : f32
      %broadcast_in_dim3A_96 = vector.broadcast %broadcast_in_dim3A : f32 to vector<16xf32>
      %mul3A_97 = arith.constant 16 : i32
      %mul3A_98 = arith.muli %select_n3A_95, %mul3A_97 : i32
      %swap3A = arith.index_cast %select_n3A : i32 to index
      %swap3A_99 = arith.index_cast %mul3A_98 : i32 to index
      %swap3A_100 = tpu.vector_load %arg5[%swap3A, %swap3A_99] {strides = array<i32>} : memref<128x128xf32, #tpu.memory_space<vmem>>, vector<1x16xf32>,
      %swap3A_101 = vector.shape_cast %swap3A_100 : vector<1x16xf32> to vector<16xf32>
      %swap3A_102 = vector.shape_cast %broadcast_in_dim3A_96 : vector<16xf32> to vector<1x16xf32>
      tpu.vector_store %arg5[%swap3A, %swap3A_99], %swap3A_102 {strides = array<i32>} : memref<128x128xf32, #tpu.memory_space<vmem>>, vector<1x16xf32>,
      %scan3A_103 = arith.constant 0 : i32
      scf.yield %scan3A_103 : i32
    }
    %scan3A_8 = arith.constant 1024 : i32
    %mul3A_9 = arith.constant 632 : i32
    %mul3A_10 = arith.muli %arg1, %mul3A_9 : i32
    %add3A_11 = arith.constant 0 : i32
    %add3A_12 = arith.addi %mul3A_10, %add3A_11 : i32
    "tpu.region"() ({
      %run_scoped3A = tpu.sem_alloc : memref<!tpu.dma_semaphore, #tpu.memory_space<semaphore_mem>>
      %dma_start3A = arith.constant 0 : i32
      %dma_start3A_64 = arith.constant 0 : i32
      %dma_start3A_65 = tpu.memref_slice %arg5[%dma_start3A, %dma_start3A_64] : memref<128x128xf32, #tpu.memory_space<vmem>> -> memref<128x128xf32, #tpu.memory_space<vmem>>
      %dma_start3A_66 = arith.constant 0 : i32
      %dma_start3A_67 = tpu.memref_slice %arg6[%add3A_12, %dma_start3A_66] : memref<10112x128xf32, #tpu.memory_space<vmem_shared>> -> memref<128x128xf32, #tpu.memory_space<vmem_shared>>
      %dma_start3A_68 = arith.constant 0 : i32
      %dma_start3A_69 = tpu.memref_slice %arg6[%add3A_12, %dma_start3A_68] : memref<10112x128xf32, #tpu.memory_space<vmem_shared>> -> memref<128x128xf32, #tpu.memory_space<vmem_shared>>
      %dma_start3A_70 = arith.constant 0 : i32
      %dma_start3A_71 = arith.constant 0 : i32
      %dma_start3A_72 = tpu.memref_slice %arg5[%dma_start3A_70, %dma_start3A_71] : memref<128x128xf32, #tpu.memory_space<vmem>> -> memref<128x128xf32, #tpu.memory_space<vmem>>
      tpu.enqueue_dma source(%dma_start3A_72 : memref<128x128xf32, #tpu.memory_space<vmem>>) target(%dma_start3A_69 : memref<128x128xf32, #tpu.memory_space<vmem_shared>>) target_semaphore(%run_scoped3A : memref<!tpu.dma_semaphore, #tpu.memory_space<semaphore_mem>>)
      %dma_wait3A = arith.constant 0 : i32
      %dma_wait3A_73 = arith.constant 0 : i32
      %dma_wait3A_74 = tpu.memref_slice %arg5[%dma_wait3A, %dma_wait3A_73] : memref<128x128xf32, #tpu.memory_space<vmem>> -> memref<128x128xf32, #tpu.memory_space<vmem>>
      %dma_wait3A_75 = arith.constant 0 : i32
      %dma_wait3A_76 = tpu.memref_slice %arg6[%add3A_12, %dma_wait3A_75] : memref<10112x128xf32, #tpu.memory_space<vmem_shared>> -> memref<128x128xf32, #tpu.memory_space<vmem_shared>>
      %dma_wait3A_77 = arith.constant 0 : i32
      %dma_wait3A_78 = tpu.memref_slice %arg6[%add3A_12, %dma_wait3A_77] : memref<10112x128xf32, #tpu.memory_space<vmem_shared>> -> memref<128x128xf32, #tpu.memory_space<vmem_shared>>
      %dma_wait3A_79 = arith.constant 0 : i32
      %dma_wait3A_80 = arith.constant 0 : i32
      %dma_wait3A_81 = tpu.memref_slice %arg5[%dma_wait3A_79, %dma_wait3A_80] : memref<128x128xf32, #tpu.memory_space<vmem>> -> memref<128x128xf32, #tpu.memory_space<vmem>>
      tpu.wait_dma2 semaphore(%run_scoped3A : memref<!tpu.dma_semaphore, #tpu.memory_space<semaphore_mem>>) src(%dma_wait3A_81 : memref<128x128xf32, #tpu.memory_space<vmem>>) dst(%dma_wait3A_78 : memref<128x128xf32, #tpu.memory_space<vmem_shared>>)
      tpu.yield
    }) : () -> ()
    %mul3A_13 = arith.constant 632 : i32
    %mul3A_14 = arith.muli %arg1, %mul3A_13 : i32
    %add3A_15 = arith.constant 128 : i32
    %add3A_16 = arith.addi %mul3A_14, %add3A_15 : i32
    "tpu.region"() ({
      %run_scoped3A = tpu.sem_alloc : memref<!tpu.dma_semaphore, #tpu.memory_space<semaphore_mem>>
      %dma_start3A = arith.constant 0 : i32
      %dma_start3A_64 = arith.constant 0 : i32
      %dma_start3A_65 = tpu.memref_slice %arg5[%dma_start3A, %dma_start3A_64] : memref<128x128xf32, #tpu.memory_space<vmem>> -> memref<128x128xf32, #tpu.memory_space<vmem>>
      %dma_start3A_66 = arith.constant 0 : i32
      %dma_start3A_67 = tpu.memref_slice %arg6[%add3A_16, %dma_start3A_66] : memref<10112x128xf32, #tpu.memory_space<vmem_shared>> -> memref<128x128xf32, #tpu.memory_space<vmem_shared>>
      %dma_start3A_68 = arith.constant 0 : i32
      %dma_start3A_69 = tpu.memref_slice %arg6[%add3A_16, %dma_start3A_68] : memref<10112x128xf32, #tpu.memory_space<vmem_shared>> -> memref<128x128xf32, #tpu.memory_space<vmem_shared>>
      %dma_start3A_70 = arith.constant 0 : i32
      %dma_start3A_71 = arith.constant 0 : i32
      %dma_start3A_72 = tpu.memref_slice %arg5[%dma_start3A_70, %dma_start3A_71] : memref<128x128xf32, #tpu.memory_space<vmem>> -> memref<128x128xf32, #tpu.memory_space<vmem>>
      tpu.enqueue_dma source(%dma_start3A_72 : memref<128x128xf32, #tpu.memory_space<vmem>>) target(%dma_start3A_69 : memref<128x128xf32, #tpu.memory_space<vmem_shared>>) target_semaphore(%run_scoped3A : memref<!tpu.dma_semaphore, #tpu.memory_space<semaphore_mem>>)
      %dma_wait3A = arith.constant 0 : i32
      %dma_wait3A_73 = arith.constant 0 : i32
      %dma_wait3A_74 = tpu.memref_slice %arg5[%dma_wait3A, %dma_wait3A_73] : memref<128x128xf32, #tpu.memory_space<vmem>> -> memref<128x128xf32, #tpu.memory_space<vmem>>
      %dma_wait3A_75 = arith.constant 0 : i32
      %dma_wait3A_76 = tpu.memref_slice %arg6[%add3A_16, %dma_wait3A_75] : memref<10112x128xf32, #tpu.memory_space<vmem_shared>> -> memref<128x128xf32, #tpu.memory_space<vmem_shared>>
      %dma_wait3A_77 = arith.constant 0 : i32
      %dma_wait3A_78 = tpu.memref_slice %arg6[%add3A_16, %dma_wait3A_77] : memref<10112x128xf32, #tpu.memory_space<vmem_shared>> -> memref<128x128xf32, #tpu.memory_space<vmem_shared>>
      %dma_wait3A_79 = arith.constant 0 : i32
      %dma_wait3A_80 = arith.constant 0 : i32
      %dma_wait3A_81 = tpu.memref_slice %arg5[%dma_wait3A_79, %dma_wait3A_80] : memref<128x128xf32, #tpu.memory_space<vmem>> -> memref<128x128xf32, #tpu.memory_space<vmem>>
      tpu.wait_dma2 semaphore(%run_scoped3A : memref<!tpu.dma_semaphore, #tpu.memory_space<semaphore_mem>>) src(%dma_wait3A_81 : memref<128x128xf32, #tpu.memory_space<vmem>>) dst(%dma_wait3A_78 : memref<128x128xf32, #tpu.memory_space<vmem_shared>>)
      tpu.yield
    }) : () -> ()
    %mul3A_17 = arith.constant 632 : i32
    %mul3A_18 = arith.muli %arg1, %mul3A_17 : i32
    %add3A_19 = arith.constant 256 : i32
    %add3A_20 = arith.addi %mul3A_18, %add3A_19 : i32
    "tpu.region"() ({
      %run_scoped3A = tpu.sem_alloc : memref<!tpu.dma_semaphore, #tpu.memory_space<semaphore_mem>>
      %dma_start3A = arith.constant 0 : i32
      %dma_start3A_64 = arith.constant 0 : i32
      %dma_start3A_65 = tpu.memref_slice %arg5[%dma_start3A, %dma_start3A_64] : memref<128x128xf32, #tpu.memory_space<vmem>> -> memref<128x128xf32, #tpu.memory_space<vmem>>
      %dma_start3A_66 = arith.constant 0 : i32
      %dma_start3A_67 = tpu.memref_slice %arg6[%add3A_20, %dma_start3A_66] : memref<10112x128xf32, #tpu.memory_space<vmem_shared>> -> memref<128x128xf32, #tpu.memory_space<vmem_shared>>
      %dma_start3A_68 = arith.constant 0 : i32
      %dma_start3A_69 = tpu.memref_slice %arg6[%add3A_20, %dma_start3A_68] : memref<10112x128xf32, #tpu.memory_space<vmem_shared>> -> memref<128x128xf32, #tpu.memory_space<vmem_shared>>
      %dma_start3A_70 = arith.constant 0 : i32
      %dma_start3A_71 = arith.constant 0 : i32
      %dma_start3A_72 = tpu.memref_slice %arg5[%dma_start3A_70, %dma_start3A_71] : memref<128x128xf32, #tpu.memory_space<vmem>> -> memref<128x128xf32, #tpu.memory_space<vmem>>
      tpu.enqueue_dma source(%dma_start3A_72 : memref<128x128xf32, #tpu.memory_space<vmem>>) target(%dma_start3A_69 : memref<128x128xf32, #tpu.memory_space<vmem_shared>>) target_semaphore(%run_scoped3A : memref<!tpu.dma_semaphore, #tpu.memory_space<semaphore_mem>>)
      %dma_wait3A = arith.constant 0 : i32
      %dma_wait3A_73 = arith.constant 0 : i32
      %dma_wait3A_74 = tpu.memref_slice %arg5[%dma_wait3A, %dma_wait3A_73] : memref<128x128xf32, #tpu.memory_space<vmem>> -> memref<128x128xf32, #tpu.memory_space<vmem>>
      %dma_wait3A_75 = arith.constant 0 : i32
      %dma_wait3A_76 = tpu.memref_slice %arg6[%add3A_20, %dma_wait3A_75] : memref<10112x128xf32, #tpu.memory_space<vmem_shared>> -> memref<128x128xf32, #tpu.memory_space<vmem_shared>>
      %dma_wait3A_77 = arith.constant 0 : i32
      %dma_wait3A_78 = tpu.memref_slice %arg6[%add3A_20, %dma_wait3A_77] : memref<10112x128xf32, #tpu.memory_space<vmem_shared>> -> memref<128x128xf32, #tpu.memory_space<vmem_shared>>
      %dma_wait3A_79 = arith.constant 0 : i32
      %dma_wait3A_80 = arith.constant 0 : i32
      %dma_wait3A_81 = tpu.memref_slice %arg5[%dma_wait3A_79, %dma_wait3A_80] : memref<128x128xf32, #tpu.memory_space<vmem>> -> memref<128x128xf32, #tpu.memory_space<vmem>>
      tpu.wait_dma2 semaphore(%run_scoped3A : memref<!tpu.dma_semaphore, #tpu.memory_space<semaphore_mem>>) src(%dma_wait3A_81 : memref<128x128xf32, #tpu.memory_space<vmem>>) dst(%dma_wait3A_78 : memref<128x128xf32, #tpu.memory_space<vmem_shared>>)
      tpu.yield
    }) : () -> ()
    %mul3A_21 = arith.constant 632 : i32
    %mul3A_22 = arith.muli %arg1, %mul3A_21 : i32
    %add3A_23 = arith.constant 384 : i32
    %add3A_24 = arith.addi %mul3A_22, %add3A_23 : i32
    "tpu.region"() ({
      %run_scoped3A = tpu.sem_alloc : memref<!tpu.dma_semaphore, #tpu.memory_space<semaphore_mem>>
      %dma_start3A = arith.constant 0 : i32
      %dma_start3A_64 = arith.constant 0 : i32
      %dma_start3A_65 = tpu.memref_slice %arg5[%dma_start3A, %dma_start3A_64] : memref<128x128xf32, #tpu.memory_space<vmem>> -> memref<128x128xf32, #tpu.memory_space<vmem>>
      %dma_start3A_66 = arith.constant 0 : i32
      %dma_start3A_67 = tpu.memref_slice %arg6[%add3A_24, %dma_start3A_66] : memref<10112x128xf32, #tpu.memory_space<vmem_shared>> -> memref<128x128xf32, #tpu.memory_space<vmem_shared>>
      %dma_start3A_68 = arith.constant 0 : i32
      %dma_start3A_69 = tpu.memref_slice %arg6[%add3A_24, %dma_start3A_68] : memref<10112x128xf32, #tpu.memory_space<vmem_shared>> -> memref<128x128xf32, #tpu.memory_space<vmem_shared>>
      %dma_start3A_70 = arith.constant 0 : i32
      %dma_start3A_71 = arith.constant 0 : i32
      %dma_start3A_72 = tpu.memref_slice %arg5[%dma_start3A_70, %dma_start3A_71] : memref<128x128xf32, #tpu.memory_space<vmem>> -> memref<128x128xf32, #tpu.memory_space<vmem>>
      tpu.enqueue_dma source(%dma_start3A_72 : memref<128x128xf32, #tpu.memory_space<vmem>>) target(%dma_start3A_69 : memref<128x128xf32, #tpu.memory_space<vmem_shared>>) target_semaphore(%run_scoped3A : memref<!tpu.dma_semaphore, #tpu.memory_space<semaphore_mem>>)
      %dma_wait3A = arith.constant 0 : i32
      %dma_wait3A_73 = arith.constant 0 : i32
      %dma_wait3A_74 = tpu.memref_slice %arg5[%dma_wait3A, %dma_wait3A_73] : memref<128x128xf32, #tpu.memory_space<vmem>> -> memref<128x128xf32, #tpu.memory_space<vmem>>
      %dma_wait3A_75 = arith.constant 0 : i32
      %dma_wait3A_76 = tpu.memref_slice %arg6[%add3A_24, %dma_wait3A_75] : memref<10112x128xf32, #tpu.memory_space<vmem_shared>> -> memref<128x128xf32, #tpu.memory_space<vmem_shared>>
      %dma_wait3A_77 = arith.constant 0 : i32
      %dma_wait3A_78 = tpu.memref_slice %arg6[%add3A_24, %dma_wait3A_77] : memref<10112x128xf32, #tpu.memory_space<vmem_shared>> -> memref<128x128xf32, #tpu.memory_space<vmem_shared>>
      %dma_wait3A_79 = arith.constant 0 : i32
      %dma_wait3A_80 = arith.constant 0 : i32
      %dma_wait3A_81 = tpu.memref_slice %arg5[%dma_wait3A_79, %dma_wait3A_80] : memref<128x128xf32, #tpu.memory_space<vmem>> -> memref<128x128xf32, #tpu.memory_space<vmem>>
      tpu.wait_dma2 semaphore(%run_scoped3A : memref<!tpu.dma_semaphore, #tpu.memory_space<semaphore_mem>>) src(%dma_wait3A_81 : memref<128x128xf32, #tpu.memory_space<vmem>>) dst(%dma_wait3A_78 : memref<128x128xf32, #tpu.memory_space<vmem_shared>>)
      tpu.yield
    }) : () -> ()
    %mul3A_25 = arith.constant 632 : i32
    %mul3A_26 = arith.muli %arg1, %mul3A_25 : i32
    %add3A_27 = arith.constant 512 : i32
    %add3A_28 = arith.addi %mul3A_26, %add3A_27 : i32
    "tpu.region"() ({
      %run_scoped3A = tpu.sem_alloc : memref<!tpu.dma_semaphore, #tpu.memory_space<semaphore_mem>>
      %dma_start3A = arith.constant 0 : i32
      %dma_start3A_64 = arith.constant 0 : i32
      %dma_start3A_65 = tpu.memref_slice %arg5[%dma_start3A, %dma_start3A_64] : memref<128x128xf32, #tpu.memory_space<vmem>> -> memref<120x128xf32, #tpu.memory_space<vmem>>
      %dma_start3A_66 = arith.constant 0 : i32
      %dma_start3A_67 = tpu.memref_slice %arg6[%add3A_28, %dma_start3A_66] : memref<10112x128xf32, #tpu.memory_space<vmem_shared>> -> memref<120x128xf32, #tpu.memory_space<vmem_shared>>
      %dma_start3A_68 = arith.constant 0 : i32
      %dma_start3A_69 = tpu.memref_slice %arg6[%add3A_28, %dma_start3A_68] : memref<10112x128xf32, #tpu.memory_space<vmem_shared>> -> memref<120x128xf32, #tpu.memory_space<vmem_shared>>
      %dma_start3A_70 = arith.constant 0 : i32
      %dma_start3A_71 = arith.constant 0 : i32
      %dma_start3A_72 = tpu.memref_slice %arg5[%dma_start3A_70, %dma_start3A_71] : memref<128x128xf32, #tpu.memory_space<vmem>> -> memref<120x128xf32, #tpu.memory_space<vmem>>
      tpu.enqueue_dma source(%dma_start3A_72 : memref<120x128xf32, #tpu.memory_space<vmem>>) target(%dma_start3A_69 : memref<120x128xf32, #tpu.memory_space<vmem_shared>>) target_semaphore(%run_scoped3A : memref<!tpu.dma_semaphore, #tpu.memory_space<semaphore_mem>>)
      %dma_wait3A = arith.constant 0 : i32
      %dma_wait3A_73 = arith.constant 0 : i32
      %dma_wait3A_74 = tpu.memref_slice %arg5[%dma_wait3A, %dma_wait3A_73] : memref<128x128xf32, #tpu.memory_space<vmem>> -> memref<120x128xf32, #tpu.memory_space<vmem>>
      %dma_wait3A_75 = arith.constant 0 : i32
      %dma_wait3A_76 = tpu.memref_slice %arg6[%add3A_28, %dma_wait3A_75] : memref<10112x128xf32, #tpu.memory_space<vmem_shared>> -> memref<120x128xf32, #tpu.memory_space<vmem_shared>>
      %dma_wait3A_77 = arith.constant 0 : i32
      %dma_wait3A_78 = tpu.memref_slice %arg6[%add3A_28, %dma_wait3A_77] : memref<10112x128xf32, #tpu.memory_space<vmem_shared>> -> memref<120x128xf32, #tpu.memory_space<vmem_shared>>
      %dma_wait3A_79 = arith.constant 0 : i32
      %dma_wait3A_80 = arith.constant 0 : i32
      %dma_wait3A_81 = tpu.memref_slice %arg5[%dma_wait3A_79, %dma_wait3A_80] : memref<128x128xf32, #tpu.memory_space<vmem>> -> memref<120x128xf32, #tpu.memory_space<vmem>>
      tpu.wait_dma2 semaphore(%run_scoped3A : memref<!tpu.dma_semaphore, #tpu.memory_space<semaphore_mem>>) src(%dma_wait3A_81 : memref<120x128xf32, #tpu.memory_space<vmem>>) dst(%dma_wait3A_78 : memref<120x128xf32, #tpu.memory_space<vmem_shared>>)
      tpu.yield
    }) : () -> ()
    %scan3A_29 = arith.constant 0 : i32
    %scan3A_30 = arith.constant 0 : i32
    %scan3A_31 = arith.constant 1024 : i32
    %scan3A_32 = arith.addi %scan3A_30, %scan3A_31 : i32
    %scan3A_33 = arith.constant 1 : i32
    %scan3A_34 = scf.for %scan3A_64 = %scan3A_30 to %scan3A_32 step %scan3A_33 iter_args(%scan3A_65 = %scan3A_29) -> (i32)  : i32 {
      %jit3A = arith.constant 8 : i32
      %div3A = arith.divsi %scan3A_64, %jit3A : i32
      %sign3A = arith.constant 0 : i32
      %sign3A_66 = arith.cmpi sgt, %scan3A_64, %sign3A : i32
      %sign3A_67 = arith.extui %sign3A_66 : i1 to i32
      %sign3A_68 = arith.constant 0 : i32
      %sign3A_69 = arith.cmpi slt, %scan3A_64, %sign3A_68 : i32
      %sign3A_70 = arith.extui %sign3A_69 : i1 to i32
      %sign3A_71 = arith.subi %sign3A_67, %sign3A_70 : i32
      %sign3A_72 = arith.constant 0 : i32
      %sign3A_73 = arith.cmpi sgt, %jit3A, %sign3A_72 : i32
      %sign3A_74 = arith.extui %sign3A_73 : i1 to i32
      %sign3A_75 = arith.constant 0 : i32
      %sign3A_76 = arith.cmpi slt, %jit3A, %sign3A_75 : i32
      %sign3A_77 = arith.extui %sign3A_76 : i1 to i32
      %sign3A_78 = arith.subi %sign3A_74, %sign3A_77 : i32
      %ne3A = arith.cmpi ne, %sign3A_71, %sign3A_78 : i32
      %rem3A = arith.remsi %scan3A_64, %jit3A : i32
      %ne3A_79 = arith.constant 0 : i32
      %ne3A_80 = arith.cmpi ne, %rem3A, %ne3A_79 : i32
      %and3A = arith.andi %ne3A, %ne3A_80 : i1
      %sub3A = arith.constant 1 : i32
      %sub3A_81 = arith.subi %div3A, %sub3A : i32
      %select_n3A = arith.select %and3A, %sub3A_81, %div3A : i32
      %jit3A_82 = arith.constant 8 : i32
      %eq3A = arith.constant 0 : i32
      %eq3A_83 = arith.cmpi eq, %jit3A_82, %eq3A : i32
      %jit3A_84 = arith.constant 1 : i32
      %select_n3A_85 = arith.select %eq3A_83, %jit3A_84, %jit3A_82 : i32
      %rem3A_86 = arith.remsi %scan3A_64, %select_n3A_85 : i32
      %ne3A_87 = arith.constant 0 : i32
      %ne3A_88 = arith.cmpi ne, %rem3A_86, %ne3A_87 : i32
      %lt3A = arith.constant 0 : i32
      %lt3A_89 = arith.cmpi slt, %rem3A_86, %lt3A : i32
      %lt3A_90 = arith.constant 0 : i32
      %lt3A_91 = arith.cmpi slt, %select_n3A_85, %lt3A_90 : i32
      %ne3A_92 = arith.xori %lt3A_89, %lt3A_91 : i1
      %and3A_93 = arith.andi %ne3A_92, %ne3A_88 : i1
      %add3A_94 = arith.addi %rem3A_86, %select_n3A_85 : i32
      %select_n3A_95 = arith.select %and3A_93, %add3A_94, %rem3A_86 : i32
      %broadcast_in_dim3A = arith.constant 1.000000e+00 : f32
      %broadcast_in_dim3A_96 = vector.broadcast %broadcast_in_dim3A : f32 to vector<16xf32>
      %mul3A_97 = arith.constant 16 : i32
      %mul3A_98 = arith.muli %select_n3A_95, %mul3A_97 : i32
      %swap3A = arith.index_cast %select_n3A : i32 to index
      %swap3A_99 = arith.index_cast %mul3A_98 : i32 to index
      %swap3A_100 = tpu.vector_load %arg5[%swap3A, %swap3A_99] {strides = array<i32>} : memref<128x128xf32, #tpu.memory_space<vmem>>, vector<1x16xf32>,
      %swap3A_101 = vector.shape_cast %swap3A_100 : vector<1x16xf32> to vector<16xf32>
      %swap3A_102 = vector.shape_cast %broadcast_in_dim3A_96 : vector<16xf32> to vector<1x16xf32>
      tpu.vector_store %arg5[%swap3A, %swap3A_99], %swap3A_102 {strides = array<i32>} : memref<128x128xf32, #tpu.memory_space<vmem>>, vector<1x16xf32>,
      %scan3A_103 = arith.constant 0 : i32
      scf.yield %scan3A_103 : i32
    }
    %scan3A_35 = arith.constant 1024 : i32
    %barrier3A = arith.constant 0 : index
    tpu.barrier barrier_id(%barrier3A)
    %scan3A_36 = arith.constant 0 : i32
    %scan3A_37 = arith.constant 0 : i32
    %scan3A_38 = arith.constant 80 : i32
    %scan3A_39 = arith.addi %scan3A_37, %scan3A_38 : i32
    %scan3A_40 = arith.constant 1 : i32
    %scan3A_41 = scf.for %scan3A_64 = %scan3A_37 to %scan3A_39 step %scan3A_40 iter_args(%scan3A_65 = %scan3A_36) -> (i32)  : i32 {
      "tpu.region"() ({
        %run_scoped3A = tpu.sem_alloc : memref<!tpu.dma_semaphore, #tpu.memory_space<semaphore_mem>>
        %dma_start3A = arith.constant 0 : i32
        %dma_start3A_67 = tpu.memref_slice %arg4[%scan3A_64, %dma_start3A] : memref<80x128xi32, #tpu.memory_space<vmem>> -> memref<1x128xi32, #tpu.memory_space<vmem>>
        %dma_start3A_68 = tpu.memref_squeeze %dma_start3A_67 : memref<1x128xi32, #tpu.memory_space<vmem>> -> memref<128xi32, #tpu.memory_space<vmem>>
        %dma_start3A_69 = arith.constant 0 : i32
        %dma_start3A_70 = arith.constant 0 : i32
        %dma_start3A_71 = tpu.memref_slice %arg6[%dma_start3A_69, %dma_start3A_70] : memref<10112x128xf32, #tpu.memory_space<vmem_shared>> -> memref<10112x128xf32, #tpu.memory_space<vmem_shared>>
        tpu.enqueue_indirect_dma source(%arg5 : memref<128x128xf32, #tpu.memory_space<vmem>>) target(%dma_start3A_71 : memref<10112x128xf32, #tpu.memory_space<vmem_shared>>) offsets(%dma_start3A_68 : memref<128xi32, #tpu.memory_space<vmem>>) semaphore(%run_scoped3A : memref<!tpu.dma_semaphore, #tpu.memory_space<semaphore_mem>>) {add = true}
        %dma_wait3A = arith.constant 0 : i32
        %dma_wait3A_72 = tpu.memref_slice %arg4[%scan3A_64, %dma_wait3A] : memref<80x128xi32, #tpu.memory_space<vmem>> -> memref<1x128xi32, #tpu.memory_space<vmem>>
        %dma_wait3A_73 = tpu.memref_squeeze %dma_wait3A_72 : memref<1x128xi32, #tpu.memory_space<vmem>> -> memref<128xi32, #tpu.memory_space<vmem>>
        %dma_wait3A_74 = arith.constant 0 : i32
        %dma_wait3A_75 = arith.constant 0 : i32
        %dma_wait3A_76 = tpu.memref_slice %arg6[%dma_wait3A_74, %dma_wait3A_75] : memref<10112x128xf32, #tpu.memory_space<vmem_shared>> -> memref<10112x128xf32, #tpu.memory_space<vmem_shared>>
        tpu.wait_indirect_dma semaphore(%run_scoped3A : memref<!tpu.dma_semaphore, #tpu.memory_space<semaphore_mem>>) src(%arg5 : memref<128x128xf32, #tpu.memory_space<vmem>>) dst(%dma_wait3A_76 : memref<10112x128xf32, #tpu.memory_space<vmem_shared>>)
        tpu.yield
      }) : () -> ()
      %scan3A_66 = arith.constant 0 : i32
      scf.yield %scan3A_66 : i32
    }
    %scan3A_42 = arith.constant 80 : i32
    %barrier3A_43 = arith.constant 0 : index
    tpu.barrier barrier_id(%barrier3A_43)
    %mul3A_44 = arith.constant 632 : i32
    %mul3A_45 = arith.muli %arg1, %mul3A_44 : i32
    %add3A_46 = arith.constant 0 : i32
    %add3A_47 = arith.addi %mul3A_45, %add3A_46 : i32
    "tpu.region"() ({
      %run_scoped3A = tpu.sem_alloc : memref<!tpu.dma_semaphore, #tpu.memory_space<semaphore_mem>>
      %dma_start3A = arith.constant 0 : i32
      %dma_start3A_64 = arith.constant 0 : i32
      %dma_start3A_65 = tpu.memref_slice %arg5[%dma_start3A, %dma_start3A_64] : memref<128x128xf32, #tpu.memory_space<vmem>> -> memref<128x128xf32, #tpu.memory_space<vmem>>
      %dma_start3A_66 = arith.constant 0 : i32
      %dma_start3A_67 = tpu.memref_slice %arg6[%add3A_47, %dma_start3A_66] : memref<10112x128xf32, #tpu.memory_space<vmem_shared>> -> memref<128x128xf32, #tpu.memory_space<vmem_shared>>
      %dma_start3A_68 = arith.constant 0 : i32
      %dma_start3A_69 = arith.constant 0 : i32
      %dma_start3A_70 = tpu.memref_slice %arg5[%dma_start3A_68, %dma_start3A_69] : memref<128x128xf32, #tpu.memory_space<vmem>> -> memref<128x128xf32, #tpu.memory_space<vmem>>
      %dma_start3A_71 = arith.constant 0 : i32
      %dma_start3A_72 = tpu.memref_slice %arg6[%add3A_47, %dma_start3A_71] : memref<10112x128xf32, #tpu.memory_space<vmem_shared>> -> memref<128x128xf32, #tpu.memory_space<vmem_shared>>
      tpu.enqueue_dma source(%dma_start3A_72 : memref<128x128xf32, #tpu.memory_space<vmem_shared>>) target(%dma_start3A_70 : memref<128x128xf32, #tpu.memory_space<vmem>>) target_semaphore(%run_scoped3A : memref<!tpu.dma_semaphore, #tpu.memory_space<semaphore_mem>>)
      %dma_wait3A = arith.constant 0 : i32
      %dma_wait3A_73 = arith.constant 0 : i32
      %dma_wait3A_74 = tpu.memref_slice %arg5[%dma_wait3A, %dma_wait3A_73] : memref<128x128xf32, #tpu.memory_space<vmem>> -> memref<128x128xf32, #tpu.memory_space<vmem>>
      %dma_wait3A_75 = arith.constant 0 : i32
      %dma_wait3A_76 = tpu.memref_slice %arg6[%add3A_47, %dma_wait3A_75] : memref<10112x128xf32, #tpu.memory_space<vmem_shared>> -> memref<128x128xf32, #tpu.memory_space<vmem_shared>>
      %dma_wait3A_77 = arith.constant 0 : i32
      %dma_wait3A_78 = arith.constant 0 : i32
      %dma_wait3A_79 = tpu.memref_slice %arg5[%dma_wait3A_77, %dma_wait3A_78] : memref<128x128xf32, #tpu.memory_space<vmem>> -> memref<128x128xf32, #tpu.memory_space<vmem>>
      %dma_wait3A_80 = arith.constant 0 : i32
      %dma_wait3A_81 = tpu.memref_slice %arg6[%add3A_47, %dma_wait3A_80] : memref<10112x128xf32, #tpu.memory_space<vmem_shared>> -> memref<128x128xf32, #tpu.memory_space<vmem_shared>>
      tpu.wait_dma2 semaphore(%run_scoped3A : memref<!tpu.dma_semaphore, #tpu.memory_space<semaphore_mem>>) src(%dma_wait3A_81 : memref<128x128xf32, #tpu.memory_space<vmem_shared>>) dst(%dma_wait3A_79 : memref<128x128xf32, #tpu.memory_space<vmem>>)
      tpu.yield
    }) : () -> ()
    "tpu.region"() ({
      %run_scoped3A = tpu.sem_alloc : memref<!tpu.dma_semaphore, #tpu.memory_space<semaphore_mem>>
      %dma_start3A = arith.constant 0 : i32
      %dma_start3A_64 = arith.constant 0 : i32
      %dma_start3A_65 = tpu.memref_slice %arg5[%dma_start3A, %dma_start3A_64] : memref<128x128xf32, #tpu.memory_space<vmem>> -> memref<128x128xf32, #tpu.memory_space<vmem>>
      %dma_start3A_66 = arith.constant 0 : i32
      %dma_start3A_67 = tpu.memref_slice %arg3[%arg0, %add3A_47, %dma_start3A_66] : memref<2x10112x128xf32, #tpu.memory_space<hbm>> -> memref<1x128x128xf32, #tpu.memory_space<hbm>>
      %dma_start3A_68 = tpu.memref_squeeze %dma_start3A_67 : memref<1x128x128xf32, #tpu.memory_space<hbm>> -> memref<128x128xf32, #tpu.memory_space<hbm>>
      %dma_start3A_69 = arith.constant 0 : i32
      %dma_start3A_70 = tpu.memref_slice %arg3[%arg0, %add3A_47, %dma_start3A_69] : memref<2x10112x128xf32, #tpu.memory_space<hbm>> -> memref<1x128x128xf32, #tpu.memory_space<hbm>>
      %dma_start3A_71 = tpu.memref_squeeze %dma_start3A_70 : memref<1x128x128xf32, #tpu.memory_space<hbm>> -> memref<128x128xf32, #tpu.memory_space<hbm>>
      %dma_start3A_72 = arith.constant 0 : i32
      %dma_start3A_73 = arith.constant 0 : i32
      %dma_start3A_74 = tpu.memref_slice %arg5[%dma_start3A_72, %dma_start3A_73] : memref<128x128xf32, #tpu.memory_space<vmem>> -> memref<128x128xf32, #tpu.memory_space<vmem>>
      tpu.enqueue_dma source(%dma_start3A_74 : memref<128x128xf32, #tpu.memory_space<vmem>>) target(%dma_start3A_71 : memref<128x128xf32, #tpu.memory_space<hbm>>) target_semaphore(%run_scoped3A : memref<!tpu.dma_semaphore, #tpu.memory_space<semaphore_mem>>)
      %dma_wait3A = arith.constant 0 : i32
      %dma_wait3A_75 = arith.constant 0 : i32
      %dma_wait3A_76 = tpu.memref_slice %arg5[%dma_wait3A, %dma_wait3A_75] : memref<128x128xf32, #tpu.memory_space<vmem>> -> memref<128x128xf32, #tpu.memory_space<vmem>>
      %dma_wait3A_77 = arith.constant 0 : i32
      %dma_wait3A_78 = tpu.memref_slice %arg3[%arg0, %add3A_47, %dma_wait3A_77] : memref<2x10112x128xf32, #tpu.memory_space<hbm>> -> memref<1x128x128xf32, #tpu.memory_space<hbm>>
      %dma_wait3A_79 = tpu.memref_squeeze %dma_wait3A_78 : memref<1x128x128xf32, #tpu.memory_space<hbm>> -> memref<128x128xf32, #tpu.memory_space<hbm>>
      %dma_wait3A_80 = arith.constant 0 : i32
      %dma_wait3A_81 = tpu.memref_slice %arg3[%arg0, %add3A_47, %dma_wait3A_80] : memref<2x10112x128xf32, #tpu.memory_space<hbm>> -> memref<1x128x128xf32, #tpu.memory_space<hbm>>
      %dma_wait3A_82 = tpu.memref_squeeze %dma_wait3A_81 : memref<1x128x128xf32, #tpu.memory_space<hbm>> -> memref<128x128xf32, #tpu.memory_space<hbm>>
      %dma_wait3A_83 = arith.constant 0 : i32
      %dma_wait3A_84 = arith.constant 0 : i32
      %dma_wait3A_85 = tpu.memref_slice %arg5[%dma_wait3A_83, %dma_wait3A_84] : memref<128x128xf32, #tpu.memory_space<vmem>> -> memref<128x128xf32, #tpu.memory_space<vmem>>
      tpu.wait_dma2 semaphore(%run_scoped3A : memref<!tpu.dma_semaphore, #tpu.memory_space<semaphore_mem>>) src(%dma_wait3A_85 : memref<128x128xf32, #tpu.memory_space<vmem>>) dst(%dma_wait3A_82 : memref<128x128xf32, #tpu.memory_space<hbm>>)
      tpu.yield
    }) : () -> ()
    %mul3A_48 = arith.constant 632 : i32
    %mul3A_49 = arith.muli %arg1, %mul3A_48 : i32
    %add3A_50 = arith.constant 128 : i32
    %add3A_51 = arith.addi %mul3A_49, %add3A_50 : i32
    "tpu.region"() ({
      %run_scoped3A = tpu.sem_alloc : memref<!tpu.dma_semaphore, #tpu.memory_space<semaphore_mem>>
      %dma_start3A = arith.constant 0 : i32
      %dma_start3A_64 = arith.constant 0 : i32
      %dma_start3A_65 = tpu.memref_slice %arg5[%dma_start3A, %dma_start3A_64] : memref<128x128xf32, #tpu.memory_space<vmem>> -> memref<128x128xf32, #tpu.memory_space<vmem>>
      %dma_start3A_66 = arith.constant 0 : i32
      %dma_start3A_67 = tpu.memref_slice %arg6[%add3A_51, %dma_start3A_66] : memref<10112x128xf32, #tpu.memory_space<vmem_shared>> -> memref<128x128xf32, #tpu.memory_space<vmem_shared>>
      %dma_start3A_68 = arith.constant 0 : i32
      %dma_start3A_69 = arith.constant 0 : i32
      %dma_start3A_70 = tpu.memref_slice %arg5[%dma_start3A_68, %dma_start3A_69] : memref<128x128xf32, #tpu.memory_space<vmem>> -> memref<128x128xf32, #tpu.memory_space<vmem>>
      %dma_start3A_71 = arith.constant 0 : i32
      %dma_start3A_72 = tpu.memref_slice %arg6[%add3A_51, %dma_start3A_71] : memref<10112x128xf32, #tpu.memory_space<vmem_shared>> -> memref<128x128xf32, #tpu.memory_space<vmem_shared>>
      tpu.enqueue_dma source(%dma_start3A_72 : memref<128x128xf32, #tpu.memory_space<vmem_shared>>) target(%dma_start3A_70 : memref<128x128xf32, #tpu.memory_space<vmem>>) target_semaphore(%run_scoped3A : memref<!tpu.dma_semaphore, #tpu.memory_space<semaphore_mem>>)
      %dma_wait3A = arith.constant 0 : i32
      %dma_wait3A_73 = arith.constant 0 : i32
      %dma_wait3A_74 = tpu.memref_slice %arg5[%dma_wait3A, %dma_wait3A_73] : memref<128x128xf32, #tpu.memory_space<vmem>> -> memref<128x128xf32, #tpu.memory_space<vmem>>
      %dma_wait3A_75 = arith.constant 0 : i32
      %dma_wait3A_76 = tpu.memref_slice %arg6[%add3A_51, %dma_wait3A_75] : memref<10112x128xf32, #tpu.memory_space<vmem_shared>> -> memref<128x128xf32, #tpu.memory_space<vmem_shared>>
      %dma_wait3A_77 = arith.constant 0 : i32
      %dma_wait3A_78 = arith.constant 0 : i32
      %dma_wait3A_79 = tpu.memref_slice %arg5[%dma_wait3A_77, %dma_wait3A_78] : memref<128x128xf32, #tpu.memory_space<vmem>> -> memref<128x128xf32, #tpu.memory_space<vmem>>
      %dma_wait3A_80 = arith.constant 0 : i32
      %dma_wait3A_81 = tpu.memref_slice %arg6[%add3A_51, %dma_wait3A_80] : memref<10112x128xf32, #tpu.memory_space<vmem_shared>> -> memref<128x128xf32, #tpu.memory_space<vmem_shared>>
      tpu.wait_dma2 semaphore(%run_scoped3A : memref<!tpu.dma_semaphore, #tpu.memory_space<semaphore_mem>>) src(%dma_wait3A_81 : memref<128x128xf32, #tpu.memory_space<vmem_shared>>) dst(%dma_wait3A_79 : memref<128x128xf32, #tpu.memory_space<vmem>>)
      tpu.yield
    }) : () -> ()
    "tpu.region"() ({
      %run_scoped3A = tpu.sem_alloc : memref<!tpu.dma_semaphore, #tpu.memory_space<semaphore_mem>>
      %dma_start3A = arith.constant 0 : i32
      %dma_start3A_64 = arith.constant 0 : i32
      %dma_start3A_65 = tpu.memref_slice %arg5[%dma_start3A, %dma_start3A_64] : memref<128x128xf32, #tpu.memory_space<vmem>> -> memref<128x128xf32, #tpu.memory_space<vmem>>
      %dma_start3A_66 = arith.constant 0 : i32
      %dma_start3A_67 = tpu.memref_slice %arg3[%arg0, %add3A_51, %dma_start3A_66] : memref<2x10112x128xf32, #tpu.memory_space<hbm>> -> memref<1x128x128xf32, #tpu.memory_space<hbm>>
      %dma_start3A_68 = tpu.memref_squeeze %dma_start3A_67 : memref<1x128x128xf32, #tpu.memory_space<hbm>> -> memref<128x128xf32, #tpu.memory_space<hbm>>
      %dma_start3A_69 = arith.constant 0 : i32
      %dma_start3A_70 = tpu.memref_slice %arg3[%arg0, %add3A_51, %dma_start3A_69] : memref<2x10112x128xf32, #tpu.memory_space<hbm>> -> memref<1x128x128xf32, #tpu.memory_space<hbm>>
      %dma_start3A_71 = tpu.memref_squeeze %dma_start3A_70 : memref<1x128x128xf32, #tpu.memory_space<hbm>> -> memref<128x128xf32, #tpu.memory_space<hbm>>
      %dma_start3A_72 = arith.constant 0 : i32
      %dma_start3A_73 = arith.constant 0 : i32
      %dma_start3A_74 = tpu.memref_slice %arg5[%dma_start3A_72, %dma_start3A_73] : memref<128x128xf32, #tpu.memory_space<vmem>> -> memref<128x128xf32, #tpu.memory_space<vmem>>
      tpu.enqueue_dma source(%dma_start3A_74 : memref<128x128xf32, #tpu.memory_space<vmem>>) target(%dma_start3A_71 : memref<128x128xf32, #tpu.memory_space<hbm>>) target_semaphore(%run_scoped3A : memref<!tpu.dma_semaphore, #tpu.memory_space<semaphore_mem>>)
      %dma_wait3A = arith.constant 0 : i32
      %dma_wait3A_75 = arith.constant 0 : i32
      %dma_wait3A_76 = tpu.memref_slice %arg5[%dma_wait3A, %dma_wait3A_75] : memref<128x128xf32, #tpu.memory_space<vmem>> -> memref<128x128xf32, #tpu.memory_space<vmem>>
      %dma_wait3A_77 = arith.constant 0 : i32
      %dma_wait3A_78 = tpu.memref_slice %arg3[%arg0, %add3A_51, %dma_wait3A_77] : memref<2x10112x128xf32, #tpu.memory_space<hbm>> -> memref<1x128x128xf32, #tpu.memory_space<hbm>>
      %dma_wait3A_79 = tpu.memref_squeeze %dma_wait3A_78 : memref<1x128x128xf32, #tpu.memory_space<hbm>> -> memref<128x128xf32, #tpu.memory_space<hbm>>
      %dma_wait3A_80 = arith.constant 0 : i32
      %dma_wait3A_81 = tpu.memref_slice %arg3[%arg0, %add3A_51, %dma_wait3A_80] : memref<2x10112x128xf32, #tpu.memory_space<hbm>> -> memref<1x128x128xf32, #tpu.memory_space<hbm>>
      %dma_wait3A_82 = tpu.memref_squeeze %dma_wait3A_81 : memref<1x128x128xf32, #tpu.memory_space<hbm>> -> memref<128x128xf32, #tpu.memory_space<hbm>>
      %dma_wait3A_83 = arith.constant 0 : i32
      %dma_wait3A_84 = arith.constant 0 : i32
      %dma_wait3A_85 = tpu.memref_slice %arg5[%dma_wait3A_83, %dma_wait3A_84] : memref<128x128xf32, #tpu.memory_space<vmem>> -> memref<128x128xf32, #tpu.memory_space<vmem>>
      tpu.wait_dma2 semaphore(%run_scoped3A : memref<!tpu.dma_semaphore, #tpu.memory_space<semaphore_mem>>) src(%dma_wait3A_85 : memref<128x128xf32, #tpu.memory_space<vmem>>) dst(%dma_wait3A_82 : memref<128x128xf32, #tpu.memory_space<hbm>>)
      tpu.yield
    }) : () -> ()
    %mul3A_52 = arith.constant 632 : i32
    %mul3A_53 = arith.muli %arg1, %mul3A_52 : i32
    %add3A_54 = arith.constant 256 : i32
    %add3A_55 = arith.addi %mul3A_53, %add3A_54 : i32
    "tpu.region"() ({
      %run_scoped3A = tpu.sem_alloc : memref<!tpu.dma_semaphore, #tpu.memory_space<semaphore_mem>>
      %dma_start3A = arith.constant 0 : i32
      %dma_start3A_64 = arith.constant 0 : i32
      %dma_start3A_65 = tpu.memref_slice %arg5[%dma_start3A, %dma_start3A_64] : memref<128x128xf32, #tpu.memory_space<vmem>> -> memref<128x128xf32, #tpu.memory_space<vmem>>
      %dma_start3A_66 = arith.constant 0 : i32
      %dma_start3A_67 = tpu.memref_slice %arg6[%add3A_55, %dma_start3A_66] : memref<10112x128xf32, #tpu.memory_space<vmem_shared>> -> memref<128x128xf32, #tpu.memory_space<vmem_shared>>
      %dma_start3A_68 = arith.constant 0 : i32
      %dma_start3A_69 = arith.constant 0 : i32
      %dma_start3A_70 = tpu.memref_slice %arg5[%dma_start3A_68, %dma_start3A_69] : memref<128x128xf32, #tpu.memory_space<vmem>> -> memref<128x128xf32, #tpu.memory_space<vmem>>
      %dma_start3A_71 = arith.constant 0 : i32
      %dma_start3A_72 = tpu.memref_slice %arg6[%add3A_55, %dma_start3A_71] : memref<10112x128xf32, #tpu.memory_space<vmem_shared>> -> memref<128x128xf32, #tpu.memory_space<vmem_shared>>
      tpu.enqueue_dma source(%dma_start3A_72 : memref<128x128xf32, #tpu.memory_space<vmem_shared>>) target(%dma_start3A_70 : memref<128x128xf32, #tpu.memory_space<vmem>>) target_semaphore(%run_scoped3A : memref<!tpu.dma_semaphore, #tpu.memory_space<semaphore_mem>>)
      %dma_wait3A = arith.constant 0 : i32
      %dma_wait3A_73 = arith.constant 0 : i32
      %dma_wait3A_74 = tpu.memref_slice %arg5[%dma_wait3A, %dma_wait3A_73] : memref<128x128xf32, #tpu.memory_space<vmem>> -> memref<128x128xf32, #tpu.memory_space<vmem>>
      %dma_wait3A_75 = arith.constant 0 : i32
      %dma_wait3A_76 = tpu.memref_slice %arg6[%add3A_55, %dma_wait3A_75] : memref<10112x128xf32, #tpu.memory_space<vmem_shared>> -> memref<128x128xf32, #tpu.memory_space<vmem_shared>>
      %dma_wait3A_77 = arith.constant 0 : i32
      %dma_wait3A_78 = arith.constant 0 : i32
      %dma_wait3A_79 = tpu.memref_slice %arg5[%dma_wait3A_77, %dma_wait3A_78] : memref<128x128xf32, #tpu.memory_space<vmem>> -> memref<128x128xf32, #tpu.memory_space<vmem>>
      %dma_wait3A_80 = arith.constant 0 : i32
      %dma_wait3A_81 = tpu.memref_slice %arg6[%add3A_55, %dma_wait3A_80] : memref<10112x128xf32, #tpu.memory_space<vmem_shared>> -> memref<128x128xf32, #tpu.memory_space<vmem_shared>>
      tpu.wait_dma2 semaphore(%run_scoped3A : memref<!tpu.dma_semaphore, #tpu.memory_space<semaphore_mem>>) src(%dma_wait3A_81 : memref<128x128xf32, #tpu.memory_space<vmem_shared>>) dst(%dma_wait3A_79 : memref<128x128xf32, #tpu.memory_space<vmem>>)
      tpu.yield
    }) : () -> ()
    "tpu.region"() ({
      %run_scoped3A = tpu.sem_alloc : memref<!tpu.dma_semaphore, #tpu.memory_space<semaphore_mem>>
      %dma_start3A = arith.constant 0 : i32
      %dma_start3A_64 = arith.constant 0 : i32
      %dma_start3A_65 = tpu.memref_slice %arg5[%dma_start3A, %dma_start3A_64] : memref<128x128xf32, #tpu.memory_space<vmem>> -> memref<128x128xf32, #tpu.memory_space<vmem>>
      %dma_start3A_66 = arith.constant 0 : i32
      %dma_start3A_67 = tpu.memref_slice %arg3[%arg0, %add3A_55, %dma_start3A_66] : memref<2x10112x128xf32, #tpu.memory_space<hbm>> -> memref<1x128x128xf32, #tpu.memory_space<hbm>>
      %dma_start3A_68 = tpu.memref_squeeze %dma_start3A_67 : memref<1x128x128xf32, #tpu.memory_space<hbm>> -> memref<128x128xf32, #tpu.memory_space<hbm>>
      %dma_start3A_69 = arith.constant 0 : i32
      %dma_start3A_70 = tpu.memref_slice %arg3[%arg0, %add3A_55, %dma_start3A_69] : memref<2x10112x128xf32, #tpu.memory_space<hbm>> -> memref<1x128x128xf32, #tpu.memory_space<hbm>>
      %dma_start3A_71 = tpu.memref_squeeze %dma_start3A_70 : memref<1x128x128xf32, #tpu.memory_space<hbm>> -> memref<128x128xf32, #tpu.memory_space<hbm>>
      %dma_start3A_72 = arith.constant 0 : i32
      %dma_start3A_73 = arith.constant 0 : i32
      %dma_start3A_74 = tpu.memref_slice %arg5[%dma_start3A_72, %dma_start3A_73] : memref<128x128xf32, #tpu.memory_space<vmem>> -> memref<128x128xf32, #tpu.memory_space<vmem>>
      tpu.enqueue_dma source(%dma_start3A_74 : memref<128x128xf32, #tpu.memory_space<vmem>>) target(%dma_start3A_71 : memref<128x128xf32, #tpu.memory_space<hbm>>) target_semaphore(%run_scoped3A : memref<!tpu.dma_semaphore, #tpu.memory_space<semaphore_mem>>)
      %dma_wait3A = arith.constant 0 : i32
      %dma_wait3A_75 = arith.constant 0 : i32
      %dma_wait3A_76 = tpu.memref_slice %arg5[%dma_wait3A, %dma_wait3A_75] : memref<128x128xf32, #tpu.memory_space<vmem>> -> memref<128x128xf32, #tpu.memory_space<vmem>>
      %dma_wait3A_77 = arith.constant 0 : i32
      %dma_wait3A_78 = tpu.memref_slice %arg3[%arg0, %add3A_55, %dma_wait3A_77] : memref<2x10112x128xf32, #tpu.memory_space<hbm>> -> memref<1x128x128xf32, #tpu.memory_space<hbm>>
      %dma_wait3A_79 = tpu.memref_squeeze %dma_wait3A_78 : memref<1x128x128xf32, #tpu.memory_space<hbm>> -> memref<128x128xf32, #tpu.memory_space<hbm>>
      %dma_wait3A_80 = arith.constant 0 : i32
      %dma_wait3A_81 = tpu.memref_slice %arg3[%arg0, %add3A_55, %dma_wait3A_80] : memref<2x10112x128xf32, #tpu.memory_space<hbm>> -> memref<1x128x128xf32, #tpu.memory_space<hbm>>
      %dma_wait3A_82 = tpu.memref_squeeze %dma_wait3A_81 : memref<1x128x128xf32, #tpu.memory_space<hbm>> -> memref<128x128xf32, #tpu.memory_space<hbm>>
      %dma_wait3A_83 = arith.constant 0 : i32
      %dma_wait3A_84 = arith.constant 0 : i32
      %dma_wait3A_85 = tpu.memref_slice %arg5[%dma_wait3A_83, %dma_wait3A_84] : memref<128x128xf32, #tpu.memory_space<vmem>> -> memref<128x128xf32, #tpu.memory_space<vmem>>
      tpu.wait_dma2 semaphore(%run_scoped3A : memref<!tpu.dma_semaphore, #tpu.memory_space<semaphore_mem>>) src(%dma_wait3A_85 : memref<128x128xf32, #tpu.memory_space<vmem>>) dst(%dma_wait3A_82 : memref<128x128xf32, #tpu.memory_space<hbm>>)
      tpu.yield
    }) : () -> ()
    %mul3A_56 = arith.constant 632 : i32
    %mul3A_57 = arith.muli %arg1, %mul3A_56 : i32
    %add3A_58 = arith.constant 384 : i32
    %add3A_59 = arith.addi %mul3A_57, %add3A_58 : i32
    "tpu.region"() ({
      %run_scoped3A = tpu.sem_alloc : memref<!tpu.dma_semaphore, #tpu.memory_space<semaphore_mem>>
      %dma_start3A = arith.constant 0 : i32
      %dma_start3A_64 = arith.constant 0 : i32
      %dma_start3A_65 = tpu.memref_slice %arg5[%dma_start3A, %dma_start3A_64] : memref<128x128xf32, #tpu.memory_space<vmem>> -> memref<128x128xf32, #tpu.memory_space<vmem>>
      %dma_start3A_66 = arith.constant 0 : i32
      %dma_start3A_67 = tpu.memref_slice %arg6[%add3A_59, %dma_start3A_66] : memref<10112x128xf32, #tpu.memory_space<vmem_shared>> -> memref<128x128xf32, #tpu.memory_space<vmem_shared>>
      %dma_start3A_68 = arith.constant 0 : i32
      %dma_start3A_69 = arith.constant 0 : i32
      %dma_start3A_70 = tpu.memref_slice %arg5[%dma_start3A_68, %dma_start3A_69] : memref<128x128xf32, #tpu.memory_space<vmem>> -> memref<128x128xf32, #tpu.memory_space<vmem>>
      %dma_start3A_71 = arith.constant 0 : i32
      %dma_start3A_72 = tpu.memref_slice %arg6[%add3A_59, %dma_start3A_71] : memref<10112x128xf32, #tpu.memory_space<vmem_shared>> -> memref<128x128xf32, #tpu.memory_space<vmem_shared>>
      tpu.enqueue_dma source(%dma_start3A_72 : memref<128x128xf32, #tpu.memory_space<vmem_shared>>) target(%dma_start3A_70 : memref<128x128xf32, #tpu.memory_space<vmem>>) target_semaphore(%run_scoped3A : memref<!tpu.dma_semaphore, #tpu.memory_space<semaphore_mem>>)
      %dma_wait3A = arith.constant 0 : i32
      %dma_wait3A_73 = arith.constant 0 : i32
      %dma_wait3A_74 = tpu.memref_slice %arg5[%dma_wait3A, %dma_wait3A_73] : memref<128x128xf32, #tpu.memory_space<vmem>> -> memref<128x128xf32, #tpu.memory_space<vmem>>
      %dma_wait3A_75 = arith.constant 0 : i32
      %dma_wait3A_76 = tpu.memref_slice %arg6[%add3A_59, %dma_wait3A_75] : memref<10112x128xf32, #tpu.memory_space<vmem_shared>> -> memref<128x128xf32, #tpu.memory_space<vmem_shared>>
      %dma_wait3A_77 = arith.constant 0 : i32
      %dma_wait3A_78 = arith.constant 0 : i32
      %dma_wait3A_79 = tpu.memref_slice %arg5[%dma_wait3A_77, %dma_wait3A_78] : memref<128x128xf32, #tpu.memory_space<vmem>> -> memref<128x128xf32, #tpu.memory_space<vmem>>
      %dma_wait3A_80 = arith.constant 0 : i32
      %dma_wait3A_81 = tpu.memref_slice %arg6[%add3A_59, %dma_wait3A_80] : memref<10112x128xf32, #tpu.memory_space<vmem_shared>> -> memref<128x128xf32, #tpu.memory_space<vmem_shared>>
      tpu.wait_dma2 semaphore(%run_scoped3A : memref<!tpu.dma_semaphore, #tpu.memory_space<semaphore_mem>>) src(%dma_wait3A_81 : memref<128x128xf32, #tpu.memory_space<vmem_shared>>) dst(%dma_wait3A_79 : memref<128x128xf32, #tpu.memory_space<vmem>>)
      tpu.yield
    }) : () -> ()
    "tpu.region"() ({
      %run_scoped3A = tpu.sem_alloc : memref<!tpu.dma_semaphore, #tpu.memory_space<semaphore_mem>>
      %dma_start3A = arith.constant 0 : i32
      %dma_start3A_64 = arith.constant 0 : i32
      %dma_start3A_65 = tpu.memref_slice %arg5[%dma_start3A, %dma_start3A_64] : memref<128x128xf32, #tpu.memory_space<vmem>> -> memref<128x128xf32, #tpu.memory_space<vmem>>
      %dma_start3A_66 = arith.constant 0 : i32
      %dma_start3A_67 = tpu.memref_slice %arg3[%arg0, %add3A_59, %dma_start3A_66] : memref<2x10112x128xf32, #tpu.memory_space<hbm>> -> memref<1x128x128xf32, #tpu.memory_space<hbm>>
      %dma_start3A_68 = tpu.memref_squeeze %dma_start3A_67 : memref<1x128x128xf32, #tpu.memory_space<hbm>> -> memref<128x128xf32, #tpu.memory_space<hbm>>
      %dma_start3A_69 = arith.constant 0 : i32
      %dma_start3A_70 = tpu.memref_slice %arg3[%arg0, %add3A_59, %dma_start3A_69] : memref<2x10112x128xf32, #tpu.memory_space<hbm>> -> memref<1x128x128xf32, #tpu.memory_space<hbm>>
      %dma_start3A_71 = tpu.memref_squeeze %dma_start3A_70 : memref<1x128x128xf32, #tpu.memory_space<hbm>> -> memref<128x128xf32, #tpu.memory_space<hbm>>
      %dma_start3A_72 = arith.constant 0 : i32
      %dma_start3A_73 = arith.constant 0 : i32
      %dma_start3A_74 = tpu.memref_slice %arg5[%dma_start3A_72, %dma_start3A_73] : memref<128x128xf32, #tpu.memory_space<vmem>> -> memref<128x128xf32, #tpu.memory_space<vmem>>
      tpu.enqueue_dma source(%dma_start3A_74 : memref<128x128xf32, #tpu.memory_space<vmem>>) target(%dma_start3A_71 : memref<128x128xf32, #tpu.memory_space<hbm>>) target_semaphore(%run_scoped3A : memref<!tpu.dma_semaphore, #tpu.memory_space<semaphore_mem>>)
      %dma_wait3A = arith.constant 0 : i32
      %dma_wait3A_75 = arith.constant 0 : i32
      %dma_wait3A_76 = tpu.memref_slice %arg5[%dma_wait3A, %dma_wait3A_75] : memref<128x128xf32, #tpu.memory_space<vmem>> -> memref<128x128xf32, #tpu.memory_space<vmem>>
      %dma_wait3A_77 = arith.constant 0 : i32
      %dma_wait3A_78 = tpu.memref_slice %arg3[%arg0, %add3A_59, %dma_wait3A_77] : memref<2x10112x128xf32, #tpu.memory_space<hbm>> -> memref<1x128x128xf32, #tpu.memory_space<hbm>>
      %dma_wait3A_79 = tpu.memref_squeeze %dma_wait3A_78 : memref<1x128x128xf32, #tpu.memory_space<hbm>> -> memref<128x128xf32, #tpu.memory_space<hbm>>
      %dma_wait3A_80 = arith.constant 0 : i32
      %dma_wait3A_81 = tpu.memref_slice %arg3[%arg0, %add3A_59, %dma_wait3A_80] : memref<2x10112x128xf32, #tpu.memory_space<hbm>> -> memref<1x128x128xf32, #tpu.memory_space<hbm>>
      %dma_wait3A_82 = tpu.memref_squeeze %dma_wait3A_81 : memref<1x128x128xf32, #tpu.memory_space<hbm>> -> memref<128x128xf32, #tpu.memory_space<hbm>>
      %dma_wait3A_83 = arith.constant 0 : i32
      %dma_wait3A_84 = arith.constant 0 : i32
      %dma_wait3A_85 = tpu.memref_slice %arg5[%dma_wait3A_83, %dma_wait3A_84] : memref<128x128xf32, #tpu.memory_space<vmem>> -> memref<128x128xf32, #tpu.memory_space<vmem>>
      tpu.wait_dma2 semaphore(%run_scoped3A : memref<!tpu.dma_semaphore, #tpu.memory_space<semaphore_mem>>) src(%dma_wait3A_85 : memref<128x128xf32, #tpu.memory_space<vmem>>) dst(%dma_wait3A_82 : memref<128x128xf32, #tpu.memory_space<hbm>>)
      tpu.yield
    }) : () -> ()
    %mul3A_60 = arith.constant 632 : i32
    %mul3A_61 = arith.muli %arg1, %mul3A_60 : i32
    %add3A_62 = arith.constant 512 : i32
    %add3A_63 = arith.addi %mul3A_61, %add3A_62 : i32
    "tpu.region"() ({
      %run_scoped3A = tpu.sem_alloc : memref<!tpu.dma_semaphore, #tpu.memory_space<semaphore_mem>>
      %dma_start3A = arith.constant 0 : i32
      %dma_start3A_64 = arith.constant 0 : i32
      %dma_start3A_65 = tpu.memref_slice %arg5[%dma_start3A, %dma_start3A_64] : memref<128x128xf32, #tpu.memory_space<vmem>> -> memref<120x128xf32, #tpu.memory_space<vmem>>
      %dma_start3A_66 = arith.constant 0 : i32
      %dma_start3A_67 = tpu.memref_slice %arg6[%add3A_63, %dma_start3A_66] : memref<10112x128xf32, #tpu.memory_space<vmem_shared>> -> memref<120x128xf32, #tpu.memory_space<vmem_shared>>
      %dma_start3A_68 = arith.constant 0 : i32
      %dma_start3A_69 = arith.constant 0 : i32
      %dma_start3A_70 = tpu.memref_slice %arg5[%dma_start3A_68, %dma_start3A_69] : memref<128x128xf32, #tpu.memory_space<vmem>> -> memref<120x128xf32, #tpu.memory_space<vmem>>
      %dma_start3A_71 = arith.constant 0 : i32
      %dma_start3A_72 = tpu.memref_slice %arg6[%add3A_63, %dma_start3A_71] : memref<10112x128xf32, #tpu.memory_space<vmem_shared>> -> memref<120x128xf32, #tpu.memory_space<vmem_shared>>
      tpu.enqueue_dma source(%dma_start3A_72 : memref<120x128xf32, #tpu.memory_space<vmem_shared>>) target(%dma_start3A_70 : memref<120x128xf32, #tpu.memory_space<vmem>>) target_semaphore(%run_scoped3A : memref<!tpu.dma_semaphore, #tpu.memory_space<semaphore_mem>>)
      %dma_wait3A = arith.constant 0 : i32
      %dma_wait3A_73 = arith.constant 0 : i32
      %dma_wait3A_74 = tpu.memref_slice %arg5[%dma_wait3A, %dma_wait3A_73] : memref<128x128xf32, #tpu.memory_space<vmem>> -> memref<120x128xf32, #tpu.memory_space<vmem>>
      %dma_wait3A_75 = arith.constant 0 : i32
      %dma_wait3A_76 = tpu.memref_slice %arg6[%add3A_63, %dma_wait3A_75] : memref<10112x128xf32, #tpu.memory_space<vmem_shared>> -> memref<120x128xf32, #tpu.memory_space<vmem_shared>>
      %dma_wait3A_77 = arith.constant 0 : i32
      %dma_wait3A_78 = arith.constant 0 : i32
      %dma_wait3A_79 = tpu.memref_slice %arg5[%dma_wait3A_77, %dma_wait3A_78] : memref<128x128xf32, #tpu.memory_space<vmem>> -> memref<120x128xf32, #tpu.memory_space<vmem>>
      %dma_wait3A_80 = arith.constant 0 : i32
      %dma_wait3A_81 = tpu.memref_slice %arg6[%add3A_63, %dma_wait3A_80] : memref<10112x128xf32, #tpu.memory_space<vmem_shared>> -> memref<120x128xf32, #tpu.memory_space<vmem_shared>>
      tpu.wait_dma2 semaphore(%run_scoped3A : memref<!tpu.dma_semaphore, #tpu.memory_space<semaphore_mem>>) src(%dma_wait3A_81 : memref<120x128xf32, #tpu.memory_space<vmem_shared>>) dst(%dma_wait3A_79 : memref<120x128xf32, #tpu.memory_space<vmem>>)
      tpu.yield
    }) : () -> ()
    "tpu.region"() ({
      %run_scoped3A = tpu.sem_alloc : memref<!tpu.dma_semaphore, #tpu.memory_space<semaphore_mem>>
      %dma_start3A = arith.constant 0 : i32
      %dma_start3A_64 = arith.constant 0 : i32
      %dma_start3A_65 = tpu.memref_slice %arg5[%dma_start3A, %dma_start3A_64] : memref<128x128xf32, #tpu.memory_space<vmem>> -> memref<120x128xf32, #tpu.memory_space<vmem>>
      %dma_start3A_66 = arith.constant 0 : i32
      %dma_start3A_67 = tpu.memref_slice %arg3[%arg0, %add3A_63, %dma_start3A_66] : memref<2x10112x128xf32, #tpu.memory_space<hbm>> -> memref<1x120x128xf32, #tpu.memory_space<hbm>>
      %dma_start3A_68 = tpu.memref_squeeze %dma_start3A_67 : memref<1x120x128xf32, #tpu.memory_space<hbm>> -> memref<120x128xf32, #tpu.memory_space<hbm>>
      %dma_start3A_69 = arith.constant 0 : i32
      %dma_start3A_70 = tpu.memref_slice %arg3[%arg0, %add3A_63, %dma_start3A_69] : memref<2x10112x128xf32, #tpu.memory_space<hbm>> -> memref<1x120x128xf32, #tpu.memory_space<hbm>>
      %dma_start3A_71 = tpu.memref_squeeze %dma_start3A_70 : memref<1x120x128xf32, #tpu.memory_space<hbm>> -> memref<120x128xf32, #tpu.memory_space<hbm>>
      %dma_start3A_72 = arith.constant 0 : i32
      %dma_start3A_73 = arith.constant 0 : i32
      %dma_start3A_74 = tpu.memref_slice %arg5[%dma_start3A_72, %dma_start3A_73] : memref<128x128xf32, #tpu.memory_space<vmem>> -> memref<120x128xf32, #tpu.memory_space<vmem>>
      tpu.enqueue_dma source(%dma_start3A_74 : memref<120x128xf32, #tpu.memory_space<vmem>>) target(%dma_start3A_71 : memref<120x128xf32, #tpu.memory_space<hbm>>) target_semaphore(%run_scoped3A : memref<!tpu.dma_semaphore, #tpu.memory_space<semaphore_mem>>)
      %dma_wait3A = arith.constant 0 : i32
      %dma_wait3A_75 = arith.constant 0 : i32
      %dma_wait3A_76 = tpu.memref_slice %arg5[%dma_wait3A, %dma_wait3A_75] : memref<128x128xf32, #tpu.memory_space<vmem>> -> memref<120x128xf32, #tpu.memory_space<vmem>>
      %dma_wait3A_77 = arith.constant 0 : i32
      %dma_wait3A_78 = tpu.memref_slice %arg3[%arg0, %add3A_63, %dma_wait3A_77] : memref<2x10112x128xf32, #tpu.memory_space<hbm>> -> memref<1x120x128xf32, #tpu.memory_space<hbm>>
      %dma_wait3A_79 = tpu.memref_squeeze %dma_wait3A_78 : memref<1x120x128xf32, #tpu.memory_space<hbm>> -> memref<120x128xf32, #tpu.memory_space<hbm>>
      %dma_wait3A_80 = arith.constant 0 : i32
      %dma_wait3A_81 = tpu.memref_slice %arg3[%arg0, %add3A_63, %dma_wait3A_80] : memref<2x10112x128xf32, #tpu.memory_space<hbm>> -> memref<1x120x128xf32, #tpu.memory_space<hbm>>
      %dma_wait3A_82 = tpu.memref_squeeze %dma_wait3A_81 : memref<1x120x128xf32, #tpu.memory_space<hbm>> -> memref<120x128xf32, #tpu.memory_space<hbm>>
      %dma_wait3A_83 = arith.constant 0 : i32
      %dma_wait3A_84 = arith.constant 0 : i32
      %dma_wait3A_85 = tpu.memref_slice %arg5[%dma_wait3A_83, %dma_wait3A_84] : memref<128x128xf32, #tpu.memory_space<vmem>> -> memref<120x128xf32, #tpu.memory_space<vmem>>
      tpu.wait_dma2 semaphore(%run_scoped3A : memref<!tpu.dma_semaphore, #tpu.memory_space<semaphore_mem>>) src(%dma_wait3A_85 : memref<120x128xf32, #tpu.memory_space<vmem>>) dst(%dma_wait3A_82 : memref<120x128xf32, #tpu.memory_space<hbm>>)
      tpu.yield
    }) : () -> ()
    return
  }
}

module attributes {stable_mosaic.version = 14 : i64} {
  func.func @_tc_mm1_body(%arg0: i32, %arg1: memref<1000x128xf32, #tpu.memory_space<vmem>>, %arg2: memref<128x256xf32, #tpu.memory_space<vmem>>, %arg3: memref<1x128xf32, #tpu.memory_space<vmem>>, %arg4: memref<1000x128xf32, #tpu.memory_space<vmem>>, %arg5: memref<1000x128xf32, #tpu.memory_space<vmem>>) attributes {dimension_semantics = [#tpu.dimension_semantics<arbitrary>], iteration_bounds = array<i64: 10>, scalar_prefetch = 0 : i64, scratch_operands = 0 : i64, tpu.core_type = #tpu.core_type<tc>, window_params = [{transform_indices = @transform_0, window_bounds = array<i64: 1000, 128>}, {pipeline_mode = #tpu.pipeline_mode<synchronous>, transform_indices = @transform_1, window_bounds = array<i64: 128, 256>}, {pipeline_mode = #tpu.pipeline_mode<synchronous>, transform_indices = @transform_2, window_bounds = array<i64: 1, 128>}, {transform_indices = @transform_3, window_bounds = array<i64: 1000, 128>}, {transform_indices = @transform_4, window_bounds = array<i64: 1000, 128>}]} {
    %get3A = arith.constant 0 : index
    %get3A_0 = arith.constant 0 : index
    %get3A_1 = vector.load %arg1[%get3A, %get3A_0] : memref<1000x128xf32, #tpu.memory_space<vmem>>, vector<1000x128xf32>
    %get3A_2 = arith.constant 0 : index
    %get3A_3 = arith.constant 0 : index
    %get3A_4 = vector.load %arg2[%get3A_2, %get3A_3] : memref<128x256xf32, #tpu.memory_space<vmem>>, vector<128x256xf32>
    %dot_general3A = arith.constant dense<0.000000e+00> : vector<1000x256xf32>
    %dot_general3A_5 = tpu.matmul %get3A_1, %get3A_4, %dot_general3A {dimension_numbers = #tpu.dot_dimension_numbers<[1], [0], [0], [1], [0, 0, 1, 1], [], []>, transpose_lhs_hint = false} : vector<1000x128xf32>, vector<128x256xf32>, vector<1000x256xf32> -> vector<1000x256xf32>
    %slice3A = vector.extract_strided_slice %dot_general3A_5 {offsets = [0, 0], sizes = [1000, 128], strides = [1, 1]} : vector<1000x256xf32> to vector<1000x128xf32>
    %get3A_6 = arith.constant 0 : index
    %get3A_7 = arith.constant 0 : index
    %get3A_8 = vector.load %arg3[%get3A_6, %get3A_7] : memref<1x128xf32, #tpu.memory_space<vmem>>, vector<1x128xf32>
    %add3A = vector.broadcast %get3A_8 : vector<1x128xf32> to vector<1000x128xf32>
    %add3A_9 = arith.addf %slice3A, %add3A : vector<1000x128xf32>
    %swap3A = arith.constant 0 : index
    %swap3A_10 = arith.constant 0 : index
    %swap3A_11 = vector.load %arg4[%swap3A, %swap3A_10] : memref<1000x128xf32, #tpu.memory_space<vmem>>, vector<1000x128xf32>
    tpu.vector_store %arg4[%swap3A, %swap3A_10], %add3A_9 {strides = array<i32>} : memref<1000x128xf32, #tpu.memory_space<vmem>>, vector<1000x128xf32>,
    %slice3A_12 = vector.extract_strided_slice %dot_general3A_5 {offsets = [0, 128], sizes = [1000, 128], strides = [1, 1]} : vector<1000x256xf32> to vector<1000x128xf32>
    %swap3A_13 = arith.constant 0 : index
    %swap3A_14 = arith.constant 0 : index
    %swap3A_15 = vector.load %arg5[%swap3A_13, %swap3A_14] : memref<1000x128xf32, #tpu.memory_space<vmem>>, vector<1000x128xf32>
    tpu.vector_store %arg5[%swap3A_13, %swap3A_14], %slice3A_12 {strides = array<i32>} : memref<1000x128xf32, #tpu.memory_space<vmem>>, vector<1000x128xf32>,
    return
  }
  func.func @transform_0(%arg0: i32) -> (i32, i32) {
    %c0_i32 = arith.constant 0 : i32
    %c0_i32_0 = arith.constant 0 : i32
    return %arg0, %c0_i32 : i32, i32
  }
  func.func @transform_1(%arg0: i32) -> (i32, i32) {
    %c0_i32 = arith.constant 0 : i32
    %c0_i32_0 = arith.constant 0 : i32
    %c0_i32_1 = arith.constant 0 : i32
    return %c0_i32, %c0_i32_0 : i32, i32
  }
  func.func @transform_2(%arg0: i32) -> (i32, i32) {
    %c0_i32 = arith.constant 0 : i32
    %c0_i32_0 = arith.constant 0 : i32
    %c0_i32_1 = arith.constant 0 : i32
    return %c0_i32, %c0_i32_0 : i32, i32
  }
  func.func @transform_3(%arg0: i32) -> (i32, i32) {
    %c0_i32 = arith.constant 0 : i32
    %c0_i32_0 = arith.constant 0 : i32
    return %arg0, %c0_i32 : i32, i32
  }
  func.func @transform_4(%arg0: i32) -> (i32, i32) {
    %c0_i32 = arith.constant 0 : i32
    %c0_i32_0 = arith.constant 0 : i32
    return %arg0, %c0_i32 : i32, i32
  }
}

module attributes {stable_mosaic.version = 14 : i64} {
  func.func @_tc_mml_body(%arg0: i32, %arg1: memref<1000x128xf32, #tpu.memory_space<vmem>>, %arg2: memref<2x1000x128xf32, #tpu.memory_space<vmem>>, %arg3: memref<2x1000x128xf32, #tpu.memory_space<vmem>>, %arg4: memref<128x256xf32, #tpu.memory_space<vmem>>, %arg5: memref<1x128xf32, #tpu.memory_space<vmem>>, %arg6: memref<1000x128xf32, #tpu.memory_space<vmem>>, %arg7: memref<1000x128xf32, #tpu.memory_space<vmem>>) attributes {dimension_semantics = [#tpu.dimension_semantics<arbitrary>], iteration_bounds = array<i64: 10>, scalar_prefetch = 0 : i64, scratch_operands = 0 : i64, tpu.core_type = #tpu.core_type<tc>, window_params = [{transform_indices = @transform_0, window_bounds = array<i64: 1000, 128>}, {transform_indices = @transform_1, window_bounds = array<i64: 2, 1000, 128>}, {transform_indices = @transform_2, window_bounds = array<i64: 2, 1000, 128>}, {pipeline_mode = #tpu.pipeline_mode<synchronous>, transform_indices = @transform_3, window_bounds = array<i64: 128, 256>}, {pipeline_mode = #tpu.pipeline_mode<synchronous>, transform_indices = @transform_4, window_bounds = array<i64: 1, 128>}, {transform_indices = @transform_5, window_bounds = array<i64: 1000, 128>}, {transform_indices = @transform_6, window_bounds = array<i64: 1000, 128>}]} {
    %get3A = arith.constant 0 : index
    %get3A_0 = arith.constant 0 : index
    %get3A_1 = arith.constant 0 : index
    %get3A_2 = vector.load %arg3[%get3A, %get3A_0, %get3A_1] : memref<2x1000x128xf32, #tpu.memory_space<vmem>>, vector<1x1000x1xf32>
    %get3A_3 = vector.shape_cast %get3A_2 : vector<1x1000x1xf32> to vector<1000x1xf32>
    %get3A_4 = arith.constant 1 : index
    %get3A_5 = arith.constant 0 : index
    %get3A_6 = arith.constant 0 : index
    %get3A_7 = vector.load %arg3[%get3A_4, %get3A_5, %get3A_6] : memref<2x1000x128xf32, #tpu.memory_space<vmem>>, vector<1x1000x1xf32>
    %get3A_8 = vector.shape_cast %get3A_7 : vector<1x1000x1xf32> to vector<1000x1xf32>
    %add3A = arith.addf %get3A_3, %get3A_8 : vector<1000x1xf32>
    %max3A = arith.constant 1.000000e+00 : f32
    %max3A_9 = vector.broadcast %max3A : f32 to vector<1000x1xf32>
    %max3A_10 = arith.maximumf %add3A, %max3A_9 : vector<1000x1xf32>
    %div3A = arith.constant 1.000000e+00 : f32
    %div3A_11 = vector.broadcast %div3A : f32 to vector<1000x1xf32>
    %div3A_12 = arith.divf %div3A_11, %max3A_10 : vector<1000x1xf32>
    %get3A_13 = arith.constant 0 : index
    %get3A_14 = arith.constant 0 : index
    %get3A_15 = vector.load %arg1[%get3A_13, %get3A_14] : memref<1000x128xf32, #tpu.memory_space<vmem>>, vector<1000x128xf32>
    %get3A_16 = arith.constant 0 : index
    %get3A_17 = arith.constant 0 : index
    %get3A_18 = arith.constant 0 : index
    %get3A_19 = vector.load %arg2[%get3A_16, %get3A_17, %get3A_18] : memref<2x1000x128xf32, #tpu.memory_space<vmem>>, vector<1x1000x128xf32>
    %get3A_20 = vector.shape_cast %get3A_19 : vector<1x1000x128xf32> to vector<1000x128xf32>
    %get3A_21 = arith.constant 1 : index
    %get3A_22 = arith.constant 0 : index
    %get3A_23 = arith.constant 0 : index
    %get3A_24 = vector.load %arg2[%get3A_21, %get3A_22, %get3A_23] : memref<2x1000x128xf32, #tpu.memory_space<vmem>>, vector<1x1000x128xf32>
    %get3A_25 = vector.shape_cast %get3A_24 : vector<1x1000x128xf32> to vector<1000x128xf32>
    %add3A_26 = arith.addf %get3A_20, %get3A_25 : vector<1000x128xf32>
    %mul3A = vector.broadcast %div3A_12 : vector<1000x1xf32> to vector<1000x128xf32>
    %mul3A_27 = arith.mulf %add3A_26, %mul3A : vector<1000x128xf32>
    %add3A_28 = arith.addf %get3A_15, %mul3A_27 : vector<1000x128xf32>
    %max3A_29 = arith.constant 0.000000e+00 : f32
    %max3A_30 = vector.broadcast %max3A_29 : f32 to vector<1000x128xf32>
    %max3A_31 = arith.maximumf %add3A_28, %max3A_30 : vector<1000x128xf32>
    %get3A_32 = arith.constant 0 : index
    %get3A_33 = arith.constant 0 : index
    %get3A_34 = vector.load %arg4[%get3A_32, %get3A_33] : memref<128x256xf32, #tpu.memory_space<vmem>>, vector<128x256xf32>
    %dot_general3A = arith.constant dense<0.000000e+00> : vector<1000x256xf32>
    %dot_general3A_35 = tpu.matmul %max3A_31, %get3A_34, %dot_general3A {dimension_numbers = #tpu.dot_dimension_numbers<[1], [0], [0], [1], [0, 0, 1, 1], [], []>, transpose_lhs_hint = false} : vector<1000x128xf32>, vector<128x256xf32>, vector<1000x256xf32> -> vector<1000x256xf32>
    %slice3A = vector.extract_strided_slice %dot_general3A_35 {offsets = [0, 0], sizes = [1000, 128], strides = [1, 1]} : vector<1000x256xf32> to vector<1000x128xf32>
    %get3A_36 = arith.constant 0 : index
    %get3A_37 = arith.constant 0 : index
    %get3A_38 = vector.load %arg5[%get3A_36, %get3A_37] : memref<1x128xf32, #tpu.memory_space<vmem>>, vector<1x128xf32>
    %add3A_39 = vector.broadcast %get3A_38 : vector<1x128xf32> to vector<1000x128xf32>
    %add3A_40 = arith.addf %slice3A, %add3A_39 : vector<1000x128xf32>
    %swap3A = arith.constant 0 : index
    %swap3A_41 = arith.constant 0 : index
    %swap3A_42 = vector.load %arg6[%swap3A, %swap3A_41] : memref<1000x128xf32, #tpu.memory_space<vmem>>, vector<1000x128xf32>
    tpu.vector_store %arg6[%swap3A, %swap3A_41], %add3A_40 {strides = array<i32>} : memref<1000x128xf32, #tpu.memory_space<vmem>>, vector<1000x128xf32>,
    %slice3A_43 = vector.extract_strided_slice %dot_general3A_35 {offsets = [0, 128], sizes = [1000, 128], strides = [1, 1]} : vector<1000x256xf32> to vector<1000x128xf32>
    %swap3A_44 = arith.constant 0 : index
    %swap3A_45 = arith.constant 0 : index
    %swap3A_46 = vector.load %arg7[%swap3A_44, %swap3A_45] : memref<1000x128xf32, #tpu.memory_space<vmem>>, vector<1000x128xf32>
    tpu.vector_store %arg7[%swap3A_44, %swap3A_45], %slice3A_43 {strides = array<i32>} : memref<1000x128xf32, #tpu.memory_space<vmem>>, vector<1000x128xf32>,
    return
  }
  func.func @transform_0(%arg0: i32) -> (i32, i32) {
    %c0_i32 = arith.constant 0 : i32
    %c0_i32_0 = arith.constant 0 : i32
    return %arg0, %c0_i32 : i32, i32
  }
  func.func @transform_1(%arg0: i32) -> (i32, i32, i32) {
    %c0_i32 = arith.constant 0 : i32
    %c0_i32_0 = arith.constant 0 : i32
    %c0_i32_1 = arith.constant 0 : i32
    return %c0_i32, %arg0, %c0_i32_0 : i32, i32, i32
  }
  func.func @transform_2(%arg0: i32) -> (i32, i32, i32) {
    %c0_i32 = arith.constant 0 : i32
    %c0_i32_0 = arith.constant 0 : i32
    %c0_i32_1 = arith.constant 0 : i32
    return %c0_i32, %arg0, %c0_i32_0 : i32, i32, i32
  }
  func.func @transform_3(%arg0: i32) -> (i32, i32) {
    %c0_i32 = arith.constant 0 : i32
    %c0_i32_0 = arith.constant 0 : i32
    %c0_i32_1 = arith.constant 0 : i32
    return %c0_i32, %c0_i32_0 : i32, i32
  }
  func.func @transform_4(%arg0: i32) -> (i32, i32) {
    %c0_i32 = arith.constant 0 : i32
    %c0_i32_0 = arith.constant 0 : i32
    %c0_i32_1 = arith.constant 0 : i32
    return %c0_i32, %c0_i32_0 : i32, i32
  }
  func.func @transform_5(%arg0: i32) -> (i32, i32) {
    %c0_i32 = arith.constant 0 : i32
    %c0_i32_0 = arith.constant 0 : i32
    return %arg0, %c0_i32 : i32, i32
  }
  func.func @transform_6(%arg0: i32) -> (i32, i32) {
    %c0_i32 = arith.constant 0 : i32
    %c0_i32_0 = arith.constant 0 : i32
    return %arg0, %c0_i32 : i32, i32
  }
}

module attributes {stable_mosaic.version = 14 : i64} {
  func.func @_tc_pool_body(%arg0: i32, %arg1: memref<1000x128xf32, #tpu.memory_space<vmem>>, %arg2: memref<2x1000x128xf32, #tpu.memory_space<vmem>>, %arg3: memref<2x1000x128xf32, #tpu.memory_space<vmem>>, %arg4: memref<1x1x1000xi32, #tpu.memory_space<vmem>>, %arg5: memref<128x64xf32, #tpu.memory_space<vmem>>, %arg6: memref<1x64xf32, #tpu.memory_space<vmem>>, %arg7: memref<128x64xf32, #tpu.memory_space<vmem>>, %arg8: memref<128x128xf32, #tpu.memory_space<vmem>>, %arg9: memref<128x128xf32, #tpu.memory_space<vmem>>) attributes {dimension_semantics = [#tpu.dimension_semantics<arbitrary>], iteration_bounds = array<i64: 10>, scalar_prefetch = 0 : i64, scratch_operands = 2 : i64, tpu.core_type = #tpu.core_type<tc>, window_params = [{transform_indices = @transform_0, window_bounds = array<i64: 1000, 128>}, {transform_indices = @transform_1, window_bounds = array<i64: 2, 1000, 128>}, {transform_indices = @transform_2, window_bounds = array<i64: 2, 1000, 128>}, {transform_indices = @transform_3, window_bounds = array<i64: 1, 1, 1000>}, {pipeline_mode = #tpu.pipeline_mode<synchronous>, transform_indices = @transform_4, window_bounds = array<i64: 128, 64>}, {pipeline_mode = #tpu.pipeline_mode<synchronous>, transform_indices = @transform_5, window_bounds = array<i64: 1, 64>}, {pipeline_mode = #tpu.pipeline_mode<synchronous>, transform_indices = @transform_6, window_bounds = array<i64: 128, 64>}]} {
    %eq3A = arith.constant 0 : i32
    %eq3A_0 = arith.cmpi eq, %arg0, %eq3A : i32
    %convert_element_type3A = arith.extui %eq3A_0 : i1 to i32
    %cond3A = arith.constant 0 : i32
    %cond3A_1 = arith.cmpi ne, %convert_element_type3A, %cond3A : i32
    scf.if %cond3A_1 {
      %broadcast_in_dim3A_66 = arith.constant 0.000000e+00 : f32
      %broadcast_in_dim3A_67 = vector.broadcast %broadcast_in_dim3A_66 : f32 to vector<128x128xf32>
      %swap3A_68 = arith.constant 0 : index
      %swap3A_69 = arith.constant 0 : index
      %swap3A_70 = vector.load %arg8[%swap3A_68, %swap3A_69] : memref<128x128xf32, #tpu.memory_space<vmem>>, vector<128x128xf32>
      tpu.vector_store %arg8[%swap3A_68, %swap3A_69], %broadcast_in_dim3A_67 {strides = array<i32>} : memref<128x128xf32, #tpu.memory_space<vmem>>, vector<128x128xf32>,
      %broadcast_in_dim3A_71 = arith.constant 0.000000e+00 : f32
      %broadcast_in_dim3A_72 = vector.broadcast %broadcast_in_dim3A_71 : f32 to vector<128x128xf32>
      %swap3A_73 = arith.constant 0 : index
      %swap3A_74 = arith.constant 0 : index
      %swap3A_75 = vector.load %arg9[%swap3A_73, %swap3A_74] : memref<128x128xf32, #tpu.memory_space<vmem>>, vector<128x128xf32>
      tpu.vector_store %arg9[%swap3A_73, %swap3A_74], %broadcast_in_dim3A_72 {strides = array<i32>} : memref<128x128xf32, #tpu.memory_space<vmem>>, vector<128x128xf32>,
    } else {
    }
    %get3A = arith.constant 0 : index
    %get3A_2 = arith.constant 0 : index
    %get3A_3 = arith.constant 0 : index
    %get3A_4 = vector.load %arg3[%get3A, %get3A_2, %get3A_3] : memref<2x1000x128xf32, #tpu.memory_space<vmem>>, vector<1x1000x1xf32>
    %get3A_5 = vector.shape_cast %get3A_4 : vector<1x1000x1xf32> to vector<1000x1xf32>
    %get3A_6 = arith.constant 1 : index
    %get3A_7 = arith.constant 0 : index
    %get3A_8 = arith.constant 0 : index
    %get3A_9 = vector.load %arg3[%get3A_6, %get3A_7, %get3A_8] : memref<2x1000x128xf32, #tpu.memory_space<vmem>>, vector<1x1000x1xf32>
    %get3A_10 = vector.shape_cast %get3A_9 : vector<1x1000x1xf32> to vector<1000x1xf32>
    %add3A = arith.addf %get3A_5, %get3A_10 : vector<1000x1xf32>
    %max3A = arith.constant 1.000000e+00 : f32
    %max3A_11 = vector.broadcast %max3A : f32 to vector<1000x1xf32>
    %max3A_12 = arith.maximumf %add3A, %max3A_11 : vector<1000x1xf32>
    %div3A = arith.constant 1.000000e+00 : f32
    %div3A_13 = vector.broadcast %div3A : f32 to vector<1000x1xf32>
    %div3A_14 = arith.divf %div3A_13, %max3A_12 : vector<1000x1xf32>
    %get3A_15 = arith.constant 0 : index
    %get3A_16 = arith.constant 0 : index
    %get3A_17 = vector.load %arg1[%get3A_15, %get3A_16] : memref<1000x128xf32, #tpu.memory_space<vmem>>, vector<1000x128xf32>
    %get3A_18 = arith.constant 0 : index
    %get3A_19 = arith.constant 0 : index
    %get3A_20 = arith.constant 0 : index
    %get3A_21 = vector.load %arg2[%get3A_18, %get3A_19, %get3A_20] : memref<2x1000x128xf32, #tpu.memory_space<vmem>>, vector<1x1000x128xf32>
    %get3A_22 = vector.shape_cast %get3A_21 : vector<1x1000x128xf32> to vector<1000x128xf32>
    %get3A_23 = arith.constant 1 : index
    %get3A_24 = arith.constant 0 : index
    %get3A_25 = arith.constant 0 : index
    %get3A_26 = vector.load %arg2[%get3A_23, %get3A_24, %get3A_25] : memref<2x1000x128xf32, #tpu.memory_space<vmem>>, vector<1x1000x128xf32>
    %get3A_27 = vector.shape_cast %get3A_26 : vector<1x1000x128xf32> to vector<1000x128xf32>
    %add3A_28 = arith.addf %get3A_22, %get3A_27 : vector<1000x128xf32>
    %mul3A = vector.broadcast %div3A_14 : vector<1000x1xf32> to vector<1000x128xf32>
    %mul3A_29 = arith.mulf %add3A_28, %mul3A : vector<1000x128xf32>
    %add3A_30 = arith.addf %get3A_17, %mul3A_29 : vector<1000x128xf32>
    %max3A_31 = arith.constant 0.000000e+00 : f32
    %max3A_32 = vector.broadcast %max3A_31 : f32 to vector<1000x128xf32>
    %max3A_33 = arith.maximumf %add3A_30, %max3A_32 : vector<1000x128xf32>
    %get3A_34 = arith.constant 0 : index
    %get3A_35 = arith.constant 0 : index
    %get3A_36 = arith.constant 0 : index
    %get3A_37 = vector.load %arg4[%get3A_34, %get3A_35, %get3A_36] : memref<1x1x1000xi32, #tpu.memory_space<vmem>>, vector<1x1x1000xi32>
    %get3A_38 = vector.shape_cast %get3A_37 : vector<1x1x1000xi32> to vector<1000xi32>
    %broadcast_in_dim3A = vector.shape_cast %get3A_38 : vector<1000xi32> to vector<1x1000xi32>
    %iota3A = tpu.iota {dimensions = array<i32: 0>} : vector<128x1000xi32>
    %eq3A_39 = vector.broadcast %broadcast_in_dim3A : vector<1x1000xi32> to vector<128x1000xi32>
    %eq3A_40 = arith.cmpi eq, %eq3A_39, %iota3A : vector<128x1000xi32>
    %convert_element_type3A_41 = arith.extui %eq3A_40 : vector<128x1000xi1> to vector<128x1000xi32>
    %convert_element_type3A_42 = arith.sitofp %convert_element_type3A_41 : vector<128x1000xi32> to vector<128x1000xf32>
    %get3A_43 = arith.constant 0 : index
    %get3A_44 = arith.constant 0 : index
    %get3A_45 = vector.load %arg8[%get3A_43, %get3A_44] : memref<128x128xf32, #tpu.memory_space<vmem>>, vector<128x128xf32>
    %dot_general3A = arith.constant dense<0.000000e+00> : vector<128x128xf32>
    %dot_general3A_46 = tpu.matmul %convert_element_type3A_42, %max3A_33, %dot_general3A {dimension_numbers = #tpu.dot_dimension_numbers<[1], [0], [0], [1], [0, 0, 1, 1], [], []>, transpose_lhs_hint = false} : vector<128x1000xf32>, vector<1000x128xf32>, vector<128x128xf32> -> vector<128x128xf32>
    %add3A_47 = arith.addf %get3A_45, %dot_general3A_46 : vector<128x128xf32>
    %swap3A = arith.constant 0 : index
    %swap3A_48 = arith.constant 0 : index
    %swap3A_49 = vector.load %arg8[%swap3A, %swap3A_48] : memref<128x128xf32, #tpu.memory_space<vmem>>, vector<128x128xf32>
    tpu.vector_store %arg8[%swap3A, %swap3A_48], %add3A_47 {strides = array<i32>} : memref<128x128xf32, #tpu.memory_space<vmem>>, vector<128x128xf32>,
    %get3A_50 = arith.constant 0 : index
    %get3A_51 = arith.constant 0 : index
    %get3A_52 = vector.load %arg9[%get3A_50, %get3A_51] : memref<128x128xf32, #tpu.memory_space<vmem>>, vector<128x128xf32>
    %reduce_sum3A = arith.constant dense<0.000000e+00> : vector<128xf32>
    %reduce_sum3A_53 = vector.multi_reduction <add>, %convert_element_type3A_42, %reduce_sum3A [1] : vector<128x1000xf32> to vector<128xf32>
    %broadcast_in_dim3A_54 = vector.shape_cast %reduce_sum3A_53 : vector<128xf32> to vector<128x1xf32>
    %broadcast_in_dim3A_55 = vector.shape_cast %broadcast_in_dim3A_54 : vector<128x1xf32> to vector<128x1xf32>
    %broadcast_in_dim3A_56 = vector.broadcast %broadcast_in_dim3A_55 : vector<128x1xf32> to vector<128x128xf32>
    %add3A_57 = arith.addf %get3A_52, %broadcast_in_dim3A_56 : vector<128x128xf32>
    %swap3A_58 = arith.constant 0 : index
    %swap3A_59 = arith.constant 0 : index
    %swap3A_60 = vector.load %arg9[%swap3A_58, %swap3A_59] : memref<128x128xf32, #tpu.memory_space<vmem>>, vector<128x128xf32>
    tpu.vector_store %arg9[%swap3A_58, %swap3A_59], %add3A_57 {strides = array<i32>} : memref<128x128xf32, #tpu.memory_space<vmem>>, vector<128x128xf32>,
    %eq3A_61 = arith.constant 9 : i32
    %eq3A_62 = arith.cmpi eq, %arg0, %eq3A_61 : i32
    %convert_element_type3A_63 = arith.extui %eq3A_62 : i1 to i32
    %cond3A_64 = arith.constant 0 : i32
    %cond3A_65 = arith.cmpi ne, %convert_element_type3A_63, %cond3A_64 : i32
    scf.if %cond3A_65 {
      %get3A_66 = arith.constant 0 : index
      %get3A_67 = arith.constant 0 : index
      %get3A_68 = vector.load %arg8[%get3A_66, %get3A_67] : memref<128x128xf32, #tpu.memory_space<vmem>>, vector<128x128xf32>
      %get3A_69 = arith.constant 0 : index
      %get3A_70 = arith.constant 0 : index
      %get3A_71 = vector.load %arg9[%get3A_69, %get3A_70] : memref<128x128xf32, #tpu.memory_space<vmem>>, vector<128x1xf32>
      %max3A_72 = arith.constant 1.000000e+00 : f32
      %max3A_73 = vector.broadcast %max3A_72 : f32 to vector<128x1xf32>
      %max3A_74 = arith.maximumf %get3A_71, %max3A_73 : vector<128x1xf32>
      %div3A_75 = vector.broadcast %max3A_74 : vector<128x1xf32> to vector<128x128xf32>
      %div3A_76 = arith.divf %get3A_68, %div3A_75 : vector<128x128xf32>
      %get3A_77 = arith.constant 0 : index
      %get3A_78 = arith.constant 0 : index
      %get3A_79 = vector.load %arg5[%get3A_77, %get3A_78] : memref<128x64xf32, #tpu.memory_space<vmem>>, vector<128x64xf32>
      %dot_general3A_80 = arith.constant dense<0.000000e+00> : vector<128x64xf32>
      %dot_general3A_81 = tpu.matmul %div3A_76, %get3A_79, %dot_general3A_80 {dimension_numbers = #tpu.dot_dimension_numbers<[1], [0], [0], [1], [0, 0, 1, 1], [], []>, transpose_lhs_hint = false} : vector<128x128xf32>, vector<128x64xf32>, vector<128x64xf32> -> vector<128x64xf32>
      %get3A_82 = arith.constant 0 : index
      %get3A_83 = arith.constant 0 : index
      %get3A_84 = vector.load %arg6[%get3A_82, %get3A_83] : memref<1x64xf32, #tpu.memory_space<vmem>>, vector<1x64xf32>
      %add3A_85 = vector.broadcast %get3A_84 : vector<1x64xf32> to vector<128x64xf32>
      %add3A_86 = arith.addf %dot_general3A_81, %add3A_85 : vector<128x64xf32>
      %swap3A_87 = arith.constant 0 : index
      %swap3A_88 = arith.constant 0 : index
      %swap3A_89 = vector.load %arg7[%swap3A_87, %swap3A_88] : memref<128x64xf32, #tpu.memory_space<vmem>>, vector<128x64xf32>
      tpu.vector_store %arg7[%swap3A_87, %swap3A_88], %add3A_86 {strides = array<i32>} : memref<128x64xf32, #tpu.memory_space<vmem>>, vector<128x64xf32>,
    } else {
    }
    return
  }
  func.func @transform_0(%arg0: i32) -> (i32, i32) {
    %c0_i32 = arith.constant 0 : i32
    %c0_i32_0 = arith.constant 0 : i32
    return %arg0, %c0_i32 : i32, i32
  }
  func.func @transform_1(%arg0: i32) -> (i32, i32, i32) {
    %c0_i32 = arith.constant 0 : i32
    %c0_i32_0 = arith.constant 0 : i32
    %c0_i32_1 = arith.constant 0 : i32
    return %c0_i32, %arg0, %c0_i32_0 : i32, i32, i32
  }
  func.func @transform_2(%arg0: i32) -> (i32, i32, i32) {
    %c0_i32 = arith.constant 0 : i32
    %c0_i32_0 = arith.constant 0 : i32
    %c0_i32_1 = arith.constant 0 : i32
    return %c0_i32, %arg0, %c0_i32_0 : i32, i32, i32
  }
  func.func @transform_3(%arg0: i32) -> (i32, i32, i32) {
    %c0_i32 = arith.constant 0 : i32
    %c0_i32_0 = arith.constant 0 : i32
    %c0_i32_1 = arith.constant 0 : i32
    return %arg0, %c0_i32, %c0_i32_0 : i32, i32, i32
  }
  func.func @transform_4(%arg0: i32) -> (i32, i32) {
    %c0_i32 = arith.constant 0 : i32
    %c0_i32_0 = arith.constant 0 : i32
    %c0_i32_1 = arith.constant 0 : i32
    return %c0_i32, %c0_i32_0 : i32, i32
  }
  func.func @transform_5(%arg0: i32) -> (i32, i32) {
    %c0_i32 = arith.constant 0 : i32
    %c0_i32_0 = arith.constant 0 : i32
    %c0_i32_1 = arith.constant 0 : i32
    return %c0_i32, %c0_i32_0 : i32, i32
  }
  func.func @transform_6(%arg0: i32) -> (i32, i32) {
    %c0_i32 = arith.constant 0 : i32
    %c0_i32_0 = arith.constant 0 : i32
    %c0_i32_1 = arith.constant 0 : i32
    return %c0_i32, %c0_i32_0 : i32, i32
  }
}

</mosaic_0001>

<sc_bundles>
// kernel: kernel.10.cloned.1.call-start
scs
__scs_entry_jumppad:
0x0: {  	(pc) =	sbr.rel $0x88, $3  }
0x1: {  	(tag) =	ssettag $0x0;
	lr =	simm.s32 $0x1  }
0x2: {  	[smem:$0x3F93] =	sst lr;
	_ =	strace $0xD0000000  }
0x3: {  	_ = 	snop  }
0x4: {  	_ = 	snop  }
0x5: {  	_ = 	snop  }
0x6: {  	_ = 	snop  }
0x7: {  	_ = 	snop  }
__scs_overlays_trampoline_lowered:
0x8: {  	[smem:$0x3FA2] =	sst s0  }
0x9: {  	[smem:$0x3FA3] =	sst s1  }
0xa: {  	[smem:$0x3FA4] =	sst s2  }
0xb: {  	[smem:$0x3FA5] =	sst s3  }
0xc: {  	[smem:$0x3FA6] =	sst s4  }
0xd: {  	[smem:$0x3FA7] =	sst s5  }
0xe: {  	[smem:$0x3FA8] =	sst s6  }
0xf: {  	[smem:$0x3FA9] =	sst s7  }
0x10: {  	[smem:$0x3FAA] =	sst s8  }
0x11: {  	[smem:$0x3FAB] =	sst s9;
	s0 =	simm.s32 @!p0 $0x0  }
0x12: {  	s1 =	sld [smem:$0x3F91];
	s0 =	simm.s32 @p0 $0x1  }
0x13: {  	[smem:$0x3FAC] =	sst s0;
	s0 =	simm.s32 @!p1 $0x0  }
0x14: {  	s2 =	sld [smem:$0x3F90];
	s0 =	simm.s32 @p1 $0x1  }
0x15: {  	[smem:$0x3FAD] =	sst s0;
	s0 =	simm.s32 @!p2 $0x0  }
0x16: {  	s3 =	sld [smem:$0x3FDB];
	s0 =	simm.s32 @p2 $0x1  }
0x17: {  	s4 =	simm.s32 $0x1BF5;
	[smem:$0x3FAF] =	sst s0  }
0x18: {  	s0 =	sld [smem:$0x3F92];
	_ =	swait.ge [sflag:s4], $0x0  }
0x19: {  	s7 =	sld [smem:$0x3F93]  }
0x1a: {  	s8 =	sadd.s32 $0xFFFFE003, lr  }
0x1b: {  	s9 =	sadd.s32 $0xFFFFFEF7, lr;
	s5 =	simm.s32 $0xFFFFFFFF;
	p2 =	slt.u32 s8, $0xFFFFF086  }
0x1c: {  	p1 =	slt.u32 s9, $0xF7A;
	s5 =	simm.s32 @!p2 $0x0  }
0x1d: {  	s5 =	simm.s32 @p1 $0x1;
	p0 =	seq.s32 s7, s2  }
0x1e: {  	s7 =	smul.u32 @!p0 $0xF7A, s2;
	p2 =	seq.s32 @!p0 s5, $0x0  }
0x1f: {  	s9 =	smul.u32 $0xF7A, s1;
	s8 =	simm.s32 @!p0 $0x1BF5;
	p2 =	por !p2, p0  }
0x20: {  	[sflag:s8] =	ssyncset.s32 @!p0 $0xFFFFF086;
	s6 =	sadd.s32 @!p0 s3, s7;
	s7 =	simm.s32 @!p0 $0x108  }
0x21: {  	s3 =	sadd.s32 s3, s9;
	s6 =	sadd.s32 @!p0 $0x88, s6;
	s7 =	simm.s32 @p2 $0x1082  }
0x22: {  	[simem:s7], [sflag:s8] =	dma.local @!p0 [hbm:s6], $0xF7A  }
0x23: {  	s9 =	sor.u32 $0xD0000000, s2;
	s6 =	simm.s32 $0x108;
	_ =	swait.ge @!p0 [sflag:s8], $0x0  }
0x24: {  	s3 =	sadd.s32 $0x88, s3;
	s6 =	simm.s32 @!p1 $0x1082;
	[sflag:s4] =	ssyncset.s32 $0xFFFFF086  }
0x25: {  	[simem:s6], [sflag:s4] =	dma.local [hbm:s3], $0xF7A  }
0x26: {  	[smem:$0x3F93] =	sst s1;
	(tag) =	ssettag s2;
	_ =	strace s9  }
0x27: {  	s1 =	sld [smem:$0x3FA3]  }
0x28: {  	s2 =	sld [smem:$0x3FA4]  }
0x29: {  	s4 =	sld [smem:$0x3FA6]  }
0x2a: {  	p0 =	seq.s32 s5, $0x0;
	s5 =	sld [smem:$0x3FA7]  }
0x2b: {  	s6 =	sld [smem:$0x3FA8]  }
0x2c: {  	s7 =	sld [smem:$0x3FA9]  }
0x2d: {  	s3 =	simm.s32 $0x108;
	s8 =	sld [smem:$0x3FAA]  }
0x2e: {  	s3 =	simm.s32 @!p0 $0x1082;
	s9 =	sld [smem:$0x3FAB]  }
0x2f: {  	lr =	sadd.s32 s0, s3;
	s0 =	sld [smem:$0x3FA2]  }
0x30: {  	s3 =	sld [smem:$0x3FA5]  }
0x31: {  	[smem:$0x3FAE] =	sst s10  }
0x32: {  	s10 =	sld [smem:$0x3FAC];
	_ =	sdelay $0x3  }
0x33: {  	p0 =	seq.s32 s10, $0x1;
	s10 =	sld [smem:$0x3FAE];
	_ =	sdelay $0x3  }
0x34: {  	[smem:$0x3FAE] =	sst s10  }
0x35: {  	s10 =	sld [smem:$0x3FAD];
	_ =	sdelay $0x3  }
0x36: {  	p1 =	seq.s32 s10, $0x1;
	s10 =	sld [smem:$0x3FAE];
	_ =	sdelay $0x3  }
0x37: {  	[smem:$0x3FAE] =	sst s10  }
0x38: {  	s10 =	sld [smem:$0x3FAF]  }
0x39: {  	_ = 	snop;
	(pc) =	sbr.ind lr, $3  }
0x3a: {  	_ = 	snop  }
0x3b: {  	_ = 	snop  }
0x3c: {  	p2 =	seq.s32 s10, $0x1;
	s10 =	sld [smem:$0x3FAE]  }
0x3d: {  	_ =	shalt  }
0x3e: {  	_ =	shalt  }
0x3f: {  	_ =	shalt  }
0x40: {  	_ =	shalt  }
0x41: {  	_ =	shalt  }
0x42: {  	_ =	shalt  }
0x43: {  	_ =	shalt  }
0x44: {  	_ =	shalt  }
0x45: {  	_ =	shalt  }
0x46: {  	_ =	shalt  }
0x47: {  	_ =	shalt  }
0x48: {  	_ =	shalt  }
0x49: {  	_ =	shalt  }
0x4a: {  	_ =	shalt  }
0x4b: {  	_ =	shalt  }
0x4c: {  	_ =	shalt  }
0x4d: {  	_ =	shalt  }
0x4e: {  	_ =	shalt  }
0x4f: {  	_ =	shalt  }
0x50: {  	_ =	shalt  }
0x51: {  	_ =	shalt  }
0x52: {  	_ =	shalt  }
0x53: {  	_ =	shalt  }
0x54: {  	_ =	shalt  }
0x55: {  	_ =	shalt  }
0x56: {  	_ =	shalt  }
0x57: {  	_ =	shalt  }
0x58: {  	_ =	shalt  }
0x59: {  	_ =	shalt  }
0x5a: {  	_ =	shalt  }
0x5b: {  	_ =	shalt  }
0x5c: {  	_ =	shalt  }
0x5d: {  	_ =	shalt  }
0x5e: {  	_ =	shalt  }
0x5f: {  	_ =	shalt  }
0x60: {  	_ =	shalt  }
0x61: {  	_ =	shalt  }
0x62: {  	_ =	shalt  }
0x63: {  	_ =	shalt  }
0x64: {  	_ =	shalt  }
0x65: {  	_ =	shalt  }
0x66: {  	_ =	shalt  }
0x67: {  	_ =	shalt  }
0x68: {  	_ =	shalt  }
0x69: {  	_ =	shalt  }
0x6a: {  	_ =	shalt  }
0x6b: {  	_ =	shalt  }
0x6c: {  	_ =	shalt  }
0x6d: {  	_ =	shalt  }
0x6e: {  	_ =	shalt  }
0x6f: {  	_ =	shalt  }
0x70: {  	_ =	shalt  }
0x71: {  	_ =	shalt  }
0x72: {  	_ =	shalt  }
0x73: {  	_ =	shalt  }
0x74: {  	_ =	shalt  }
0x75: {  	_ =	shalt  }
0x76: {  	_ =	shalt  }
0x77: {  	_ =	shalt  }
0x78: {  	_ =	shalt  }
0x79: {  	_ =	shalt  }
0x7a: {  	_ =	shalt  }
0x7b: {  	_ =	shalt  }
0x7c: {  	_ =	shalt  }
0x7d: {  	_ =	shalt  }
0x7e: {  	_ =	shalt  }
0x7f: {  	_ =	shalt  }
0x80: {  	_ =	shalt  }
0x81: {  	_ =	shalt  }
0x82: {  	_ =	shalt  }
0x83: {  	_ =	shalt  }
0x84: {  	_ =	shalt  }
0x85: {  	_ =	shalt  }
0x86: {  	_ =	shalt  }
0x87: {  	_ =	shalt  }
.Lfunc_end0:
.L_simem_size_0:
called_computation_lowered:
.L_overlay_start_0:
0x88: {  	s2 =	sld [smem:$0x3FD9]  }
0x89: {  	s3 =	sld [smem:$0x3FFE];
	_ =	sdelay $0x1  }
0x8a: {  	s1 =	srdreg.scid  }
0x8b: {  	s0 =	sand.u32 $0x1, s1  }
0x8c: {  	s17 =	sshll.u32 s0, $0xA;
	s2 =	sadd.s32 s3, s2  }
0x8d: {  	s2 =	sadd.s32 s2, s17  }
0x8e: {  	[smem:$0x3FBA] =	sst s2  }
0x8f: {  	_ = 	snop  }
0x90: {  	(tm) =	ssettm $0x1  }
0x91: {  	s18 =	sld [smem:$0x3FFB];
	_ =	sdelay $0x3  }
0x92: {  	_ =	strace s18  }
0x93: {  	s2 =	sld [smem:$0x3FFC];
	_ =	sdelay $0x3  }
0x94: {  	_ =	strace s2  }
0x95: {  	s2 =	sld [smem:$0x3FFD];
	_ =	sdelay $0x3  }
0x96: {  	_ =	strace s2  }
0x97: {  	_ =	strace $0x8FFFFFFF  }
0x98: {  	s19 =	sld [smem:$0x3FDB];
	_ =	sdelay $0x1  }
0x99: {  	s20 =	simm.s32 $_scs_section_size  }
0x9a: {  	s4 =	simm.s32 $_size__tile_overlayer_lowered;
	s5 =	simm.s32 $_tile_overlayer_lowered  }
0x9b: {  	s6 =	simm.s32 $0x1BFF;
	s21 =	sshll.u32 s5, $0x1;
	s3 =	sadd.s32 s20, s19  }
0x9c: {  	s22 =	simm.s32 $0x0;
	s4 =	sshll.u32 s4, $0x1;
	s5 =	sadd.s32 s21, s3  }
0x9d: {  	[timem:s22], [sflag:s6] =	dma.local [hbm:s5], s4  }
0x9e: {  	_ =	swait.ge [sflag:s6], s4  }
0x9f: {  	s4 =	ssub.s32 $0x0, s4;
	[sflag:s6] =	ssyncset.done $0x0  }
0xa0: {  	[sflag:s6] =	ssyncadd.s32 s4;
	_ =	sdelay $0x1  }
0xa1: {  	s23 =	simm.s32 $0x1B8B  }
0xa2: {  	_ =	swait.ge [sflag:s23], $0x1  }
0xa3: {  	[sflag:s23] =	ssyncset.done $0x0  }
0xa4: {  	[sflag:s23] =	ssyncadd.s32 $0xFFFFFFFF  }
0xa5: {  	s4 =	sld [smem:$0x0]  }
0xa6: {  	s5 =	sand.u32 $0xFFFFFFFE, s1  }
0xa7: {  	p0 =	sne.s32 s1, s5  }
0xa8: {  	s5 =	sshll.u32 @p0 s5, $0xE  }
0xa9: {  	s5 =	sadd.s32 @p0 $0x11B8D, s5;
	s6 =	sshll.u32 @p0 s4, $0x11  }
0xaa: {  	s5 =	sor.u32 @p0 s6, s5  }
0xab: {  	[sflag:s5] =	ssyncadd.remote.s32 @p0 $0x1;
	_ =	sdelay $0x1  }
0xac: {  	s5 =	simm.s32 @p0 $0x1B8D  }
0xad: {  	_ =	swait.eq @p0 [sflag:s5], $0x1  }
0xae: {  	[sflag:s5] =	ssyncadd.s32 @p0 $0xFFFFFFFF  }
0xaf: {  	s6 =	sshll.u32 @!p0 s1, $0xE  }
0xb0: {  	s6 =	sor.u32 @!p0 $0x4000, s6;
	s5 =	simm.s32 @!p0 $0x1B8D  }
0xb1: {  	s4 =	sshll.u32 @!p0 s4, $0x11;
	s6 =	sadd.s32 @!p0 $0x11B8D, s6;
	_ =	swait.eq @!p0 [sflag:s5], $0x1  }
0xb2: {  	s4 =	sor.u32 @!p0 s4, s6;
	[sflag:s5] =	ssyncadd.s32 @!p0 $0xFFFFFFFF  }
0xb3: {  	s25 =	simm.s32 $0x1B8E;
	s24 =	sld [smem:$0x3FFE];
	[sflag:s4] =	ssyncadd.remote.s32 @!p0 $0x1  }
0xb4: {  	s26 =	simm.s32 $execute0_lowered;
	[smem:$0x3FD2] =	sst s25  }
0xb5: {  	s5 =	sshll.u32 s26, $0x1;
	_ =	strace $0x80000049;
	[dreg:$0x1] =	wrdreg $0xFFFFFFFF  }
0xb6: {  	s28 =	simm.s32 $_size_execute0_lowered;
	s3 =	sadd.s32 s3, s5;
	[dreg:$0x0] =	wrdreg $0x0  }
0xb7: {  	s5 =	sshll.u32 s28, $0x1;
	[dreg:$0x2] =	wrdreg s3  }
0xb8: {  	[dreg:$0x3] =	wrdreg s5  }
0xb9: {  	[dreg:$0x4] =	wrdreg $0xC0  }
0xba: {  	_ =	task [dreg:s22], $0x5FFFF  }
0xbb: {  	[dreg:$0x1] =	wrdreg $0xFFFFFFFF  }
0xbc: {  	[dreg:$0x0] =	wrdreg $0x60  }
0xbd: {  	[dreg:$0x2] =	wrdreg s24  }
0xbe: {  	[dreg:$0x3] =	wrdreg $0x68000  }
0xbf: {  	[dreg:$0x4] =	wrdreg $0x9  }
0xc0: {  	_ =	task.clear_ibuf [dreg:s22], $0x5FFFF;
	_ =	strace $0x90000049  }
0xc1: {  	s29 =	simm.s32 $0x9;
	_ =	strace $0x8000004B  }
0xc2: {  	_ =	swait.ge [sflag:s29], $0x1  }
0xc3: {  	[sflag:s29] =	ssyncadd.s32 $0xFFFFFFFF  }
0xc4: {  	_ =	strace $0x9000004B  }
0xc5: {  	_ =	sfence  }
0xc6: {  	s30 =	sld [smem:$0x0];
	_ =	sdelay $0x2  }
0xc7: {  	s31 =	sshll.u32 s1, $0xD;
	s1 =	sshrl.u32 s1, $0x2  }
0xc8: {  	s4 =	sand.u32 $0x4000, s31;
	s1 =	sadd.s32 s1, s30  }
0xc9: {  	s0 =	sor.u32 s4, s0;
	s1 =	sshll.u32 s1, $0x11  }
0xca: {  	s0 =	sor.u32 s1, s0  }
0xcb: {  	s0 =	sadd.s32 $0x8F2B, s0  }
0xcc: {  	[sflag:s0] =	ssyncadd.remote.s32 $0x1  }
0xcd: {  	_ =	sfence.sel $0xFFFF  }
0xce: {  	[dreg:$0x0] =	wrdreg $0xFFFFFFFF;
	(pc) =	sbr.abs _section_cstart, $3  }
0xcf: {  	[dreg:$0x1] =	wrdreg $0xFFFFFFFF  }
0xd0: {  	_ =	task.clear_ibuf [dreg:s22], $0x2FFFF;
	_ =	strace $0x9FFFFFFF  }
0xd1: {  	(tm) =	ssettm $0x7FFFFFFF  }
tec
execute0_lowered:
.L_overlay_start_1:
0x0: {  	(tag) =	ssettag $0x1  }
0x1: {  	s4 =	rddreg [dreg:$0x0]  }
0x2: {  	s1 =	srdreg.scid;
	s0 =	stileid.u32  }
0x3: {  	s2 =	rddreg [dreg:$0x1];
	s3 =	simm.s32 $0x0;
	s19 =	simm.s32 $0x0  }
0x4: {  	s6 =	sand.u32 $0x1, s1;
	s1 =	rddreg [dreg:$0x2];
	s8 =	smul.u32 $0x4F000, s0  }
0x5: {  	s5 =	sshll.u32 s0, $0x1;
	[smem:$0x7FF] =	sst s3;
	s9 =	smul.u32 $0x13C00, s0  }
0x6: {  	s14 =	sadd.s32 $0x8D200, s4;
	s5 =	sor.u32 s6, s5;
	s12 =	smul.u32 $0x13C000, s6  }
0x7: {  	_ =	strace $0x8000004A;
	s7 =	ssub.s32 $0x2, s6;
	s5 =	smul.u32 $0x500, s5  }
0x8: {  	s28 =	sshrl.u32 s7, $0x1;
	s29 =	sshrl.u32 s8, $0x2;
	s10 =	sadd.s32 $0x4000, s9  }
0x9: {  	s13 =	sadd.s32 $0x8000, s9;
	s16 =	sadd.s32 $0xC000, s9;
	s17 =	sadd.s32 $0x10000, s9  }
0xa: {  	s15 =	ssub.s32 s7, s28;
	s6 =	sadd.s32 s10, s2;
	s7 =	sadd.s32 s13, s2  }
0xb: {  	s8 =	sadd.s32 s16, s2;
	s11 =	sadd.s32 s9, s12;
	s18 =	sadd.s32 s12, s10  }
0xc: {  	s9 =	sadd.s32 s17, s2;
	s13 =	sadd.s32 s12, s13;
	s16 =	sadd.s32 s12, s16  }
0xd: {  	s17 =	sadd.s32 s12, s17;
	s5 =	sadd.s32 s5, s4;
	s11 =	sshrl.u32 s11, $0x3  }
0xe: {  	s30 =	sshrl.u32 s18, $0x3;
	s13 =	sshrl.u32 s13, $0x3;
	s16 =	sshrl.u32 s16, $0x3  }
0xf: {  	s31 =	sshrl.u32 s17, $0x3;
	s15 =	smax.u32 s15, $0x1;
	s17 =	simm.s32 $0x2800  }
0x10: {  	s18 =	simm.s32 $0x80;
	s4 =	sadd.s32 $0x3000, s5;
	s5 =	sadd.s32 s29, s2  }
0x11: {  	s10 =	sadd.s32 s14, s11;
	s11 =	sadd.s32 s14, s30;
	s12 =	sadd.s32 s14, s13  }
0x12: {  	v0 =	vimm.f32 $0.0e+00;
	v1 =	vimm.f32 $1.000000000e+00;
	s13 =	sadd.s32 s14, s16;
	s14 =	sadd.s32 s14, s31;
	s16 =	simm.s32 $0x1  }
.LBB2_1:
0x13: {  	[tilespmem:s3], [sflag:$0x1] =	stream.linear.gather [hbm4b:s4+s3], $0x2800, $0x38;
	[tilespmem:$0x1A400] =	vst v63  }
0x14: {  	s20 =	sand.u32 $0xFE00, s3;
	s21 =	sand.u32 $0x70, s3;
	_ =	swait.ge [sflag:s16], $0x2800  }
0x15: {  	s22 =	sshrl.u32 s20, $0x2;
	s20 =	simm.s32 $0x40;
	[sflag:s16] =	ssyncset.done $0x0  }
0x16: {  	s22 =	sor.u32 s21, s22;
	s21 =	simm.s32 $0x0;
	[sflag:s16] =	ssyncadd.s32 $0xFFFFD800  }
.LBB2_2:
0x17: {  	p0 =	sne.s32 s20, $0xFFC0  }
0x18: {  	[tilespmem:s22+$0x2800] =	vst v0;
	s21 =	sadd.s32 $0x10, s21;
	s22 =	smov.u32 s20;
	s20 =	sadd.s32 $0x40, s20  }
.Ltmp0:
0x19: {  	(pc) =	sbr.rel @p0 .LBB2_2-.Ltmp0, $4  }
0x1a: {  	_ = 	snop  }
0x1b: {  	s22 =	sand.u32 $0xFE00, s22  }
0x1c: {  	s23 =	sand.u32 $0x70, s21;
	s22 =	sshrl.u32 s22, $0x2  }
0x1d: {  	s22 =	sor.u32 s23, s22  }
0x1e: {  	[tilespmem:s22+$0x2800] =	vst v0  }
0x1f: {  	[spmem:s5] =	stream.linear.scatter [tilespmem:s17], [sflag:$0x1], $0x4000, $0x38;
	[tilespmem:$0x1A400] =	vst v63  }
0x20: {  	_ =	swait.ge [sflag:s16], $0x4000  }
0x21: {  	[sflag:s16] =	ssyncset.done $0x0  }
0x22: {  	[sflag:s16] =	ssyncadd.s32 $0xFFFFC000  }
0x23: {  	[spmem:s6] =	stream.linear.scatter [tilespmem:s17], [sflag:$0x1], $0x4000, $0x38;
	[tilespmem:$0x1A400] =	vst v63  }
0x24: {  	_ =	swait.ge [sflag:s16], $0x4000  }
0x25: {  	[sflag:s16] =	ssyncset.done $0x0  }
0x26: {  	[sflag:s16] =	ssyncadd.s32 $0xFFFFC000  }
0x27: {  	[spmem:s7] =	stream.linear.scatter [tilespmem:s17], [sflag:$0x1], $0x4000, $0x38;
	[tilespmem:$0x1A400] =	vst v63  }
0x28: {  	_ =	swait.ge [sflag:s16], $0x4000  }
0x29: {  	[sflag:s16] =	ssyncset.done $0x0  }
0x2a: {  	[sflag:s16] =	ssyncadd.s32 $0xFFFFC000  }
0x2b: {  	[spmem:s8] =	stream.linear.scatter [tilespmem:s17], [sflag:$0x1], $0x4000, $0x38;
	[tilespmem:$0x1A400] =	vst v63  }
0x2c: {  	_ =	swait.ge [sflag:s16], $0x4000  }
0x2d: {  	[sflag:s16] =	ssyncset.done $0x0  }
0x2e: {  	s20 =	simm.s32 $0x0;
	[sflag:s16] =	ssyncadd.s32 $0xFFFFC000  }
0x2f: {  	[spmem:s9] =	stream.linear.scatter [tilespmem:s17], [sflag:$0x1], $0x3C00, $0x38;
	[tilespmem:$0x1A400] =	vst v63  }
0x30: {  	s21 =	sand.u32 $0xFE00, s20;
	_ =	swait.ge [sflag:s16], $0x3C00  }
0x31: {  	s31 =	sand.u32 $0x70, s20;
	s23 =	sshrl.u32 s21, $0x2;
	[sflag:s16] =	ssyncset.done $0x0  }
0x32: {  	s21 =	simm.s32 $0x40;
	s22 =	sor.u32 s31, s23;
	[sflag:s16] =	ssyncadd.s32 $0xFFFFC400  }
.LBB2_4:
0x33: {  	p0 =	sne.s32 s21, $0xFFC0  }
0x34: {  	[tilespmem:s22+$0x2800] =	vst v1;
	s20 =	sadd.s32 $0x10, s20;
	s22 =	smov.u32 s21;
	s21 =	sadd.s32 $0x40, s21  }
.Ltmp1:
0x35: {  	(pc) =	sbr.rel @p0 .LBB2_4-.Ltmp1, $4  }
0x36: {  	_ = 	snop  }
0x37: {  	s22 =	sand.u32 $0xFE00, s22  }
0x38: {  	s23 =	sand.u32 $0x70, s20;
	s22 =	sshrl.u32 s22, $0x2  }
0x39: {  	s22 =	sor.u32 s23, s22  }
0x3a: {  	[tilespmem:s22+$0x2800] =	vst v1  }
0x3b: {  	s20 =	simm.s32 $0x0;
	[bflag:$0x0] =	sbarrier.arrive $0xFFFF  }
0x3c: {  	[spmem:s2] =	stream.indirect.scatter.add.f32 [tilespmem:s17], [sflag:$0x1], $0x80, s20, s18, $0xb8;
	[tilespmem:$0x1A400] =	vst v63  }
0x3d: {  	_ =	swait.ge [sflag:s16], $0x4000  }
0x3e: {  	s20 =	simm.s32 $0x200;
	[sflag:s16] =	ssyncset.done $0x0  }
.LBB2_6:
0x3f: {  	s21 =	sshra.s32 s20, $0x2;
	[sflag:s16] =	ssyncadd.s32 $0xFFFFC000;
	p0 =	sne.s32 s20, $0x9E00  }
0x40: {  	[spmem:s2] =	stream.indirect.scatter.add.f32 [tilespmem:s17], [sflag:$0x1], $0x80, s21, s18, $0xb8;
	[tilespmem:$0x1A400] =	vst v63  }
.Ltmp2:
0x41: {  	_ = 	snop;
	(pc) =	sbr.rel @p0 .LBB2_6-.Ltmp2, $4  }
0x42: {  	_ = 	snop  }
0x43: {  	s20 =	sadd.s32 $0x200, s20  }
0x44: {  	_ =	swait.ge [sflag:s16], $0x4000  }
0x45: {  	[sflag:s16] =	ssyncset.done $0x0  }
0x46: {  	[sflag:s16] =	ssyncadd.s32 $0xFFFFC000  }
0x47: {  	[bflag:$0x0] =	sbarrier.arrive $0xFFFF  }
0x48: {  	[tilespmem:s17], [sflag:$0x1] =	stream.linear.gather [spmem:s5], $0x4000, $0x38;
	[tilespmem:$0x1A400] =	vst v63  }
0x49: {  	_ =	swait.ge [sflag:s16], $0x4000  }
0x4a: {  	[sflag:s16] =	ssyncset.done $0x0  }
0x4b: {  	[sflag:s16] =	ssyncadd.s32 $0xFFFFC000  }
0x4c: {  	[hbm4b:s10+s3] =	stream.linear.scatter [tilespmem:s17], [sflag:$0x1], $0x4000, $0x38;
	[tilespmem:$0x1A400] =	vst v63  }
0x4d: {  	_ =	swait.ge [sflag:s16], $0x4000  }
0x4e: {  	[sflag:s16] =	ssyncset.done $0x0  }
0x4f: {  	[sflag:s16] =	ssyncadd.s32 $0xFFFFC000  }
0x50: {  	[tilespmem:s17], [sflag:$0x1] =	stream.linear.gather [spmem:s6], $0x4000, $0x38;
	[tilespmem:$0x1A400] =	vst v63  }
0x51: {  	_ =	swait.ge [sflag:s16], $0x4000  }
0x52: {  	[sflag:s16] =	ssyncset.done $0x0  }
0x53: {  	[sflag:s16] =	ssyncadd.s32 $0xFFFFC000  }
0x54: {  	[hbm4b:s11+s3] =	stream.linear.scatter [tilespmem:s17], [sflag:$0x1], $0x4000, $0x38;
	[tilespmem:$0x1A400] =	vst v63  }
0x55: {  	_ =	swait.ge [sflag:s16], $0x4000  }
0x56: {  	[sflag:s16] =	ssyncset.done $0x0  }
0x57: {  	[sflag:s16] =	ssyncadd.s32 $0xFFFFC000  }
0x58: {  	[tilespmem:s17], [sflag:$0x1] =	stream.linear.gather [spmem:s7], $0x4000, $0x38;
	[tilespmem:$0x1A400] =	vst v63  }
0x59: {  	_ =	swait.ge [sflag:s16], $0x4000  }
0x5a: {  	[sflag:s16] =	ssyncset.done $0x0  }
0x5b: {  	[sflag:s16] =	ssyncadd.s32 $0xFFFFC000  }
0x5c: {  	[hbm4b:s12+s3] =	stream.linear.scatter [tilespmem:s17], [sflag:$0x1], $0x4000, $0x38;
	[tilespmem:$0x1A400] =	vst v63  }
0x5d: {  	_ =	swait.ge [sflag:s16], $0x4000  }
0x5e: {  	[sflag:s16] =	ssyncset.done $0x0  }
0x5f: {  	[sflag:s16] =	ssyncadd.s32 $0xFFFFC000  }
0x60: {  	[tilespmem:s17], [sflag:$0x1] =	stream.linear.gather [spmem:s8], $0x4000, $0x38;
	[tilespmem:$0x1A400] =	vst v63  }
0x61: {  	_ =	swait.ge [sflag:s16], $0x4000  }
0x62: {  	[sflag:s16] =	ssyncset.done $0x0  }
0x63: {  	[sflag:s16] =	ssyncadd.s32 $0xFFFFC000  }
0x64: {  	[hbm4b:s13+s3] =	stream.linear.scatter [tilespmem:s17], [sflag:$0x1], $0x4000, $0x38;
	[tilespmem:$0x1A400] =	vst v63  }
0x65: {  	_ =	swait.ge [sflag:s16], $0x4000  }
0x66: {  	[sflag:s16] =	ssyncset.done $0x0  }
0x67: {  	[sflag:s16] =	ssyncadd.s32 $0xFFFFC000  }
0x68: {  	[tilespmem:s17], [sflag:$0x1] =	stream.linear.gather [spmem:s9], $0x3C00, $0x38;
	[tilespmem:$0x1A400] =	vst v63  }
0x69: {  	s19 =	sadd.s32 $0x1, s19;
	_ =	swait.ge [sflag:s16], $0x3C00  }
0x6a: {  	p0 =	sne.s32 s19, s15;
	[sflag:s16] =	ssyncset.done $0x0  }
.Ltmp3:
0x6b: {  	[sflag:s16] =	ssyncadd.s32 $0xFFFFC400;
	(pc) =	sbr.rel @p0 .LBB2_1-.Ltmp3, $4  }
0x6c: {  	[hbm4b:s14+s3] =	stream.linear.scatter [tilespmem:s17], [sflag:$0x1], $0x3C00, $0x38;
	[tilespmem:$0x1A400] =	vst v63  }
0x6d: {  	_ =	swait.ge [sflag:s16], $0x3C00  }
0x6e: {  	[sflag:s16] =	ssyncset.done $0x0  }
0x6f: {  	[sflag:s16] =	ssyncadd.s32 $0xFFFFC400  }
0x70: {  	_ =	sfence.sel $0x180000  }
0x71: {  	[bflag:$0x0] =	sbarrier.arrive $0xFFFF  }
0x72: {  	p0 =	sne.s32 s0, $0x0;
	_ =	strace $0x9000004A  }
0x73: {  	s0 =	sadd.s32 @!p0 $0x100000, s1;
	[bflag:$0x2] =	sbarrier.arrive $0xFFFF  }
0x74: {  	[sflag:s0] =	ssyncadd.tile.s32 @!p0 $0x1;
	_ =	shalt  }
.Lfunc_end2:
_tile_overlayer_lowered:
.L_overlay_start_2:
0x75: {  	(tag) =	ssettag $0x2  }
0x76: {  	s0 =	rddreg [dreg:$0x0];
	s2 =	stileid.u32  }
0x77: {  	s1 =	rddreg [dreg:$0x1];
	p0 =	sne.s32 s2, $0x0  }
0x78: {  	s3 =	rddreg [dreg:$0x2];
	[bflag:$0x3] =	sbarrier.arrive $0xFFFF;
	s2 =	simm.s32 @!p0 $0x1C01  }
0x79: {  	[timem:s3], [sflag:s2] =	dma.local @!p0 [hbm:s0], s1  }
0x7a: {  	s0 =	simm.s32 @!p0 $0x1  }
0x7b: {  	_ =	swait.ge @!p0 [sflag:s0], s1  }
0x7c: {  	s1 =	ssub.s32 @!p0 $0x0, s1;
	[sflag:s0] =	ssyncset.done @!p0 $0x0  }
0x7d: {  	[sflag:s0] =	ssyncadd.s32 @!p0 s1  }
0x7e: {  	[bflag:$0x3] =	sbarrier.arrive $0xFFFF  }
0x7f: {  	_ =	shalt  }

// kernel: kernel.13.cloned.1.call-start
scs
__scs_entry_jumppad:
0x0: {  	(pc) =	sbr.rel $0x88, $3  }
0x1: {  	(tag) =	ssettag $0x0;
	lr =	simm.s32 $0x1  }
0x2: {  	[smem:$0x3F93] =	sst lr;
	_ =	strace $0xD0000000  }
0x3: {  	_ = 	snop  }
0x4: {  	_ = 	snop  }
0x5: {  	_ = 	snop  }
0x6: {  	_ = 	snop  }
0x7: {  	_ = 	snop  }
__scs_overlays_trampoline_lowered:
0x8: {  	[smem:$0x3FA2] =	sst s0  }
0x9: {  	[smem:$0x3FA3] =	sst s1  }
0xa: {  	[smem:$0x3FA4] =	sst s2  }
0xb: {  	[smem:$0x3FA5] =	sst s3  }
0xc: {  	[smem:$0x3FA6] =	sst s4  }
0xd: {  	[smem:$0x3FA7] =	sst s5  }
0xe: {  	[smem:$0x3FA8] =	sst s6  }
0xf: {  	[smem:$0x3FA9] =	sst s7  }
0x10: {  	[smem:$0x3FAA] =	sst s8  }
0x11: {  	[smem:$0x3FAB] =	sst s9;
	s0 =	simm.s32 @!p0 $0x0  }
0x12: {  	s1 =	sld [smem:$0x3F91];
	s0 =	simm.s32 @p0 $0x1  }
0x13: {  	[smem:$0x3FAC] =	sst s0;
	s0 =	simm.s32 @!p1 $0x0  }
0x14: {  	s2 =	sld [smem:$0x3F90];
	s0 =	simm.s32 @p1 $0x1  }
0x15: {  	[smem:$0x3FAD] =	sst s0;
	s0 =	simm.s32 @!p2 $0x0  }
0x16: {  	s3 =	sld [smem:$0x3FDB];
	s0 =	simm.s32 @p2 $0x1  }
0x17: {  	s4 =	simm.s32 $0x1BF5;
	[smem:$0x3FAF] =	sst s0  }
0x18: {  	s0 =	sld [smem:$0x3F92];
	_ =	swait.ge [sflag:s4], $0x0  }
0x19: {  	s7 =	sld [smem:$0x3F93]  }
0x1a: {  	s8 =	sadd.s32 $0xFFFFE003, lr  }
0x1b: {  	s9 =	sadd.s32 $0xFFFFFEF7, lr;
	s5 =	simm.s32 $0xFFFFFFFF;
	p2 =	slt.u32 s8, $0xFFFFF086  }
0x1c: {  	p1 =	slt.u32 s9, $0xF7A;
	s5 =	simm.s32 @!p2 $0x0  }
0x1d: {  	s5 =	simm.s32 @p1 $0x1;
	p0 =	seq.s32 s7, s2  }
0x1e: {  	s7 =	smul.u32 @!p0 $0xF7A, s2;
	p2 =	seq.s32 @!p0 s5, $0x0  }
0x1f: {  	s9 =	smul.u32 $0xF7A, s1;
	s8 =	simm.s32 @!p0 $0x1BF5;
	p2 =	por !p2, p0  }
0x20: {  	[sflag:s8] =	ssyncset.s32 @!p0 $0xFFFFF086;
	s6 =	sadd.s32 @!p0 s3, s7;
	s7 =	simm.s32 @!p0 $0x108  }
0x21: {  	s3 =	sadd.s32 s3, s9;
	s6 =	sadd.s32 @!p0 $0x88, s6;
	s7 =	simm.s32 @p2 $0x1082  }
0x22: {  	[simem:s7], [sflag:s8] =	dma.local @!p0 [hbm:s6], $0xF7A  }
0x23: {  	s9 =	sor.u32 $0xD0000000, s2;
	s6 =	simm.s32 $0x108;
	_ =	swait.ge @!p0 [sflag:s8], $0x0  }
0x24: {  	s3 =	sadd.s32 $0x88, s3;
	s6 =	simm.s32 @!p1 $0x1082;
	[sflag:s4] =	ssyncset.s32 $0xFFFFF086  }
0x25: {  	[simem:s6], [sflag:s4] =	dma.local [hbm:s3], $0xF7A  }
0x26: {  	[smem:$0x3F93] =	sst s1;
	(tag) =	ssettag s2;
	_ =	strace s9  }
0x27: {  	s1 =	sld [smem:$0x3FA3]  }
0x28: {  	s2 =	sld [smem:$0x3FA4]  }
0x29: {  	s4 =	sld [smem:$0x3FA6]  }
0x2a: {  	p0 =	seq.s32 s5, $0x0;
	s5 =	sld [smem:$0x3FA7]  }
0x2b: {  	s6 =	sld [smem:$0x3FA8]  }
0x2c: {  	s7 =	sld [smem:$0x3FA9]  }
0x2d: {  	s3 =	simm.s32 $0x108;
	s8 =	sld [smem:$0x3FAA]  }
0x2e: {  	s3 =	simm.s32 @!p0 $0x1082;
	s9 =	sld [smem:$0x3FAB]  }
0x2f: {  	lr =	sadd.s32 s0, s3;
	s0 =	sld [smem:$0x3FA2]  }
0x30: {  	s3 =	sld [smem:$0x3FA5]  }
0x31: {  	[smem:$0x3FAE] =	sst s10  }
0x32: {  	s10 =	sld [smem:$0x3FAC];
	_ =	sdelay $0x3  }
0x33: {  	p0 =	seq.s32 s10, $0x1;
	s10 =	sld [smem:$0x3FAE];
	_ =	sdelay $0x3  }
0x34: {  	[smem:$0x3FAE] =	sst s10  }
0x35: {  	s10 =	sld [smem:$0x3FAD];
	_ =	sdelay $0x3  }
0x36: {  	p1 =	seq.s32 s10, $0x1;
	s10 =	sld [smem:$0x3FAE];
	_ =	sdelay $0x3  }
0x37: {  	[smem:$0x3FAE] =	sst s10  }
0x38: {  	s10 =	sld [smem:$0x3FAF]  }
0x39: {  	_ = 	snop;
	(pc) =	sbr.ind lr, $3  }
0x3a: {  	_ = 	snop  }
0x3b: {  	_ = 	snop  }
0x3c: {  	p2 =	seq.s32 s10, $0x1;
	s10 =	sld [smem:$0x3FAE]  }
0x3d: {  	_ =	shalt  }
0x3e: {  	_ =	shalt  }
0x3f: {  	_ =	shalt  }
0x40: {  	_ =	shalt  }
0x41: {  	_ =	shalt  }
0x42: {  	_ =	shalt  }
0x43: {  	_ =	shalt  }
0x44: {  	_ =	shalt  }
0x45: {  	_ =	shalt  }
0x46: {  	_ =	shalt  }
0x47: {  	_ =	shalt  }
0x48: {  	_ =	shalt  }
0x49: {  	_ =	shalt  }
0x4a: {  	_ =	shalt  }
0x4b: {  	_ =	shalt  }
0x4c: {  	_ =	shalt  }
0x4d: {  	_ =	shalt  }
0x4e: {  	_ =	shalt  }
0x4f: {  	_ =	shalt  }
0x50: {  	_ =	shalt  }
0x51: {  	_ =	shalt  }
0x52: {  	_ =	shalt  }
0x53: {  	_ =	shalt  }
0x54: {  	_ =	shalt  }
0x55: {  	_ =	shalt  }
0x56: {  	_ =	shalt  }
0x57: {  	_ =	shalt  }
0x58: {  	_ =	shalt  }
0x59: {  	_ =	shalt  }
0x5a: {  	_ =	shalt  }
0x5b: {  	_ =	shalt  }
0x5c: {  	_ =	shalt  }
0x5d: {  	_ =	shalt  }
0x5e: {  	_ =	shalt  }
0x5f: {  	_ =	shalt  }
0x60: {  	_ =	shalt  }
0x61: {  	_ =	shalt  }
0x62: {  	_ =	shalt  }
0x63: {  	_ =	shalt  }
0x64: {  	_ =	shalt  }
0x65: {  	_ =	shalt  }
0x66: {  	_ =	shalt  }
0x67: {  	_ =	shalt  }
0x68: {  	_ =	shalt  }
0x69: {  	_ =	shalt  }
0x6a: {  	_ =	shalt  }
0x6b: {  	_ =	shalt  }
0x6c: {  	_ =	shalt  }
0x6d: {  	_ =	shalt  }
0x6e: {  	_ =	shalt  }
0x6f: {  	_ =	shalt  }
0x70: {  	_ =	shalt  }
0x71: {  	_ =	shalt  }
0x72: {  	_ =	shalt  }
0x73: {  	_ =	shalt  }
0x74: {  	_ =	shalt  }
0x75: {  	_ =	shalt  }
0x76: {  	_ =	shalt  }
0x77: {  	_ =	shalt  }
0x78: {  	_ =	shalt  }
0x79: {  	_ =	shalt  }
0x7a: {  	_ =	shalt  }
0x7b: {  	_ =	shalt  }
0x7c: {  	_ =	shalt  }
0x7d: {  	_ =	shalt  }
0x7e: {  	_ =	shalt  }
0x7f: {  	_ =	shalt  }
0x80: {  	_ =	shalt  }
0x81: {  	_ =	shalt  }
0x82: {  	_ =	shalt  }
0x83: {  	_ =	shalt  }
0x84: {  	_ =	shalt  }
0x85: {  	_ =	shalt  }
0x86: {  	_ =	shalt  }
0x87: {  	_ =	shalt  }
.Lfunc_end0:
.L_simem_size_0:
called_computation.1_lowered:
.L_overlay_start_0:
0x88: {  	s2 =	sld [smem:$0x3FD9]  }
0x89: {  	s3 =	sld [smem:$0x3FFE];
	_ =	sdelay $0x1  }
0x8a: {  	s1 =	srdreg.scid  }
0x8b: {  	s0 =	sand.u32 $0x1, s1  }
0x8c: {  	s16 =	sshll.u32 s0, $0xA;
	s2 =	sadd.s32 s3, s2  }
0x8d: {  	s2 =	sadd.s32 s2, s16  }
0x8e: {  	[smem:$0x3FBA] =	sst s2  }
0x8f: {  	_ = 	snop  }
0x90: {  	(tm) =	ssettm $0x1  }
0x91: {  	s17 =	sld [smem:$0x3FFB];
	_ =	sdelay $0x3  }
0x92: {  	_ =	strace s17  }
0x93: {  	s2 =	sld [smem:$0x3FFC];
	_ =	sdelay $0x3  }
0x94: {  	_ =	strace s2  }
0x95: {  	s2 =	sld [smem:$0x3FFD];
	_ =	sdelay $0x3  }
0x96: {  	_ =	strace s2  }
0x97: {  	_ =	strace $0x8FFFFFFF  }
0x98: {  	s18 =	sld [smem:$0x3FDB];
	_ =	sdelay $0x1  }
0x99: {  	s19 =	simm.s32 $_scs_section_size  }
0x9a: {  	s4 =	simm.s32 $_size__tile_overlayer_lowered;
	s5 =	simm.s32 $_tile_overlayer_lowered  }
0x9b: {  	s22 =	simm.s32 $0x1BFF;
	s21 =	sshll.u32 s5, $0x1;
	s2 =	sadd.s32 s19, s18  }
0x9c: {  	s6 =	simm.s32 $0x0;
	s20 =	sshll.u32 s4, $0x1;
	s4 =	sadd.s32 s21, s2  }
0x9d: {  	[timem:s6], [sflag:s22] =	dma.local [hbm:s4], s20  }
0x9e: {  	_ =	swait.ge [sflag:s22], s20  }
0x9f: {  	s3 =	ssub.s32 $0x0, s20;
	[sflag:s22] =	ssyncset.done $0x0  }
0xa0: {  	[sflag:s22] =	ssyncadd.s32 s3;
	_ =	sdelay $0x1  }
0xa1: {  	s23 =	simm.s32 $0x1B8B  }
0xa2: {  	_ =	swait.ge [sflag:s23], $0x1  }
0xa3: {  	[sflag:s23] =	ssyncset.done $0x0  }
0xa4: {  	s25 =	simm.s32 $0x1B8E;
	s24 =	sld [smem:$0x3FFE];
	[sflag:s23] =	ssyncadd.s32 $0xFFFFFFFF  }
0xa5: {  	s26 =	simm.s32 $execute0_lowered;
	[smem:$0x3FD2] =	sst s25  }
0xa6: {  	s4 =	sshll.u32 s26, $0x1;
	_ =	strace $0x80000046;
	[dreg:$0x1] =	wrdreg $0xFFFFFFFF  }
0xa7: {  	s28 =	simm.s32 $_size_execute0_lowered;
	s2 =	sadd.s32 s2, s4;
	[dreg:$0x0] =	wrdreg $0x0  }
0xa8: {  	s4 =	sshll.u32 s28, $0x1;
	[dreg:$0x2] =	wrdreg s2  }
0xa9: {  	[dreg:$0x3] =	wrdreg s4  }
0xaa: {  	[dreg:$0x4] =	wrdreg $0xC0  }
0xab: {  	_ =	task [dreg:s6], $0x5FFFF  }
0xac: {  	[dreg:$0x1] =	wrdreg $0xFFFFFFFF  }
0xad: {  	[dreg:$0x0] =	wrdreg $0x60  }
0xae: {  	[dreg:$0x2] =	wrdreg s24  }
0xaf: {  	[dreg:$0x3] =	wrdreg $0xC1000  }
0xb0: {  	[dreg:$0x4] =	wrdreg $0xA  }
0xb1: {  	_ =	task.clear_ibuf [dreg:s6], $0x5FFFF;
	_ =	strace $0x90000046  }
0xb2: {  	s29 =	simm.s32 $0xA;
	_ =	strace $0x80000048  }
0xb3: {  	_ =	swait.ge [sflag:s29], $0x1  }
0xb4: {  	[sflag:s29] =	ssyncadd.s32 $0xFFFFFFFF  }
0xb5: {  	_ =	strace $0x90000048  }
0xb6: {  	_ =	sfence  }
0xb7: {  	s30 =	sld [smem:$0x0];
	_ =	sdelay $0x2  }
0xb8: {  	s31 =	sshll.u32 s1, $0xD;
	s1 =	sshrl.u32 s1, $0x2  }
0xb9: {  	s3 =	sand.u32 $0x4000, s31;
	s1 =	sadd.s32 s1, s30  }
0xba: {  	s0 =	sor.u32 s3, s0;
	s1 =	sshll.u32 s1, $0x11  }
0xbb: {  	s0 =	sor.u32 s1, s0  }
0xbc: {  	s0 =	sadd.s32 $0x8F2B, s0  }
0xbd: {  	[sflag:s0] =	ssyncadd.remote.s32 $0x1  }
0xbe: {  	_ =	sfence.sel $0xFFFF  }
0xbf: {  	[dreg:$0x0] =	wrdreg $0xFFFFFFFF;
	(pc) =	sbr.abs _section_cstart, $3  }
0xc0: {  	[dreg:$0x1] =	wrdreg $0xFFFFFFFF  }
0xc1: {  	_ =	task.clear_ibuf [dreg:s6], $0x2FFFF;
	_ =	strace $0x9FFFFFFF  }
0xc2: {  	(tm) =	ssettm $0x7FFFFFFF  }
0xc3: {  	_ =	shalt  }
tec
execute0_lowered:
.L_overlay_start_1:
0x0: {  	(tag) =	ssettag $0x1  }
0x1: {  	s0 =	rddreg [dreg:$0x0]  }
0x2: {  	s1 =	rddreg [dreg:$0x1];
	s2 =	simm.s32 $0x0;
	s3 =	srdreg.scid  }
0x3: {  	s21 =	stileid.u32;
	s29 =	simm.s32 $0x4100;
	s30 =	simm.s32 $0x7  }
0x4: {  	s31 =	simm.s32 $0x4000;
	[smem:$0x7FF] =	sst s2;
	s4 =	sadd.s32 $0x17000, s0  }
0x5: {  	s3 =	sand.u32 $0x1, s3;
	s10 =	sadd.s32 $0xD000, s0;
	s6 =	smul.u32 $0x4F000, s21  }
0x6: {  	s11 =	sadd.s32 $0x3000, s0;
	s12 =	smul.u32 $0x13C00, s21;
	s13 =	sadd.s32 $0x3E200, s0  }
0x7: {  	s19 =	sshll.u32 s21, $0xB;
	s0 =	sadd.s32 $0xD010, s0;
	s21 =	sshll.u32 s21, $0x9  }
0x8: {  	_ =	strace $0x80000047;
	s5 =	ssub.s32 $0x2, s3;
	s20 =	sadd.s32 s11, s19  }
0x9: {  	s25 =	smul.u32 $0x13C000, s3;
	s23 =	sadd.s32 s10, s19;
	s26 =	sor.u32 $0x8000, s21  }
0xa: {  	s19 =	sadd.s32 s19, s0;
	p0 =	seq.s32 s3, $0x0;
	s3 =	simm.s32 $0x80  }
0xb: {  	s7 =	sshrl.u32 s5, $0x1;
	s24 =	sshrl.u32 s6, $0x2;
	s15 =	sadd.s32 $0x4000, s12  }
0xc: {  	s16 =	sadd.s32 $0x8000, s12;
	s17 =	sadd.s32 $0xC000, s12;
	[dreg:$0x3] =	wrdreg s20  }
0xd: {  	s18 =	sadd.s32 $0x10000, s12;
	[dreg:$0x5] =	wrdreg s19;
	s11 =	sadd.s32 s11, s26  }
0xe: {  	s0 =	sadd.s32 s26, s0;
	[dreg:$0x4] =	wrdreg s23;
	s28 =	sadd.s32 $0x50, s23  }
0xf: {  	s14 =	ssub.s32 s5, s7;
	s5 =	sadd.s32 s24, s1;
	s6 =	sadd.s32 s15, s1  }
0x10: {  	s7 =	sadd.s32 s16, s1;
	s8 =	sadd.s32 s17, s1;
	s9 =	sadd.s32 s18, s1  }
0x11: {  	s12 =	sadd.s32 s12, s25;
	s15 =	sadd.s32 s25, s15;
	s16 =	sadd.s32 s25, s16  }
0x12: {  	s22 =	sadd.s32 s25, s17;
	s20 =	sadd.s32 s25, s18;
	[dreg:$0x6] =	wrdreg s11  }
0x13: {  	[dreg:$0x7] =	wrdreg s0;
	s24 =	sadd.s32 s10, s26;
	s17 =	sadd.s32 s21, s10  }
0x14: {  	s10 =	simm.s32 $0x4080;
	[dreg:$0x8] =	wrdreg s24;
	s25 =	sshrl.u32 s12, $0x3  }
0x15: {  	s26 =	sshrl.u32 s15, $0x3;
	s12 =	sshrl.u32 s16, $0x3;
	s15 =	sshrl.u32 s22, $0x3  }
0x16: {  	s16 =	sshrl.u32 s20, $0x3;
	s21 =	smax.u32 s14, $0x1;
	s22 =	sadd.s32 $0x20, s23  }
0x17: {  	s24 =	sadd.s32 $0x8020, s17;
	s14 =	simm.s32 $0x8100;
	s0 =	sadd.s32 s13, s25  }
0x18: {  	s11 =	sadd.s32 s13, s26;
	s18 =	sadd.s32 s13, s12;
	[dreg:$0xb] =	wrdreg s22  }
0x19: {  	s19 =	sadd.s32 s13, s15;
	s20 =	sadd.s32 s13, s16;
	[dreg:$0xc] =	wrdreg s24  }
.Ltmp0:
0x1a: {  	s25 =	sadd.s32 $0x8030, s17;
	s26 =	sadd.s32 $0x30, s23;
	(pc) =	sbr.rel .LBB2_1-.Ltmp0, $4  }
0x1b: {  	s12 =	simm.s32 $0x1;
	s13 =	simm.s32 $0x4;
	[dreg:$0x9] =	wrdreg s0  }
0x1c: {  	s15 =	simm.s32 $0x2;
	s22 =	simm.s32 $0x5;
	[dreg:$0xa] =	wrdreg s11  }
0x1d: {  	s23 =	simm.s32 $0x6;
	s24 =	simm.s32 $0x0;
	[dreg:$0xd] =	wrdreg s25  }
0x1e: {  	v0 =	vimm.f32 $0.0e+00;
	s25 =	sadd.s32 $0x8050, s17;
	[dreg:$0xe] =	wrdreg s26;
	s0 =	simm.s32 $0x3  }
.LBB2_6:
0x1f: {  	[tilespmem:s14], [sflag:$0x2] =	stream.indirect.gather [hbm4b:s4+s3], $0x80, s10, s3, $0xb8;
	[tilespmem:$0x1FD00] =	vst v63  }
0x20: {  	s11 =	simm.s32 $0x3F80;
	s16 =	simm.s32 $0x3F00  }
.LBB2_10:
0x21: {  	[spmem:s1] =	stream.indirect.scatter.add.f32 [tilespmem:s29], [sflag:$0x5], $0x80, s16, s3, $0xb8;
	[tilespmem:$0x1FD00] =	vst v63  }
0x22: {  	_ =	swait.ge [sflag:s15], $0x4000  }
0x23: {  	[sflag:s15] =	ssyncset.done $0x0  }
0x24: {  	[sflag:s15] =	ssyncadd.s32 $0xFFFFC000  }
0x25: {  	[spmem:s1] =	stream.indirect.scatter.add.f32 [tilespmem:s14], [sflag:$0x6], $0x80, s11, s3, $0xb8;
	[tilespmem:$0x1FD00] =	vst v63  }
0x26: {  	_ =	swait.ge [sflag:s22], $0x4000  }
0x27: {  	[sflag:s22] =	ssyncset.done $0x0  }
0x28: {  	[sflag:s22] =	ssyncadd.s32 $0xFFFFC000  }
0x29: {  	_ =	swait.ge [sflag:s23], $0x4000  }
0x2a: {  	[sflag:s23] =	ssyncset.done $0x0  }
0x2b: {  	[sflag:s23] =	ssyncadd.s32 $0xFFFFC000  }
0x2c: {  	[bflag:$0x0] =	sbarrier.arrive $0xFFFF  }
0x2d: {  	[tilespmem:s29], [sflag:$0x7] =	stream.linear.gather [spmem:s5], $0x4000, $0x38;
	[tilespmem:$0x1FD00] =	vst v63  }
0x2e: {  	_ =	swait.ge [sflag:s30], $0x4000  }
0x2f: {  	[sflag:s30] =	ssyncset.done $0x0  }
0x30: {  	s17 =	rddreg [dreg:$0x9];
	[sflag:s30] =	ssyncadd.s32 $0xFFFFC000  }
0x31: {  	[hbm4b:s17+s2] =	stream.linear.scatter [tilespmem:s29], [sflag:$0x7], $0x4000, $0x38;
	[tilespmem:$0x1FD00] =	vst v63  }
0x32: {  	_ =	swait.ge [sflag:s30], $0x4000  }
0x33: {  	[sflag:s30] =	ssyncset.done $0x0  }
0x34: {  	[sflag:s30] =	ssyncadd.s32 $0xFFFFC000  }
0x35: {  	[tilespmem:s29], [sflag:$0x7] =	stream.linear.gather [spmem:s6], $0x4000, $0x38;
	[tilespmem:$0x1FD00] =	vst v63  }
0x36: {  	_ =	swait.ge [sflag:s30], $0x4000  }
0x37: {  	[sflag:s30] =	ssyncset.done $0x0  }
0x38: {  	s26 =	rddreg [dreg:$0xa];
	[sflag:s30] =	ssyncadd.s32 $0xFFFFC000  }
0x39: {  	[hbm4b:s26+s2] =	stream.linear.scatter [tilespmem:s29], [sflag:$0x7], $0x4000, $0x38;
	[tilespmem:$0x1FD00] =	vst v63  }
0x3a: {  	_ =	swait.ge [sflag:s30], $0x4000  }
0x3b: {  	[sflag:s30] =	ssyncset.done $0x0  }
0x3c: {  	[sflag:s30] =	ssyncadd.s32 $0xFFFFC000  }
0x3d: {  	[tilespmem:s29], [sflag:$0x7] =	stream.linear.gather [spmem:s7], $0x4000, $0x38;
	[tilespmem:$0x1FD00] =	vst v63  }
0x3e: {  	_ =	swait.ge [sflag:s30], $0x4000  }
0x3f: {  	[sflag:s30] =	ssyncset.done $0x0  }
0x40: {  	[sflag:s30] =	ssyncadd.s32 $0xFFFFC000  }
0x41: {  	[hbm4b:s18+s2] =	stream.linear.scatter [tilespmem:s29], [sflag:$0x7], $0x4000, $0x38;
	[tilespmem:$0x1FD00] =	vst v63  }
0x42: {  	_ =	swait.ge [sflag:s30], $0x4000  }
0x43: {  	[sflag:s30] =	ssyncset.done $0x0  }
0x44: {  	[sflag:s30] =	ssyncadd.s32 $0xFFFFC000  }
0x45: {  	[tilespmem:s29], [sflag:$0x7] =	stream.linear.gather [spmem:s8], $0x4000, $0x38;
	[tilespmem:$0x1FD00] =	vst v63  }
0x46: {  	_ =	swait.ge [sflag:s30], $0x4000  }
0x47: {  	[sflag:s30] =	ssyncset.done $0x0  }
0x48: {  	[sflag:s30] =	ssyncadd.s32 $0xFFFFC000  }
0x49: {  	[hbm4b:s19+s2] =	stream.linear.scatter [tilespmem:s29], [sflag:$0x7], $0x4000, $0x38;
	[tilespmem:$0x1FD00] =	vst v63  }
0x4a: {  	_ =	swait.ge [sflag:s30], $0x4000  }
0x4b: {  	[sflag:s30] =	ssyncset.done $0x0  }
0x4c: {  	[sflag:s30] =	ssyncadd.s32 $0xFFFFC000  }
0x4d: {  	[tilespmem:s29], [sflag:$0x7] =	stream.linear.gather [spmem:s9], $0x3C00, $0x38;
	[tilespmem:$0x1FD00] =	vst v63  }
0x4e: {  	s24 =	sadd.s32 $0x1, s24;
	_ =	swait.ge [sflag:s30], $0x3C00  }
0x4f: {  	p1 =	sne.s32 s24, s21;
	[sflag:s30] =	ssyncset.done $0x0  }
.Ltmp1:
0x50: {  	[sflag:s30] =	ssyncadd.s32 $0xFFFFC400;
	(pc) =	sbr.rel @!p1 .LBB2_11-.Ltmp1, $4  }
0x51: {  	[hbm4b:s20+s2] =	stream.linear.scatter [tilespmem:s29], [sflag:$0x7], $0x3C00, $0x38;
	[tilespmem:$0x1FD00] =	vst v63  }
0x52: {  	_ =	swait.ge [sflag:s30], $0x3C00  }
0x53: {  	[sflag:s30] =	ssyncset.done $0x0  }
0x54: {  	[sflag:s30] =	ssyncadd.s32 $0xFFFFC400  }
.LBB2_1:
0x55: {  	s11 =	sand.u32 $0xFE00, s2  }
0x56: {  	s16 =	sand.u32 $0x70, s2;
	s26 =	sshrl.u32 s11, $0x2  }
0x57: {  	s11 =	simm.s32 $0x40;
	s16 =	sor.u32 s16, s26;
	s26 =	simm.s32 $0x0  }
.LBB2_2:
0x58: {  	p1 =	sne.s32 s11, $0xFFC0  }
0x59: {  	[tilespmem:s16+$0x4100] =	vst v0;
	s26 =	sadd.s32 $0x10, s26;
	s16 =	smov.u32 s11;
	s11 =	sadd.s32 $0x40, s11  }
.Ltmp2:
0x5a: {  	(pc) =	sbr.rel @p1 .LBB2_2-.Ltmp2, $4  }
0x5b: {  	_ = 	snop  }
0x5c: {  	s16 =	sand.u32 $0xFE00, s16  }
0x5d: {  	s17 =	sand.u32 $0x70, s26;
	s16 =	sshrl.u32 s16, $0x2  }
0x5e: {  	s16 =	sor.u32 s17, s16  }
0x5f: {  	[tilespmem:s16+$0x4100] =	vst v0  }
0x60: {  	[spmem:s5] =	stream.linear.scatter [tilespmem:s29], [sflag:$0x7], $0x4000, $0x38;
	[tilespmem:$0x1FD00] =	vst v63  }
0x61: {  	_ =	swait.ge [sflag:s30], $0x4000  }
0x62: {  	[sflag:s30] =	ssyncset.done $0x0  }
0x63: {  	[sflag:s30] =	ssyncadd.s32 $0xFFFFC000  }
0x64: {  	[spmem:s6] =	stream.linear.scatter [tilespmem:s29], [sflag:$0x7], $0x4000, $0x38;
	[tilespmem:$0x1FD00] =	vst v63  }
0x65: {  	_ =	swait.ge [sflag:s30], $0x4000  }
0x66: {  	[sflag:s30] =	ssyncset.done $0x0  }
0x67: {  	[sflag:s30] =	ssyncadd.s32 $0xFFFFC000  }
0x68: {  	[spmem:s7] =	stream.linear.scatter [tilespmem:s29], [sflag:$0x7], $0x4000, $0x38;
	[tilespmem:$0x1FD00] =	vst v63  }
0x69: {  	_ =	swait.ge [sflag:s30], $0x4000  }
0x6a: {  	[sflag:s30] =	ssyncset.done $0x0  }
0x6b: {  	[sflag:s30] =	ssyncadd.s32 $0xFFFFC000  }
0x6c: {  	[spmem:s8] =	stream.linear.scatter [tilespmem:s29], [sflag:$0x7], $0x4000, $0x38;
	[tilespmem:$0x1FD00] =	vst v63  }
0x6d: {  	_ =	swait.ge [sflag:s30], $0x4000  }
0x6e: {  	[sflag:s30] =	ssyncset.done $0x0  }
0x6f: {  	[sflag:s30] =	ssyncadd.s32 $0xFFFFC000  }
0x70: {  	[spmem:s9] =	stream.linear.scatter [tilespmem:s29], [sflag:$0x7], $0x3C00, $0x38;
	[tilespmem:$0x1FD00] =	vst v63  }
.Ltmp3:
0x71: {  	_ =	swait.ge [sflag:s30], $0x3C00;
	(pc) =	sbr.rel @!p0 .LBB2_4-.Ltmp3, $3  }
0x72: {  	[sflag:s30] =	ssyncset.done $0x0  }
0x73: {  	[sflag:s30] =	ssyncadd.s32 $0xFFFFC400  }
0x74: {  	[bflag:$0x0] =	sbarrier.arrive $0xFFFF;
	_ =	sdelay $0x1  }
0x75: {  	s11 =	rddreg [dreg:$0x6]  }
0x76: {  	[tilespmem:s2], [sflag:$0x7] =	stream.linear.gather [hbm4b:s11+s2], $0x1000, $0x38;
	[tilespmem:$0x1FD00] =	vst v63  }
0x77: {  	_ =	swait.ge [sflag:s30], $0x1000  }
0x78: {  	[sflag:s30] =	ssyncset.done $0x0  }
0x79: {  	s26 =	rddreg [dreg:$0x8];
	[sflag:s30] =	ssyncadd.s32 $0xFFFFF000  }
0x7a: {  	[tilespmem:s31], [sflag:$0x3] =	stream.linear.gather [hbm4b:s26+s2], $0x80, $0x38;
	[tilespmem:$0x1FD00] =	vst v63  }
0x7b: {  	_ =	swait.ge [sflag:s0], $0x80  }
0x7c: {  	[sflag:s0] =	ssyncset.done $0x0  }
0x7d: {  	[sflag:s0] =	ssyncadd.s32 $0xFFFFFF80  }
0x7e: {  	[tilespmem:s29], [sflag:$0x1] =	stream.indirect.gather [hbm4b:s4+s3], $0x80, s31, s3, $0xb8;
	[tilespmem:$0x1FD00] =	vst v63  }
0x7f: {  	s16 =	rddreg [dreg:$0x7]  }
0x80: {  	[tilespmem:s10], [sflag:$0x4] =	stream.linear.gather [hbm4b:s16+s2], $0x80, $0x38;
	[tilespmem:$0x1FD00] =	vst v63  }
0x81: {  	_ =	swait.ge [sflag:s12], $0x4000  }
0x82: {  	[sflag:s12] =	ssyncset.done $0x0  }
0x83: {  	[sflag:s12] =	ssyncadd.s32 $0xFFFFC000  }
0x84: {  	_ =	swait.ge [sflag:s13], $0x80  }
0x85: {  	[sflag:s13] =	ssyncset.done $0x0  }
0x86: {  	[sflag:s13] =	ssyncadd.s32 $0xFFFFFF80  }
0x87: {  	[tilespmem:s14], [sflag:$0x2] =	stream.indirect.gather [hbm4b:s4+s3], $0x80, s10, s3, $0xb8;
	[tilespmem:$0x1FD00] =	vst v63  }
0x88: {  	s17 =	rddreg [dreg:$0xc]  }
0x89: {  	[tilespmem:s31], [sflag:$0x3] =	stream.linear.gather [hbm4b:s17+s2], $0x80, $0x38;
	[tilespmem:$0x1FD00] =	vst v63  }
0x8a: {  	_ = 	snop  }
0x8b: {  	[spmem:s1] =	stream.indirect.scatter.add.f32 [tilespmem:s29], [sflag:$0x5], $0x80, s2, s3, $0xb8;
	[tilespmem:$0x1FD00] =	vst v63  }
0x8c: {  	_ =	swait.ge [sflag:s15], $0x4000  }
0x8d: {  	[sflag:s15] =	ssyncset.done $0x0  }
0x8e: {  	[sflag:s15] =	ssyncadd.s32 $0xFFFFC000  }
0x8f: {  	_ =	swait.ge [sflag:s0], $0x80  }
0x90: {  	[sflag:s0] =	ssyncset.done $0x0  }
0x91: {  	[sflag:s0] =	ssyncadd.s32 $0xFFFFFF80  }
0x92: {  	_ =	swait.ge [sflag:s22], $0x4000  }
0x93: {  	[sflag:s22] =	ssyncset.done $0x0  }
0x94: {  	[sflag:s22] =	ssyncadd.s32 $0xFFFFC000  }
0x95: {  	[tilespmem:s29], [sflag:$0x1] =	stream.indirect.gather [hbm4b:s4+s3], $0x80, s31, s3, $0xb8;
	[tilespmem:$0x1FD00] =	vst v63  }
0x96: {  	s26 =	rddreg [dreg:$0xd]  }
0x97: {  	[tilespmem:s10], [sflag:$0x4] =	stream.linear.gather [hbm4b:s26+s2], $0x80, $0x38;
	[tilespmem:$0x1FD00] =	vst v63  }
0x98: {  	_ = 	snop  }
0x99: {  	[spmem:s1] =	stream.indirect.scatter.add.f32 [tilespmem:s14], [sflag:$0x6], $0x80, s3, s3, $0xb8;
	[tilespmem:$0x1FD00] =	vst v63  }
0x9a: {  	_ =	swait.ge [sflag:s12], $0x4000  }
0x9b: {  	[sflag:s12] =	ssyncset.done $0x0  }
0x9c: {  	[sflag:s12] =	ssyncadd.s32 $0xFFFFC000  }
0x9d: {  	_ =	swait.ge [sflag:s13], $0x80  }
0x9e: {  	[sflag:s13] =	ssyncset.done $0x0  }
0x9f: {  	[sflag:s13] =	ssyncadd.s32 $0xFFFFFF80  }
0xa0: {  	_ =	swait.ge [sflag:s23], $0x4000  }
0xa1: {  	[sflag:s23] =	ssyncset.done $0x0  }
0xa2: {  	[sflag:s23] =	ssyncadd.s32 $0xFFFFC000  }
0xa3: {  	[tilespmem:s14], [sflag:$0x2] =	stream.indirect.gather [hbm4b:s4+s3], $0x80, s10, s3, $0xb8;
	[tilespmem:$0x1FD00] =	vst v63  }
0xa4: {  	s16 =	sadd.s32 $0xFFFFFFF0, s25  }
0xa5: {  	[tilespmem:s31], [sflag:$0x3] =	stream.linear.gather [hbm4b:s16+s2], $0x80, $0x38;
	[tilespmem:$0x1FD00] =	vst v63  }
0xa6: {  	s17 =	simm.s32 $0x100  }
0xa7: {  	[spmem:s1] =	stream.indirect.scatter.add.f32 [tilespmem:s29], [sflag:$0x5], $0x80, s17, s3, $0xb8;
	[tilespmem:$0x1FD00] =	vst v63  }
0xa8: {  	_ =	swait.ge [sflag:s15], $0x4000  }
0xa9: {  	[sflag:s15] =	ssyncset.done $0x0  }
0xaa: {  	[sflag:s15] =	ssyncadd.s32 $0xFFFFC000  }
0xab: {  	_ =	swait.ge [sflag:s0], $0x80  }
0xac: {  	[sflag:s0] =	ssyncset.done $0x0  }
0xad: {  	[sflag:s0] =	ssyncadd.s32 $0xFFFFFF80  }
0xae: {  	_ =	swait.ge [sflag:s22], $0x4000  }
0xaf: {  	[sflag:s22] =	ssyncset.done $0x0  }
0xb0: {  	[sflag:s22] =	ssyncadd.s32 $0xFFFFC000  }
0xb1: {  	[tilespmem:s29], [sflag:$0x1] =	stream.indirect.gather [hbm4b:s4+s3], $0x80, s31, s3, $0xb8;
	[tilespmem:$0x1FD00] =	vst v63  }
0xb2: {  	_ = 	snop  }
0xb3: {  	[tilespmem:s10], [sflag:$0x4] =	stream.linear.gather [hbm4b:s25+s2], $0x80, $0x38;
	[tilespmem:$0x1FD00] =	vst v63  }
0xb4: {  	s26 =	simm.s32 $0x180  }
0xb5: {  	[spmem:s1] =	stream.indirect.scatter.add.f32 [tilespmem:s14], [sflag:$0x6], $0x80, s26, s3, $0xb8;
	[tilespmem:$0x1FD00] =	vst v63  }
0xb6: {  	_ =	swait.ge [sflag:s12], $0x4000  }
0xb7: {  	[sflag:s12] =	ssyncset.done $0x0  }
0xb8: {  	[sflag:s12] =	ssyncadd.s32 $0xFFFFC000  }
0xb9: {  	_ =	swait.ge [sflag:s13], $0x80  }
0xba: {  	[sflag:s13] =	ssyncset.done $0x0  }
0xbb: {  	[sflag:s13] =	ssyncadd.s32 $0xFFFFFF80  }
0xbc: {  	_ =	swait.ge [sflag:s23], $0x4000  }
0xbd: {  	[sflag:s23] =	ssyncset.done $0x0  }
0xbe: {  	s11 =	simm.s32 $0xFFFFCC00;
	s26 =	sadd.s32 $0x20, s25;
	[sflag:s23] =	ssyncadd.s32 $0xFFFFC000  }
.LBB2_8:
0xbf: {  	[tilespmem:s14], [sflag:$0x2] =	stream.indirect.gather [hbm4b:s4+s3], $0x80, s10, s3, $0xb8;
	[tilespmem:$0x1FD00] =	vst v63  }
0xc0: {  	s16 =	sadd.s32 $0xFFFFFFF0, s26;
	s17 =	sshra.s32 s11, $0x2;
	p1 =	sne.s32 s11, $0xFFFFFC00  }
0xc1: {  	[tilespmem:s31], [sflag:$0x3] =	stream.linear.gather [hbm4b:s16+s2], $0x80, $0x38;
	[tilespmem:$0x1FD00] =	vst v63  }
0xc2: {  	s11 =	sadd.s32 $0x400, s11;
	s16 =	sadd.s32 $0xF00, s17  }
0xc3: {  	[spmem:s1] =	stream.indirect.scatter.add.f32 [tilespmem:s29], [sflag:$0x5], $0x80, s16, s3, $0xb8;
	[tilespmem:$0x1FD00] =	vst v63  }
0xc4: {  	_ =	swait.ge [sflag:s15], $0x4000  }
0xc5: {  	[sflag:s15] =	ssyncset.done $0x0  }
0xc6: {  	[sflag:s15] =	ssyncadd.s32 $0xFFFFC000  }
0xc7: {  	_ =	swait.ge [sflag:s0], $0x80  }
0xc8: {  	[sflag:s0] =	ssyncset.done $0x0  }
0xc9: {  	[sflag:s0] =	ssyncadd.s32 $0xFFFFFF80  }
0xca: {  	_ =	swait.ge [sflag:s22], $0x4000  }
0xcb: {  	[sflag:s22] =	ssyncset.done $0x0  }
0xcc: {  	[sflag:s22] =	ssyncadd.s32 $0xFFFFC000  }
0xcd: {  	[tilespmem:s29], [sflag:$0x1] =	stream.indirect.gather [hbm4b:s4+s3], $0x80, s31, s3, $0xb8;
	[tilespmem:$0x1FD00] =	vst v63  }
0xce: {  	_ = 	snop  }
0xcf: {  	[tilespmem:s10], [sflag:$0x4] =	stream.linear.gather [hbm4b:s26+s2], $0x80, $0x38;
	[tilespmem:$0x1FD00] =	vst v63  }
0xd0: {  	s16 =	sadd.s32 $0xF80, s17  }
0xd1: {  	[spmem:s1] =	stream.indirect.scatter.add.f32 [tilespmem:s14], [sflag:$0x6], $0x80, s16, s3, $0xb8;
	[tilespmem:$0x1FD00] =	vst v63  }
0xd2: {  	_ =	swait.ge [sflag:s12], $0x4000  }
0xd3: {  	[sflag:s12] =	ssyncset.done $0x0  }
0xd4: {  	[sflag:s12] =	ssyncadd.s32 $0xFFFFC000  }
0xd5: {  	_ =	swait.ge [sflag:s13], $0x80  }
.Ltmp4:
0xd6: {  	[sflag:s13] =	ssyncset.done $0x0;
	(pc) =	sbr.rel @p1 .LBB2_8-.Ltmp4, $4  }
0xd7: {  	[sflag:s13] =	ssyncadd.s32 $0xFFFFFF80  }
0xd8: {  	_ =	swait.ge [sflag:s23], $0x4000  }
0xd9: {  	[sflag:s23] =	ssyncset.done $0x0  }
0xda: {  	s26 =	sadd.s32 $0x20, s26;
	[sflag:s23] =	ssyncadd.s32 $0xFFFFC000  }
.Ltmp5:
0xdb: {  	(pc) =	sbr.rel .LBB2_10-.Ltmp5, $3  }
0xdc: {  	_ =	sdelay $0x1  }
0xdd: {  	[tilespmem:s14], [sflag:$0x2] =	stream.indirect.gather [hbm4b:s4+s3], $0x80, s10, s3, $0xb8;
	[tilespmem:$0x1FD00] =	vst v63  }
0xde: {  	s11 =	simm.s32 $0xF80;
	s16 =	simm.s32 $0xF00  }
.LBB2_4:
0xdf: {  	s11 =	rddreg [dreg:$0x3]  }
0xe0: {  	[tilespmem:s2], [sflag:$0x7] =	stream.linear.gather [hbm4b:s11+s2], $0x4000, $0x38;
	[tilespmem:$0x1FD00] =	vst v63  }
0xe1: {  	_ =	swait.ge [sflag:s30], $0x4000  }
0xe2: {  	[sflag:s30] =	ssyncset.done $0x0  }
0xe3: {  	s26 =	rddreg [dreg:$0x4];
	[sflag:s30] =	ssyncadd.s32 $0xFFFFC000  }
0xe4: {  	[tilespmem:s31], [sflag:$0x3] =	stream.linear.gather [hbm4b:s26+s2], $0x80, $0x38;
	[tilespmem:$0x1FD00] =	vst v63  }
0xe5: {  	_ =	swait.ge [sflag:s0], $0x80  }
0xe6: {  	[sflag:s0] =	ssyncset.done $0x0  }
0xe7: {  	[sflag:s0] =	ssyncadd.s32 $0xFFFFFF80  }
0xe8: {  	[tilespmem:s29], [sflag:$0x1] =	stream.indirect.gather [hbm4b:s4+s3], $0x80, s31, s3, $0xb8;
	[tilespmem:$0x1FD00] =	vst v63  }
0xe9: {  	s16 =	rddreg [dreg:$0x5]  }
0xea: {  	[tilespmem:s10], [sflag:$0x4] =	stream.linear.gather [hbm4b:s16+s2], $0x80, $0x38;
	[tilespmem:$0x1FD00] =	vst v63  }
0xeb: {  	_ =	swait.ge [sflag:s12], $0x4000  }
0xec: {  	[sflag:s12] =	ssyncset.done $0x0  }
0xed: {  	[sflag:s12] =	ssyncadd.s32 $0xFFFFC000  }
0xee: {  	_ =	swait.ge [sflag:s13], $0x80  }
0xef: {  	[sflag:s13] =	ssyncset.done $0x0  }
0xf0: {  	[sflag:s13] =	ssyncadd.s32 $0xFFFFFF80  }
0xf1: {  	[tilespmem:s14], [sflag:$0x2] =	stream.indirect.gather [hbm4b:s4+s3], $0x80, s10, s3, $0xb8;
	[tilespmem:$0x1FD00] =	vst v63  }
0xf2: {  	s17 =	rddreg [dreg:$0xb]  }
0xf3: {  	[tilespmem:s31], [sflag:$0x3] =	stream.linear.gather [hbm4b:s17+s2], $0x80, $0x38;
	[tilespmem:$0x1FD00] =	vst v63  }
0xf4: {  	_ = 	snop  }
0xf5: {  	[spmem:s1] =	stream.indirect.scatter.add.f32 [tilespmem:s29], [sflag:$0x5], $0x80, s2, s3, $0xb8;
	[tilespmem:$0x1FD00] =	vst v63  }
0xf6: {  	_ =	swait.ge [sflag:s15], $0x4000  }
0xf7: {  	[sflag:s15] =	ssyncset.done $0x0  }
0xf8: {  	[sflag:s15] =	ssyncadd.s32 $0xFFFFC000  }
0xf9: {  	_ =	swait.ge [sflag:s0], $0x80  }
0xfa: {  	[sflag:s0] =	ssyncset.done $0x0  }
0xfb: {  	[sflag:s0] =	ssyncadd.s32 $0xFFFFFF80  }
0xfc: {  	_ =	swait.ge [sflag:s22], $0x4000  }
0xfd: {  	[sflag:s22] =	ssyncset.done $0x0  }
0xfe: {  	[sflag:s22] =	ssyncadd.s32 $0xFFFFC000  }
0xff: {  	[tilespmem:s29], [sflag:$0x1] =	stream.indirect.gather [hbm4b:s4+s3], $0x80, s31, s3, $0xb8;
	[tilespmem:$0x1FD00] =	vst v63  }
0x100: {  	s26 =	rddreg [dreg:$0xe]  }
0x101: {  	[tilespmem:s10], [sflag:$0x4] =	stream.linear.gather [hbm4b:s26+s2], $0x80, $0x38;
	[tilespmem:$0x1FD00] =	vst v63  }
0x102: {  	_ = 	snop  }
0x103: {  	[spmem:s1] =	stream.indirect.scatter.add.f32 [tilespmem:s14], [sflag:$0x6], $0x80, s3, s3, $0xb8;
	[tilespmem:$0x1FD00] =	vst v63  }
0x104: {  	_ =	swait.ge [sflag:s12], $0x4000  }
0x105: {  	[sflag:s12] =	ssyncset.done $0x0  }
0x106: {  	[sflag:s12] =	ssyncadd.s32 $0xFFFFC000  }
0x107: {  	_ =	swait.ge [sflag:s13], $0x80  }
0x108: {  	[sflag:s13] =	ssyncset.done $0x0  }
0x109: {  	[sflag:s13] =	ssyncadd.s32 $0xFFFFFF80  }
0x10a: {  	_ =	swait.ge [sflag:s23], $0x4000  }
0x10b: {  	[sflag:s23] =	ssyncset.done $0x0  }
0x10c: {  	[sflag:s23] =	ssyncadd.s32 $0xFFFFC000  }
0x10d: {  	[tilespmem:s14], [sflag:$0x2] =	stream.indirect.gather [hbm4b:s4+s3], $0x80, s10, s3, $0xb8;
	[tilespmem:$0x1FD00] =	vst v63  }
0x10e: {  	s16 =	sadd.s32 $0xFFFFFFF0, s28  }
0x10f: {  	[tilespmem:s31], [sflag:$0x3] =	stream.linear.gather [hbm4b:s16+s2], $0x80, $0x38;
	[tilespmem:$0x1FD00] =	vst v63  }
0x110: {  	s17 =	simm.s32 $0x100  }
0x111: {  	[spmem:s1] =	stream.indirect.scatter.add.f32 [tilespmem:s29], [sflag:$0x5], $0x80, s17, s3, $0xb8;
	[tilespmem:$0x1FD00] =	vst v63  }
0x112: {  	_ =	swait.ge [sflag:s15], $0x4000  }
0x113: {  	[sflag:s15] =	ssyncset.done $0x0  }
0x114: {  	[sflag:s15] =	ssyncadd.s32 $0xFFFFC000  }
0x115: {  	_ =	swait.ge [sflag:s0], $0x80  }
0x116: {  	[sflag:s0] =	ssyncset.done $0x0  }
0x117: {  	[sflag:s0] =	ssyncadd.s32 $0xFFFFFF80  }
0x118: {  	_ =	swait.ge [sflag:s22], $0x4000  }
0x119: {  	[sflag:s22] =	ssyncset.done $0x0  }
0x11a: {  	[sflag:s22] =	ssyncadd.s32 $0xFFFFC000  }
0x11b: {  	[tilespmem:s29], [sflag:$0x1] =	stream.indirect.gather [hbm4b:s4+s3], $0x80, s31, s3, $0xb8;
	[tilespmem:$0x1FD00] =	vst v63  }
0x11c: {  	_ = 	snop  }
0x11d: {  	[tilespmem:s10], [sflag:$0x4] =	stream.linear.gather [hbm4b:s28+s2], $0x80, $0x38;
	[tilespmem:$0x1FD00] =	vst v63  }
0x11e: {  	s26 =	simm.s32 $0x180  }
0x11f: {  	[spmem:s1] =	stream.indirect.scatter.add.f32 [tilespmem:s14], [sflag:$0x6], $0x80, s26, s3, $0xb8;
	[tilespmem:$0x1FD00] =	vst v63  }
0x120: {  	_ =	swait.ge [sflag:s12], $0x4000  }
0x121: {  	[sflag:s12] =	ssyncset.done $0x0  }
0x122: {  	[sflag:s12] =	ssyncadd.s32 $0xFFFFC000  }
0x123: {  	p1 =	por $0x0, $0x0;
	_ =	swait.ge [sflag:s13], $0x80  }
.Ltmp6:
0x124: {  	[sflag:s13] =	ssyncset.done $0x0;
	(pc) =	sbr.rel @p1 .LBB2_6-.Ltmp6, $4  }
0x125: {  	[sflag:s13] =	ssyncadd.s32 $0xFFFFFF80  }
0x126: {  	_ =	swait.ge [sflag:s23], $0x4000  }
0x127: {  	[sflag:s23] =	ssyncset.done $0x0  }
0x128: {  	s11 =	sadd.s32 $0x20, s28;
	s26 =	simm.s32 $0xFFFF0C00;
	[sflag:s23] =	ssyncadd.s32 $0xFFFFC000  }
.LBB2_5:
0x129: {  	[tilespmem:s14], [sflag:$0x2] =	stream.indirect.gather [hbm4b:s4+s3], $0x80, s10, s3, $0xb8;
	[tilespmem:$0x1FD00] =	vst v63  }
0x12a: {  	s16 =	sadd.s32 $0xFFFFFFF0, s11;
	s17 =	sshra.s32 s26, $0x2;
	p1 =	seq.s32 s26, $0xFFFFFC00  }
0x12b: {  	[tilespmem:s31], [sflag:$0x3] =	stream.linear.gather [hbm4b:s16+s2], $0x80, $0x38;
	[tilespmem:$0x1FD00] =	vst v63  }
0x12c: {  	s26 =	sadd.s32 $0x400, s26;
	s16 =	sadd.s32 $0x3F00, s17  }
0x12d: {  	[spmem:s1] =	stream.indirect.scatter.add.f32 [tilespmem:s29], [sflag:$0x5], $0x80, s16, s3, $0xb8;
	[tilespmem:$0x1FD00] =	vst v63  }
0x12e: {  	_ =	swait.ge [sflag:s15], $0x4000  }
0x12f: {  	[sflag:s15] =	ssyncset.done $0x0  }
0x130: {  	[sflag:s15] =	ssyncadd.s32 $0xFFFFC000  }
0x131: {  	_ =	swait.ge [sflag:s0], $0x80  }
0x132: {  	[sflag:s0] =	ssyncset.done $0x0  }
0x133: {  	[sflag:s0] =	ssyncadd.s32 $0xFFFFFF80  }
0x134: {  	_ =	swait.ge [sflag:s22], $0x4000  }
0x135: {  	[sflag:s22] =	ssyncset.done $0x0  }
0x136: {  	[sflag:s22] =	ssyncadd.s32 $0xFFFFC000  }
0x137: {  	[tilespmem:s29], [sflag:$0x1] =	stream.indirect.gather [hbm4b:s4+s3], $0x80, s31, s3, $0xb8;
	[tilespmem:$0x1FD00] =	vst v63  }
0x138: {  	_ = 	snop  }
0x139: {  	[tilespmem:s10], [sflag:$0x4] =	stream.linear.gather [hbm4b:s11+s2], $0x80, $0x38;
	[tilespmem:$0x1FD00] =	vst v63  }
0x13a: {  	s16 =	sadd.s32 $0x3F80, s17  }
0x13b: {  	[spmem:s1] =	stream.indirect.scatter.add.f32 [tilespmem:s14], [sflag:$0x6], $0x80, s16, s3, $0xb8;
	[tilespmem:$0x1FD00] =	vst v63  }
0x13c: {  	_ =	swait.ge [sflag:s12], $0x4000  }
0x13d: {  	[sflag:s12] =	ssyncset.done $0x0  }
0x13e: {  	[sflag:s12] =	ssyncadd.s32 $0xFFFFC000  }
0x13f: {  	_ =	swait.ge [sflag:s13], $0x80  }
.Ltmp7:
0x140: {  	[sflag:s13] =	ssyncset.done $0x0;
	(pc) =	sbr.rel @!p1 .LBB2_5-.Ltmp7, $4  }
0x141: {  	[sflag:s13] =	ssyncadd.s32 $0xFFFFFF80  }
0x142: {  	_ =	swait.ge [sflag:s23], $0x4000  }
0x143: {  	[sflag:s23] =	ssyncset.done $0x0  }
0x144: {  	s11 =	sadd.s32 $0x20, s11;
	[sflag:s23] =	ssyncadd.s32 $0xFFFFC000  }
.Ltmp8:
0x145: {  	_ = 	snop;
	(pc) =	sbr.rel .LBB2_6-.Ltmp8, $1  }
0x146: {  	_ =	sdelay $0x3  }
.LBB2_11:
0x147: {  	_ =	sfence.sel $0x180000  }
0x148: {  	[bflag:$0x0] =	sbarrier.arrive $0xFFFF  }
0x149: {  	_ =	strace $0x90000047  }
0x14a: {  	s0 =	stileid.u32;
	[bflag:$0x2] =	sbarrier.arrive $0xFFFF  }
0x14b: {  	p0 =	sne.s32 s0, $0x0;
	s0 =	rddreg [dreg:$0x2]  }
0x14c: {  	s0 =	sadd.s32 @!p0 $0x100000, s0  }
0x14d: {  	[sflag:s0] =	ssyncadd.tile.s32 @!p0 $0x1;
	_ =	shalt  }
.Lfunc_end2:
_tile_overlayer_lowered:
.L_overlay_start_2:
0x14e: {  	(tag) =	ssettag $0x2  }
0x14f: {  	s0 =	rddreg [dreg:$0x0];
	s2 =	stileid.u32  }
0x150: {  	s1 =	rddreg [dreg:$0x1];
	p0 =	sne.s32 s2, $0x0  }
0x151: {  	s3 =	rddreg [dreg:$0x2];
	[bflag:$0x3] =	sbarrier.arrive $0xFFFF;
	s2 =	simm.s32 @!p0 $0x1C07  }
0x152: {  	[timem:s3], [sflag:s2] =	dma.local @!p0 [hbm:s0], s1  }
0x153: {  	s0 =	simm.s32 @!p0 $0x7  }
0x154: {  	_ =	swait.ge @!p0 [sflag:s0], s1  }
0x155: {  	s1 =	ssub.s32 @!p0 $0x0, s1;
	[sflag:s0] =	ssyncset.done @!p0 $0x0  }
0x156: {  	[sflag:s0] =	ssyncadd.s32 @!p0 s1  }
0x157: {  	[bflag:$0x3] =	sbarrier.arrive $0xFFFF  }
0x158: {  	_ =	shalt  }

// kernel: kernel.16.cloned.1.call-start
scs
__scs_entry_jumppad:
0x0: {  	(pc) =	sbr.rel $0x88, $3  }
0x1: {  	(tag) =	ssettag $0x0;
	lr =	simm.s32 $0x1  }
0x2: {  	[smem:$0x3F93] =	sst lr;
	_ =	strace $0xD0000000  }
0x3: {  	_ = 	snop  }
0x4: {  	_ = 	snop  }
0x5: {  	_ = 	snop  }
0x6: {  	_ = 	snop  }
0x7: {  	_ = 	snop  }
__scs_overlays_trampoline_lowered:
0x8: {  	[smem:$0x3FA2] =	sst s0  }
0x9: {  	[smem:$0x3FA3] =	sst s1  }
0xa: {  	[smem:$0x3FA4] =	sst s2  }
0xb: {  	[smem:$0x3FA5] =	sst s3  }
0xc: {  	[smem:$0x3FA6] =	sst s4  }
0xd: {  	[smem:$0x3FA7] =	sst s5  }
0xe: {  	[smem:$0x3FA8] =	sst s6  }
0xf: {  	[smem:$0x3FA9] =	sst s7  }
0x10: {  	[smem:$0x3FAA] =	sst s8  }
0x11: {  	[smem:$0x3FAB] =	sst s9;
	s0 =	simm.s32 @!p0 $0x0  }
0x12: {  	s1 =	sld [smem:$0x3F91];
	s0 =	simm.s32 @p0 $0x1  }
0x13: {  	[smem:$0x3FAC] =	sst s0;
	s0 =	simm.s32 @!p1 $0x0  }
0x14: {  	s2 =	sld [smem:$0x3F90];
	s0 =	simm.s32 @p1 $0x1  }
0x15: {  	[smem:$0x3FAD] =	sst s0;
	s0 =	simm.s32 @!p2 $0x0  }
0x16: {  	s3 =	sld [smem:$0x3FDB];
	s0 =	simm.s32 @p2 $0x1  }
0x17: {  	s4 =	simm.s32 $0x1BF5;
	[smem:$0x3FAF] =	sst s0  }
0x18: {  	s0 =	sld [smem:$0x3F92];
	_ =	swait.ge [sflag:s4], $0x0  }
0x19: {  	s7 =	sld [smem:$0x3F93]  }
0x1a: {  	s8 =	sadd.s32 $0xFFFFE003, lr  }
0x1b: {  	s9 =	sadd.s32 $0xFFFFFEF7, lr;
	s5 =	simm.s32 $0xFFFFFFFF;
	p2 =	slt.u32 s8, $0xFFFFF086  }
0x1c: {  	p1 =	slt.u32 s9, $0xF7A;
	s5 =	simm.s32 @!p2 $0x0  }
0x1d: {  	s5 =	simm.s32 @p1 $0x1;
	p0 =	seq.s32 s7, s2  }
0x1e: {  	s7 =	smul.u32 @!p0 $0xF7A, s2;
	p2 =	seq.s32 @!p0 s5, $0x0  }
0x1f: {  	s9 =	smul.u32 $0xF7A, s1;
	s8 =	simm.s32 @!p0 $0x1BF5;
	p2 =	por !p2, p0  }
0x20: {  	[sflag:s8] =	ssyncset.s32 @!p0 $0xFFFFF086;
	s6 =	sadd.s32 @!p0 s3, s7;
	s7 =	simm.s32 @!p0 $0x108  }
0x21: {  	s3 =	sadd.s32 s3, s9;
	s6 =	sadd.s32 @!p0 $0x88, s6;
	s7 =	simm.s32 @p2 $0x1082  }
0x22: {  	[simem:s7], [sflag:s8] =	dma.local @!p0 [hbm:s6], $0xF7A  }
0x23: {  	s9 =	sor.u32 $0xD0000000, s2;
	s6 =	simm.s32 $0x108;
	_ =	swait.ge @!p0 [sflag:s8], $0x0  }
0x24: {  	s3 =	sadd.s32 $0x88, s3;
	s6 =	simm.s32 @!p1 $0x1082;
	[sflag:s4] =	ssyncset.s32 $0xFFFFF086  }
0x25: {  	[simem:s6], [sflag:s4] =	dma.local [hbm:s3], $0xF7A  }
0x26: {  	[smem:$0x3F93] =	sst s1;
	(tag) =	ssettag s2;
	_ =	strace s9  }
0x27: {  	s1 =	sld [smem:$0x3FA3]  }
0x28: {  	s2 =	sld [smem:$0x3FA4]  }
0x29: {  	s4 =	sld [smem:$0x3FA6]  }
0x2a: {  	p0 =	seq.s32 s5, $0x0;
	s5 =	sld [smem:$0x3FA7]  }
0x2b: {  	s6 =	sld [smem:$0x3FA8]  }
0x2c: {  	s7 =	sld [smem:$0x3FA9]  }
0x2d: {  	s3 =	simm.s32 $0x108;
	s8 =	sld [smem:$0x3FAA]  }
0x2e: {  	s3 =	simm.s32 @!p0 $0x1082;
	s9 =	sld [smem:$0x3FAB]  }
0x2f: {  	lr =	sadd.s32 s0, s3;
	s0 =	sld [smem:$0x3FA2]  }
0x30: {  	s3 =	sld [smem:$0x3FA5]  }
0x31: {  	[smem:$0x3FAE] =	sst s10  }
0x32: {  	s10 =	sld [smem:$0x3FAC];
	_ =	sdelay $0x3  }
0x33: {  	p0 =	seq.s32 s10, $0x1;
	s10 =	sld [smem:$0x3FAE];
	_ =	sdelay $0x3  }
0x34: {  	[smem:$0x3FAE] =	sst s10  }
0x35: {  	s10 =	sld [smem:$0x3FAD];
	_ =	sdelay $0x3  }
0x36: {  	p1 =	seq.s32 s10, $0x1;
	s10 =	sld [smem:$0x3FAE];
	_ =	sdelay $0x3  }
0x37: {  	[smem:$0x3FAE] =	sst s10  }
0x38: {  	s10 =	sld [smem:$0x3FAF]  }
0x39: {  	_ = 	snop;
	(pc) =	sbr.ind lr, $3  }
0x3a: {  	_ = 	snop  }
0x3b: {  	_ = 	snop  }
0x3c: {  	p2 =	seq.s32 s10, $0x1;
	s10 =	sld [smem:$0x3FAE]  }
0x3d: {  	_ =	shalt  }
0x3e: {  	_ =	shalt  }
0x3f: {  	_ =	shalt  }
0x40: {  	_ =	shalt  }
0x41: {  	_ =	shalt  }
0x42: {  	_ =	shalt  }
0x43: {  	_ =	shalt  }
0x44: {  	_ =	shalt  }
0x45: {  	_ =	shalt  }
0x46: {  	_ =	shalt  }
0x47: {  	_ =	shalt  }
0x48: {  	_ =	shalt  }
0x49: {  	_ =	shalt  }
0x4a: {  	_ =	shalt  }
0x4b: {  	_ =	shalt  }
0x4c: {  	_ =	shalt  }
0x4d: {  	_ =	shalt  }
0x4e: {  	_ =	shalt  }
0x4f: {  	_ =	shalt  }
0x50: {  	_ =	shalt  }
0x51: {  	_ =	shalt  }
0x52: {  	_ =	shalt  }
0x53: {  	_ =	shalt  }
0x54: {  	_ =	shalt  }
0x55: {  	_ =	shalt  }
0x56: {  	_ =	shalt  }
0x57: {  	_ =	shalt  }
0x58: {  	_ =	shalt  }
0x59: {  	_ =	shalt  }
0x5a: {  	_ =	shalt  }
0x5b: {  	_ =	shalt  }
0x5c: {  	_ =	shalt  }
0x5d: {  	_ =	shalt  }
0x5e: {  	_ =	shalt  }
0x5f: {  	_ =	shalt  }
0x60: {  	_ =	shalt  }
0x61: {  	_ =	shalt  }
0x62: {  	_ =	shalt  }
0x63: {  	_ =	shalt  }
0x64: {  	_ =	shalt  }
0x65: {  	_ =	shalt  }
0x66: {  	_ =	shalt  }
0x67: {  	_ =	shalt  }
0x68: {  	_ =	shalt  }
0x69: {  	_ =	shalt  }
0x6a: {  	_ =	shalt  }
0x6b: {  	_ =	shalt  }
0x6c: {  	_ =	shalt  }
0x6d: {  	_ =	shalt  }
0x6e: {  	_ =	shalt  }
0x6f: {  	_ =	shalt  }
0x70: {  	_ =	shalt  }
0x71: {  	_ =	shalt  }
0x72: {  	_ =	shalt  }
0x73: {  	_ =	shalt  }
0x74: {  	_ =	shalt  }
0x75: {  	_ =	shalt  }
0x76: {  	_ =	shalt  }
0x77: {  	_ =	shalt  }
0x78: {  	_ =	shalt  }
0x79: {  	_ =	shalt  }
0x7a: {  	_ =	shalt  }
0x7b: {  	_ =	shalt  }
0x7c: {  	_ =	shalt  }
0x7d: {  	_ =	shalt  }
0x7e: {  	_ =	shalt  }
0x7f: {  	_ =	shalt  }
0x80: {  	_ =	shalt  }
0x81: {  	_ =	shalt  }
0x82: {  	_ =	shalt  }
0x83: {  	_ =	shalt  }
0x84: {  	_ =	shalt  }
0x85: {  	_ =	shalt  }
0x86: {  	_ =	shalt  }
0x87: {  	_ =	shalt  }
.Lfunc_end0:
.L_simem_size_0:
called_computation.2_lowered:
.L_overlay_start_0:
0x88: {  	s2 =	sld [smem:$0x3FD9]  }
0x89: {  	s3 =	sld [smem:$0x3FFE];
	_ =	sdelay $0x1  }
0x8a: {  	s1 =	srdreg.scid  }
0x8b: {  	s0 =	sand.u32 $0x1, s1  }
0x8c: {  	s16 =	sshll.u32 s0, $0xA;
	s2 =	sadd.s32 s3, s2  }
0x8d: {  	s2 =	sadd.s32 s2, s16  }
0x8e: {  	[smem:$0x3FBA] =	sst s2  }
0x8f: {  	_ = 	snop  }
0x90: {  	(tm) =	ssettm $0x1  }
0x91: {  	s17 =	sld [smem:$0x3FFB];
	_ =	sdelay $0x3  }
0x92: {  	_ =	strace s17  }
0x93: {  	s2 =	sld [smem:$0x3FFC];
	_ =	sdelay $0x3  }
0x94: {  	_ =	strace s2  }
0x95: {  	s2 =	sld [smem:$0x3FFD];
	_ =	sdelay $0x3  }
0x96: {  	_ =	strace s2  }
0x97: {  	_ =	strace $0x8FFFFFFF  }
0x98: {  	s18 =	sld [smem:$0x3FDB];
	_ =	sdelay $0x1  }
0x99: {  	s19 =	simm.s32 $_scs_section_size  }
0x9a: {  	s4 =	simm.s32 $_size__tile_overlayer_lowered;
	s5 =	simm.s32 $_tile_overlayer_lowered  }
0x9b: {  	s22 =	simm.s32 $0x1BFF;
	s21 =	sshll.u32 s5, $0x1;
	s2 =	sadd.s32 s19, s18  }
0x9c: {  	s6 =	simm.s32 $0x0;
	s20 =	sshll.u32 s4, $0x1;
	s4 =	sadd.s32 s21, s2  }
0x9d: {  	[timem:s6], [sflag:s22] =	dma.local [hbm:s4], s20  }
0x9e: {  	_ =	swait.ge [sflag:s22], s20  }
0x9f: {  	s3 =	ssub.s32 $0x0, s20;
	[sflag:s22] =	ssyncset.done $0x0  }
0xa0: {  	[sflag:s22] =	ssyncadd.s32 s3;
	_ =	sdelay $0x1  }
0xa1: {  	s23 =	simm.s32 $0x1B8B  }
0xa2: {  	_ =	swait.ge [sflag:s23], $0x1  }
0xa3: {  	[sflag:s23] =	ssyncset.done $0x0  }
0xa4: {  	s25 =	simm.s32 $0x1B8E;
	s24 =	sld [smem:$0x3FFE];
	[sflag:s23] =	ssyncadd.s32 $0xFFFFFFFF  }
0xa5: {  	s26 =	simm.s32 $execute0_lowered;
	[smem:$0x3FD2] =	sst s25  }
0xa6: {  	s4 =	sshll.u32 s26, $0x1;
	_ =	strace $0x8000004C;
	[dreg:$0x1] =	wrdreg $0xFFFFFFFF  }
0xa7: {  	s28 =	simm.s32 $_size_execute0_lowered;
	s2 =	sadd.s32 s2, s4;
	[dreg:$0x0] =	wrdreg $0x0  }
0xa8: {  	s4 =	sshll.u32 s28, $0x1;
	[dreg:$0x2] =	wrdreg s2  }
0xa9: {  	[dreg:$0x3] =	wrdreg s4  }
0xaa: {  	[dreg:$0x4] =	wrdreg $0xC0  }
0xab: {  	_ =	task [dreg:s6], $0x5FFFF  }
0xac: {  	[dreg:$0x1] =	wrdreg $0xFFFFFFFF  }
0xad: {  	[dreg:$0x0] =	wrdreg $0x60  }
0xae: {  	[dreg:$0x2] =	wrdreg s24  }
0xaf: {  	[dreg:$0x3] =	wrdreg $0xC1000  }
0xb0: {  	[dreg:$0x4] =	wrdreg $0x9  }
0xb1: {  	_ =	task.clear_ibuf [dreg:s6], $0x5FFFF;
	_ =	strace $0x9000004C  }
0xb2: {  	s29 =	simm.s32 $0x9;
	_ =	strace $0x8000004E  }
0xb3: {  	_ =	swait.ge [sflag:s29], $0x1  }
0xb4: {  	[sflag:s29] =	ssyncadd.s32 $0xFFFFFFFF  }
0xb5: {  	_ =	strace $0x9000004E  }
0xb6: {  	_ =	sfence  }
0xb7: {  	s30 =	sld [smem:$0x0];
	_ =	sdelay $0x2  }
0xb8: {  	s31 =	sshll.u32 s1, $0xD;
	s1 =	sshrl.u32 s1, $0x2  }
0xb9: {  	s3 =	sand.u32 $0x4000, s31;
	s1 =	sadd.s32 s1, s30  }
0xba: {  	s0 =	sor.u32 s3, s0;
	s1 =	sshll.u32 s1, $0x11  }
0xbb: {  	s0 =	sor.u32 s1, s0  }
0xbc: {  	s0 =	sadd.s32 $0x8F2B, s0  }
0xbd: {  	[sflag:s0] =	ssyncadd.remote.s32 $0x1  }
0xbe: {  	_ =	sfence.sel $0xFFFF  }
0xbf: {  	[dreg:$0x0] =	wrdreg $0xFFFFFFFF;
	(pc) =	sbr.abs _section_cstart, $3  }
0xc0: {  	[dreg:$0x1] =	wrdreg $0xFFFFFFFF  }
0xc1: {  	_ =	task.clear_ibuf [dreg:s6], $0x2FFFF;
	_ =	strace $0x9FFFFFFF  }
0xc2: {  	(tm) =	ssettm $0x7FFFFFFF  }
0xc3: {  	_ =	shalt  }
tec
execute0_lowered:
.L_overlay_start_1:
0x0: {  	(tag) =	ssettag $0x1  }
0x1: {  	s0 =	rddreg [dreg:$0x0]  }
0x2: {  	s1 =	rddreg [dreg:$0x1];
	s2 =	simm.s32 $0x0;
	s3 =	srdreg.scid  }
0x3: {  	s21 =	stileid.u32;
	s29 =	simm.s32 $0x4100;
	s30 =	simm.s32 $0x7  }
0x4: {  	s31 =	simm.s32 $0x4000;
	[smem:$0x7FF] =	sst s2;
	s4 =	sadd.s32 $0x17000, s0  }
0x5: {  	s3 =	sand.u32 $0x1, s3;
	s10 =	sadd.s32 $0xD000, s0;
	s6 =	smul.u32 $0x4F000, s21  }
0x6: {  	s11 =	sadd.s32 $0x3000, s0;
	s12 =	smul.u32 $0x13C00, s21;
	s13 =	sadd.s32 $0x3E200, s0  }
0x7: {  	s19 =	sshll.u32 s21, $0xB;
	s0 =	sadd.s32 $0xD010, s0;
	s21 =	sshll.u32 s21, $0x9  }
0x8: {  	_ =	strace $0x8000004D;
	s5 =	ssub.s32 $0x2, s3;
	s20 =	sadd.s32 s11, s19  }
0x9: {  	s25 =	smul.u32 $0x13C000, s3;
	s23 =	sadd.s32 s10, s19;
	s26 =	sor.u32 $0x8000, s21  }
0xa: {  	s19 =	sadd.s32 s19, s0;
	p0 =	seq.s32 s3, $0x0;
	s3 =	simm.s32 $0x80  }
0xb: {  	s7 =	sshrl.u32 s5, $0x1;
	s24 =	sshrl.u32 s6, $0x2;
	s15 =	sadd.s32 $0x4000, s12  }
0xc: {  	s16 =	sadd.s32 $0x8000, s12;
	s17 =	sadd.s32 $0xC000, s12;
	[dreg:$0x3] =	wrdreg s20  }
0xd: {  	s18 =	sadd.s32 $0x10000, s12;
	[dreg:$0x5] =	wrdreg s19;
	s11 =	sadd.s32 s11, s26  }
0xe: {  	s0 =	sadd.s32 s26, s0;
	[dreg:$0x4] =	wrdreg s23;
	s28 =	sadd.s32 $0x50, s23  }
0xf: {  	s14 =	ssub.s32 s5, s7;
	s5 =	sadd.s32 s24, s1;
	s6 =	sadd.s32 s15, s1  }
0x10: {  	s7 =	sadd.s32 s16, s1;
	s8 =	sadd.s32 s17, s1;
	s9 =	sadd.s32 s18, s1  }
0x11: {  	s12 =	sadd.s32 s12, s25;
	s15 =	sadd.s32 s25, s15;
	s16 =	sadd.s32 s25, s16  }
0x12: {  	s22 =	sadd.s32 s25, s17;
	s20 =	sadd.s32 s25, s18;
	[dreg:$0x6] =	wrdreg s11  }
0x13: {  	[dreg:$0x7] =	wrdreg s0;
	s24 =	sadd.s32 s10, s26;
	s17 =	sadd.s32 s21, s10  }
0x14: {  	s10 =	simm.s32 $0x4080;
	[dreg:$0x8] =	wrdreg s24;
	s25 =	sshrl.u32 s12, $0x3  }
0x15: {  	s26 =	sshrl.u32 s15, $0x3;
	s12 =	sshrl.u32 s16, $0x3;
	s15 =	sshrl.u32 s22, $0x3  }
0x16: {  	s16 =	sshrl.u32 s20, $0x3;
	s21 =	smax.u32 s14, $0x1;
	s22 =	sadd.s32 $0x20, s23  }
0x17: {  	s24 =	sadd.s32 $0x8020, s17;
	s14 =	simm.s32 $0x8100;
	s0 =	sadd.s32 s13, s25  }
0x18: {  	s11 =	sadd.s32 s13, s26;
	s18 =	sadd.s32 s13, s12;
	[dreg:$0xb] =	wrdreg s22  }
0x19: {  	s19 =	sadd.s32 s13, s15;
	s20 =	sadd.s32 s13, s16;
	[dreg:$0xc] =	wrdreg s24  }
.Ltmp0:
0x1a: {  	s25 =	sadd.s32 $0x8030, s17;
	s26 =	sadd.s32 $0x30, s23;
	(pc) =	sbr.rel .LBB2_1-.Ltmp0, $4  }
0x1b: {  	s12 =	simm.s32 $0x1;
	s13 =	simm.s32 $0x4;
	[dreg:$0x9] =	wrdreg s0  }
0x1c: {  	s15 =	simm.s32 $0x2;
	s22 =	simm.s32 $0x5;
	[dreg:$0xa] =	wrdreg s11  }
0x1d: {  	s23 =	simm.s32 $0x6;
	s24 =	simm.s32 $0x0;
	[dreg:$0xd] =	wrdreg s25  }
0x1e: {  	v0 =	vimm.f32 $0.0e+00;
	s25 =	sadd.s32 $0x8050, s17;
	[dreg:$0xe] =	wrdreg s26;
	s0 =	simm.s32 $0x3  }
.LBB2_6:
0x1f: {  	[tilespmem:s14], [sflag:$0x2] =	stream.indirect.gather [hbm4b:s4+s3], $0x80, s10, s3, $0xb8;
	[tilespmem:$0x1FD00] =	vst v63  }
0x20: {  	s11 =	simm.s32 $0x3F80;
	s16 =	simm.s32 $0x3F00  }
.LBB2_10:
0x21: {  	[spmem:s1] =	stream.indirect.scatter.add.f32 [tilespmem:s29], [sflag:$0x5], $0x80, s16, s3, $0xb8;
	[tilespmem:$0x1FD00] =	vst v63  }
0x22: {  	_ =	swait.ge [sflag:s15], $0x4000  }
0x23: {  	[sflag:s15] =	ssyncset.done $0x0  }
0x24: {  	[sflag:s15] =	ssyncadd.s32 $0xFFFFC000  }
0x25: {  	[spmem:s1] =	stream.indirect.scatter.add.f32 [tilespmem:s14], [sflag:$0x6], $0x80, s11, s3, $0xb8;
	[tilespmem:$0x1FD00] =	vst v63  }
0x26: {  	_ =	swait.ge [sflag:s22], $0x4000  }
0x27: {  	[sflag:s22] =	ssyncset.done $0x0  }
0x28: {  	[sflag:s22] =	ssyncadd.s32 $0xFFFFC000  }
0x29: {  	_ =	swait.ge [sflag:s23], $0x4000  }
0x2a: {  	[sflag:s23] =	ssyncset.done $0x0  }
0x2b: {  	[sflag:s23] =	ssyncadd.s32 $0xFFFFC000  }
0x2c: {  	[bflag:$0x0] =	sbarrier.arrive $0xFFFF  }
0x2d: {  	[tilespmem:s29], [sflag:$0x7] =	stream.linear.gather [spmem:s5], $0x4000, $0x38;
	[tilespmem:$0x1FD00] =	vst v63  }
0x2e: {  	_ =	swait.ge [sflag:s30], $0x4000  }
0x2f: {  	[sflag:s30] =	ssyncset.done $0x0  }
0x30: {  	s17 =	rddreg [dreg:$0x9];
	[sflag:s30] =	ssyncadd.s32 $0xFFFFC000  }
0x31: {  	[hbm4b:s17+s2] =	stream.linear.scatter [tilespmem:s29], [sflag:$0x7], $0x4000, $0x38;
	[tilespmem:$0x1FD00] =	vst v63  }
0x32: {  	_ =	swait.ge [sflag:s30], $0x4000  }
0x33: {  	[sflag:s30] =	ssyncset.done $0x0  }
0x34: {  	[sflag:s30] =	ssyncadd.s32 $0xFFFFC000  }
0x35: {  	[tilespmem:s29], [sflag:$0x7] =	stream.linear.gather [spmem:s6], $0x4000, $0x38;
	[tilespmem:$0x1FD00] =	vst v63  }
0x36: {  	_ =	swait.ge [sflag:s30], $0x4000  }
0x37: {  	[sflag:s30] =	ssyncset.done $0x0  }
0x38: {  	s26 =	rddreg [dreg:$0xa];
	[sflag:s30] =	ssyncadd.s32 $0xFFFFC000  }
0x39: {  	[hbm4b:s26+s2] =	stream.linear.scatter [tilespmem:s29], [sflag:$0x7], $0x4000, $0x38;
	[tilespmem:$0x1FD00] =	vst v63  }
0x3a: {  	_ =	swait.ge [sflag:s30], $0x4000  }
0x3b: {  	[sflag:s30] =	ssyncset.done $0x0  }
0x3c: {  	[sflag:s30] =	ssyncadd.s32 $0xFFFFC000  }
0x3d: {  	[tilespmem:s29], [sflag:$0x7] =	stream.linear.gather [spmem:s7], $0x4000, $0x38;
	[tilespmem:$0x1FD00] =	vst v63  }
0x3e: {  	_ =	swait.ge [sflag:s30], $0x4000  }
0x3f: {  	[sflag:s30] =	ssyncset.done $0x0  }
0x40: {  	[sflag:s30] =	ssyncadd.s32 $0xFFFFC000  }
0x41: {  	[hbm4b:s18+s2] =	stream.linear.scatter [tilespmem:s29], [sflag:$0x7], $0x4000, $0x38;
	[tilespmem:$0x1FD00] =	vst v63  }
0x42: {  	_ =	swait.ge [sflag:s30], $0x4000  }
0x43: {  	[sflag:s30] =	ssyncset.done $0x0  }
0x44: {  	[sflag:s30] =	ssyncadd.s32 $0xFFFFC000  }
0x45: {  	[tilespmem:s29], [sflag:$0x7] =	stream.linear.gather [spmem:s8], $0x4000, $0x38;
	[tilespmem:$0x1FD00] =	vst v63  }
0x46: {  	_ =	swait.ge [sflag:s30], $0x4000  }
0x47: {  	[sflag:s30] =	ssyncset.done $0x0  }
0x48: {  	[sflag:s30] =	ssyncadd.s32 $0xFFFFC000  }
0x49: {  	[hbm4b:s19+s2] =	stream.linear.scatter [tilespmem:s29], [sflag:$0x7], $0x4000, $0x38;
	[tilespmem:$0x1FD00] =	vst v63  }
0x4a: {  	_ =	swait.ge [sflag:s30], $0x4000  }
0x4b: {  	[sflag:s30] =	ssyncset.done $0x0  }
0x4c: {  	[sflag:s30] =	ssyncadd.s32 $0xFFFFC000  }
0x4d: {  	[tilespmem:s29], [sflag:$0x7] =	stream.linear.gather [spmem:s9], $0x3C00, $0x38;
	[tilespmem:$0x1FD00] =	vst v63  }
0x4e: {  	s24 =	sadd.s32 $0x1, s24;
	_ =	swait.ge [sflag:s30], $0x3C00  }
0x4f: {  	p1 =	sne.s32 s24, s21;
	[sflag:s30] =	ssyncset.done $0x0  }
.Ltmp1:
0x50: {  	[sflag:s30] =	ssyncadd.s32 $0xFFFFC400;
	(pc) =	sbr.rel @!p1 .LBB2_11-.Ltmp1, $4  }
0x51: {  	[hbm4b:s20+s2] =	stream.linear.scatter [tilespmem:s29], [sflag:$0x7], $0x3C00, $0x38;
	[tilespmem:$0x1FD00] =	vst v63  }
0x52: {  	_ =	swait.ge [sflag:s30], $0x3C00  }
0x53: {  	[sflag:s30] =	ssyncset.done $0x0  }
0x54: {  	[sflag:s30] =	ssyncadd.s32 $0xFFFFC400  }
.LBB2_1:
0x55: {  	s11 =	sand.u32 $0xFE00, s2  }
0x56: {  	s16 =	sand.u32 $0x70, s2;
	s26 =	sshrl.u32 s11, $0x2  }
0x57: {  	s11 =	simm.s32 $0x40;
	s16 =	sor.u32 s16, s26;
	s26 =	simm.s32 $0x0  }
.LBB2_2:
0x58: {  	p1 =	sne.s32 s11, $0xFFC0  }
0x59: {  	[tilespmem:s16+$0x4100] =	vst v0;
	s26 =	sadd.s32 $0x10, s26;
	s16 =	smov.u32 s11;
	s11 =	sadd.s32 $0x40, s11  }
.Ltmp2:
0x5a: {  	(pc) =	sbr.rel @p1 .LBB2_2-.Ltmp2, $4  }
0x5b: {  	_ = 	snop  }
0x5c: {  	s16 =	sand.u32 $0xFE00, s16  }
0x5d: {  	s17 =	sand.u32 $0x70, s26;
	s16 =	sshrl.u32 s16, $0x2  }
0x5e: {  	s16 =	sor.u32 s17, s16  }
0x5f: {  	[tilespmem:s16+$0x4100] =	vst v0  }
0x60: {  	[spmem:s5] =	stream.linear.scatter [tilespmem:s29], [sflag:$0x7], $0x4000, $0x38;
	[tilespmem:$0x1FD00] =	vst v63  }
0x61: {  	_ =	swait.ge [sflag:s30], $0x4000  }
0x62: {  	[sflag:s30] =	ssyncset.done $0x0  }
0x63: {  	[sflag:s30] =	ssyncadd.s32 $0xFFFFC000  }
0x64: {  	[spmem:s6] =	stream.linear.scatter [tilespmem:s29], [sflag:$0x7], $0x4000, $0x38;
	[tilespmem:$0x1FD00] =	vst v63  }
0x65: {  	_ =	swait.ge [sflag:s30], $0x4000  }
0x66: {  	[sflag:s30] =	ssyncset.done $0x0  }
0x67: {  	[sflag:s30] =	ssyncadd.s32 $0xFFFFC000  }
0x68: {  	[spmem:s7] =	stream.linear.scatter [tilespmem:s29], [sflag:$0x7], $0x4000, $0x38;
	[tilespmem:$0x1FD00] =	vst v63  }
0x69: {  	_ =	swait.ge [sflag:s30], $0x4000  }
0x6a: {  	[sflag:s30] =	ssyncset.done $0x0  }
0x6b: {  	[sflag:s30] =	ssyncadd.s32 $0xFFFFC000  }
0x6c: {  	[spmem:s8] =	stream.linear.scatter [tilespmem:s29], [sflag:$0x7], $0x4000, $0x38;
	[tilespmem:$0x1FD00] =	vst v63  }
0x6d: {  	_ =	swait.ge [sflag:s30], $0x4000  }
0x6e: {  	[sflag:s30] =	ssyncset.done $0x0  }
0x6f: {  	[sflag:s30] =	ssyncadd.s32 $0xFFFFC000  }
0x70: {  	[spmem:s9] =	stream.linear.scatter [tilespmem:s29], [sflag:$0x7], $0x3C00, $0x38;
	[tilespmem:$0x1FD00] =	vst v63  }
.Ltmp3:
0x71: {  	_ =	swait.ge [sflag:s30], $0x3C00;
	(pc) =	sbr.rel @!p0 .LBB2_4-.Ltmp3, $3  }
0x72: {  	[sflag:s30] =	ssyncset.done $0x0  }
0x73: {  	[sflag:s30] =	ssyncadd.s32 $0xFFFFC400  }
0x74: {  	[bflag:$0x0] =	sbarrier.arrive $0xFFFF;
	_ =	sdelay $0x1  }
0x75: {  	s11 =	rddreg [dreg:$0x6]  }
0x76: {  	[tilespmem:s2], [sflag:$0x7] =	stream.linear.gather [hbm4b:s11+s2], $0x1000, $0x38;
	[tilespmem:$0x1FD00] =	vst v63  }
0x77: {  	_ =	swait.ge [sflag:s30], $0x1000  }
0x78: {  	[sflag:s30] =	ssyncset.done $0x0  }
0x79: {  	s26 =	rddreg [dreg:$0x8];
	[sflag:s30] =	ssyncadd.s32 $0xFFFFF000  }
0x7a: {  	[tilespmem:s31], [sflag:$0x3] =	stream.linear.gather [hbm4b:s26+s2], $0x80, $0x38;
	[tilespmem:$0x1FD00] =	vst v63  }
0x7b: {  	_ =	swait.ge [sflag:s0], $0x80  }
0x7c: {  	[sflag:s0] =	ssyncset.done $0x0  }
0x7d: {  	[sflag:s0] =	ssyncadd.s32 $0xFFFFFF80  }
0x7e: {  	[tilespmem:s29], [sflag:$0x1] =	stream.indirect.gather [hbm4b:s4+s3], $0x80, s31, s3, $0xb8;
	[tilespmem:$0x1FD00] =	vst v63  }
0x7f: {  	s16 =	rddreg [dreg:$0x7]  }
0x80: {  	[tilespmem:s10], [sflag:$0x4] =	stream.linear.gather [hbm4b:s16+s2], $0x80, $0x38;
	[tilespmem:$0x1FD00] =	vst v63  }
0x81: {  	_ =	swait.ge [sflag:s12], $0x4000  }
0x82: {  	[sflag:s12] =	ssyncset.done $0x0  }
0x83: {  	[sflag:s12] =	ssyncadd.s32 $0xFFFFC000  }
0x84: {  	_ =	swait.ge [sflag:s13], $0x80  }
0x85: {  	[sflag:s13] =	ssyncset.done $0x0  }
0x86: {  	[sflag:s13] =	ssyncadd.s32 $0xFFFFFF80  }
0x87: {  	[tilespmem:s14], [sflag:$0x2] =	stream.indirect.gather [hbm4b:s4+s3], $0x80, s10, s3, $0xb8;
	[tilespmem:$0x1FD00] =	vst v63  }
0x88: {  	s17 =	rddreg [dreg:$0xc]  }
0x89: {  	[tilespmem:s31], [sflag:$0x3] =	stream.linear.gather [hbm4b:s17+s2], $0x80, $0x38;
	[tilespmem:$0x1FD00] =	vst v63  }
0x8a: {  	_ = 	snop  }
0x8b: {  	[spmem:s1] =	stream.indirect.scatter.add.f32 [tilespmem:s29], [sflag:$0x5], $0x80, s2, s3, $0xb8;
	[tilespmem:$0x1FD00] =	vst v63  }
0x8c: {  	_ =	swait.ge [sflag:s15], $0x4000  }
0x8d: {  	[sflag:s15] =	ssyncset.done $0x0  }
0x8e: {  	[sflag:s15] =	ssyncadd.s32 $0xFFFFC000  }
0x8f: {  	_ =	swait.ge [sflag:s0], $0x80  }
0x90: {  	[sflag:s0] =	ssyncset.done $0x0  }
0x91: {  	[sflag:s0] =	ssyncadd.s32 $0xFFFFFF80  }
0x92: {  	_ =	swait.ge [sflag:s22], $0x4000  }
0x93: {  	[sflag:s22] =	ssyncset.done $0x0  }
0x94: {  	[sflag:s22] =	ssyncadd.s32 $0xFFFFC000  }
0x95: {  	[tilespmem:s29], [sflag:$0x1] =	stream.indirect.gather [hbm4b:s4+s3], $0x80, s31, s3, $0xb8;
	[tilespmem:$0x1FD00] =	vst v63  }
0x96: {  	s26 =	rddreg [dreg:$0xd]  }
0x97: {  	[tilespmem:s10], [sflag:$0x4] =	stream.linear.gather [hbm4b:s26+s2], $0x80, $0x38;
	[tilespmem:$0x1FD00] =	vst v63  }
0x98: {  	_ = 	snop  }
0x99: {  	[spmem:s1] =	stream.indirect.scatter.add.f32 [tilespmem:s14], [sflag:$0x6], $0x80, s3, s3, $0xb8;
	[tilespmem:$0x1FD00] =	vst v63  }
0x9a: {  	_ =	swait.ge [sflag:s12], $0x4000  }
0x9b: {  	[sflag:s12] =	ssyncset.done $0x0  }
0x9c: {  	[sflag:s12] =	ssyncadd.s32 $0xFFFFC000  }
0x9d: {  	_ =	swait.ge [sflag:s13], $0x80  }
0x9e: {  	[sflag:s13] =	ssyncset.done $0x0  }
0x9f: {  	[sflag:s13] =	ssyncadd.s32 $0xFFFFFF80  }
0xa0: {  	_ =	swait.ge [sflag:s23], $0x4000  }
0xa1: {  	[sflag:s23] =	ssyncset.done $0x0  }
0xa2: {  	[sflag:s23] =	ssyncadd.s32 $0xFFFFC000  }
0xa3: {  	[tilespmem:s14], [sflag:$0x2] =	stream.indirect.gather [hbm4b:s4+s3], $0x80, s10, s3, $0xb8;
	[tilespmem:$0x1FD00] =	vst v63  }
0xa4: {  	s16 =	sadd.s32 $0xFFFFFFF0, s25  }
0xa5: {  	[tilespmem:s31], [sflag:$0x3] =	stream.linear.gather [hbm4b:s16+s2], $0x80, $0x38;
	[tilespmem:$0x1FD00] =	vst v63  }
0xa6: {  	s17 =	simm.s32 $0x100  }
0xa7: {  	[spmem:s1] =	stream.indirect.scatter.add.f32 [tilespmem:s29], [sflag:$0x5], $0x80, s17, s3, $0xb8;
	[tilespmem:$0x1FD00] =	vst v63  }
0xa8: {  	_ =	swait.ge [sflag:s15], $0x4000  }
0xa9: {  	[sflag:s15] =	ssyncset.done $0x0  }
0xaa: {  	[sflag:s15] =	ssyncadd.s32 $0xFFFFC000  }
0xab: {  	_ =	swait.ge [sflag:s0], $0x80  }
0xac: {  	[sflag:s0] =	ssyncset.done $0x0  }
0xad: {  	[sflag:s0] =	ssyncadd.s32 $0xFFFFFF80  }
0xae: {  	_ =	swait.ge [sflag:s22], $0x4000  }
0xaf: {  	[sflag:s22] =	ssyncset.done $0x0  }
0xb0: {  	[sflag:s22] =	ssyncadd.s32 $0xFFFFC000  }
0xb1: {  	[tilespmem:s29], [sflag:$0x1] =	stream.indirect.gather [hbm4b:s4+s3], $0x80, s31, s3, $0xb8;
	[tilespmem:$0x1FD00] =	vst v63  }
0xb2: {  	_ = 	snop  }
0xb3: {  	[tilespmem:s10], [sflag:$0x4] =	stream.linear.gather [hbm4b:s25+s2], $0x80, $0x38;
	[tilespmem:$0x1FD00] =	vst v63  }
0xb4: {  	s26 =	simm.s32 $0x180  }
0xb5: {  	[spmem:s1] =	stream.indirect.scatter.add.f32 [tilespmem:s14], [sflag:$0x6], $0x80, s26, s3, $0xb8;
	[tilespmem:$0x1FD00] =	vst v63  }
0xb6: {  	_ =	swait.ge [sflag:s12], $0x4000  }
0xb7: {  	[sflag:s12] =	ssyncset.done $0x0  }
0xb8: {  	[sflag:s12] =	ssyncadd.s32 $0xFFFFC000  }
0xb9: {  	_ =	swait.ge [sflag:s13], $0x80  }
0xba: {  	[sflag:s13] =	ssyncset.done $0x0  }
0xbb: {  	[sflag:s13] =	ssyncadd.s32 $0xFFFFFF80  }
0xbc: {  	_ =	swait.ge [sflag:s23], $0x4000  }
0xbd: {  	[sflag:s23] =	ssyncset.done $0x0  }
0xbe: {  	s11 =	simm.s32 $0xFFFFCC00;
	s26 =	sadd.s32 $0x20, s25;
	[sflag:s23] =	ssyncadd.s32 $0xFFFFC000  }
.LBB2_8:
0xbf: {  	[tilespmem:s14], [sflag:$0x2] =	stream.indirect.gather [hbm4b:s4+s3], $0x80, s10, s3, $0xb8;
	[tilespmem:$0x1FD00] =	vst v63  }
0xc0: {  	s16 =	sadd.s32 $0xFFFFFFF0, s26;
	s17 =	sshra.s32 s11, $0x2;
	p1 =	sne.s32 s11, $0xFFFFFC00  }
0xc1: {  	[tilespmem:s31], [sflag:$0x3] =	stream.linear.gather [hbm4b:s16+s2], $0x80, $0x38;
	[tilespmem:$0x1FD00] =	vst v63  }
0xc2: {  	s11 =	sadd.s32 $0x400, s11;
	s16 =	sadd.s32 $0xF00, s17  }
0xc3: {  	[spmem:s1] =	stream.indirect.scatter.add.f32 [tilespmem:s29], [sflag:$0x5], $0x80, s16, s3, $0xb8;
	[tilespmem:$0x1FD00] =	vst v63  }
0xc4: {  	_ =	swait.ge [sflag:s15], $0x4000  }
0xc5: {  	[sflag:s15] =	ssyncset.done $0x0  }
0xc6: {  	[sflag:s15] =	ssyncadd.s32 $0xFFFFC000  }
0xc7: {  	_ =	swait.ge [sflag:s0], $0x80  }
0xc8: {  	[sflag:s0] =	ssyncset.done $0x0  }
0xc9: {  	[sflag:s0] =	ssyncadd.s32 $0xFFFFFF80  }
0xca: {  	_ =	swait.ge [sflag:s22], $0x4000  }
0xcb: {  	[sflag:s22] =	ssyncset.done $0x0  }
0xcc: {  	[sflag:s22] =	ssyncadd.s32 $0xFFFFC000  }
0xcd: {  	[tilespmem:s29], [sflag:$0x1] =	stream.indirect.gather [hbm4b:s4+s3], $0x80, s31, s3, $0xb8;
	[tilespmem:$0x1FD00] =	vst v63  }
0xce: {  	_ = 	snop  }
0xcf: {  	[tilespmem:s10], [sflag:$0x4] =	stream.linear.gather [hbm4b:s26+s2], $0x80, $0x38;
	[tilespmem:$0x1FD00] =	vst v63  }
0xd0: {  	s16 =	sadd.s32 $0xF80, s17  }
0xd1: {  	[spmem:s1] =	stream.indirect.scatter.add.f32 [tilespmem:s14], [sflag:$0x6], $0x80, s16, s3, $0xb8;
	[tilespmem:$0x1FD00] =	vst v63  }
0xd2: {  	_ =	swait.ge [sflag:s12], $0x4000  }
0xd3: {  	[sflag:s12] =	ssyncset.done $0x0  }
0xd4: {  	[sflag:s12] =	ssyncadd.s32 $0xFFFFC000  }
0xd5: {  	_ =	swait.ge [sflag:s13], $0x80  }
.Ltmp4:
0xd6: {  	[sflag:s13] =	ssyncset.done $0x0;
	(pc) =	sbr.rel @p1 .LBB2_8-.Ltmp4, $4  }
0xd7: {  	[sflag:s13] =	ssyncadd.s32 $0xFFFFFF80  }
0xd8: {  	_ =	swait.ge [sflag:s23], $0x4000  }
0xd9: {  	[sflag:s23] =	ssyncset.done $0x0  }
0xda: {  	s26 =	sadd.s32 $0x20, s26;
	[sflag:s23] =	ssyncadd.s32 $0xFFFFC000  }
.Ltmp5:
0xdb: {  	(pc) =	sbr.rel .LBB2_10-.Ltmp5, $3  }
0xdc: {  	_ =	sdelay $0x1  }
0xdd: {  	[tilespmem:s14], [sflag:$0x2] =	stream.indirect.gather [hbm4b:s4+s3], $0x80, s10, s3, $0xb8;
	[tilespmem:$0x1FD00] =	vst v63  }
0xde: {  	s11 =	simm.s32 $0xF80;
	s16 =	simm.s32 $0xF00  }
.LBB2_4:
0xdf: {  	s11 =	rddreg [dreg:$0x3]  }
0xe0: {  	[tilespmem:s2], [sflag:$0x7] =	stream.linear.gather [hbm4b:s11+s2], $0x4000, $0x38;
	[tilespmem:$0x1FD00] =	vst v63  }
0xe1: {  	_ =	swait.ge [sflag:s30], $0x4000  }
0xe2: {  	[sflag:s30] =	ssyncset.done $0x0  }
0xe3: {  	s26 =	rddreg [dreg:$0x4];
	[sflag:s30] =	ssyncadd.s32 $0xFFFFC000  }
0xe4: {  	[tilespmem:s31], [sflag:$0x3] =	stream.linear.gather [hbm4b:s26+s2], $0x80, $0x38;
	[tilespmem:$0x1FD00] =	vst v63  }
0xe5: {  	_ =	swait.ge [sflag:s0], $0x80  }
0xe6: {  	[sflag:s0] =	ssyncset.done $0x0  }
0xe7: {  	[sflag:s0] =	ssyncadd.s32 $0xFFFFFF80  }
0xe8: {  	[tilespmem:s29], [sflag:$0x1] =	stream.indirect.gather [hbm4b:s4+s3], $0x80, s31, s3, $0xb8;
	[tilespmem:$0x1FD00] =	vst v63  }
0xe9: {  	s16 =	rddreg [dreg:$0x5]  }
0xea: {  	[tilespmem:s10], [sflag:$0x4] =	stream.linear.gather [hbm4b:s16+s2], $0x80, $0x38;
	[tilespmem:$0x1FD00] =	vst v63  }
0xeb: {  	_ =	swait.ge [sflag:s12], $0x4000  }
0xec: {  	[sflag:s12] =	ssyncset.done $0x0  }
0xed: {  	[sflag:s12] =	ssyncadd.s32 $0xFFFFC000  }
0xee: {  	_ =	swait.ge [sflag:s13], $0x80  }
0xef: {  	[sflag:s13] =	ssyncset.done $0x0  }
0xf0: {  	[sflag:s13] =	ssyncadd.s32 $0xFFFFFF80  }
0xf1: {  	[tilespmem:s14], [sflag:$0x2] =	stream.indirect.gather [hbm4b:s4+s3], $0x80, s10, s3, $0xb8;
	[tilespmem:$0x1FD00] =	vst v63  }
0xf2: {  	s17 =	rddreg [dreg:$0xb]  }
0xf3: {  	[tilespmem:s31], [sflag:$0x3] =	stream.linear.gather [hbm4b:s17+s2], $0x80, $0x38;
	[tilespmem:$0x1FD00] =	vst v63  }
0xf4: {  	_ = 	snop  }
0xf5: {  	[spmem:s1] =	stream.indirect.scatter.add.f32 [tilespmem:s29], [sflag:$0x5], $0x80, s2, s3, $0xb8;
	[tilespmem:$0x1FD00] =	vst v63  }
0xf6: {  	_ =	swait.ge [sflag:s15], $0x4000  }
0xf7: {  	[sflag:s15] =	ssyncset.done $0x0  }
0xf8: {  	[sflag:s15] =	ssyncadd.s32 $0xFFFFC000  }
0xf9: {  	_ =	swait.ge [sflag:s0], $0x80  }
0xfa: {  	[sflag:s0] =	ssyncset.done $0x0  }
0xfb: {  	[sflag:s0] =	ssyncadd.s32 $0xFFFFFF80  }
0xfc: {  	_ =	swait.ge [sflag:s22], $0x4000  }
0xfd: {  	[sflag:s22] =	ssyncset.done $0x0  }
0xfe: {  	[sflag:s22] =	ssyncadd.s32 $0xFFFFC000  }
0xff: {  	[tilespmem:s29], [sflag:$0x1] =	stream.indirect.gather [hbm4b:s4+s3], $0x80, s31, s3, $0xb8;
	[tilespmem:$0x1FD00] =	vst v63  }
0x100: {  	s26 =	rddreg [dreg:$0xe]  }
0x101: {  	[tilespmem:s10], [sflag:$0x4] =	stream.linear.gather [hbm4b:s26+s2], $0x80, $0x38;
	[tilespmem:$0x1FD00] =	vst v63  }
0x102: {  	_ = 	snop  }
0x103: {  	[spmem:s1] =	stream.indirect.scatter.add.f32 [tilespmem:s14], [sflag:$0x6], $0x80, s3, s3, $0xb8;
	[tilespmem:$0x1FD00] =	vst v63  }
0x104: {  	_ =	swait.ge [sflag:s12], $0x4000  }
0x105: {  	[sflag:s12] =	ssyncset.done $0x0  }
0x106: {  	[sflag:s12] =	ssyncadd.s32 $0xFFFFC000  }
0x107: {  	_ =	swait.ge [sflag:s13], $0x80  }
0x108: {  	[sflag:s13] =	ssyncset.done $0x0  }
0x109: {  	[sflag:s13] =	ssyncadd.s32 $0xFFFFFF80  }
0x10a: {  	_ =	swait.ge [sflag:s23], $0x4000  }
0x10b: {  	[sflag:s23] =	ssyncset.done $0x0  }
0x10c: {  	[sflag:s23] =	ssyncadd.s32 $0xFFFFC000  }
0x10d: {  	[tilespmem:s14], [sflag:$0x2] =	stream.indirect.gather [hbm4b:s4+s3], $0x80, s10, s3, $0xb8;
	[tilespmem:$0x1FD00] =	vst v63  }
0x10e: {  	s16 =	sadd.s32 $0xFFFFFFF0, s28  }
0x10f: {  	[tilespmem:s31], [sflag:$0x3] =	stream.linear.gather [hbm4b:s16+s2], $0x80, $0x38;
	[tilespmem:$0x1FD00] =	vst v63  }
0x110: {  	s17 =	simm.s32 $0x100  }
0x111: {  	[spmem:s1] =	stream.indirect.scatter.add.f32 [tilespmem:s29], [sflag:$0x5], $0x80, s17, s3, $0xb8;
	[tilespmem:$0x1FD00] =	vst v63  }
0x112: {  	_ =	swait.ge [sflag:s15], $0x4000  }
0x113: {  	[sflag:s15] =	ssyncset.done $0x0  }
0x114: {  	[sflag:s15] =	ssyncadd.s32 $0xFFFFC000  }
0x115: {  	_ =	swait.ge [sflag:s0], $0x80  }
0x116: {  	[sflag:s0] =	ssyncset.done $0x0  }
0x117: {  	[sflag:s0] =	ssyncadd.s32 $0xFFFFFF80  }
0x118: {  	_ =	swait.ge [sflag:s22], $0x4000  }
0x119: {  	[sflag:s22] =	ssyncset.done $0x0  }
0x11a: {  	[sflag:s22] =	ssyncadd.s32 $0xFFFFC000  }
0x11b: {  	[tilespmem:s29], [sflag:$0x1] =	stream.indirect.gather [hbm4b:s4+s3], $0x80, s31, s3, $0xb8;
	[tilespmem:$0x1FD00] =	vst v63  }
0x11c: {  	_ = 	snop  }
0x11d: {  	[tilespmem:s10], [sflag:$0x4] =	stream.linear.gather [hbm4b:s28+s2], $0x80, $0x38;
	[tilespmem:$0x1FD00] =	vst v63  }
0x11e: {  	s26 =	simm.s32 $0x180  }
0x11f: {  	[spmem:s1] =	stream.indirect.scatter.add.f32 [tilespmem:s14], [sflag:$0x6], $0x80, s26, s3, $0xb8;
	[tilespmem:$0x1FD00] =	vst v63  }
0x120: {  	_ =	swait.ge [sflag:s12], $0x4000  }
0x121: {  	[sflag:s12] =	ssyncset.done $0x0  }
0x122: {  	[sflag:s12] =	ssyncadd.s32 $0xFFFFC000  }
0x123: {  	p1 =	por $0x0, $0x0;
	_ =	swait.ge [sflag:s13], $0x80  }
.Ltmp6:
0x124: {  	[sflag:s13] =	ssyncset.done $0x0;
	(pc) =	sbr.rel @p1 .LBB2_6-.Ltmp6, $4  }
0x125: {  	[sflag:s13] =	ssyncadd.s32 $0xFFFFFF80  }
0x126: {  	_ =	swait.ge [sflag:s23], $0x4000  }
0x127: {  	[sflag:s23] =	ssyncset.done $0x0  }
0x128: {  	s11 =	sadd.s32 $0x20, s28;
	s26 =	simm.s32 $0xFFFF0C00;
	[sflag:s23] =	ssyncadd.s32 $0xFFFFC000  }
.LBB2_5:
0x129: {  	[tilespmem:s14], [sflag:$0x2] =	stream.indirect.gather [hbm4b:s4+s3], $0x80, s10, s3, $0xb8;
	[tilespmem:$0x1FD00] =	vst v63  }
0x12a: {  	s16 =	sadd.s32 $0xFFFFFFF0, s11;
	s17 =	sshra.s32 s26, $0x2;
	p1 =	seq.s32 s26, $0xFFFFFC00  }
0x12b: {  	[tilespmem:s31], [sflag:$0x3] =	stream.linear.gather [hbm4b:s16+s2], $0x80, $0x38;
	[tilespmem:$0x1FD00] =	vst v63  }
0x12c: {  	s26 =	sadd.s32 $0x400, s26;
	s16 =	sadd.s32 $0x3F00, s17  }
0x12d: {  	[spmem:s1] =	stream.indirect.scatter.add.f32 [tilespmem:s29], [sflag:$0x5], $0x80, s16, s3, $0xb8;
	[tilespmem:$0x1FD00] =	vst v63  }
0x12e: {  	_ =	swait.ge [sflag:s15], $0x4000  }
0x12f: {  	[sflag:s15] =	ssyncset.done $0x0  }
0x130: {  	[sflag:s15] =	ssyncadd.s32 $0xFFFFC000  }
0x131: {  	_ =	swait.ge [sflag:s0], $0x80  }
0x132: {  	[sflag:s0] =	ssyncset.done $0x0  }
0x133: {  	[sflag:s0] =	ssyncadd.s32 $0xFFFFFF80  }
0x134: {  	_ =	swait.ge [sflag:s22], $0x4000  }
0x135: {  	[sflag:s22] =	ssyncset.done $0x0  }
0x136: {  	[sflag:s22] =	ssyncadd.s32 $0xFFFFC000  }
0x137: {  	[tilespmem:s29], [sflag:$0x1] =	stream.indirect.gather [hbm4b:s4+s3], $0x80, s31, s3, $0xb8;
	[tilespmem:$0x1FD00] =	vst v63  }
0x138: {  	_ = 	snop  }
0x139: {  	[tilespmem:s10], [sflag:$0x4] =	stream.linear.gather [hbm4b:s11+s2], $0x80, $0x38;
	[tilespmem:$0x1FD00] =	vst v63  }
0x13a: {  	s16 =	sadd.s32 $0x3F80, s17  }
0x13b: {  	[spmem:s1] =	stream.indirect.scatter.add.f32 [tilespmem:s14], [sflag:$0x6], $0x80, s16, s3, $0xb8;
	[tilespmem:$0x1FD00] =	vst v63  }
0x13c: {  	_ =	swait.ge [sflag:s12], $0x4000  }
0x13d: {  	[sflag:s12] =	ssyncset.done $0x0  }
0x13e: {  	[sflag:s12] =	ssyncadd.s32 $0xFFFFC000  }
0x13f: {  	_ =	swait.ge [sflag:s13], $0x80  }
.Ltmp7:
0x140: {  	[sflag:s13] =	ssyncset.done $0x0;
	(pc) =	sbr.rel @!p1 .LBB2_5-.Ltmp7, $4  }
0x141: {  	[sflag:s13] =	ssyncadd.s32 $0xFFFFFF80  }
0x142: {  	_ =	swait.ge [sflag:s23], $0x4000  }
0x143: {  	[sflag:s23] =	ssyncset.done $0x0  }
0x144: {  	s11 =	sadd.s32 $0x20, s11;
	[sflag:s23] =	ssyncadd.s32 $0xFFFFC000  }
.Ltmp8:
0x145: {  	_ = 	snop;
	(pc) =	sbr.rel .LBB2_6-.Ltmp8, $1  }
0x146: {  	_ =	sdelay $0x3  }
.LBB2_11:
0x147: {  	_ =	sfence.sel $0x180000  }
0x148: {  	[bflag:$0x0] =	sbarrier.arrive $0xFFFF  }
0x149: {  	_ =	strace $0x9000004D  }
0x14a: {  	s0 =	stileid.u32;
	[bflag:$0x2] =	sbarrier.arrive $0xFFFF  }
0x14b: {  	p0 =	sne.s32 s0, $0x0;
	s0 =	rddreg [dreg:$0x2]  }
0x14c: {  	s0 =	sadd.s32 @!p0 $0x100000, s0  }
0x14d: {  	[sflag:s0] =	ssyncadd.tile.s32 @!p0 $0x1;
	_ =	shalt  }
.Lfunc_end2:
_tile_overlayer_lowered:
.L_overlay_start_2:
0x14e: {  	(tag) =	ssettag $0x2  }
0x14f: {  	s0 =	rddreg [dreg:$0x0];
	s2 =	stileid.u32  }
0x150: {  	s1 =	rddreg [dreg:$0x1];
	p0 =	sne.s32 s2, $0x0  }
0x151: {  	s3 =	rddreg [dreg:$0x2];
	[bflag:$0x3] =	sbarrier.arrive $0xFFFF;
	s2 =	simm.s32 @!p0 $0x1C07  }
0x152: {  	[timem:s3], [sflag:s2] =	dma.local @!p0 [hbm:s0], s1  }
0x153: {  	s0 =	simm.s32 @!p0 $0x7  }
0x154: {  	_ =	swait.ge @!p0 [sflag:s0], s1  }
0x155: {  	s1 =	ssub.s32 @!p0 $0x0, s1;
	[sflag:s0] =	ssyncset.done @!p0 $0x0  }
0x156: {  	[sflag:s0] =	ssyncadd.s32 @!p0 s1  }
0x157: {  	[bflag:$0x3] =	sbarrier.arrive $0xFFFF  }
0x158: {  	_ =	shalt  }

// kernel: kernel.19.cloned.1.call-start
scs
__scs_entry_jumppad:
0x0: {  	(pc) =	sbr.rel $0x88, $3  }
0x1: {  	(tag) =	ssettag $0x0;
	lr =	simm.s32 $0x1  }
0x2: {  	[smem:$0x3F93] =	sst lr;
	_ =	strace $0xD0000000  }
0x3: {  	_ = 	snop  }
0x4: {  	_ = 	snop  }
0x5: {  	_ = 	snop  }
0x6: {  	_ = 	snop  }
0x7: {  	_ = 	snop  }
__scs_overlays_trampoline_lowered:
0x8: {  	[smem:$0x3FA2] =	sst s0  }
0x9: {  	[smem:$0x3FA3] =	sst s1  }
0xa: {  	[smem:$0x3FA4] =	sst s2  }
0xb: {  	[smem:$0x3FA5] =	sst s3  }
0xc: {  	[smem:$0x3FA6] =	sst s4  }
0xd: {  	[smem:$0x3FA7] =	sst s5  }
0xe: {  	[smem:$0x3FA8] =	sst s6  }
0xf: {  	[smem:$0x3FA9] =	sst s7  }
0x10: {  	[smem:$0x3FAA] =	sst s8  }
0x11: {  	[smem:$0x3FAB] =	sst s9;
	s0 =	simm.s32 @!p0 $0x0  }
0x12: {  	s1 =	sld [smem:$0x3F91];
	s0 =	simm.s32 @p0 $0x1  }
0x13: {  	[smem:$0x3FAC] =	sst s0;
	s0 =	simm.s32 @!p1 $0x0  }
0x14: {  	s2 =	sld [smem:$0x3F90];
	s0 =	simm.s32 @p1 $0x1  }
0x15: {  	[smem:$0x3FAD] =	sst s0;
	s0 =	simm.s32 @!p2 $0x0  }
0x16: {  	s3 =	sld [smem:$0x3FDB];
	s0 =	simm.s32 @p2 $0x1  }
0x17: {  	s4 =	simm.s32 $0x1BF5;
	[smem:$0x3FAF] =	sst s0  }
0x18: {  	s0 =	sld [smem:$0x3F92];
	_ =	swait.ge [sflag:s4], $0x0  }
0x19: {  	s7 =	sld [smem:$0x3F93]  }
0x1a: {  	s8 =	sadd.s32 $0xFFFFE003, lr  }
0x1b: {  	s9 =	sadd.s32 $0xFFFFFEF7, lr;
	s5 =	simm.s32 $0xFFFFFFFF;
	p2 =	slt.u32 s8, $0xFFFFF086  }
0x1c: {  	p1 =	slt.u32 s9, $0xF7A;
	s5 =	simm.s32 @!p2 $0x0  }
0x1d: {  	s5 =	simm.s32 @p1 $0x1;
	p0 =	seq.s32 s7, s2  }
0x1e: {  	s7 =	smul.u32 @!p0 $0xF7A, s2;
	p2 =	seq.s32 @!p0 s5, $0x0  }
0x1f: {  	s9 =	smul.u32 $0xF7A, s1;
	s8 =	simm.s32 @!p0 $0x1BF5;
	p2 =	por !p2, p0  }
0x20: {  	[sflag:s8] =	ssyncset.s32 @!p0 $0xFFFFF086;
	s6 =	sadd.s32 @!p0 s3, s7;
	s7 =	simm.s32 @!p0 $0x108  }
0x21: {  	s3 =	sadd.s32 s3, s9;
	s6 =	sadd.s32 @!p0 $0x88, s6;
	s7 =	simm.s32 @p2 $0x1082  }
0x22: {  	[simem:s7], [sflag:s8] =	dma.local @!p0 [hbm:s6], $0xF7A  }
0x23: {  	s9 =	sor.u32 $0xD0000000, s2;
	s6 =	simm.s32 $0x108;
	_ =	swait.ge @!p0 [sflag:s8], $0x0  }
0x24: {  	s3 =	sadd.s32 $0x88, s3;
	s6 =	simm.s32 @!p1 $0x1082;
	[sflag:s4] =	ssyncset.s32 $0xFFFFF086  }
0x25: {  	[simem:s6], [sflag:s4] =	dma.local [hbm:s3], $0xF7A  }
0x26: {  	[smem:$0x3F93] =	sst s1;
	(tag) =	ssettag s2;
	_ =	strace s9  }
0x27: {  	s1 =	sld [smem:$0x3FA3]  }
0x28: {  	s2 =	sld [smem:$0x3FA4]  }
0x29: {  	s4 =	sld [smem:$0x3FA6]  }
0x2a: {  	p0 =	seq.s32 s5, $0x0;
	s5 =	sld [smem:$0x3FA7]  }
0x2b: {  	s6 =	sld [smem:$0x3FA8]  }
0x2c: {  	s7 =	sld [smem:$0x3FA9]  }
0x2d: {  	s3 =	simm.s32 $0x108;
	s8 =	sld [smem:$0x3FAA]  }
0x2e: {  	s3 =	simm.s32 @!p0 $0x1082;
	s9 =	sld [smem:$0x3FAB]  }
0x2f: {  	lr =	sadd.s32 s0, s3;
	s0 =	sld [smem:$0x3FA2]  }
0x30: {  	s3 =	sld [smem:$0x3FA5]  }
0x31: {  	[smem:$0x3FAE] =	sst s10  }
0x32: {  	s10 =	sld [smem:$0x3FAC];
	_ =	sdelay $0x3  }
0x33: {  	p0 =	seq.s32 s10, $0x1;
	s10 =	sld [smem:$0x3FAE];
	_ =	sdelay $0x3  }
0x34: {  	[smem:$0x3FAE] =	sst s10  }
0x35: {  	s10 =	sld [smem:$0x3FAD];
	_ =	sdelay $0x3  }
0x36: {  	p1 =	seq.s32 s10, $0x1;
	s10 =	sld [smem:$0x3FAE];
	_ =	sdelay $0x3  }
0x37: {  	[smem:$0x3FAE] =	sst s10  }
0x38: {  	s10 =	sld [smem:$0x3FAF]  }
0x39: {  	_ = 	snop;
	(pc) =	sbr.ind lr, $3  }
0x3a: {  	_ = 	snop  }
0x3b: {  	_ = 	snop  }
0x3c: {  	p2 =	seq.s32 s10, $0x1;
	s10 =	sld [smem:$0x3FAE]  }
0x3d: {  	_ =	shalt  }
0x3e: {  	_ =	shalt  }
0x3f: {  	_ =	shalt  }
0x40: {  	_ =	shalt  }
0x41: {  	_ =	shalt  }
0x42: {  	_ =	shalt  }
0x43: {  	_ =	shalt  }
0x44: {  	_ =	shalt  }
0x45: {  	_ =	shalt  }
0x46: {  	_ =	shalt  }
0x47: {  	_ =	shalt  }
0x48: {  	_ =	shalt  }
0x49: {  	_ =	shalt  }
0x4a: {  	_ =	shalt  }
0x4b: {  	_ =	shalt  }
0x4c: {  	_ =	shalt  }
0x4d: {  	_ =	shalt  }
0x4e: {  	_ =	shalt  }
0x4f: {  	_ =	shalt  }
0x50: {  	_ =	shalt  }
0x51: {  	_ =	shalt  }
0x52: {  	_ =	shalt  }
0x53: {  	_ =	shalt  }
0x54: {  	_ =	shalt  }
0x55: {  	_ =	shalt  }
0x56: {  	_ =	shalt  }
0x57: {  	_ =	shalt  }
0x58: {  	_ =	shalt  }
0x59: {  	_ =	shalt  }
0x5a: {  	_ =	shalt  }
0x5b: {  	_ =	shalt  }
0x5c: {  	_ =	shalt  }
0x5d: {  	_ =	shalt  }
0x5e: {  	_ =	shalt  }
0x5f: {  	_ =	shalt  }
0x60: {  	_ =	shalt  }
0x61: {  	_ =	shalt  }
0x62: {  	_ =	shalt  }
0x63: {  	_ =	shalt  }
0x64: {  	_ =	shalt  }
0x65: {  	_ =	shalt  }
0x66: {  	_ =	shalt  }
0x67: {  	_ =	shalt  }
0x68: {  	_ =	shalt  }
0x69: {  	_ =	shalt  }
0x6a: {  	_ =	shalt  }
0x6b: {  	_ =	shalt  }
0x6c: {  	_ =	shalt  }
0x6d: {  	_ =	shalt  }
0x6e: {  	_ =	shalt  }
0x6f: {  	_ =	shalt  }
0x70: {  	_ =	shalt  }
0x71: {  	_ =	shalt  }
0x72: {  	_ =	shalt  }
0x73: {  	_ =	shalt  }
0x74: {  	_ =	shalt  }
0x75: {  	_ =	shalt  }
0x76: {  	_ =	shalt  }
0x77: {  	_ =	shalt  }
0x78: {  	_ =	shalt  }
0x79: {  	_ =	shalt  }
0x7a: {  	_ =	shalt  }
0x7b: {  	_ =	shalt  }
0x7c: {  	_ =	shalt  }
0x7d: {  	_ =	shalt  }
0x7e: {  	_ =	shalt  }
0x7f: {  	_ =	shalt  }
0x80: {  	_ =	shalt  }
0x81: {  	_ =	shalt  }
0x82: {  	_ =	shalt  }
0x83: {  	_ =	shalt  }
0x84: {  	_ =	shalt  }
0x85: {  	_ =	shalt  }
0x86: {  	_ =	shalt  }
0x87: {  	_ =	shalt  }
.Lfunc_end0:
.L_simem_size_0:
called_computation.3_lowered:
.L_overlay_start_0:
0x88: {  	s2 =	sld [smem:$0x3FD9]  }
0x89: {  	s3 =	sld [smem:$0x3FFE];
	_ =	sdelay $0x1  }
0x8a: {  	s1 =	srdreg.scid  }
0x8b: {  	s0 =	sand.u32 $0x1, s1  }
0x8c: {  	s16 =	sshll.u32 s0, $0xA;
	s2 =	sadd.s32 s3, s2  }
0x8d: {  	s2 =	sadd.s32 s2, s16  }
0x8e: {  	[smem:$0x3FBA] =	sst s2  }
0x8f: {  	_ = 	snop  }
0x90: {  	(tm) =	ssettm $0x1  }
0x91: {  	s17 =	sld [smem:$0x3FFB];
	_ =	sdelay $0x3  }
0x92: {  	_ =	strace s17  }
0x93: {  	s2 =	sld [smem:$0x3FFC];
	_ =	sdelay $0x3  }
0x94: {  	_ =	strace s2  }
0x95: {  	s2 =	sld [smem:$0x3FFD];
	_ =	sdelay $0x3  }
0x96: {  	_ =	strace s2  }
0x97: {  	_ =	strace $0x8FFFFFFF  }
0x98: {  	s18 =	sld [smem:$0x3FDB];
	_ =	sdelay $0x1  }
0x99: {  	s19 =	simm.s32 $_scs_section_size  }
0x9a: {  	s4 =	simm.s32 $_size__tile_overlayer_lowered;
	s5 =	simm.s32 $_tile_overlayer_lowered  }
0x9b: {  	s22 =	simm.s32 $0x1BFF;
	s21 =	sshll.u32 s5, $0x1;
	s2 =	sadd.s32 s19, s18  }
0x9c: {  	s6 =	simm.s32 $0x0;
	s20 =	sshll.u32 s4, $0x1;
	s4 =	sadd.s32 s21, s2  }
0x9d: {  	[timem:s6], [sflag:s22] =	dma.local [hbm:s4], s20  }
0x9e: {  	_ =	swait.ge [sflag:s22], s20  }
0x9f: {  	s3 =	ssub.s32 $0x0, s20;
	[sflag:s22] =	ssyncset.done $0x0  }
0xa0: {  	[sflag:s22] =	ssyncadd.s32 s3;
	_ =	sdelay $0x1  }
0xa1: {  	s23 =	simm.s32 $0x1B8B  }
0xa2: {  	_ =	swait.ge [sflag:s23], $0x1  }
0xa3: {  	[sflag:s23] =	ssyncset.done $0x0  }
0xa4: {  	s25 =	simm.s32 $0x1B8E;
	s24 =	sld [smem:$0x3FFE];
	[sflag:s23] =	ssyncadd.s32 $0xFFFFFFFF  }
0xa5: {  	s26 =	simm.s32 $execute0_lowered;
	[smem:$0x3FD2] =	sst s25  }
0xa6: {  	s4 =	sshll.u32 s26, $0x1;
	_ =	strace $0x8000004F;
	[dreg:$0x1] =	wrdreg $0xFFFFFFFF  }
0xa7: {  	s28 =	simm.s32 $_size_execute0_lowered;
	s2 =	sadd.s32 s2, s4;
	[dreg:$0x0] =	wrdreg $0x0  }
0xa8: {  	s4 =	sshll.u32 s28, $0x1;
	[dreg:$0x2] =	wrdreg s2  }
0xa9: {  	[dreg:$0x3] =	wrdreg s4  }
0xaa: {  	[dreg:$0x4] =	wrdreg $0xC0  }
0xab: {  	_ =	task [dreg:s6], $0x5FFFF  }
0xac: {  	[dreg:$0x1] =	wrdreg $0xFFFFFFFF  }
0xad: {  	[dreg:$0x0] =	wrdreg $0x60  }
0xae: {  	[dreg:$0x2] =	wrdreg s24  }
0xaf: {  	[dreg:$0x3] =	wrdreg $0xC1000  }
0xb0: {  	[dreg:$0x4] =	wrdreg $0x9  }
0xb1: {  	_ =	task.clear_ibuf [dreg:s6], $0x5FFFF;
	_ =	strace $0x9000004F  }
0xb2: {  	s29 =	simm.s32 $0x9;
	_ =	strace $0x80000051  }
0xb3: {  	_ =	swait.ge [sflag:s29], $0x1  }
0xb4: {  	[sflag:s29] =	ssyncadd.s32 $0xFFFFFFFF  }
0xb5: {  	_ =	strace $0x90000051  }
0xb6: {  	_ =	sfence  }
0xb7: {  	s30 =	sld [smem:$0x0];
	_ =	sdelay $0x2  }
0xb8: {  	s31 =	sshll.u32 s1, $0xD;
	s1 =	sshrl.u32 s1, $0x2  }
0xb9: {  	s3 =	sand.u32 $0x4000, s31;
	s1 =	sadd.s32 s1, s30  }
0xba: {  	s0 =	sor.u32 s3, s0;
	s1 =	sshll.u32 s1, $0x11  }
0xbb: {  	s0 =	sor.u32 s1, s0  }
0xbc: {  	s0 =	sadd.s32 $0x8F2B, s0  }
0xbd: {  	[sflag:s0] =	ssyncadd.remote.s32 $0x1  }
0xbe: {  	_ =	sfence.sel $0xFFFF  }
0xbf: {  	[dreg:$0x0] =	wrdreg $0xFFFFFFFF;
	(pc) =	sbr.abs _section_cstart, $3  }
0xc0: {  	[dreg:$0x1] =	wrdreg $0xFFFFFFFF  }
0xc1: {  	_ =	task.clear_ibuf [dreg:s6], $0x2FFFF;
	_ =	strace $0x9FFFFFFF  }
0xc2: {  	(tm) =	ssettm $0x7FFFFFFF  }
0xc3: {  	_ =	shalt  }
tec
execute0_lowered:
.L_overlay_start_1:
0x0: {  	(tag) =	ssettag $0x1  }
0x1: {  	s0 =	rddreg [dreg:$0x0]  }
0x2: {  	s1 =	rddreg [dreg:$0x1];
	s2 =	simm.s32 $0x0;
	s3 =	srdreg.scid  }
0x3: {  	s21 =	stileid.u32;
	s29 =	simm.s32 $0x4100;
	s30 =	simm.s32 $0x7  }
0x4: {  	s31 =	simm.s32 $0x4000;
	[smem:$0x7FF] =	sst s2;
	s4 =	sadd.s32 $0x17000, s0  }
0x5: {  	s3 =	sand.u32 $0x1, s3;
	s10 =	sadd.s32 $0xD000, s0;
	s6 =	smul.u32 $0x4F000, s21  }
0x6: {  	s11 =	sadd.s32 $0x3000, s0;
	s12 =	smul.u32 $0x13C00, s21;
	s13 =	sadd.s32 $0x3E200, s0  }
0x7: {  	s19 =	sshll.u32 s21, $0xB;
	s0 =	sadd.s32 $0xD010, s0;
	s21 =	sshll.u32 s21, $0x9  }
0x8: {  	_ =	strace $0x80000050;
	s5 =	ssub.s32 $0x2, s3;
	s20 =	sadd.s32 s11, s19  }
0x9: {  	s25 =	smul.u32 $0x13C000, s3;
	s23 =	sadd.s32 s10, s19;
	s26 =	sor.u32 $0x8000, s21  }
0xa: {  	s19 =	sadd.s32 s19, s0;
	p0 =	seq.s32 s3, $0x0;
	s3 =	simm.s32 $0x80  }
0xb: {  	s7 =	sshrl.u32 s5, $0x1;
	s24 =	sshrl.u32 s6, $0x2;
	s15 =	sadd.s32 $0x4000, s12  }
0xc: {  	s16 =	sadd.s32 $0x8000, s12;
	s17 =	sadd.s32 $0xC000, s12;
	[dreg:$0x3] =	wrdreg s20  }
0xd: {  	s18 =	sadd.s32 $0x10000, s12;
	[dreg:$0x5] =	wrdreg s19;
	s11 =	sadd.s32 s11, s26  }
0xe: {  	s0 =	sadd.s32 s26, s0;
	[dreg:$0x4] =	wrdreg s23;
	s28 =	sadd.s32 $0x50, s23  }
0xf: {  	s14 =	ssub.s32 s5, s7;
	s5 =	sadd.s32 s24, s1;
	s6 =	sadd.s32 s15, s1  }
0x10: {  	s7 =	sadd.s32 s16, s1;
	s8 =	sadd.s32 s17, s1;
	s9 =	sadd.s32 s18, s1  }
0x11: {  	s12 =	sadd.s32 s12, s25;
	s15 =	sadd.s32 s25, s15;
	s16 =	sadd.s32 s25, s16  }
0x12: {  	s22 =	sadd.s32 s25, s17;
	s20 =	sadd.s32 s25, s18;
	[dreg:$0x6] =	wrdreg s11  }
0x13: {  	[dreg:$0x7] =	wrdreg s0;
	s24 =	sadd.s32 s10, s26;
	s17 =	sadd.s32 s21, s10  }
0x14: {  	s10 =	simm.s32 $0x4080;
	[dreg:$0x8] =	wrdreg s24;
	s25 =	sshrl.u32 s12, $0x3  }
0x15: {  	s26 =	sshrl.u32 s15, $0x3;
	s12 =	sshrl.u32 s16, $0x3;
	s15 =	sshrl.u32 s22, $0x3  }
0x16: {  	s16 =	sshrl.u32 s20, $0x3;
	s21 =	smax.u32 s14, $0x1;
	s22 =	sadd.s32 $0x20, s23  }
0x17: {  	s24 =	sadd.s32 $0x8020, s17;
	s14 =	simm.s32 $0x8100;
	s0 =	sadd.s32 s13, s25  }
0x18: {  	s11 =	sadd.s32 s13, s26;
	s18 =	sadd.s32 s13, s12;
	[dreg:$0xb] =	wrdreg s22  }
0x19: {  	s19 =	sadd.s32 s13, s15;
	s20 =	sadd.s32 s13, s16;
	[dreg:$0xc] =	wrdreg s24  }
.Ltmp0:
0x1a: {  	s25 =	sadd.s32 $0x8030, s17;
	s26 =	sadd.s32 $0x30, s23;
	(pc) =	sbr.rel .LBB2_1-.Ltmp0, $4  }
0x1b: {  	s12 =	simm.s32 $0x1;
	s13 =	simm.s32 $0x4;
	[dreg:$0x9] =	wrdreg s0  }
0x1c: {  	s15 =	simm.s32 $0x2;
	s22 =	simm.s32 $0x5;
	[dreg:$0xa] =	wrdreg s11  }
0x1d: {  	s23 =	simm.s32 $0x6;
	s24 =	simm.s32 $0x0;
	[dreg:$0xd] =	wrdreg s25  }
0x1e: {  	v0 =	vimm.f32 $0.0e+00;
	s25 =	sadd.s32 $0x8050, s17;
	[dreg:$0xe] =	wrdreg s26;
	s0 =	simm.s32 $0x3  }
.LBB2_6:
0x1f: {  	[tilespmem:s14], [sflag:$0x2] =	stream.indirect.gather [hbm4b:s4+s3], $0x80, s10, s3, $0xb8;
	[tilespmem:$0x1FD00] =	vst v63  }
0x20: {  	s11 =	simm.s32 $0x3F80;
	s16 =	simm.s32 $0x3F00  }
.LBB2_10:
0x21: {  	[spmem:s1] =	stream.indirect.scatter.add.f32 [tilespmem:s29], [sflag:$0x5], $0x80, s16, s3, $0xb8;
	[tilespmem:$0x1FD00] =	vst v63  }
0x22: {  	_ =	swait.ge [sflag:s15], $0x4000  }
0x23: {  	[sflag:s15] =	ssyncset.done $0x0  }
0x24: {  	[sflag:s15] =	ssyncadd.s32 $0xFFFFC000  }
0x25: {  	[spmem:s1] =	stream.indirect.scatter.add.f32 [tilespmem:s14], [sflag:$0x6], $0x80, s11, s3, $0xb8;
	[tilespmem:$0x1FD00] =	vst v63  }
0x26: {  	_ =	swait.ge [sflag:s22], $0x4000  }
0x27: {  	[sflag:s22] =	ssyncset.done $0x0  }
0x28: {  	[sflag:s22] =	ssyncadd.s32 $0xFFFFC000  }
0x29: {  	_ =	swait.ge [sflag:s23], $0x4000  }
0x2a: {  	[sflag:s23] =	ssyncset.done $0x0  }
0x2b: {  	[sflag:s23] =	ssyncadd.s32 $0xFFFFC000  }
0x2c: {  	[bflag:$0x0] =	sbarrier.arrive $0xFFFF  }
0x2d: {  	[tilespmem:s29], [sflag:$0x7] =	stream.linear.gather [spmem:s5], $0x4000, $0x38;
	[tilespmem:$0x1FD00] =	vst v63  }
0x2e: {  	_ =	swait.ge [sflag:s30], $0x4000  }
0x2f: {  	[sflag:s30] =	ssyncset.done $0x0  }
0x30: {  	s17 =	rddreg [dreg:$0x9];
	[sflag:s30] =	ssyncadd.s32 $0xFFFFC000  }
0x31: {  	[hbm4b:s17+s2] =	stream.linear.scatter [tilespmem:s29], [sflag:$0x7], $0x4000, $0x38;
	[tilespmem:$0x1FD00] =	vst v63  }
0x32: {  	_ =	swait.ge [sflag:s30], $0x4000  }
0x33: {  	[sflag:s30] =	ssyncset.done $0x0  }
0x34: {  	[sflag:s30] =	ssyncadd.s32 $0xFFFFC000  }
0x35: {  	[tilespmem:s29], [sflag:$0x7] =	stream.linear.gather [spmem:s6], $0x4000, $0x38;
	[tilespmem:$0x1FD00] =	vst v63  }
0x36: {  	_ =	swait.ge [sflag:s30], $0x4000  }
0x37: {  	[sflag:s30] =	ssyncset.done $0x0  }
0x38: {  	s26 =	rddreg [dreg:$0xa];
	[sflag:s30] =	ssyncadd.s32 $0xFFFFC000  }
0x39: {  	[hbm4b:s26+s2] =	stream.linear.scatter [tilespmem:s29], [sflag:$0x7], $0x4000, $0x38;
	[tilespmem:$0x1FD00] =	vst v63  }
0x3a: {  	_ =	swait.ge [sflag:s30], $0x4000  }
0x3b: {  	[sflag:s30] =	ssyncset.done $0x0  }
0x3c: {  	[sflag:s30] =	ssyncadd.s32 $0xFFFFC000  }
0x3d: {  	[tilespmem:s29], [sflag:$0x7] =	stream.linear.gather [spmem:s7], $0x4000, $0x38;
	[tilespmem:$0x1FD00] =	vst v63  }
0x3e: {  	_ =	swait.ge [sflag:s30], $0x4000  }
0x3f: {  	[sflag:s30] =	ssyncset.done $0x0  }
0x40: {  	[sflag:s30] =	ssyncadd.s32 $0xFFFFC000  }
0x41: {  	[hbm4b:s18+s2] =	stream.linear.scatter [tilespmem:s29], [sflag:$0x7], $0x4000, $0x38;
	[tilespmem:$0x1FD00] =	vst v63  }
0x42: {  	_ =	swait.ge [sflag:s30], $0x4000  }
0x43: {  	[sflag:s30] =	ssyncset.done $0x0  }
0x44: {  	[sflag:s30] =	ssyncadd.s32 $0xFFFFC000  }
0x45: {  	[tilespmem:s29], [sflag:$0x7] =	stream.linear.gather [spmem:s8], $0x4000, $0x38;
	[tilespmem:$0x1FD00] =	vst v63  }
0x46: {  	_ =	swait.ge [sflag:s30], $0x4000  }
0x47: {  	[sflag:s30] =	ssyncset.done $0x0  }
0x48: {  	[sflag:s30] =	ssyncadd.s32 $0xFFFFC000  }
0x49: {  	[hbm4b:s19+s2] =	stream.linear.scatter [tilespmem:s29], [sflag:$0x7], $0x4000, $0x38;
	[tilespmem:$0x1FD00] =	vst v63  }
0x4a: {  	_ =	swait.ge [sflag:s30], $0x4000  }
0x4b: {  	[sflag:s30] =	ssyncset.done $0x0  }
0x4c: {  	[sflag:s30] =	ssyncadd.s32 $0xFFFFC000  }
0x4d: {  	[tilespmem:s29], [sflag:$0x7] =	stream.linear.gather [spmem:s9], $0x3C00, $0x38;
	[tilespmem:$0x1FD00] =	vst v63  }
0x4e: {  	s24 =	sadd.s32 $0x1, s24;
	_ =	swait.ge [sflag:s30], $0x3C00  }
0x4f: {  	p1 =	sne.s32 s24, s21;
	[sflag:s30] =	ssyncset.done $0x0  }
.Ltmp1:
0x50: {  	[sflag:s30] =	ssyncadd.s32 $0xFFFFC400;
	(pc) =	sbr.rel @!p1 .LBB2_11-.Ltmp1, $4  }
0x51: {  	[hbm4b:s20+s2] =	stream.linear.scatter [tilespmem:s29], [sflag:$0x7], $0x3C00, $0x38;
	[tilespmem:$0x1FD00] =	vst v63  }
0x52: {  	_ =	swait.ge [sflag:s30], $0x3C00  }
0x53: {  	[sflag:s30] =	ssyncset.done $0x0  }
0x54: {  	[sflag:s30] =	ssyncadd.s32 $0xFFFFC400  }
.LBB2_1:
0x55: {  	s11 =	sand.u32 $0xFE00, s2  }
0x56: {  	s16 =	sand.u32 $0x70, s2;
	s26 =	sshrl.u32 s11, $0x2  }
0x57: {  	s11 =	simm.s32 $0x40;
	s16 =	sor.u32 s16, s26;
	s26 =	simm.s32 $0x0  }
.LBB2_2:
0x58: {  	p1 =	sne.s32 s11, $0xFFC0  }
0x59: {  	[tilespmem:s16+$0x4100] =	vst v0;
	s26 =	sadd.s32 $0x10, s26;
	s16 =	smov.u32 s11;
	s11 =	sadd.s32 $0x40, s11  }
.Ltmp2:
0x5a: {  	(pc) =	sbr.rel @p1 .LBB2_2-.Ltmp2, $4  }
0x5b: {  	_ = 	snop  }
0x5c: {  	s16 =	sand.u32 $0xFE00, s16  }
0x5d: {  	s17 =	sand.u32 $0x70, s26;
	s16 =	sshrl.u32 s16, $0x2  }
0x5e: {  	s16 =	sor.u32 s17, s16  }
0x5f: {  	[tilespmem:s16+$0x4100] =	vst v0  }
0x60: {  	[spmem:s5] =	stream.linear.scatter [tilespmem:s29], [sflag:$0x7], $0x4000, $0x38;
	[tilespmem:$0x1FD00] =	vst v63  }
0x61: {  	_ =	swait.ge [sflag:s30], $0x4000  }
0x62: {  	[sflag:s30] =	ssyncset.done $0x0  }
0x63: {  	[sflag:s30] =	ssyncadd.s32 $0xFFFFC000  }
0x64: {  	[spmem:s6] =	stream.linear.scatter [tilespmem:s29], [sflag:$0x7], $0x4000, $0x38;
	[tilespmem:$0x1FD00] =	vst v63  }
0x65: {  	_ =	swait.ge [sflag:s30], $0x4000  }
0x66: {  	[sflag:s30] =	ssyncset.done $0x0  }
0x67: {  	[sflag:s30] =	ssyncadd.s32 $0xFFFFC000  }
0x68: {  	[spmem:s7] =	stream.linear.scatter [tilespmem:s29], [sflag:$0x7], $0x4000, $0x38;
	[tilespmem:$0x1FD00] =	vst v63  }
0x69: {  	_ =	swait.ge [sflag:s30], $0x4000  }
0x6a: {  	[sflag:s30] =	ssyncset.done $0x0  }
0x6b: {  	[sflag:s30] =	ssyncadd.s32 $0xFFFFC000  }
0x6c: {  	[spmem:s8] =	stream.linear.scatter [tilespmem:s29], [sflag:$0x7], $0x4000, $0x38;
	[tilespmem:$0x1FD00] =	vst v63  }
0x6d: {  	_ =	swait.ge [sflag:s30], $0x4000  }
0x6e: {  	[sflag:s30] =	ssyncset.done $0x0  }
0x6f: {  	[sflag:s30] =	ssyncadd.s32 $0xFFFFC000  }
0x70: {  	[spmem:s9] =	stream.linear.scatter [tilespmem:s29], [sflag:$0x7], $0x3C00, $0x38;
	[tilespmem:$0x1FD00] =	vst v63  }
.Ltmp3:
0x71: {  	_ =	swait.ge [sflag:s30], $0x3C00;
	(pc) =	sbr.rel @!p0 .LBB2_4-.Ltmp3, $3  }
0x72: {  	[sflag:s30] =	ssyncset.done $0x0  }
0x73: {  	[sflag:s30] =	ssyncadd.s32 $0xFFFFC400  }
0x74: {  	[bflag:$0x0] =	sbarrier.arrive $0xFFFF;
	_ =	sdelay $0x1  }
0x75: {  	s11 =	rddreg [dreg:$0x6]  }
0x76: {  	[tilespmem:s2], [sflag:$0x7] =	stream.linear.gather [hbm4b:s11+s2], $0x1000, $0x38;
	[tilespmem:$0x1FD00] =	vst v63  }
0x77: {  	_ =	swait.ge [sflag:s30], $0x1000  }
0x78: {  	[sflag:s30] =	ssyncset.done $0x0  }
0x79: {  	s26 =	rddreg [dreg:$0x8];
	[sflag:s30] =	ssyncadd.s32 $0xFFFFF000  }
0x7a: {  	[tilespmem:s31], [sflag:$0x3] =	stream.linear.gather [hbm4b:s26+s2], $0x80, $0x38;
	[tilespmem:$0x1FD00] =	vst v63  }
0x7b: {  	_ =	swait.ge [sflag:s0], $0x80  }
0x7c: {  	[sflag:s0] =	ssyncset.done $0x0  }
0x7d: {  	[sflag:s0] =	ssyncadd.s32 $0xFFFFFF80  }
0x7e: {  	[tilespmem:s29], [sflag:$0x1] =	stream.indirect.gather [hbm4b:s4+s3], $0x80, s31, s3, $0xb8;
	[tilespmem:$0x1FD00] =	vst v63  }
0x7f: {  	s16 =	rddreg [dreg:$0x7]  }
0x80: {  	[tilespmem:s10], [sflag:$0x4] =	stream.linear.gather [hbm4b:s16+s2], $0x80, $0x38;
	[tilespmem:$0x1FD00] =	vst v63  }
0x81: {  	_ =	swait.ge [sflag:s12], $0x4000  }
0x82: {  	[sflag:s12] =	ssyncset.done $0x0  }
0x83: {  	[sflag:s12] =	ssyncadd.s32 $0xFFFFC000  }
0x84: {  	_ =	swait.ge [sflag:s13], $0x80  }
0x85: {  	[sflag:s13] =	ssyncset.done $0x0  }
0x86: {  	[sflag:s13] =	ssyncadd.s32 $0xFFFFFF80  }
0x87: {  	[tilespmem:s14], [sflag:$0x2] =	stream.indirect.gather [hbm4b:s4+s3], $0x80, s10, s3, $0xb8;
	[tilespmem:$0x1FD00] =	vst v63  }
0x88: {  	s17 =	rddreg [dreg:$0xc]  }
0x89: {  	[tilespmem:s31], [sflag:$0x3] =	stream.linear.gather [hbm4b:s17+s2], $0x80, $0x38;
	[tilespmem:$0x1FD00] =	vst v63  }
0x8a: {  	_ = 	snop  }
0x8b: {  	[spmem:s1] =	stream.indirect.scatter.add.f32 [tilespmem:s29], [sflag:$0x5], $0x80, s2, s3, $0xb8;
	[tilespmem:$0x1FD00] =	vst v63  }
0x8c: {  	_ =	swait.ge [sflag:s15], $0x4000  }
0x8d: {  	[sflag:s15] =	ssyncset.done $0x0  }
0x8e: {  	[sflag:s15] =	ssyncadd.s32 $0xFFFFC000  }
0x8f: {  	_ =	swait.ge [sflag:s0], $0x80  }
0x90: {  	[sflag:s0] =	ssyncset.done $0x0  }
0x91: {  	[sflag:s0] =	ssyncadd.s32 $0xFFFFFF80  }
0x92: {  	_ =	swait.ge [sflag:s22], $0x4000  }
0x93: {  	[sflag:s22] =	ssyncset.done $0x0  }
0x94: {  	[sflag:s22] =	ssyncadd.s32 $0xFFFFC000  }
0x95: {  	[tilespmem:s29], [sflag:$0x1] =	stream.indirect.gather [hbm4b:s4+s3], $0x80, s31, s3, $0xb8;
	[tilespmem:$0x1FD00] =	vst v63  }
0x96: {  	s26 =	rddreg [dreg:$0xd]  }
0x97: {  	[tilespmem:s10], [sflag:$0x4] =	stream.linear.gather [hbm4b:s26+s2], $0x80, $0x38;
	[tilespmem:$0x1FD00] =	vst v63  }
0x98: {  	_ = 	snop  }
0x99: {  	[spmem:s1] =	stream.indirect.scatter.add.f32 [tilespmem:s14], [sflag:$0x6], $0x80, s3, s3, $0xb8;
	[tilespmem:$0x1FD00] =	vst v63  }
0x9a: {  	_ =	swait.ge [sflag:s12], $0x4000  }
0x9b: {  	[sflag:s12] =	ssyncset.done $0x0  }
0x9c: {  	[sflag:s12] =	ssyncadd.s32 $0xFFFFC000  }
0x9d: {  	_ =	swait.ge [sflag:s13], $0x80  }
0x9e: {  	[sflag:s13] =	ssyncset.done $0x0  }
0x9f: {  	[sflag:s13] =	ssyncadd.s32 $0xFFFFFF80  }
0xa0: {  	_ =	swait.ge [sflag:s23], $0x4000  }
0xa1: {  	[sflag:s23] =	ssyncset.done $0x0  }
0xa2: {  	[sflag:s23] =	ssyncadd.s32 $0xFFFFC000  }
0xa3: {  	[tilespmem:s14], [sflag:$0x2] =	stream.indirect.gather [hbm4b:s4+s3], $0x80, s10, s3, $0xb8;
	[tilespmem:$0x1FD00] =	vst v63  }
0xa4: {  	s16 =	sadd.s32 $0xFFFFFFF0, s25  }
0xa5: {  	[tilespmem:s31], [sflag:$0x3] =	stream.linear.gather [hbm4b:s16+s2], $0x80, $0x38;
	[tilespmem:$0x1FD00] =	vst v63  }
0xa6: {  	s17 =	simm.s32 $0x100  }
0xa7: {  	[spmem:s1] =	stream.indirect.scatter.add.f32 [tilespmem:s29], [sflag:$0x5], $0x80, s17, s3, $0xb8;
	[tilespmem:$0x1FD00] =	vst v63  }
0xa8: {  	_ =	swait.ge [sflag:s15], $0x4000  }
0xa9: {  	[sflag:s15] =	ssyncset.done $0x0  }
0xaa: {  	[sflag:s15] =	ssyncadd.s32 $0xFFFFC000  }
0xab: {  	_ =	swait.ge [sflag:s0], $0x80  }
0xac: {  	[sflag:s0] =	ssyncset.done $0x0  }
0xad: {  	[sflag:s0] =	ssyncadd.s32 $0xFFFFFF80  }
0xae: {  	_ =	swait.ge [sflag:s22], $0x4000  }
0xaf: {  	[sflag:s22] =	ssyncset.done $0x0  }
0xb0: {  	[sflag:s22] =	ssyncadd.s32 $0xFFFFC000  }
0xb1: {  	[tilespmem:s29], [sflag:$0x1] =	stream.indirect.gather [hbm4b:s4+s3], $0x80, s31, s3, $0xb8;
	[tilespmem:$0x1FD00] =	vst v63  }
0xb2: {  	_ = 	snop  }
0xb3: {  	[tilespmem:s10], [sflag:$0x4] =	stream.linear.gather [hbm4b:s25+s2], $0x80, $0x38;
	[tilespmem:$0x1FD00] =	vst v63  }
0xb4: {  	s26 =	simm.s32 $0x180  }
0xb5: {  	[spmem:s1] =	stream.indirect.scatter.add.f32 [tilespmem:s14], [sflag:$0x6], $0x80, s26, s3, $0xb8;
	[tilespmem:$0x1FD00] =	vst v63  }
0xb6: {  	_ =	swait.ge [sflag:s12], $0x4000  }
0xb7: {  	[sflag:s12] =	ssyncset.done $0x0  }
0xb8: {  	[sflag:s12] =	ssyncadd.s32 $0xFFFFC000  }
0xb9: {  	_ =	swait.ge [sflag:s13], $0x80  }
0xba: {  	[sflag:s13] =	ssyncset.done $0x0  }
0xbb: {  	[sflag:s13] =	ssyncadd.s32 $0xFFFFFF80  }
0xbc: {  	_ =	swait.ge [sflag:s23], $0x4000  }
0xbd: {  	[sflag:s23] =	ssyncset.done $0x0  }
0xbe: {  	s11 =	simm.s32 $0xFFFFCC00;
	s26 =	sadd.s32 $0x20, s25;
	[sflag:s23] =	ssyncadd.s32 $0xFFFFC000  }
.LBB2_8:
0xbf: {  	[tilespmem:s14], [sflag:$0x2] =	stream.indirect.gather [hbm4b:s4+s3], $0x80, s10, s3, $0xb8;
	[tilespmem:$0x1FD00] =	vst v63  }
0xc0: {  	s16 =	sadd.s32 $0xFFFFFFF0, s26;
	s17 =	sshra.s32 s11, $0x2;
	p1 =	sne.s32 s11, $0xFFFFFC00  }
0xc1: {  	[tilespmem:s31], [sflag:$0x3] =	stream.linear.gather [hbm4b:s16+s2], $0x80, $0x38;
	[tilespmem:$0x1FD00] =	vst v63  }
0xc2: {  	s11 =	sadd.s32 $0x400, s11;
	s16 =	sadd.s32 $0xF00, s17  }
0xc3: {  	[spmem:s1] =	stream.indirect.scatter.add.f32 [tilespmem:s29], [sflag:$0x5], $0x80, s16, s3, $0xb8;
	[tilespmem:$0x1FD00] =	vst v63  }
0xc4: {  	_ =	swait.ge [sflag:s15], $0x4000  }
0xc5: {  	[sflag:s15] =	ssyncset.done $0x0  }
0xc6: {  	[sflag:s15] =	ssyncadd.s32 $0xFFFFC000  }
0xc7: {  	_ =	swait.ge [sflag:s0], $0x80  }
0xc8: {  	[sflag:s0] =	ssyncset.done $0x0  }
0xc9: {  	[sflag:s0] =	ssyncadd.s32 $0xFFFFFF80  }
0xca: {  	_ =	swait.ge [sflag:s22], $0x4000  }
0xcb: {  	[sflag:s22] =	ssyncset.done $0x0  }
0xcc: {  	[sflag:s22] =	ssyncadd.s32 $0xFFFFC000  }
0xcd: {  	[tilespmem:s29], [sflag:$0x1] =	stream.indirect.gather [hbm4b:s4+s3], $0x80, s31, s3, $0xb8;
	[tilespmem:$0x1FD00] =	vst v63  }
0xce: {  	_ = 	snop  }
0xcf: {  	[tilespmem:s10], [sflag:$0x4] =	stream.linear.gather [hbm4b:s26+s2], $0x80, $0x38;
	[tilespmem:$0x1FD00] =	vst v63  }
0xd0: {  	s16 =	sadd.s32 $0xF80, s17  }
0xd1: {  	[spmem:s1] =	stream.indirect.scatter.add.f32 [tilespmem:s14], [sflag:$0x6], $0x80, s16, s3, $0xb8;
	[tilespmem:$0x1FD00] =	vst v63  }
0xd2: {  	_ =	swait.ge [sflag:s12], $0x4000  }
0xd3: {  	[sflag:s12] =	ssyncset.done $0x0  }
0xd4: {  	[sflag:s12] =	ssyncadd.s32 $0xFFFFC000  }
0xd5: {  	_ =	swait.ge [sflag:s13], $0x80  }
.Ltmp4:
0xd6: {  	[sflag:s13] =	ssyncset.done $0x0;
	(pc) =	sbr.rel @p1 .LBB2_8-.Ltmp4, $4  }
0xd7: {  	[sflag:s13] =	ssyncadd.s32 $0xFFFFFF80  }
0xd8: {  	_ =	swait.ge [sflag:s23], $0x4000  }
0xd9: {  	[sflag:s23] =	ssyncset.done $0x0  }
0xda: {  	s26 =	sadd.s32 $0x20, s26;
	[sflag:s23] =	ssyncadd.s32 $0xFFFFC000  }
.Ltmp5:
0xdb: {  	(pc) =	sbr.rel .LBB2_10-.Ltmp5, $3  }
0xdc: {  	_ =	sdelay $0x1  }
0xdd: {  	[tilespmem:s14], [sflag:$0x2] =	stream.indirect.gather [hbm4b:s4+s3], $0x80, s10, s3, $0xb8;
	[tilespmem:$0x1FD00] =	vst v63  }
0xde: {  	s11 =	simm.s32 $0xF80;
	s16 =	simm.s32 $0xF00  }
.LBB2_4:
0xdf: {  	s11 =	rddreg [dreg:$0x3]  }
0xe0: {  	[tilespmem:s2], [sflag:$0x7] =	stream.linear.gather [hbm4b:s11+s2], $0x4000, $0x38;
	[tilespmem:$0x1FD00] =	vst v63  }
0xe1: {  	_ =	swait.ge [sflag:s30], $0x4000  }
0xe2: {  	[sflag:s30] =	ssyncset.done $0x0  }
0xe3: {  	s26 =	rddreg [dreg:$0x4];
	[sflag:s30] =	ssyncadd.s32 $0xFFFFC000  }
0xe4: {  	[tilespmem:s31], [sflag:$0x3] =	stream.linear.gather [hbm4b:s26+s2], $0x80, $0x38;
	[tilespmem:$0x1FD00] =	vst v63  }
0xe5: {  	_ =	swait.ge [sflag:s0], $0x80  }
0xe6: {  	[sflag:s0] =	ssyncset.done $0x0  }
0xe7: {  	[sflag:s0] =	ssyncadd.s32 $0xFFFFFF80  }
0xe8: {  	[tilespmem:s29], [sflag:$0x1] =	stream.indirect.gather [hbm4b:s4+s3], $0x80, s31, s3, $0xb8;
	[tilespmem:$0x1FD00] =	vst v63  }
0xe9: {  	s16 =	rddreg [dreg:$0x5]  }
0xea: {  	[tilespmem:s10], [sflag:$0x4] =	stream.linear.gather [hbm4b:s16+s2], $0x80, $0x38;
	[tilespmem:$0x1FD00] =	vst v63  }
0xeb: {  	_ =	swait.ge [sflag:s12], $0x4000  }
0xec: {  	[sflag:s12] =	ssyncset.done $0x0  }
0xed: {  	[sflag:s12] =	ssyncadd.s32 $0xFFFFC000  }
0xee: {  	_ =	swait.ge [sflag:s13], $0x80  }
0xef: {  	[sflag:s13] =	ssyncset.done $0x0  }
0xf0: {  	[sflag:s13] =	ssyncadd.s32 $0xFFFFFF80  }
0xf1: {  	[tilespmem:s14], [sflag:$0x2] =	stream.indirect.gather [hbm4b:s4+s3], $0x80, s10, s3, $0xb8;
	[tilespmem:$0x1FD00] =	vst v63  }
0xf2: {  	s17 =	rddreg [dreg:$0xb]  }
0xf3: {  	[tilespmem:s31], [sflag:$0x3] =	stream.linear.gather [hbm4b:s17+s2], $0x80, $0x38;
	[tilespmem:$0x1FD00] =	vst v63  }
0xf4: {  	_ = 	snop  }
0xf5: {  	[spmem:s1] =	stream.indirect.scatter.add.f32 [tilespmem:s29], [sflag:$0x5], $0x80, s2, s3, $0xb8;
	[tilespmem:$0x1FD00] =	vst v63  }
0xf6: {  	_ =	swait.ge [sflag:s15], $0x4000  }
0xf7: {  	[sflag:s15] =	ssyncset.done $0x0  }
0xf8: {  	[sflag:s15] =	ssyncadd.s32 $0xFFFFC000  }
0xf9: {  	_ =	swait.ge [sflag:s0], $0x80  }
0xfa: {  	[sflag:s0] =	ssyncset.done $0x0  }
0xfb: {  	[sflag:s0] =	ssyncadd.s32 $0xFFFFFF80  }
0xfc: {  	_ =	swait.ge [sflag:s22], $0x4000  }
0xfd: {  	[sflag:s22] =	ssyncset.done $0x0  }
0xfe: {  	[sflag:s22] =	ssyncadd.s32 $0xFFFFC000  }
0xff: {  	[tilespmem:s29], [sflag:$0x1] =	stream.indirect.gather [hbm4b:s4+s3], $0x80, s31, s3, $0xb8;
	[tilespmem:$0x1FD00] =	vst v63  }
0x100: {  	s26 =	rddreg [dreg:$0xe]  }
0x101: {  	[tilespmem:s10], [sflag:$0x4] =	stream.linear.gather [hbm4b:s26+s2], $0x80, $0x38;
	[tilespmem:$0x1FD00] =	vst v63  }
0x102: {  	_ = 	snop  }
0x103: {  	[spmem:s1] =	stream.indirect.scatter.add.f32 [tilespmem:s14], [sflag:$0x6], $0x80, s3, s3, $0xb8;
	[tilespmem:$0x1FD00] =	vst v63  }
0x104: {  	_ =	swait.ge [sflag:s12], $0x4000  }
0x105: {  	[sflag:s12] =	ssyncset.done $0x0  }
0x106: {  	[sflag:s12] =	ssyncadd.s32 $0xFFFFC000  }
0x107: {  	_ =	swait.ge [sflag:s13], $0x80  }
0x108: {  	[sflag:s13] =	ssyncset.done $0x0  }
0x109: {  	[sflag:s13] =	ssyncadd.s32 $0xFFFFFF80  }
0x10a: {  	_ =	swait.ge [sflag:s23], $0x4000  }
0x10b: {  	[sflag:s23] =	ssyncset.done $0x0  }
0x10c: {  	[sflag:s23] =	ssyncadd.s32 $0xFFFFC000  }
0x10d: {  	[tilespmem:s14], [sflag:$0x2] =	stream.indirect.gather [hbm4b:s4+s3], $0x80, s10, s3, $0xb8;
	[tilespmem:$0x1FD00] =	vst v63  }
0x10e: {  	s16 =	sadd.s32 $0xFFFFFFF0, s28  }
0x10f: {  	[tilespmem:s31], [sflag:$0x3] =	stream.linear.gather [hbm4b:s16+s2], $0x80, $0x38;
	[tilespmem:$0x1FD00] =	vst v63  }
0x110: {  	s17 =	simm.s32 $0x100  }
0x111: {  	[spmem:s1] =	stream.indirect.scatter.add.f32 [tilespmem:s29], [sflag:$0x5], $0x80, s17, s3, $0xb8;
	[tilespmem:$0x1FD00] =	vst v63  }
0x112: {  	_ =	swait.ge [sflag:s15], $0x4000  }
0x113: {  	[sflag:s15] =	ssyncset.done $0x0  }
0x114: {  	[sflag:s15] =	ssyncadd.s32 $0xFFFFC000  }
0x115: {  	_ =	swait.ge [sflag:s0], $0x80  }
0x116: {  	[sflag:s0] =	ssyncset.done $0x0  }
0x117: {  	[sflag:s0] =	ssyncadd.s32 $0xFFFFFF80  }
0x118: {  	_ =	swait.ge [sflag:s22], $0x4000  }
0x119: {  	[sflag:s22] =	ssyncset.done $0x0  }
0x11a: {  	[sflag:s22] =	ssyncadd.s32 $0xFFFFC000  }
0x11b: {  	[tilespmem:s29], [sflag:$0x1] =	stream.indirect.gather [hbm4b:s4+s3], $0x80, s31, s3, $0xb8;
	[tilespmem:$0x1FD00] =	vst v63  }
0x11c: {  	_ = 	snop  }
0x11d: {  	[tilespmem:s10], [sflag:$0x4] =	stream.linear.gather [hbm4b:s28+s2], $0x80, $0x38;
	[tilespmem:$0x1FD00] =	vst v63  }
0x11e: {  	s26 =	simm.s32 $0x180  }
0x11f: {  	[spmem:s1] =	stream.indirect.scatter.add.f32 [tilespmem:s14], [sflag:$0x6], $0x80, s26, s3, $0xb8;
	[tilespmem:$0x1FD00] =	vst v63  }
0x120: {  	_ =	swait.ge [sflag:s12], $0x4000  }
0x121: {  	[sflag:s12] =	ssyncset.done $0x0  }
0x122: {  	[sflag:s12] =	ssyncadd.s32 $0xFFFFC000  }
0x123: {  	p1 =	por $0x0, $0x0;
	_ =	swait.ge [sflag:s13], $0x80  }
.Ltmp6:
0x124: {  	[sflag:s13] =	ssyncset.done $0x0;
	(pc) =	sbr.rel @p1 .LBB2_6-.Ltmp6, $4  }
0x125: {  	[sflag:s13] =	ssyncadd.s32 $0xFFFFFF80  }
0x126: {  	_ =	swait.ge [sflag:s23], $0x4000  }
0x127: {  	[sflag:s23] =	ssyncset.done $0x0  }
0x128: {  	s11 =	sadd.s32 $0x20, s28;
	s26 =	simm.s32 $0xFFFF0C00;
	[sflag:s23] =	ssyncadd.s32 $0xFFFFC000  }
.LBB2_5:
0x129: {  	[tilespmem:s14], [sflag:$0x2] =	stream.indirect.gather [hbm4b:s4+s3], $0x80, s10, s3, $0xb8;
	[tilespmem:$0x1FD00] =	vst v63  }
0x12a: {  	s16 =	sadd.s32 $0xFFFFFFF0, s11;
	s17 =	sshra.s32 s26, $0x2;
	p1 =	seq.s32 s26, $0xFFFFFC00  }
0x12b: {  	[tilespmem:s31], [sflag:$0x3] =	stream.linear.gather [hbm4b:s16+s2], $0x80, $0x38;
	[tilespmem:$0x1FD00] =	vst v63  }
0x12c: {  	s26 =	sadd.s32 $0x400, s26;
	s16 =	sadd.s32 $0x3F00, s17  }
0x12d: {  	[spmem:s1] =	stream.indirect.scatter.add.f32 [tilespmem:s29], [sflag:$0x5], $0x80, s16, s3, $0xb8;
	[tilespmem:$0x1FD00] =	vst v63  }
0x12e: {  	_ =	swait.ge [sflag:s15], $0x4000  }
0x12f: {  	[sflag:s15] =	ssyncset.done $0x0  }
0x130: {  	[sflag:s15] =	ssyncadd.s32 $0xFFFFC000  }
0x131: {  	_ =	swait.ge [sflag:s0], $0x80  }
0x132: {  	[sflag:s0] =	ssyncset.done $0x0  }
0x133: {  	[sflag:s0] =	ssyncadd.s32 $0xFFFFFF80  }
0x134: {  	_ =	swait.ge [sflag:s22], $0x4000  }
0x135: {  	[sflag:s22] =	ssyncset.done $0x0  }
0x136: {  	[sflag:s22] =	ssyncadd.s32 $0xFFFFC000  }
0x137: {  	[tilespmem:s29], [sflag:$0x1] =	stream.indirect.gather [hbm4b:s4+s3], $0x80, s31, s3, $0xb8;
	[tilespmem:$0x1FD00] =	vst v63  }
0x138: {  	_ = 	snop  }
0x139: {  	[tilespmem:s10], [sflag:$0x4] =	stream.linear.gather [hbm4b:s11+s2], $0x80, $0x38;
	[tilespmem:$0x1FD00] =	vst v63  }
0x13a: {  	s16 =	sadd.s32 $0x3F80, s17  }
0x13b: {  	[spmem:s1] =	stream.indirect.scatter.add.f32 [tilespmem:s14], [sflag:$0x6], $0x80, s16, s3, $0xb8;
	[tilespmem:$0x1FD00] =	vst v63  }
0x13c: {  	_ =	swait.ge [sflag:s12], $0x4000  }
0x13d: {  	[sflag:s12] =	ssyncset.done $0x0  }
0x13e: {  	[sflag:s12] =	ssyncadd.s32 $0xFFFFC000  }
0x13f: {  	_ =	swait.ge [sflag:s13], $0x80  }
.Ltmp7:
0x140: {  	[sflag:s13] =	ssyncset.done $0x0;
	(pc) =	sbr.rel @!p1 .LBB2_5-.Ltmp7, $4  }
0x141: {  	[sflag:s13] =	ssyncadd.s32 $0xFFFFFF80  }
0x142: {  	_ =	swait.ge [sflag:s23], $0x4000  }
0x143: {  	[sflag:s23] =	ssyncset.done $0x0  }
0x144: {  	s11 =	sadd.s32 $0x20, s11;
	[sflag:s23] =	ssyncadd.s32 $0xFFFFC000  }
.Ltmp8:
0x145: {  	_ = 	snop;
	(pc) =	sbr.rel .LBB2_6-.Ltmp8, $1  }
0x146: {  	_ =	sdelay $0x3  }
.LBB2_11:
0x147: {  	_ =	sfence.sel $0x180000  }
0x148: {  	[bflag:$0x0] =	sbarrier.arrive $0xFFFF  }
0x149: {  	_ =	strace $0x90000050  }
0x14a: {  	s0 =	stileid.u32;
	[bflag:$0x2] =	sbarrier.arrive $0xFFFF  }
0x14b: {  	p0 =	sne.s32 s0, $0x0;
	s0 =	rddreg [dreg:$0x2]  }
0x14c: {  	s0 =	sadd.s32 @!p0 $0x100000, s0  }
0x14d: {  	[sflag:s0] =	ssyncadd.tile.s32 @!p0 $0x1;
	_ =	shalt  }
.Lfunc_end2:
_tile_overlayer_lowered:
.L_overlay_start_2:
0x14e: {  	(tag) =	ssettag $0x2  }
0x14f: {  	s0 =	rddreg [dreg:$0x0];
	s2 =	stileid.u32  }
0x150: {  	s1 =	rddreg [dreg:$0x1];
	p0 =	sne.s32 s2, $0x0  }
0x151: {  	s3 =	rddreg [dreg:$0x2];
	[bflag:$0x3] =	sbarrier.arrive $0xFFFF;
	s2 =	simm.s32 @!p0 $0x1C07  }
0x152: {  	[timem:s3], [sflag:s2] =	dma.local @!p0 [hbm:s0], s1  }
0x153: {  	s0 =	simm.s32 @!p0 $0x7  }
0x154: {  	_ =	swait.ge @!p0 [sflag:s0], s1  }
0x155: {  	s1 =	ssub.s32 @!p0 $0x0, s1;
	[sflag:s0] =	ssyncset.done @!p0 $0x0  }
0x156: {  	[sflag:s0] =	ssyncadd.s32 @!p0 s1  }
0x157: {  	[bflag:$0x3] =	sbarrier.arrive $0xFFFF  }
0x158: {  	_ =	shalt  }

</sc_bundles>
